<compile_context>
chip_gen: v7x
topology: tpu7x:2x2x1
jax: 0.10.2.dev20260603
libtpu: 0.0.44.dev20260713+nightly
codegen_flags: <defaults>
</compile_context>

<pallas_src>
import functools

import jax
import jax.numpy as jnp
from jax import lax
from jax.experimental import pallas as pl
from jax.experimental.pallas import tpu as pltpu

N_NODES = 10000
N_EDGES = 160000
D = 128
G = 16
H = 5
HID = 128
DEPTH = 2
NB = 1000
NP2 = 10240


def _selu(x):
    scale = 1.0507009873554804934193349852946
    alpha = 1.6732632423543772848170429916717
    return scale * jnp.where(x > 0, x, alpha * (jnp.exp(x) - 1.0))


def _lnorm(x, w, b, eps=1e-5):
    m = x.mean(-1, keepdims=True)
    v = ((x - m) ** 2).mean(-1, keepdims=True)
    return (x - m) / jnp.sqrt(v + eps) * w + b


def _proj_body(x_ref, w_ref, b_ref, o_ref):
    o_ref[0] = (
        jnp.dot(x_ref[...], w_ref[...], preferred_element_type=jnp.float32)
        + b_ref[...]
    )


def _project(x, W, b):
    n = x.shape[0]
    return pl.pallas_call(
        _proj_body,
        grid=(H, n // NB),
        in_specs=[
            pl.BlockSpec((NB, D), lambda h, i: (i, 0)),
            pl.BlockSpec((D, D), lambda h, i: (0, h)),
            pl.BlockSpec((1, D), lambda h, i: (0, h)),
        ],
        out_specs=pl.BlockSpec((1, NB, D), lambda h, i: (h, i, 0)),
        out_shape=jax.ShapeDtypeStruct((H, n, D), jnp.float32),
    )(x, W, b.reshape(1, H * D))


def _edge_attn_jnp(xlT, xrT, src, dst, att):
    e = jax.nn.leaky_relu(xlT[:, src, :] + xrT[:, dst, :], 0.2)
    alpha = (e * att[:, None, :]).sum(-1)
    ex = jnp.exp(alpha)
    den = jax.ops.segment_sum(ex.T, dst, num_segments=N_NODES).T
    numer = jax.ops.segment_sum(
        jnp.moveaxis(xlT[:, src, :] * ex[:, :, None], 0, 1), dst,
        num_segments=N_NODES)
    numer = jnp.moveaxis(numer, 1, 0)
    num = jnp.zeros((H, NP2, D), jnp.float32)
    num = num.at[:, :N_NODES, :].set(numer)
    den_o = jnp.zeros((H, NP2, 16), jnp.float32)
    den_o = den_o.at[:, :N_NODES, 0].set(den)
    return num, den_o


def _node_body(num_ref, den_ref, x_ref, gb_ref, ln1w_ref, ln1b_ref,
               m1w_ref, m1b_ref, mlnw_ref, mlnb_ref, m2w_ref, m2b_ref,
               ln2w_ref, ln2b_ref, o_ref):
    x = x_ref[...]
    attn = jnp.zeros_like(x)
    for h in range(H):
        numer = num_ref[h]
        den = jnp.sum(den_ref[h], axis=-1, keepdims=True)
        attn = attn + numer / (den + 1e-16)
    attn = attn * (1.0 / H) + gb_ref[...]
    h1 = _lnorm(x + attn, ln1w_ref[...], ln1b_ref[...])
    m = _selu(
        jnp.dot(h1, m1w_ref[...], preferred_element_type=jnp.float32)
        + m1b_ref[...]
    )
    m = _lnorm(m, mlnw_ref[...], mlnb_ref[...])
    m = jnp.dot(m, m2w_ref[...], preferred_element_type=jnp.float32) + m2b_ref[...]
    o_ref[...] = _lnorm(h1 + m, ln2w_ref[...], ln2b_ref[...])


def _node_update(num, den, x, p):
    n = x.shape[0]
    vec = lambda k: p[k].reshape(1, -1)
    return pl.pallas_call(
        _node_body,
        grid=(n // NB,),
        in_specs=[
            pl.BlockSpec((H, NB, D), lambda i: (0, i, 0)),
            pl.BlockSpec((H, NB, 16), lambda i: (0, i, 0)),
            pl.BlockSpec((NB, D), lambda i: (i, 0)),
            pl.BlockSpec((1, D), lambda i: (0, 0)),
            pl.BlockSpec((1, D), lambda i: (0, 0)),
            pl.BlockSpec((1, D), lambda i: (0, 0)),
            pl.BlockSpec((D, HID), lambda i: (0, 0)),
            pl.BlockSpec((1, HID), lambda i: (0, 0)),
            pl.BlockSpec((1, HID), lambda i: (0, 0)),
            pl.BlockSpec((1, HID), lambda i: (0, 0)),
            pl.BlockSpec((HID, D), lambda i: (0, 0)),
            pl.BlockSpec((1, D), lambda i: (0, 0)),
            pl.BlockSpec((1, D), lambda i: (0, 0)),
            pl.BlockSpec((1, D), lambda i: (0, 0)),
        ],
        out_specs=pl.BlockSpec((NB, D), lambda i: (i, 0)),
        out_shape=jax.ShapeDtypeStruct((n, D), jnp.float32),
    )(num, den, x, vec('gb'), vec('ln1w'), vec('ln1b'), p['m1W'], vec('m1b'),
      vec('mlnw'), vec('mlnb'), p['m2W'], vec('m2b'), vec('ln2w'), vec('ln2b'))


def _pool_body(oh_ref, x_ref, u_ref, g1w_ref, g1b_ref, glnw_ref, glnb_ref,
               g2w_ref, g2b_ref, o_ref, cnt, s1, s2, mx, mn):
    i = pl.program_id(0)
    nsteps = pl.num_programs(0)

    @pl.when(i == 0)
    def _():
        cnt[...] = jnp.zeros_like(cnt)
        s1[...] = jnp.zeros_like(s1)
        s2[...] = jnp.zeros_like(s2)
        mx[...] = jnp.full_like(mx, -1e30)
        mn[...] = jnp.full_like(mn, 1e30)

    oh = oh_ref[...]
    x = x_ref[...]
    dims = (((0,), (0,)), ((), ()))
    cnt[...] += lax.dot_general(oh, jnp.ones_like(x), dims,
                                preferred_element_type=jnp.float32)
    s1[...] += lax.dot_general(oh, x, dims,
                               preferred_element_type=jnp.float32)
    s2[...] += lax.dot_general(oh, x * x, dims,
                               preferred_element_type=jnp.float32)
    for g in range(G):
        mg = oh[:, g:g + 1] > 0.0
        row_mx = jnp.max(jnp.where(mg, x, -1e30), axis=0, keepdims=True)
        row_mn = jnp.min(jnp.where(mg, x, 1e30), axis=0, keepdims=True)
        mx[g:g + 1, :] = jnp.maximum(mx[g:g + 1, :], row_mx)
        mn[g:g + 1, :] = jnp.minimum(mn[g:g + 1, :], row_mn)

    @pl.when(i == nsteps - 1)
    def _():
        c = jnp.maximum(cnt[...], 1.0)
        mean = s1[...] / c
        std = jnp.sqrt(jnp.maximum(s2[...] / c - mean * mean, 1e-5))
        gin = jnp.concatenate([u_ref[...], mean, std, mx[...], mn[...]],
                              axis=1)
        gh = _selu(
            jnp.dot(gin, g1w_ref[...], preferred_element_type=jnp.float32)
            + g1b_ref[...]
        )
        gh = _lnorm(gh, glnw_ref[...], glnb_ref[...])
        o_ref[...] = (
            jnp.dot(gh, g2w_ref[...], preferred_element_type=jnp.float32)
            + g2b_ref[...]
        )


def _global_update(onehot, x, u, p):
    n = x.shape[0]
    vec = lambda k: p[k].reshape(1, -1)
    return pl.pallas_call(
        _pool_body,
        grid=(n // NB,),
        in_specs=[
            pl.BlockSpec((NB, G), lambda i: (i, 0)),
            pl.BlockSpec((NB, D), lambda i: (i, 0)),
            pl.BlockSpec((G, D), lambda i: (0, 0)),
            pl.BlockSpec((5 * D, HID), lambda i: (0, 0)),
            pl.BlockSpec((1, HID), lambda i: (0, 0)),
            pl.BlockSpec((1, HID), lambda i: (0, 0)),
            pl.BlockSpec((1, HID), lambda i: (0, 0)),
            pl.BlockSpec((HID, D), lambda i: (0, 0)),
            pl.BlockSpec((1, D), lambda i: (0, 0)),
        ],
        out_specs=pl.BlockSpec((G, D), lambda i: (0, 0)),
        out_shape=jax.ShapeDtypeStruct((G, D), jnp.float32),
        scratch_shapes=[pltpu.VMEM((G, D), jnp.float32)] * 5,
    )(onehot, x, u, p['g1W'], vec('g1b'), vec('glnw'), vec('glnb'),
      p['g2W'], vec('g2b'))


def kernel(x, edge_index, edge_attr, u, batch, data_indices, params):
    src = edge_index[0].astype(jnp.int32)
    dst = edge_index[1].astype(jnp.int32)
    onehot = (batch[:, None] == jnp.arange(G, dtype=batch.dtype)[None, :]
              ).astype(jnp.float32)
    for l in range(DEPTH):
        p = {k[len('l%d_' % l):]: v for k, v in params.items()
             if k.startswith('l%d_' % l)}
        xlT = _project(x, p['Wl'], p['bl'])
        xrT = _project(x, p['Wr'], p['br'])
        num, den = _edge_attn_jnp(xlT, xrT, src, dst, p['att'])
        x = _node_update(num, den, x, p)
        u = _global_update(onehot, x, u, p)
    return u

# --- scband reference (transcript-rebuilt; emitter-appended) ---
"""Pipeline reference for scband-graph-nets-11209864642803 (READ-ONLY COPY).

The authoritative reference and input builder live on the scoring server;
editing this copy changes nothing except your own understanding.
"""

import jax, jax.numpy as jnp
import numpy as np

N_NODES = 10000
N_EDGES = 160000
D = 128
DE = 16
G = 16
H = 5
HID = 128
DEPTH = 2


def _ln(x, w, b, eps=1e-5):
    m = x.mean(-1, keepdims=True)
    v = ((x - m) ** 2).mean(-1, keepdims=True)
    return (x - m) / jnp.sqrt(v + eps) * w + b


def _forward(x, edge_attr, u, params, edge_index, batch):
    src = edge_index[0]
    dst = edge_index[1]
    N = x.shape[0]
    Gn = u.shape[0]
    for l in range(DEPTH):
        p = {k[len('l%d_' % l):]: v for k, v in params.items() if k.startswith('l%d_' % l)}
        # ---- EdgeFiLMModel (MetaLayer edge step: src=x[row], dst=x[col], batch=batch[row]) ----
        cond = jnp.concatenate([x[src], x[dst], u[batch[src]]], axis=1)
        gamma = jax.nn.sigmoid(cond @ p['eWg'] + p['ebg'])
        beta = cond @ p['eWb'] + p['ebb']
        edge_attr = gamma * edge_attr + beta
        # ---- NodeAttnModel: GATv2 (1 layer, 5 heads, concat=False -> mean over heads) ----
        xl = (x @ p['Wl'] + p['bl']).reshape(N, H, D)
        xr = (x @ p['Wr'] + p['br']).reshape(N, H, D)
        e = jax.nn.leaky_relu(xl[src] + xr[dst], 0.2)
        alpha = (e * p['att'][None]).sum(-1)
        amax = jax.ops.segment_max(alpha, dst, num_segments=N)
        ex = jnp.exp(alpha - amax[dst])
        den = jax.ops.segment_sum(ex, dst, num_segments=N)
        a = ex / (den[dst] + 1e-16)
        attn = jax.ops.segment_sum(xl[src] * a[:, :, None], dst, num_segments=N)
        attn = attn.mean(axis=1) + p['gb']
        h = _ln(x + attn, p['ln1w'], p['ln1b'])
        m = jax.nn.selu(h @ p['m1W'] + p['m1b'])
        m = _ln(m, p['mlnw'], p['mlnb'])
        m = m @ p['m2W'] + p['m2b']
        x = _ln(h + m, p['ln2w'], p['ln2b'])
        # ---- GlobalPNAModel: MultiAggregation(mean,std,max,min) + MLP ----
        cnt = jnp.clip(jax.ops.segment_sum(jnp.ones((N,), x.dtype), batch, num_segments=Gn), 1.0)[:, None]
        mean = jax.ops.segment_sum(x, batch, num_segments=Gn) / cnt
        sq = jax.ops.segment_sum(x * x, batch, num_segments=Gn) / cnt
        std = jnp.sqrt(jnp.clip(sq - mean * mean, 1e-5))
        mx = jax.ops.segment_max(x, batch, num_segments=Gn)
        mn = jax.ops.segment_min(x, batch, num_segments=Gn)
        gin = jnp.concatenate([u, mean, std, mx, mn], axis=1)
        gh = jax.nn.selu(gin @ p['g1W'] + p['g1b'])
        gh = _ln(gh, p['glnw'], p['glnb'])
        u = gh @ p['g2W'] + p['g2b']
    return u


def setup_inputs():
    base = jax.random.key(0)
    c = [0]
    def nxt():
        c[0] += 1
        return jax.random.fold_in(base, c[0])
    x = jax.random.normal(nxt(), (N_NODES, D), dtype=jnp.float32)
    edge_index = jax.random.randint(nxt(), (2, N_EDGES), 0, N_NODES)
    edge_attr = jax.random.normal(nxt(), (N_EDGES, DE), dtype=jnp.float32)
    u = jax.random.normal(nxt(), (G, D), dtype=jnp.float32)
    batch = jnp.sort(jax.random.randint(nxt(), (N_NODES,), 0, G))
    data_indices = jax.random.randint(nxt(), (G, 1), 0, G)
    params = {}
    def w(name, shape, fan):
        params[name] = jax.random.normal(nxt(), shape, dtype=jnp.float32) / np.sqrt(fan)
    def zeros(name, shape):
        params[name] = jnp.zeros(shape, jnp.float32)
    def ones(name, shape):
        params[name] = jnp.ones(shape, jnp.float32)
    for l in range(DEPTH):
        P = 'l%d_' % l
        w(P + 'eWg', (3 * D, DE), 3 * D); zeros(P + 'ebg', (DE,))
        w(P + 'eWb', (3 * D, DE), 3 * D); zeros(P + 'ebb', (DE,))
        w(P + 'Wl', (D, H * D), D); zeros(P + 'bl', (H * D,))
        w(P + 'Wr', (D, H * D), D); zeros(P + 'br', (H * D,))
        w(P + 'att', (H, D), D); zeros(P + 'gb', (D,))
        ones(P + 'ln1w', (D,)); zeros(P + 'ln1b', (D,))
        w(P + 'm1W', (D, HID), D); zeros(P + 'm1b', (HID,))
        ones(P + 'mlnw', (HID,)); zeros(P + 'mlnb', (HID,))
        w(P + 'm2W', (HID, D), HID); zeros(P + 'm2b', (D,))
        ones(P + 'ln2w', (D,)); zeros(P + 'ln2b', (D,))
        w(P + 'g1W', (5 * D, HID), 5 * D); zeros(P + 'g1b', (HID,))
        ones(P + 'glnw', (HID,)); zeros(P + 'glnb', (HID,))
        w(P + 'g2W', (HID, D), HID); zeros(P + 'g2b', (D,))
    return {'x': x, 'edge_index': edge_index, 'edge_attr': edge_attr, 'u': u, 'batch': batch, 'data_indices': data_indices, 'params': params}


def reference(x, edge_index, edge_attr, u, batch, data_indices, params):
    # task_type='single-component': returns global state u after `depth` GraphNets layers
    return _forward(x, edge_attr, u, params, edge_index, batch)

if __name__ == "__main__":
    import jax
    _d = setup_inputs()
    print(jax.jit(kernel)(*tuple(_d.values())))

</pallas_src>

<mosaic_0001>
module attributes {stable_mosaic.version = 14 : i64} {
  func.func @_proj_body(%arg0: i32, %arg1: i32, %arg2: memref<1000x128xf32, #tpu.memory_space<vmem>>, %arg3: memref<128x128xf32, #tpu.memory_space<vmem>>, %arg4: memref<1x128xf32, #tpu.memory_space<vmem>>, %arg5: memref<1x1000x128xf32, #tpu.memory_space<vmem>>) attributes {dimension_semantics = [#tpu.dimension_semantics<arbitrary>, #tpu.dimension_semantics<arbitrary>], iteration_bounds = array<i64: 5, 10>, scalar_prefetch = 0 : i64, scratch_operands = 0 : i64, tpu.core_type = #tpu.core_type<tc>, window_params = [{transform_indices = @transform_0, window_bounds = array<i64: 1000, 128>}, {transform_indices = @transform_1, window_bounds = array<i64: 128, 128>}, {transform_indices = @transform_2, window_bounds = array<i64: 1, 128>}, {transform_indices = @transform_3, window_bounds = array<i64: 1, 1000, 128>}]} {
    %get3A = arith.constant 0 : index
    %get3A_0 = arith.constant 0 : index
    %get3A_1 = vector.load %arg2[%get3A, %get3A_0] : memref<1000x128xf32, #tpu.memory_space<vmem>>, vector<1000x128xf32>
    %get3A_2 = arith.constant 0 : index
    %get3A_3 = arith.constant 0 : index
    %get3A_4 = vector.load %arg3[%get3A_2, %get3A_3] : memref<128x128xf32, #tpu.memory_space<vmem>>, vector<128x128xf32>
    %dot_general3A = arith.constant dense<0.000000e+00> : vector<1000x128xf32>
    %dot_general3A_5 = tpu.matmul %get3A_1, %get3A_4, %dot_general3A {dimension_numbers = #tpu.dot_dimension_numbers<[1], [0], [0], [1], [0, 0, 1, 1], [], []>, transpose_lhs_hint = false} : vector<1000x128xf32>, vector<128x128xf32>, vector<1000x128xf32> -> vector<1000x128xf32>
    %get3A_6 = arith.constant 0 : index
    %get3A_7 = arith.constant 0 : index
    %get3A_8 = vector.load %arg4[%get3A_6, %get3A_7] : memref<1x128xf32, #tpu.memory_space<vmem>>, vector<1x128xf32>
    %add3A = vector.broadcast %get3A_8 : vector<1x128xf32> to vector<1000x128xf32>
    %add3A_9 = arith.addf %dot_general3A_5, %add3A : vector<1000x128xf32>
    %swap3A = arith.constant 0 : index
    %swap3A_10 = arith.constant 0 : index
    %swap3A_11 = arith.constant 0 : index
    %swap3A_12 = vector.load %arg5[%swap3A, %swap3A_10, %swap3A_11] : memref<1x1000x128xf32, #tpu.memory_space<vmem>>, vector<1x1000x128xf32>
    %swap3A_13 = vector.shape_cast %swap3A_12 : vector<1x1000x128xf32> to vector<1000x128xf32>
    %swap3A_14 = vector.shape_cast %add3A_9 : vector<1000x128xf32> to vector<1x1000x128xf32>
    tpu.vector_store %arg5[%swap3A, %swap3A_10, %swap3A_11], %swap3A_14 {strides = array<i32>} : memref<1x1000x128xf32, #tpu.memory_space<vmem>>, vector<1x1000x128xf32>,
    return
  }
  func.func @transform_0(%arg0: i32, %arg1: i32) -> (i32, i32) {
    %c0_i32 = arith.constant 0 : i32
    %c0_i32_0 = arith.constant 0 : i32
    return %arg1, %c0_i32 : i32, i32
  }
  func.func @transform_1(%arg0: i32, %arg1: i32) -> (i32, i32) {
    %c0_i32 = arith.constant 0 : i32
    %c0_i32_0 = arith.constant 0 : i32
    return %c0_i32, %arg0 : i32, i32
  }
  func.func @transform_2(%arg0: i32, %arg1: i32) -> (i32, i32) {
    %c0_i32 = arith.constant 0 : i32
    %c0_i32_0 = arith.constant 0 : i32
    return %c0_i32, %arg0 : i32, i32
  }
  func.func @transform_3(%arg0: i32, %arg1: i32) -> (i32, i32, i32) {
    %c0_i32 = arith.constant 0 : i32
    %c0_i32_0 = arith.constant 0 : i32
    return %arg0, %arg1, %c0_i32 : i32, i32, i32
  }
}

module attributes {stable_mosaic.version = 14 : i64} {
  func.func @_node_body(%arg0: i32, %arg1: memref<5x1000x128xf32, #tpu.memory_space<vmem>>, %arg2: memref<5x1000x16xf32, #tpu.memory_space<vmem>>, %arg3: memref<1000x128xf32, #tpu.memory_space<vmem>>, %arg4: memref<1x128xf32, #tpu.memory_space<vmem>>, %arg5: memref<1x128xf32, #tpu.memory_space<vmem>>, %arg6: memref<1x128xf32, #tpu.memory_space<vmem>>, %arg7: memref<128x128xf32, #tpu.memory_space<vmem>>, %arg8: memref<1x128xf32, #tpu.memory_space<vmem>>, %arg9: memref<1x128xf32, #tpu.memory_space<vmem>>, %arg10: memref<1x128xf32, #tpu.memory_space<vmem>>, %arg11: memref<128x128xf32, #tpu.memory_space<vmem>>, %arg12: memref<1x128xf32, #tpu.memory_space<vmem>>, %arg13: memref<1x128xf32, #tpu.memory_space<vmem>>, %arg14: memref<1x128xf32, #tpu.memory_space<vmem>>, %arg15: memref<1000x128xf32, #tpu.memory_space<vmem>>) attributes {dimension_semantics = [#tpu.dimension_semantics<arbitrary>], iteration_bounds = array<i64: 10>, scalar_prefetch = 0 : i64, scratch_operands = 0 : i64, tpu.core_type = #tpu.core_type<tc>, window_params = [{transform_indices = @transform_0, window_bounds = array<i64: 5, 1000, 128>}, {transform_indices = @transform_1, window_bounds = array<i64: 5, 1000, 16>}, {transform_indices = @transform_2, window_bounds = array<i64: 1000, 128>}, {pipeline_mode = #tpu.pipeline_mode<synchronous>, transform_indices = @transform_3, window_bounds = array<i64: 1, 128>}, {pipeline_mode = #tpu.pipeline_mode<synchronous>, transform_indices = @transform_4, window_bounds = array<i64: 1, 128>}, {pipeline_mode = #tpu.pipeline_mode<synchronous>, transform_indices = @transform_5, window_bounds = array<i64: 1, 128>}, {pipeline_mode = #tpu.pipeline_mode<synchronous>, transform_indices = @transform_6, window_bounds = array<i64: 128, 128>}, {pipeline_mode = #tpu.pipeline_mode<synchronous>, transform_indices = @transform_7, window_bounds = array<i64: 1, 128>}, {pipeline_mode = #tpu.pipeline_mode<synchronous>, transform_indices = @transform_8, window_bounds = array<i64: 1, 128>}, {pipeline_mode = #tpu.pipeline_mode<synchronous>, transform_indices = @transform_9, window_bounds = array<i64: 1, 128>}, {pipeline_mode = #tpu.pipeline_mode<synchronous>, transform_indices = @transform_10, window_bounds = array<i64: 128, 128>}, {pipeline_mode = #tpu.pipeline_mode<synchronous>, transform_indices = @transform_11, window_bounds = array<i64: 1, 128>}, {pipeline_mode = #tpu.pipeline_mode<synchronous>, transform_indices = @transform_12, window_bounds = array<i64: 1, 128>}, {pipeline_mode = #tpu.pipeline_mode<synchronous>, transform_indices = @transform_13, window_bounds = array<i64: 1, 128>}, {transform_indices = @transform_14, window_bounds = array<i64: 1000, 128>}]} {
    %get3A = arith.constant 0 : index
    %get3A_0 = arith.constant 0 : index
    %get3A_1 = vector.load %arg3[%get3A, %get3A_0] : memref<1000x128xf32, #tpu.memory_space<vmem>>, vector<1000x128xf32>
    %broadcast_in_dim3A = arith.constant 0.000000e+00 : f32
    %broadcast_in_dim3A_2 = vector.broadcast %broadcast_in_dim3A : f32 to vector<1000x128xf32>
    %get3A_3 = arith.constant 0 : index
    %get3A_4 = arith.constant 0 : index
    %get3A_5 = arith.constant 0 : index
    %get3A_6 = vector.load %arg1[%get3A_3, %get3A_4, %get3A_5] : memref<5x1000x128xf32, #tpu.memory_space<vmem>>, vector<1x1000x128xf32>
    %get3A_7 = vector.shape_cast %get3A_6 : vector<1x1000x128xf32> to vector<1000x128xf32>
    %get3A_8 = arith.constant 0 : index
    %get3A_9 = arith.constant 0 : index
    %get3A_10 = arith.constant 0 : index
    %get3A_11 = vector.load %arg2[%get3A_8, %get3A_9, %get3A_10] : memref<5x1000x16xf32, #tpu.memory_space<vmem>>, vector<1x1000x16xf32>
    %get3A_12 = vector.shape_cast %get3A_11 : vector<1x1000x16xf32> to vector<1000x16xf32>
    %reduce_sum3A = arith.constant dense<0.000000e+00> : vector<1000xf32>
    %reduce_sum3A_13 = vector.multi_reduction <add>, %get3A_12, %reduce_sum3A [1] : vector<1000x16xf32> to vector<1000xf32>
    %broadcast_in_dim3A_14 = vector.shape_cast %reduce_sum3A_13 : vector<1000xf32> to vector<1000x1xf32>
    %add3A = arith.constant 1.000000e-16 : f32
    %add3A_15 = vector.broadcast %add3A : f32 to vector<1000x1xf32>
    %add3A_16 = arith.addf %broadcast_in_dim3A_14, %add3A_15 : vector<1000x1xf32>
    %div3A = vector.broadcast %add3A_16 : vector<1000x1xf32> to vector<1000x128xf32>
    %div3A_17 = arith.divf %get3A_7, %div3A : vector<1000x128xf32>
    %add3A_18 = arith.addf %broadcast_in_dim3A_2, %div3A_17 : vector<1000x128xf32>
    %get3A_19 = arith.constant 1 : index
    %get3A_20 = arith.constant 0 : index
    %get3A_21 = arith.constant 0 : index
    %get3A_22 = vector.load %arg1[%get3A_19, %get3A_20, %get3A_21] : memref<5x1000x128xf32, #tpu.memory_space<vmem>>, vector<1x1000x128xf32>
    %get3A_23 = vector.shape_cast %get3A_22 : vector<1x1000x128xf32> to vector<1000x128xf32>
    %get3A_24 = arith.constant 1 : index
    %get3A_25 = arith.constant 0 : index
    %get3A_26 = arith.constant 0 : index
    %get3A_27 = vector.load %arg2[%get3A_24, %get3A_25, %get3A_26] : memref<5x1000x16xf32, #tpu.memory_space<vmem>>, vector<1x1000x16xf32>
    %get3A_28 = vector.shape_cast %get3A_27 : vector<1x1000x16xf32> to vector<1000x16xf32>
    %reduce_sum3A_29 = arith.constant dense<0.000000e+00> : vector<1000xf32>
    %reduce_sum3A_30 = vector.multi_reduction <add>, %get3A_28, %reduce_sum3A_29 [1] : vector<1000x16xf32> to vector<1000xf32>
    %broadcast_in_dim3A_31 = vector.shape_cast %reduce_sum3A_30 : vector<1000xf32> to vector<1000x1xf32>
    %add3A_32 = arith.constant 1.000000e-16 : f32
    %add3A_33 = vector.broadcast %add3A_32 : f32 to vector<1000x1xf32>
    %add3A_34 = arith.addf %broadcast_in_dim3A_31, %add3A_33 : vector<1000x1xf32>
    %div3A_35 = vector.broadcast %add3A_34 : vector<1000x1xf32> to vector<1000x128xf32>
    %div3A_36 = arith.divf %get3A_23, %div3A_35 : vector<1000x128xf32>
    %add3A_37 = arith.addf %add3A_18, %div3A_36 : vector<1000x128xf32>
    %get3A_38 = arith.constant 2 : index
    %get3A_39 = arith.constant 0 : index
    %get3A_40 = arith.constant 0 : index
    %get3A_41 = vector.load %arg1[%get3A_38, %get3A_39, %get3A_40] : memref<5x1000x128xf32, #tpu.memory_space<vmem>>, vector<1x1000x128xf32>
    %get3A_42 = vector.shape_cast %get3A_41 : vector<1x1000x128xf32> to vector<1000x128xf32>
    %get3A_43 = arith.constant 2 : index
    %get3A_44 = arith.constant 0 : index
    %get3A_45 = arith.constant 0 : index
    %get3A_46 = vector.load %arg2[%get3A_43, %get3A_44, %get3A_45] : memref<5x1000x16xf32, #tpu.memory_space<vmem>>, vector<1x1000x16xf32>
    %get3A_47 = vector.shape_cast %get3A_46 : vector<1x1000x16xf32> to vector<1000x16xf32>
    %reduce_sum3A_48 = arith.constant dense<0.000000e+00> : vector<1000xf32>
    %reduce_sum3A_49 = vector.multi_reduction <add>, %get3A_47, %reduce_sum3A_48 [1] : vector<1000x16xf32> to vector<1000xf32>
    %broadcast_in_dim3A_50 = vector.shape_cast %reduce_sum3A_49 : vector<1000xf32> to vector<1000x1xf32>
    %add3A_51 = arith.constant 1.000000e-16 : f32
    %add3A_52 = vector.broadcast %add3A_51 : f32 to vector<1000x1xf32>
    %add3A_53 = arith.addf %broadcast_in_dim3A_50, %add3A_52 : vector<1000x1xf32>
    %div3A_54 = vector.broadcast %add3A_53 : vector<1000x1xf32> to vector<1000x128xf32>
    %div3A_55 = arith.divf %get3A_42, %div3A_54 : vector<1000x128xf32>
    %add3A_56 = arith.addf %add3A_37, %div3A_55 : vector<1000x128xf32>
    %get3A_57 = arith.constant 3 : index
    %get3A_58 = arith.constant 0 : index
    %get3A_59 = arith.constant 0 : index
    %get3A_60 = vector.load %arg1[%get3A_57, %get3A_58, %get3A_59] : memref<5x1000x128xf32, #tpu.memory_space<vmem>>, vector<1x1000x128xf32>
    %get3A_61 = vector.shape_cast %get3A_60 : vector<1x1000x128xf32> to vector<1000x128xf32>
    %get3A_62 = arith.constant 3 : index
    %get3A_63 = arith.constant 0 : index
    %get3A_64 = arith.constant 0 : index
    %get3A_65 = vector.load %arg2[%get3A_62, %get3A_63, %get3A_64] : memref<5x1000x16xf32, #tpu.memory_space<vmem>>, vector<1x1000x16xf32>
    %get3A_66 = vector.shape_cast %get3A_65 : vector<1x1000x16xf32> to vector<1000x16xf32>
    %reduce_sum3A_67 = arith.constant dense<0.000000e+00> : vector<1000xf32>
    %reduce_sum3A_68 = vector.multi_reduction <add>, %get3A_66, %reduce_sum3A_67 [1] : vector<1000x16xf32> to vector<1000xf32>
    %broadcast_in_dim3A_69 = vector.shape_cast %reduce_sum3A_68 : vector<1000xf32> to vector<1000x1xf32>
    %add3A_70 = arith.constant 1.000000e-16 : f32
    %add3A_71 = vector.broadcast %add3A_70 : f32 to vector<1000x1xf32>
    %add3A_72 = arith.addf %broadcast_in_dim3A_69, %add3A_71 : vector<1000x1xf32>
    %div3A_73 = vector.broadcast %add3A_72 : vector<1000x1xf32> to vector<1000x128xf32>
    %div3A_74 = arith.divf %get3A_61, %div3A_73 : vector<1000x128xf32>
    %add3A_75 = arith.addf %add3A_56, %div3A_74 : vector<1000x128xf32>
    %get3A_76 = arith.constant 4 : index
    %get3A_77 = arith.constant 0 : index
    %get3A_78 = arith.constant 0 : index
    %get3A_79 = vector.load %arg1[%get3A_76, %get3A_77, %get3A_78] : memref<5x1000x128xf32, #tpu.memory_space<vmem>>, vector<1x1000x128xf32>
    %get3A_80 = vector.shape_cast %get3A_79 : vector<1x1000x128xf32> to vector<1000x128xf32>
    %get3A_81 = arith.constant 4 : index
    %get3A_82 = arith.constant 0 : index
    %get3A_83 = arith.constant 0 : index
    %get3A_84 = vector.load %arg2[%get3A_81, %get3A_82, %get3A_83] : memref<5x1000x16xf32, #tpu.memory_space<vmem>>, vector<1x1000x16xf32>
    %get3A_85 = vector.shape_cast %get3A_84 : vector<1x1000x16xf32> to vector<1000x16xf32>
    %reduce_sum3A_86 = arith.constant dense<0.000000e+00> : vector<1000xf32>
    %reduce_sum3A_87 = vector.multi_reduction <add>, %get3A_85, %reduce_sum3A_86 [1] : vector<1000x16xf32> to vector<1000xf32>
    %broadcast_in_dim3A_88 = vector.shape_cast %reduce_sum3A_87 : vector<1000xf32> to vector<1000x1xf32>
    %add3A_89 = arith.constant 1.000000e-16 : f32
    %add3A_90 = vector.broadcast %add3A_89 : f32 to vector<1000x1xf32>
    %add3A_91 = arith.addf %broadcast_in_dim3A_88, %add3A_90 : vector<1000x1xf32>
    %div3A_92 = vector.broadcast %add3A_91 : vector<1000x1xf32> to vector<1000x128xf32>
    %div3A_93 = arith.divf %get3A_80, %div3A_92 : vector<1000x128xf32>
    %add3A_94 = arith.addf %add3A_75, %div3A_93 : vector<1000x128xf32>
    %mul3A = arith.constant 2.000000e-01 : f32
    %mul3A_95 = vector.broadcast %mul3A : f32 to vector<1000x128xf32>
    %mul3A_96 = arith.mulf %add3A_94, %mul3A_95 : vector<1000x128xf32>
    %get3A_97 = arith.constant 0 : index
    %get3A_98 = arith.constant 0 : index
    %get3A_99 = vector.load %arg4[%get3A_97, %get3A_98] : memref<1x128xf32, #tpu.memory_space<vmem>>, vector<1x128xf32>
    %add3A_100 = vector.broadcast %get3A_99 : vector<1x128xf32> to vector<1000x128xf32>
    %add3A_101 = arith.addf %mul3A_96, %add3A_100 : vector<1000x128xf32>
    %add3A_102 = arith.addf %get3A_1, %add3A_101 : vector<1000x128xf32>
    %get3A_103 = arith.constant 0 : index
    %get3A_104 = arith.constant 0 : index
    %get3A_105 = vector.load %arg5[%get3A_103, %get3A_104] : memref<1x128xf32, #tpu.memory_space<vmem>>, vector<1x128xf32>
    %get3A_106 = arith.constant 0 : index
    %get3A_107 = arith.constant 0 : index
    %get3A_108 = vector.load %arg6[%get3A_106, %get3A_107] : memref<1x128xf32, #tpu.memory_space<vmem>>, vector<1x128xf32>
    %reduce_sum3A_109 = arith.constant dense<0.000000e+00> : vector<1000xf32>
    %reduce_sum3A_110 = vector.multi_reduction <add>, %add3A_102, %reduce_sum3A_109 [1] : vector<1000x128xf32> to vector<1000xf32>
    %broadcast_in_dim3A_111 = vector.shape_cast %reduce_sum3A_110 : vector<1000xf32> to vector<1000x1xf32>
    %div3A_112 = arith.constant 1.280000e+02 : f32
    %div3A_113 = vector.broadcast %div3A_112 : f32 to vector<1000x1xf32>
    %div3A_114 = arith.divf %broadcast_in_dim3A_111, %div3A_113 : vector<1000x1xf32>
    %sub3A = vector.broadcast %div3A_114 : vector<1000x1xf32> to vector<1000x128xf32>
    %sub3A_115 = arith.subf %add3A_102, %sub3A : vector<1000x128xf32>
    %integer_pow3A = arith.mulf %sub3A_115, %sub3A_115 : vector<1000x128xf32>
    %reduce_sum3A_116 = arith.constant dense<0.000000e+00> : vector<1000xf32>
    %reduce_sum3A_117 = vector.multi_reduction <add>, %integer_pow3A, %reduce_sum3A_116 [1] : vector<1000x128xf32> to vector<1000xf32>
    %broadcast_in_dim3A_118 = vector.shape_cast %reduce_sum3A_117 : vector<1000xf32> to vector<1000x1xf32>
    %div3A_119 = arith.constant 1.280000e+02 : f32
    %div3A_120 = vector.broadcast %div3A_119 : f32 to vector<1000x1xf32>
    %div3A_121 = arith.divf %broadcast_in_dim3A_118, %div3A_120 : vector<1000x1xf32>
    %sub3A_122 = vector.broadcast %div3A_114 : vector<1000x1xf32> to vector<1000x128xf32>
    %sub3A_123 = arith.subf %add3A_102, %sub3A_122 : vector<1000x128xf32>
    %add3A_124 = arith.constant 9.99999974E-6 : f32
    %add3A_125 = vector.broadcast %add3A_124 : f32 to vector<1000x1xf32>
    %add3A_126 = arith.addf %div3A_121, %add3A_125 : vector<1000x1xf32>
    %sqrt3A = math.sqrt %add3A_126 : vector<1000x1xf32>
    %div3A_127 = vector.broadcast %sqrt3A : vector<1000x1xf32> to vector<1000x128xf32>
    %div3A_128 = arith.divf %sub3A_123, %div3A_127 : vector<1000x128xf32>
    %mul3A_129 = vector.broadcast %get3A_105 : vector<1x128xf32> to vector<1000x128xf32>
    %mul3A_130 = arith.mulf %div3A_128, %mul3A_129 : vector<1000x128xf32>
    %add3A_131 = vector.broadcast %get3A_108 : vector<1x128xf32> to vector<1000x128xf32>
    %add3A_132 = arith.addf %mul3A_130, %add3A_131 : vector<1000x128xf32>
    %get3A_133 = arith.constant 0 : index
    %get3A_134 = arith.constant 0 : index
    %get3A_135 = vector.load %arg7[%get3A_133, %get3A_134] : memref<128x128xf32, #tpu.memory_space<vmem>>, vector<128x128xf32>
    %dot_general3A = arith.constant dense<0.000000e+00> : vector<1000x128xf32>
    %dot_general3A_136 = tpu.matmul %add3A_132, %get3A_135, %dot_general3A {dimension_numbers = #tpu.dot_dimension_numbers<[1], [0], [0], [1], [0, 0, 1, 1], [], []>, transpose_lhs_hint = false} : vector<1000x128xf32>, vector<128x128xf32>, vector<1000x128xf32> -> vector<1000x128xf32>
    %get3A_137 = arith.constant 0 : index
    %get3A_138 = arith.constant 0 : index
    %get3A_139 = vector.load %arg8[%get3A_137, %get3A_138] : memref<1x128xf32, #tpu.memory_space<vmem>>, vector<1x128xf32>
    %add3A_140 = vector.broadcast %get3A_139 : vector<1x128xf32> to vector<1000x128xf32>
    %add3A_141 = arith.addf %dot_general3A_136, %add3A_140 : vector<1000x128xf32>
    %gt3A = arith.constant 0.000000e+00 : f32
    %gt3A_142 = vector.broadcast %gt3A : f32 to vector<1000x128xf32>
    %gt3A_143 = arith.cmpf ogt, %add3A_141, %gt3A_142 : vector<1000x128xf32>
    %exp3A = math.exp %add3A_141 : vector<1000x128xf32>
    %sub3A_144 = arith.constant 1.000000e+00 : f32
    %sub3A_145 = vector.broadcast %sub3A_144 : f32 to vector<1000x128xf32>
    %sub3A_146 = arith.subf %exp3A, %sub3A_145 : vector<1000x128xf32>
    %mul3A_147 = arith.constant 1.67326319 : f32
    %mul3A_148 = vector.broadcast %mul3A_147 : f32 to vector<1000x128xf32>
    %mul3A_149 = arith.mulf %mul3A_148, %sub3A_146 : vector<1000x128xf32>
    %select_n3A = arith.select %gt3A_143, %add3A_141, %mul3A_149 : vector<1000x128xi1>, vector<1000x128xf32>
    %mul3A_150 = arith.constant 1.05070102 : f32
    %mul3A_151 = vector.broadcast %mul3A_150 : f32 to vector<1000x128xf32>
    %mul3A_152 = arith.mulf %mul3A_151, %select_n3A : vector<1000x128xf32>
    %get3A_153 = arith.constant 0 : index
    %get3A_154 = arith.constant 0 : index
    %get3A_155 = vector.load %arg9[%get3A_153, %get3A_154] : memref<1x128xf32, #tpu.memory_space<vmem>>, vector<1x128xf32>
    %get3A_156 = arith.constant 0 : index
    %get3A_157 = arith.constant 0 : index
    %get3A_158 = vector.load %arg10[%get3A_156, %get3A_157] : memref<1x128xf32, #tpu.memory_space<vmem>>, vector<1x128xf32>
    %reduce_sum3A_159 = arith.constant dense<0.000000e+00> : vector<1000xf32>
    %reduce_sum3A_160 = vector.multi_reduction <add>, %mul3A_152, %reduce_sum3A_159 [1] : vector<1000x128xf32> to vector<1000xf32>
    %broadcast_in_dim3A_161 = vector.shape_cast %reduce_sum3A_160 : vector<1000xf32> to vector<1000x1xf32>
    %div3A_162 = arith.constant 1.280000e+02 : f32
    %div3A_163 = vector.broadcast %div3A_162 : f32 to vector<1000x1xf32>
    %div3A_164 = arith.divf %broadcast_in_dim3A_161, %div3A_163 : vector<1000x1xf32>
    %sub3A_165 = vector.broadcast %div3A_164 : vector<1000x1xf32> to vector<1000x128xf32>
    %sub3A_166 = arith.subf %mul3A_152, %sub3A_165 : vector<1000x128xf32>
    %integer_pow3A_167 = arith.mulf %sub3A_166, %sub3A_166 : vector<1000x128xf32>
    %reduce_sum3A_168 = arith.constant dense<0.000000e+00> : vector<1000xf32>
    %reduce_sum3A_169 = vector.multi_reduction <add>, %integer_pow3A_167, %reduce_sum3A_168 [1] : vector<1000x128xf32> to vector<1000xf32>
    %broadcast_in_dim3A_170 = vector.shape_cast %reduce_sum3A_169 : vector<1000xf32> to vector<1000x1xf32>
    %div3A_171 = arith.constant 1.280000e+02 : f32
    %div3A_172 = vector.broadcast %div3A_171 : f32 to vector<1000x1xf32>
    %div3A_173 = arith.divf %broadcast_in_dim3A_170, %div3A_172 : vector<1000x1xf32>
    %sub3A_174 = vector.broadcast %div3A_164 : vector<1000x1xf32> to vector<1000x128xf32>
    %sub3A_175 = arith.subf %mul3A_152, %sub3A_174 : vector<1000x128xf32>
    %add3A_176 = arith.constant 9.99999974E-6 : f32
    %add3A_177 = vector.broadcast %add3A_176 : f32 to vector<1000x1xf32>
    %add3A_178 = arith.addf %div3A_173, %add3A_177 : vector<1000x1xf32>
    %sqrt3A_179 = math.sqrt %add3A_178 : vector<1000x1xf32>
    %div3A_180 = vector.broadcast %sqrt3A_179 : vector<1000x1xf32> to vector<1000x128xf32>
    %div3A_181 = arith.divf %sub3A_175, %div3A_180 : vector<1000x128xf32>
    %mul3A_182 = vector.broadcast %get3A_155 : vector<1x128xf32> to vector<1000x128xf32>
    %mul3A_183 = arith.mulf %div3A_181, %mul3A_182 : vector<1000x128xf32>
    %add3A_184 = vector.broadcast %get3A_158 : vector<1x128xf32> to vector<1000x128xf32>
    %add3A_185 = arith.addf %mul3A_183, %add3A_184 : vector<1000x128xf32>
    %get3A_186 = arith.constant 0 : index
    %get3A_187 = arith.constant 0 : index
    %get3A_188 = vector.load %arg11[%get3A_186, %get3A_187] : memref<128x128xf32, #tpu.memory_space<vmem>>, vector<128x128xf32>
    %dot_general3A_189 = arith.constant dense<0.000000e+00> : vector<1000x128xf32>
    %dot_general3A_190 = tpu.matmul %add3A_185, %get3A_188, %dot_general3A_189 {dimension_numbers = #tpu.dot_dimension_numbers<[1], [0], [0], [1], [0, 0, 1, 1], [], []>, transpose_lhs_hint = false} : vector<1000x128xf32>, vector<128x128xf32>, vector<1000x128xf32> -> vector<1000x128xf32>
    %get3A_191 = arith.constant 0 : index
    %get3A_192 = arith.constant 0 : index
    %get3A_193 = vector.load %arg12[%get3A_191, %get3A_192] : memref<1x128xf32, #tpu.memory_space<vmem>>, vector<1x128xf32>
    %add3A_194 = vector.broadcast %get3A_193 : vector<1x128xf32> to vector<1000x128xf32>
    %add3A_195 = arith.addf %dot_general3A_190, %add3A_194 : vector<1000x128xf32>
    %add3A_196 = arith.addf %add3A_132, %add3A_195 : vector<1000x128xf32>
    %get3A_197 = arith.constant 0 : index
    %get3A_198 = arith.constant 0 : index
    %get3A_199 = vector.load %arg13[%get3A_197, %get3A_198] : memref<1x128xf32, #tpu.memory_space<vmem>>, vector<1x128xf32>
    %get3A_200 = arith.constant 0 : index
    %get3A_201 = arith.constant 0 : index
    %get3A_202 = vector.load %arg14[%get3A_200, %get3A_201] : memref<1x128xf32, #tpu.memory_space<vmem>>, vector<1x128xf32>
    %reduce_sum3A_203 = arith.constant dense<0.000000e+00> : vector<1000xf32>
    %reduce_sum3A_204 = vector.multi_reduction <add>, %add3A_196, %reduce_sum3A_203 [1] : vector<1000x128xf32> to vector<1000xf32>
    %broadcast_in_dim3A_205 = vector.shape_cast %reduce_sum3A_204 : vector<1000xf32> to vector<1000x1xf32>
    %div3A_206 = arith.constant 1.280000e+02 : f32
    %div3A_207 = vector.broadcast %div3A_206 : f32 to vector<1000x1xf32>
    %div3A_208 = arith.divf %broadcast_in_dim3A_205, %div3A_207 : vector<1000x1xf32>
    %sub3A_209 = vector.broadcast %div3A_208 : vector<1000x1xf32> to vector<1000x128xf32>
    %sub3A_210 = arith.subf %add3A_196, %sub3A_209 : vector<1000x128xf32>
    %integer_pow3A_211 = arith.mulf %sub3A_210, %sub3A_210 : vector<1000x128xf32>
    %reduce_sum3A_212 = arith.constant dense<0.000000e+00> : vector<1000xf32>
    %reduce_sum3A_213 = vector.multi_reduction <add>, %integer_pow3A_211, %reduce_sum3A_212 [1] : vector<1000x128xf32> to vector<1000xf32>
    %broadcast_in_dim3A_214 = vector.shape_cast %reduce_sum3A_213 : vector<1000xf32> to vector<1000x1xf32>
    %div3A_215 = arith.constant 1.280000e+02 : f32
    %div3A_216 = vector.broadcast %div3A_215 : f32 to vector<1000x1xf32>
    %div3A_217 = arith.divf %broadcast_in_dim3A_214, %div3A_216 : vector<1000x1xf32>
    %sub3A_218 = vector.broadcast %div3A_208 : vector<1000x1xf32> to vector<1000x128xf32>
    %sub3A_219 = arith.subf %add3A_196, %sub3A_218 : vector<1000x128xf32>
    %add3A_220 = arith.constant 9.99999974E-6 : f32
    %add3A_221 = vector.broadcast %add3A_220 : f32 to vector<1000x1xf32>
    %add3A_222 = arith.addf %div3A_217, %add3A_221 : vector<1000x1xf32>
    %sqrt3A_223 = math.sqrt %add3A_222 : vector<1000x1xf32>
    %div3A_224 = vector.broadcast %sqrt3A_223 : vector<1000x1xf32> to vector<1000x128xf32>
    %div3A_225 = arith.divf %sub3A_219, %div3A_224 : vector<1000x128xf32>
    %mul3A_226 = vector.broadcast %get3A_199 : vector<1x128xf32> to vector<1000x128xf32>
    %mul3A_227 = arith.mulf %div3A_225, %mul3A_226 : vector<1000x128xf32>
    %add3A_228 = vector.broadcast %get3A_202 : vector<1x128xf32> to vector<1000x128xf32>
    %add3A_229 = arith.addf %mul3A_227, %add3A_228 : vector<1000x128xf32>
    %swap3A = arith.constant 0 : index
    %swap3A_230 = arith.constant 0 : index
    %swap3A_231 = vector.load %arg15[%swap3A, %swap3A_230] : memref<1000x128xf32, #tpu.memory_space<vmem>>, vector<1000x128xf32>
    tpu.vector_store %arg15[%swap3A, %swap3A_230], %add3A_229 {strides = array<i32>} : memref<1000x128xf32, #tpu.memory_space<vmem>>, vector<1000x128xf32>,
    return
  }
  func.func @transform_0(%arg0: i32) -> (i32, i32, i32) {
    %c0_i32 = arith.constant 0 : i32
    %c0_i32_0 = arith.constant 0 : i32
    %c0_i32_1 = arith.constant 0 : i32
    return %c0_i32, %arg0, %c0_i32_0 : i32, i32, i32
  }
  func.func @transform_1(%arg0: i32) -> (i32, i32, i32) {
    %c0_i32 = arith.constant 0 : i32
    %c0_i32_0 = arith.constant 0 : i32
    %c0_i32_1 = arith.constant 0 : i32
    return %c0_i32, %arg0, %c0_i32_0 : i32, i32, i32
  }
  func.func @transform_2(%arg0: i32) -> (i32, i32) {
    %c0_i32 = arith.constant 0 : i32
    %c0_i32_0 = arith.constant 0 : i32
    return %arg0, %c0_i32 : i32, i32
  }
  func.func @transform_3(%arg0: i32) -> (i32, i32) {
    %c0_i32 = arith.constant 0 : i32
    %c0_i32_0 = arith.constant 0 : i32
    %c0_i32_1 = arith.constant 0 : i32
    return %c0_i32, %c0_i32_0 : i32, i32
  }
  func.func @transform_4(%arg0: i32) -> (i32, i32) {
    %c0_i32 = arith.constant 0 : i32
    %c0_i32_0 = arith.constant 0 : i32
    %c0_i32_1 = arith.constant 0 : i32
    return %c0_i32, %c0_i32_0 : i32, i32
  }
  func.func @transform_5(%arg0: i32) -> (i32, i32) {
    %c0_i32 = arith.constant 0 : i32
    %c0_i32_0 = arith.constant 0 : i32
    %c0_i32_1 = arith.constant 0 : i32
    return %c0_i32, %c0_i32_0 : i32, i32
  }
  func.func @transform_6(%arg0: i32) -> (i32, i32) {
    %c0_i32 = arith.constant 0 : i32
    %c0_i32_0 = arith.constant 0 : i32
    %c0_i32_1 = arith.constant 0 : i32
    return %c0_i32, %c0_i32_0 : i32, i32
  }
  func.func @transform_7(%arg0: i32) -> (i32, i32) {
    %c0_i32 = arith.constant 0 : i32
    %c0_i32_0 = arith.constant 0 : i32
    %c0_i32_1 = arith.constant 0 : i32
    return %c0_i32, %c0_i32_0 : i32, i32
  }
  func.func @transform_8(%arg0: i32) -> (i32, i32) {
    %c0_i32 = arith.constant 0 : i32
    %c0_i32_0 = arith.constant 0 : i32
    %c0_i32_1 = arith.constant 0 : i32
    return %c0_i32, %c0_i32_0 : i32, i32
  }
  func.func @transform_9(%arg0: i32) -> (i32, i32) {
    %c0_i32 = arith.constant 0 : i32
    %c0_i32_0 = arith.constant 0 : i32
    %c0_i32_1 = arith.constant 0 : i32
    return %c0_i32, %c0_i32_0 : i32, i32
  }
  func.func @transform_10(%arg0: i32) -> (i32, i32) {
    %c0_i32 = arith.constant 0 : i32
    %c0_i32_0 = arith.constant 0 : i32
    %c0_i32_1 = arith.constant 0 : i32
    return %c0_i32, %c0_i32_0 : i32, i32
  }
  func.func @transform_11(%arg0: i32) -> (i32, i32) {
    %c0_i32 = arith.constant 0 : i32
    %c0_i32_0 = arith.constant 0 : i32
    %c0_i32_1 = arith.constant 0 : i32
    return %c0_i32, %c0_i32_0 : i32, i32
  }
  func.func @transform_12(%arg0: i32) -> (i32, i32) {
    %c0_i32 = arith.constant 0 : i32
    %c0_i32_0 = arith.constant 0 : i32
    %c0_i32_1 = arith.constant 0 : i32
    return %c0_i32, %c0_i32_0 : i32, i32
  }
  func.func @transform_13(%arg0: i32) -> (i32, i32) {
    %c0_i32 = arith.constant 0 : i32
    %c0_i32_0 = arith.constant 0 : i32
    %c0_i32_1 = arith.constant 0 : i32
    return %c0_i32, %c0_i32_0 : i32, i32
  }
  func.func @transform_14(%arg0: i32) -> (i32, i32) {
    %c0_i32 = arith.constant 0 : i32
    %c0_i32_0 = arith.constant 0 : i32
    return %arg0, %c0_i32 : i32, i32
  }
}

module attributes {stable_mosaic.version = 14 : i64} {
  func.func @_pool_body(%arg0: i32, %arg1: memref<1000x16xf32, #tpu.memory_space<vmem>>, %arg2: memref<1000x128xf32, #tpu.memory_space<vmem>>, %arg3: memref<16x128xf32, #tpu.memory_space<vmem>>, %arg4: memref<640x128xf32, #tpu.memory_space<vmem>>, %arg5: memref<1x128xf32, #tpu.memory_space<vmem>>, %arg6: memref<1x128xf32, #tpu.memory_space<vmem>>, %arg7: memref<1x128xf32, #tpu.memory_space<vmem>>, %arg8: memref<128x128xf32, #tpu.memory_space<vmem>>, %arg9: memref<1x128xf32, #tpu.memory_space<vmem>>, %arg10: memref<16x128xf32, #tpu.memory_space<vmem>>, %arg11: memref<16x128xf32, #tpu.memory_space<vmem>>, %arg12: memref<16x128xf32, #tpu.memory_space<vmem>>, %arg13: memref<16x128xf32, #tpu.memory_space<vmem>>, %arg14: memref<16x128xf32, #tpu.memory_space<vmem>>, %arg15: memref<16x128xf32, #tpu.memory_space<vmem>>) attributes {dimension_semantics = [#tpu.dimension_semantics<arbitrary>], iteration_bounds = array<i64: 10>, scalar_prefetch = 0 : i64, scratch_operands = 5 : i64, tpu.core_type = #tpu.core_type<tc>, window_params = [{transform_indices = @transform_0, window_bounds = array<i64: 1000, 16>}, {transform_indices = @transform_1, window_bounds = array<i64: 1000, 128>}, {pipeline_mode = #tpu.pipeline_mode<synchronous>, transform_indices = @transform_2, window_bounds = array<i64: 16, 128>}, {pipeline_mode = #tpu.pipeline_mode<synchronous>, transform_indices = @transform_3, window_bounds = array<i64: 640, 128>}, {pipeline_mode = #tpu.pipeline_mode<synchronous>, transform_indices = @transform_4, window_bounds = array<i64: 1, 128>}, {pipeline_mode = #tpu.pipeline_mode<synchronous>, transform_indices = @transform_5, window_bounds = array<i64: 1, 128>}, {pipeline_mode = #tpu.pipeline_mode<synchronous>, transform_indices = @transform_6, window_bounds = array<i64: 1, 128>}, {pipeline_mode = #tpu.pipeline_mode<synchronous>, transform_indices = @transform_7, window_bounds = array<i64: 128, 128>}, {pipeline_mode = #tpu.pipeline_mode<synchronous>, transform_indices = @transform_8, window_bounds = array<i64: 1, 128>}, {pipeline_mode = #tpu.pipeline_mode<synchronous>, transform_indices = @transform_9, window_bounds = array<i64: 16, 128>}]} {
    %eq3A = arith.constant 0 : i32
    %eq3A_0 = arith.cmpi eq, %arg0, %eq3A : i32
    %convert_element_type3A = arith.extui %eq3A_0 : i1 to i32
    %cond3A = arith.constant 0 : i32
    %cond3A_1 = arith.cmpi ne, %convert_element_type3A, %cond3A : i32
    scf.if %cond3A_1 {
      %broadcast_in_dim3A_573 = arith.constant 0.000000e+00 : f32
      %broadcast_in_dim3A_574 = vector.broadcast %broadcast_in_dim3A_573 : f32 to vector<16x128xf32>
      %swap3A_575 = arith.constant 0 : index
      %swap3A_576 = arith.constant 0 : index
      %swap3A_577 = vector.load %arg11[%swap3A_575, %swap3A_576] : memref<16x128xf32, #tpu.memory_space<vmem>>, vector<16x128xf32>
      tpu.vector_store %arg11[%swap3A_575, %swap3A_576], %broadcast_in_dim3A_574 {strides = array<i32>} : memref<16x128xf32, #tpu.memory_space<vmem>>, vector<16x128xf32>,
      %broadcast_in_dim3A_578 = arith.constant 0.000000e+00 : f32
      %broadcast_in_dim3A_579 = vector.broadcast %broadcast_in_dim3A_578 : f32 to vector<16x128xf32>
      %swap3A_580 = arith.constant 0 : index
      %swap3A_581 = arith.constant 0 : index
      %swap3A_582 = vector.load %arg12[%swap3A_580, %swap3A_581] : memref<16x128xf32, #tpu.memory_space<vmem>>, vector<16x128xf32>
      tpu.vector_store %arg12[%swap3A_580, %swap3A_581], %broadcast_in_dim3A_579 {strides = array<i32>} : memref<16x128xf32, #tpu.memory_space<vmem>>, vector<16x128xf32>,
      %broadcast_in_dim3A_583 = arith.constant 0.000000e+00 : f32
      %broadcast_in_dim3A_584 = vector.broadcast %broadcast_in_dim3A_583 : f32 to vector<16x128xf32>
      %swap3A_585 = arith.constant 0 : index
      %swap3A_586 = arith.constant 0 : index
      %swap3A_587 = vector.load %arg13[%swap3A_585, %swap3A_586] : memref<16x128xf32, #tpu.memory_space<vmem>>, vector<16x128xf32>
      tpu.vector_store %arg13[%swap3A_585, %swap3A_586], %broadcast_in_dim3A_584 {strides = array<i32>} : memref<16x128xf32, #tpu.memory_space<vmem>>, vector<16x128xf32>,
      %broadcast_in_dim3A_588 = arith.constant -1.000000e+30 : f32
      %broadcast_in_dim3A_589 = vector.broadcast %broadcast_in_dim3A_588 : f32 to vector<16x128xf32>
      %swap3A_590 = arith.constant 0 : index
      %swap3A_591 = arith.constant 0 : index
      %swap3A_592 = vector.load %arg14[%swap3A_590, %swap3A_591] : memref<16x128xf32, #tpu.memory_space<vmem>>, vector<16x128xf32>
      tpu.vector_store %arg14[%swap3A_590, %swap3A_591], %broadcast_in_dim3A_589 {strides = array<i32>} : memref<16x128xf32, #tpu.memory_space<vmem>>, vector<16x128xf32>,
      %broadcast_in_dim3A_593 = arith.constant 1.000000e+30 : f32
      %broadcast_in_dim3A_594 = vector.broadcast %broadcast_in_dim3A_593 : f32 to vector<16x128xf32>
      %swap3A_595 = arith.constant 0 : index
      %swap3A_596 = arith.constant 0 : index
      %swap3A_597 = vector.load %arg15[%swap3A_595, %swap3A_596] : memref<16x128xf32, #tpu.memory_space<vmem>>, vector<16x128xf32>
      tpu.vector_store %arg15[%swap3A_595, %swap3A_596], %broadcast_in_dim3A_594 {strides = array<i32>} : memref<16x128xf32, #tpu.memory_space<vmem>>, vector<16x128xf32>,
    } else {
    }
    %get3A = arith.constant 0 : index
    %get3A_2 = arith.constant 0 : index
    %get3A_3 = vector.load %arg1[%get3A, %get3A_2] : memref<1000x16xf32, #tpu.memory_space<vmem>>, vector<1000x16xf32>
    %get3A_4 = arith.constant 0 : index
    %get3A_5 = arith.constant 0 : index
    %get3A_6 = vector.load %arg2[%get3A_4, %get3A_5] : memref<1000x128xf32, #tpu.memory_space<vmem>>, vector<1000x128xf32>
    %get3A_7 = arith.constant 0 : index
    %get3A_8 = arith.constant 0 : index
    %get3A_9 = vector.load %arg11[%get3A_7, %get3A_8] : memref<16x128xf32, #tpu.memory_space<vmem>>, vector<16x128xf32>
    %broadcast_in_dim3A = arith.constant 1.000000e+00 : f32
    %broadcast_in_dim3A_10 = vector.broadcast %broadcast_in_dim3A : f32 to vector<1000x128xf32>
    %dot_general3A = arith.constant dense<0.000000e+00> : vector<16x128xf32>
    %dot_general3A_11 = tpu.matmul %get3A_3, %broadcast_in_dim3A_10, %dot_general3A {dimension_numbers = #tpu.dot_dimension_numbers<[0], [0], [1], [1], [0, 1, 1, 1], [], []>, transpose_lhs_hint = false} : vector<1000x16xf32>, vector<1000x128xf32>, vector<16x128xf32> -> vector<16x128xf32>
    %add3A = arith.addf %get3A_9, %dot_general3A_11 : vector<16x128xf32>
    %swap3A = arith.constant 0 : index
    %swap3A_12 = arith.constant 0 : index
    %swap3A_13 = vector.load %arg11[%swap3A, %swap3A_12] : memref<16x128xf32, #tpu.memory_space<vmem>>, vector<16x128xf32>
    tpu.vector_store %arg11[%swap3A, %swap3A_12], %add3A {strides = array<i32>} : memref<16x128xf32, #tpu.memory_space<vmem>>, vector<16x128xf32>,
    %get3A_14 = arith.constant 0 : index
    %get3A_15 = arith.constant 0 : index
    %get3A_16 = vector.load %arg12[%get3A_14, %get3A_15] : memref<16x128xf32, #tpu.memory_space<vmem>>, vector<16x128xf32>
    %dot_general3A_17 = arith.constant dense<0.000000e+00> : vector<16x128xf32>
    %dot_general3A_18 = tpu.matmul %get3A_3, %get3A_6, %dot_general3A_17 {dimension_numbers = #tpu.dot_dimension_numbers<[0], [0], [1], [1], [0, 1, 1, 1], [], []>, transpose_lhs_hint = false} : vector<1000x16xf32>, vector<1000x128xf32>, vector<16x128xf32> -> vector<16x128xf32>
    %add3A_19 = arith.addf %get3A_16, %dot_general3A_18 : vector<16x128xf32>
    %swap3A_20 = arith.constant 0 : index
    %swap3A_21 = arith.constant 0 : index
    %swap3A_22 = vector.load %arg12[%swap3A_20, %swap3A_21] : memref<16x128xf32, #tpu.memory_space<vmem>>, vector<16x128xf32>
    tpu.vector_store %arg12[%swap3A_20, %swap3A_21], %add3A_19 {strides = array<i32>} : memref<16x128xf32, #tpu.memory_space<vmem>>, vector<16x128xf32>,
    %get3A_23 = arith.constant 0 : index
    %get3A_24 = arith.constant 0 : index
    %get3A_25 = vector.load %arg13[%get3A_23, %get3A_24] : memref<16x128xf32, #tpu.memory_space<vmem>>, vector<16x128xf32>
    %mul3A = arith.mulf %get3A_6, %get3A_6 : vector<1000x128xf32>
    %dot_general3A_26 = arith.constant dense<0.000000e+00> : vector<16x128xf32>
    %dot_general3A_27 = tpu.matmul %get3A_3, %mul3A, %dot_general3A_26 {dimension_numbers = #tpu.dot_dimension_numbers<[0], [0], [1], [1], [0, 1, 1, 1], [], []>, transpose_lhs_hint = false} : vector<1000x16xf32>, vector<1000x128xf32>, vector<16x128xf32> -> vector<16x128xf32>
    %add3A_28 = arith.addf %get3A_25, %dot_general3A_27 : vector<16x128xf32>
    %swap3A_29 = arith.constant 0 : index
    %swap3A_30 = arith.constant 0 : index
    %swap3A_31 = vector.load %arg13[%swap3A_29, %swap3A_30] : memref<16x128xf32, #tpu.memory_space<vmem>>, vector<16x128xf32>
    tpu.vector_store %arg13[%swap3A_29, %swap3A_30], %add3A_28 {strides = array<i32>} : memref<16x128xf32, #tpu.memory_space<vmem>>, vector<16x128xf32>,
    %slice3A = vector.extract_strided_slice %get3A_3 {offsets = [0, 0], sizes = [1000, 1], strides = [1, 1]} : vector<1000x16xf32> to vector<1000x1xf32>
    %gt3A = arith.constant 0.000000e+00 : f32
    %gt3A_32 = vector.broadcast %gt3A : f32 to vector<1000x1xf32>
    %gt3A_33 = arith.cmpf ogt, %slice3A, %gt3A_32 : vector<1000x1xf32>
    %jit3A = arith.constant -1.000000e+30 : f32
    %broadcast_in_dim3A_34 = vector.shape_cast %gt3A_33 : vector<1000x1xi1> to vector<1000x1xi1>
    %broadcast_in_dim3A_35 = vector.broadcast %broadcast_in_dim3A_34 : vector<1000x1xi1> to vector<1000x128xi1>
    %broadcast_in_dim3A_36 = vector.broadcast %jit3A : f32 to vector<1000x128xf32>
    %select_n3A = arith.select %broadcast_in_dim3A_35, %get3A_6, %broadcast_in_dim3A_36 : vector<1000x128xi1>, vector<1000x128xf32>
    %reduce_max3A = arith.constant dense<0xFF800000> : vector<128xf32>
    %reduce_max3A_37 = vector.multi_reduction <maximumf>, %select_n3A, %reduce_max3A [0] : vector<1000x128xf32> to vector<128xf32>
    %broadcast_in_dim3A_38 = vector.shape_cast %reduce_max3A_37 : vector<128xf32> to vector<1x128xf32>
    %jit3A_39 = arith.constant 1.000000e+30 : f32
    %broadcast_in_dim3A_40 = vector.shape_cast %gt3A_33 : vector<1000x1xi1> to vector<1000x1xi1>
    %broadcast_in_dim3A_41 = vector.broadcast %broadcast_in_dim3A_40 : vector<1000x1xi1> to vector<1000x128xi1>
    %broadcast_in_dim3A_42 = vector.broadcast %jit3A_39 : f32 to vector<1000x128xf32>
    %select_n3A_43 = arith.select %broadcast_in_dim3A_41, %get3A_6, %broadcast_in_dim3A_42 : vector<1000x128xi1>, vector<1000x128xf32>
    %reduce_min3A = arith.constant dense<0x7F800000> : vector<128xf32>
    %reduce_min3A_44 = vector.multi_reduction <minimumf>, %select_n3A_43, %reduce_min3A [0] : vector<1000x128xf32> to vector<128xf32>
    %broadcast_in_dim3A_45 = vector.shape_cast %reduce_min3A_44 : vector<128xf32> to vector<1x128xf32>
    %get3A_46 = arith.constant 0 : index
    %get3A_47 = arith.constant 0 : index
    %get3A_48 = vector.load %arg14[%get3A_46, %get3A_47] : memref<16x128xf32, #tpu.memory_space<vmem>>, vector<1x128xf32>
    %max3A = arith.maximumf %get3A_48, %broadcast_in_dim3A_38 : vector<1x128xf32>
    %swap3A_49 = arith.constant 0 : index
    %swap3A_50 = arith.constant 0 : index
    %swap3A_51 = vector.load %arg14[%swap3A_49, %swap3A_50] : memref<16x128xf32, #tpu.memory_space<vmem>>, vector<1x128xf32>
    tpu.vector_store %arg14[%swap3A_49, %swap3A_50], %max3A {strides = array<i32>} : memref<16x128xf32, #tpu.memory_space<vmem>>, vector<1x128xf32>,
    %get3A_52 = arith.constant 0 : index
    %get3A_53 = arith.constant 0 : index
    %get3A_54 = vector.load %arg15[%get3A_52, %get3A_53] : memref<16x128xf32, #tpu.memory_space<vmem>>, vector<1x128xf32>
    %min3A = arith.minimumf %get3A_54, %broadcast_in_dim3A_45 : vector<1x128xf32>
    %swap3A_55 = arith.constant 0 : index
    %swap3A_56 = arith.constant 0 : index
    %swap3A_57 = vector.load %arg15[%swap3A_55, %swap3A_56] : memref<16x128xf32, #tpu.memory_space<vmem>>, vector<1x128xf32>
    tpu.vector_store %arg15[%swap3A_55, %swap3A_56], %min3A {strides = array<i32>} : memref<16x128xf32, #tpu.memory_space<vmem>>, vector<1x128xf32>,
    %slice3A_58 = vector.extract_strided_slice %get3A_3 {offsets = [0, 1], sizes = [1000, 1], strides = [1, 1]} : vector<1000x16xf32> to vector<1000x1xf32>
    %gt3A_59 = arith.constant 0.000000e+00 : f32
    %gt3A_60 = vector.broadcast %gt3A_59 : f32 to vector<1000x1xf32>
    %gt3A_61 = arith.cmpf ogt, %slice3A_58, %gt3A_60 : vector<1000x1xf32>
    %jit3A_62 = arith.constant -1.000000e+30 : f32
    %broadcast_in_dim3A_63 = vector.shape_cast %gt3A_61 : vector<1000x1xi1> to vector<1000x1xi1>
    %broadcast_in_dim3A_64 = vector.broadcast %broadcast_in_dim3A_63 : vector<1000x1xi1> to vector<1000x128xi1>
    %broadcast_in_dim3A_65 = vector.broadcast %jit3A_62 : f32 to vector<1000x128xf32>
    %select_n3A_66 = arith.select %broadcast_in_dim3A_64, %get3A_6, %broadcast_in_dim3A_65 : vector<1000x128xi1>, vector<1000x128xf32>
    %reduce_max3A_67 = arith.constant dense<0xFF800000> : vector<128xf32>
    %reduce_max3A_68 = vector.multi_reduction <maximumf>, %select_n3A_66, %reduce_max3A_67 [0] : vector<1000x128xf32> to vector<128xf32>
    %broadcast_in_dim3A_69 = vector.shape_cast %reduce_max3A_68 : vector<128xf32> to vector<1x128xf32>
    %jit3A_70 = arith.constant 1.000000e+30 : f32
    %broadcast_in_dim3A_71 = vector.shape_cast %gt3A_61 : vector<1000x1xi1> to vector<1000x1xi1>
    %broadcast_in_dim3A_72 = vector.broadcast %broadcast_in_dim3A_71 : vector<1000x1xi1> to vector<1000x128xi1>
    %broadcast_in_dim3A_73 = vector.broadcast %jit3A_70 : f32 to vector<1000x128xf32>
    %select_n3A_74 = arith.select %broadcast_in_dim3A_72, %get3A_6, %broadcast_in_dim3A_73 : vector<1000x128xi1>, vector<1000x128xf32>
    %reduce_min3A_75 = arith.constant dense<0x7F800000> : vector<128xf32>
    %reduce_min3A_76 = vector.multi_reduction <minimumf>, %select_n3A_74, %reduce_min3A_75 [0] : vector<1000x128xf32> to vector<128xf32>
    %broadcast_in_dim3A_77 = vector.shape_cast %reduce_min3A_76 : vector<128xf32> to vector<1x128xf32>
    %get3A_78 = arith.constant 1 : index
    %get3A_79 = arith.constant 0 : index
    %get3A_80 = vector.load %arg14[%get3A_78, %get3A_79] : memref<16x128xf32, #tpu.memory_space<vmem>>, vector<1x128xf32>
    %max3A_81 = arith.maximumf %get3A_80, %broadcast_in_dim3A_69 : vector<1x128xf32>
    %swap3A_82 = arith.constant 1 : index
    %swap3A_83 = arith.constant 0 : index
    %swap3A_84 = vector.load %arg14[%swap3A_82, %swap3A_83] : memref<16x128xf32, #tpu.memory_space<vmem>>, vector<1x128xf32>
    tpu.vector_store %arg14[%swap3A_82, %swap3A_83], %max3A_81 {strides = array<i32>} : memref<16x128xf32, #tpu.memory_space<vmem>>, vector<1x128xf32>,
    %get3A_85 = arith.constant 1 : index
    %get3A_86 = arith.constant 0 : index
    %get3A_87 = vector.load %arg15[%get3A_85, %get3A_86] : memref<16x128xf32, #tpu.memory_space<vmem>>, vector<1x128xf32>
    %min3A_88 = arith.minimumf %get3A_87, %broadcast_in_dim3A_77 : vector<1x128xf32>
    %swap3A_89 = arith.constant 1 : index
    %swap3A_90 = arith.constant 0 : index
    %swap3A_91 = vector.load %arg15[%swap3A_89, %swap3A_90] : memref<16x128xf32, #tpu.memory_space<vmem>>, vector<1x128xf32>
    tpu.vector_store %arg15[%swap3A_89, %swap3A_90], %min3A_88 {strides = array<i32>} : memref<16x128xf32, #tpu.memory_space<vmem>>, vector<1x128xf32>,
    %slice3A_92 = vector.extract_strided_slice %get3A_3 {offsets = [0, 2], sizes = [1000, 1], strides = [1, 1]} : vector<1000x16xf32> to vector<1000x1xf32>
    %gt3A_93 = arith.constant 0.000000e+00 : f32
    %gt3A_94 = vector.broadcast %gt3A_93 : f32 to vector<1000x1xf32>
    %gt3A_95 = arith.cmpf ogt, %slice3A_92, %gt3A_94 : vector<1000x1xf32>
    %jit3A_96 = arith.constant -1.000000e+30 : f32
    %broadcast_in_dim3A_97 = vector.shape_cast %gt3A_95 : vector<1000x1xi1> to vector<1000x1xi1>
    %broadcast_in_dim3A_98 = vector.broadcast %broadcast_in_dim3A_97 : vector<1000x1xi1> to vector<1000x128xi1>
    %broadcast_in_dim3A_99 = vector.broadcast %jit3A_96 : f32 to vector<1000x128xf32>
    %select_n3A_100 = arith.select %broadcast_in_dim3A_98, %get3A_6, %broadcast_in_dim3A_99 : vector<1000x128xi1>, vector<1000x128xf32>
    %reduce_max3A_101 = arith.constant dense<0xFF800000> : vector<128xf32>
    %reduce_max3A_102 = vector.multi_reduction <maximumf>, %select_n3A_100, %reduce_max3A_101 [0] : vector<1000x128xf32> to vector<128xf32>
    %broadcast_in_dim3A_103 = vector.shape_cast %reduce_max3A_102 : vector<128xf32> to vector<1x128xf32>
    %jit3A_104 = arith.constant 1.000000e+30 : f32
    %broadcast_in_dim3A_105 = vector.shape_cast %gt3A_95 : vector<1000x1xi1> to vector<1000x1xi1>
    %broadcast_in_dim3A_106 = vector.broadcast %broadcast_in_dim3A_105 : vector<1000x1xi1> to vector<1000x128xi1>
    %broadcast_in_dim3A_107 = vector.broadcast %jit3A_104 : f32 to vector<1000x128xf32>
    %select_n3A_108 = arith.select %broadcast_in_dim3A_106, %get3A_6, %broadcast_in_dim3A_107 : vector<1000x128xi1>, vector<1000x128xf32>
    %reduce_min3A_109 = arith.constant dense<0x7F800000> : vector<128xf32>
    %reduce_min3A_110 = vector.multi_reduction <minimumf>, %select_n3A_108, %reduce_min3A_109 [0] : vector<1000x128xf32> to vector<128xf32>
    %broadcast_in_dim3A_111 = vector.shape_cast %reduce_min3A_110 : vector<128xf32> to vector<1x128xf32>
    %get3A_112 = arith.constant 2 : index
    %get3A_113 = arith.constant 0 : index
    %get3A_114 = vector.load %arg14[%get3A_112, %get3A_113] : memref<16x128xf32, #tpu.memory_space<vmem>>, vector<1x128xf32>
    %max3A_115 = arith.maximumf %get3A_114, %broadcast_in_dim3A_103 : vector<1x128xf32>
    %swap3A_116 = arith.constant 2 : index
    %swap3A_117 = arith.constant 0 : index
    %swap3A_118 = vector.load %arg14[%swap3A_116, %swap3A_117] : memref<16x128xf32, #tpu.memory_space<vmem>>, vector<1x128xf32>
    tpu.vector_store %arg14[%swap3A_116, %swap3A_117], %max3A_115 {strides = array<i32>} : memref<16x128xf32, #tpu.memory_space<vmem>>, vector<1x128xf32>,
    %get3A_119 = arith.constant 2 : index
    %get3A_120 = arith.constant 0 : index
    %get3A_121 = vector.load %arg15[%get3A_119, %get3A_120] : memref<16x128xf32, #tpu.memory_space<vmem>>, vector<1x128xf32>
    %min3A_122 = arith.minimumf %get3A_121, %broadcast_in_dim3A_111 : vector<1x128xf32>
    %swap3A_123 = arith.constant 2 : index
    %swap3A_124 = arith.constant 0 : index
    %swap3A_125 = vector.load %arg15[%swap3A_123, %swap3A_124] : memref<16x128xf32, #tpu.memory_space<vmem>>, vector<1x128xf32>
    tpu.vector_store %arg15[%swap3A_123, %swap3A_124], %min3A_122 {strides = array<i32>} : memref<16x128xf32, #tpu.memory_space<vmem>>, vector<1x128xf32>,
    %slice3A_126 = vector.extract_strided_slice %get3A_3 {offsets = [0, 3], sizes = [1000, 1], strides = [1, 1]} : vector<1000x16xf32> to vector<1000x1xf32>
    %gt3A_127 = arith.constant 0.000000e+00 : f32
    %gt3A_128 = vector.broadcast %gt3A_127 : f32 to vector<1000x1xf32>
    %gt3A_129 = arith.cmpf ogt, %slice3A_126, %gt3A_128 : vector<1000x1xf32>
    %jit3A_130 = arith.constant -1.000000e+30 : f32
    %broadcast_in_dim3A_131 = vector.shape_cast %gt3A_129 : vector<1000x1xi1> to vector<1000x1xi1>
    %broadcast_in_dim3A_132 = vector.broadcast %broadcast_in_dim3A_131 : vector<1000x1xi1> to vector<1000x128xi1>
    %broadcast_in_dim3A_133 = vector.broadcast %jit3A_130 : f32 to vector<1000x128xf32>
    %select_n3A_134 = arith.select %broadcast_in_dim3A_132, %get3A_6, %broadcast_in_dim3A_133 : vector<1000x128xi1>, vector<1000x128xf32>
    %reduce_max3A_135 = arith.constant dense<0xFF800000> : vector<128xf32>
    %reduce_max3A_136 = vector.multi_reduction <maximumf>, %select_n3A_134, %reduce_max3A_135 [0] : vector<1000x128xf32> to vector<128xf32>
    %broadcast_in_dim3A_137 = vector.shape_cast %reduce_max3A_136 : vector<128xf32> to vector<1x128xf32>
    %jit3A_138 = arith.constant 1.000000e+30 : f32
    %broadcast_in_dim3A_139 = vector.shape_cast %gt3A_129 : vector<1000x1xi1> to vector<1000x1xi1>
    %broadcast_in_dim3A_140 = vector.broadcast %broadcast_in_dim3A_139 : vector<1000x1xi1> to vector<1000x128xi1>
    %broadcast_in_dim3A_141 = vector.broadcast %jit3A_138 : f32 to vector<1000x128xf32>
    %select_n3A_142 = arith.select %broadcast_in_dim3A_140, %get3A_6, %broadcast_in_dim3A_141 : vector<1000x128xi1>, vector<1000x128xf32>
    %reduce_min3A_143 = arith.constant dense<0x7F800000> : vector<128xf32>
    %reduce_min3A_144 = vector.multi_reduction <minimumf>, %select_n3A_142, %reduce_min3A_143 [0] : vector<1000x128xf32> to vector<128xf32>
    %broadcast_in_dim3A_145 = vector.shape_cast %reduce_min3A_144 : vector<128xf32> to vector<1x128xf32>
    %get3A_146 = arith.constant 3 : index
    %get3A_147 = arith.constant 0 : index
    %get3A_148 = vector.load %arg14[%get3A_146, %get3A_147] : memref<16x128xf32, #tpu.memory_space<vmem>>, vector<1x128xf32>
    %max3A_149 = arith.maximumf %get3A_148, %broadcast_in_dim3A_137 : vector<1x128xf32>
    %swap3A_150 = arith.constant 3 : index
    %swap3A_151 = arith.constant 0 : index
    %swap3A_152 = vector.load %arg14[%swap3A_150, %swap3A_151] : memref<16x128xf32, #tpu.memory_space<vmem>>, vector<1x128xf32>
    tpu.vector_store %arg14[%swap3A_150, %swap3A_151], %max3A_149 {strides = array<i32>} : memref<16x128xf32, #tpu.memory_space<vmem>>, vector<1x128xf32>,
    %get3A_153 = arith.constant 3 : index
    %get3A_154 = arith.constant 0 : index
    %get3A_155 = vector.load %arg15[%get3A_153, %get3A_154] : memref<16x128xf32, #tpu.memory_space<vmem>>, vector<1x128xf32>
    %min3A_156 = arith.minimumf %get3A_155, %broadcast_in_dim3A_145 : vector<1x128xf32>
    %swap3A_157 = arith.constant 3 : index
    %swap3A_158 = arith.constant 0 : index
    %swap3A_159 = vector.load %arg15[%swap3A_157, %swap3A_158] : memref<16x128xf32, #tpu.memory_space<vmem>>, vector<1x128xf32>
    tpu.vector_store %arg15[%swap3A_157, %swap3A_158], %min3A_156 {strides = array<i32>} : memref<16x128xf32, #tpu.memory_space<vmem>>, vector<1x128xf32>,
    %slice3A_160 = vector.extract_strided_slice %get3A_3 {offsets = [0, 4], sizes = [1000, 1], strides = [1, 1]} : vector<1000x16xf32> to vector<1000x1xf32>
    %gt3A_161 = arith.constant 0.000000e+00 : f32
    %gt3A_162 = vector.broadcast %gt3A_161 : f32 to vector<1000x1xf32>
    %gt3A_163 = arith.cmpf ogt, %slice3A_160, %gt3A_162 : vector<1000x1xf32>
    %jit3A_164 = arith.constant -1.000000e+30 : f32
    %broadcast_in_dim3A_165 = vector.shape_cast %gt3A_163 : vector<1000x1xi1> to vector<1000x1xi1>
    %broadcast_in_dim3A_166 = vector.broadcast %broadcast_in_dim3A_165 : vector<1000x1xi1> to vector<1000x128xi1>
    %broadcast_in_dim3A_167 = vector.broadcast %jit3A_164 : f32 to vector<1000x128xf32>
    %select_n3A_168 = arith.select %broadcast_in_dim3A_166, %get3A_6, %broadcast_in_dim3A_167 : vector<1000x128xi1>, vector<1000x128xf32>
    %reduce_max3A_169 = arith.constant dense<0xFF800000> : vector<128xf32>
    %reduce_max3A_170 = vector.multi_reduction <maximumf>, %select_n3A_168, %reduce_max3A_169 [0] : vector<1000x128xf32> to vector<128xf32>
    %broadcast_in_dim3A_171 = vector.shape_cast %reduce_max3A_170 : vector<128xf32> to vector<1x128xf32>
    %jit3A_172 = arith.constant 1.000000e+30 : f32
    %broadcast_in_dim3A_173 = vector.shape_cast %gt3A_163 : vector<1000x1xi1> to vector<1000x1xi1>
    %broadcast_in_dim3A_174 = vector.broadcast %broadcast_in_dim3A_173 : vector<1000x1xi1> to vector<1000x128xi1>
    %broadcast_in_dim3A_175 = vector.broadcast %jit3A_172 : f32 to vector<1000x128xf32>
    %select_n3A_176 = arith.select %broadcast_in_dim3A_174, %get3A_6, %broadcast_in_dim3A_175 : vector<1000x128xi1>, vector<1000x128xf32>
    %reduce_min3A_177 = arith.constant dense<0x7F800000> : vector<128xf32>
    %reduce_min3A_178 = vector.multi_reduction <minimumf>, %select_n3A_176, %reduce_min3A_177 [0] : vector<1000x128xf32> to vector<128xf32>
    %broadcast_in_dim3A_179 = vector.shape_cast %reduce_min3A_178 : vector<128xf32> to vector<1x128xf32>
    %get3A_180 = arith.constant 4 : index
    %get3A_181 = arith.constant 0 : index
    %get3A_182 = vector.load %arg14[%get3A_180, %get3A_181] : memref<16x128xf32, #tpu.memory_space<vmem>>, vector<1x128xf32>
    %max3A_183 = arith.maximumf %get3A_182, %broadcast_in_dim3A_171 : vector<1x128xf32>
    %swap3A_184 = arith.constant 4 : index
    %swap3A_185 = arith.constant 0 : index
    %swap3A_186 = vector.load %arg14[%swap3A_184, %swap3A_185] : memref<16x128xf32, #tpu.memory_space<vmem>>, vector<1x128xf32>
    tpu.vector_store %arg14[%swap3A_184, %swap3A_185], %max3A_183 {strides = array<i32>} : memref<16x128xf32, #tpu.memory_space<vmem>>, vector<1x128xf32>,
    %get3A_187 = arith.constant 4 : index
    %get3A_188 = arith.constant 0 : index
    %get3A_189 = vector.load %arg15[%get3A_187, %get3A_188] : memref<16x128xf32, #tpu.memory_space<vmem>>, vector<1x128xf32>
    %min3A_190 = arith.minimumf %get3A_189, %broadcast_in_dim3A_179 : vector<1x128xf32>
    %swap3A_191 = arith.constant 4 : index
    %swap3A_192 = arith.constant 0 : index
    %swap3A_193 = vector.load %arg15[%swap3A_191, %swap3A_192] : memref<16x128xf32, #tpu.memory_space<vmem>>, vector<1x128xf32>
    tpu.vector_store %arg15[%swap3A_191, %swap3A_192], %min3A_190 {strides = array<i32>} : memref<16x128xf32, #tpu.memory_space<vmem>>, vector<1x128xf32>,
    %slice3A_194 = vector.extract_strided_slice %get3A_3 {offsets = [0, 5], sizes = [1000, 1], strides = [1, 1]} : vector<1000x16xf32> to vector<1000x1xf32>
    %gt3A_195 = arith.constant 0.000000e+00 : f32
    %gt3A_196 = vector.broadcast %gt3A_195 : f32 to vector<1000x1xf32>
    %gt3A_197 = arith.cmpf ogt, %slice3A_194, %gt3A_196 : vector<1000x1xf32>
    %jit3A_198 = arith.constant -1.000000e+30 : f32
    %broadcast_in_dim3A_199 = vector.shape_cast %gt3A_197 : vector<1000x1xi1> to vector<1000x1xi1>
    %broadcast_in_dim3A_200 = vector.broadcast %broadcast_in_dim3A_199 : vector<1000x1xi1> to vector<1000x128xi1>
    %broadcast_in_dim3A_201 = vector.broadcast %jit3A_198 : f32 to vector<1000x128xf32>
    %select_n3A_202 = arith.select %broadcast_in_dim3A_200, %get3A_6, %broadcast_in_dim3A_201 : vector<1000x128xi1>, vector<1000x128xf32>
    %reduce_max3A_203 = arith.constant dense<0xFF800000> : vector<128xf32>
    %reduce_max3A_204 = vector.multi_reduction <maximumf>, %select_n3A_202, %reduce_max3A_203 [0] : vector<1000x128xf32> to vector<128xf32>
    %broadcast_in_dim3A_205 = vector.shape_cast %reduce_max3A_204 : vector<128xf32> to vector<1x128xf32>
    %jit3A_206 = arith.constant 1.000000e+30 : f32
    %broadcast_in_dim3A_207 = vector.shape_cast %gt3A_197 : vector<1000x1xi1> to vector<1000x1xi1>
    %broadcast_in_dim3A_208 = vector.broadcast %broadcast_in_dim3A_207 : vector<1000x1xi1> to vector<1000x128xi1>
    %broadcast_in_dim3A_209 = vector.broadcast %jit3A_206 : f32 to vector<1000x128xf32>
    %select_n3A_210 = arith.select %broadcast_in_dim3A_208, %get3A_6, %broadcast_in_dim3A_209 : vector<1000x128xi1>, vector<1000x128xf32>
    %reduce_min3A_211 = arith.constant dense<0x7F800000> : vector<128xf32>
    %reduce_min3A_212 = vector.multi_reduction <minimumf>, %select_n3A_210, %reduce_min3A_211 [0] : vector<1000x128xf32> to vector<128xf32>
    %broadcast_in_dim3A_213 = vector.shape_cast %reduce_min3A_212 : vector<128xf32> to vector<1x128xf32>
    %get3A_214 = arith.constant 5 : index
    %get3A_215 = arith.constant 0 : index
    %get3A_216 = vector.load %arg14[%get3A_214, %get3A_215] : memref<16x128xf32, #tpu.memory_space<vmem>>, vector<1x128xf32>
    %max3A_217 = arith.maximumf %get3A_216, %broadcast_in_dim3A_205 : vector<1x128xf32>
    %swap3A_218 = arith.constant 5 : index
    %swap3A_219 = arith.constant 0 : index
    %swap3A_220 = vector.load %arg14[%swap3A_218, %swap3A_219] : memref<16x128xf32, #tpu.memory_space<vmem>>, vector<1x128xf32>
    tpu.vector_store %arg14[%swap3A_218, %swap3A_219], %max3A_217 {strides = array<i32>} : memref<16x128xf32, #tpu.memory_space<vmem>>, vector<1x128xf32>,
    %get3A_221 = arith.constant 5 : index
    %get3A_222 = arith.constant 0 : index
    %get3A_223 = vector.load %arg15[%get3A_221, %get3A_222] : memref<16x128xf32, #tpu.memory_space<vmem>>, vector<1x128xf32>
    %min3A_224 = arith.minimumf %get3A_223, %broadcast_in_dim3A_213 : vector<1x128xf32>
    %swap3A_225 = arith.constant 5 : index
    %swap3A_226 = arith.constant 0 : index
    %swap3A_227 = vector.load %arg15[%swap3A_225, %swap3A_226] : memref<16x128xf32, #tpu.memory_space<vmem>>, vector<1x128xf32>
    tpu.vector_store %arg15[%swap3A_225, %swap3A_226], %min3A_224 {strides = array<i32>} : memref<16x128xf32, #tpu.memory_space<vmem>>, vector<1x128xf32>,
    %slice3A_228 = vector.extract_strided_slice %get3A_3 {offsets = [0, 6], sizes = [1000, 1], strides = [1, 1]} : vector<1000x16xf32> to vector<1000x1xf32>
    %gt3A_229 = arith.constant 0.000000e+00 : f32
    %gt3A_230 = vector.broadcast %gt3A_229 : f32 to vector<1000x1xf32>
    %gt3A_231 = arith.cmpf ogt, %slice3A_228, %gt3A_230 : vector<1000x1xf32>
    %jit3A_232 = arith.constant -1.000000e+30 : f32
    %broadcast_in_dim3A_233 = vector.shape_cast %gt3A_231 : vector<1000x1xi1> to vector<1000x1xi1>
    %broadcast_in_dim3A_234 = vector.broadcast %broadcast_in_dim3A_233 : vector<1000x1xi1> to vector<1000x128xi1>
    %broadcast_in_dim3A_235 = vector.broadcast %jit3A_232 : f32 to vector<1000x128xf32>
    %select_n3A_236 = arith.select %broadcast_in_dim3A_234, %get3A_6, %broadcast_in_dim3A_235 : vector<1000x128xi1>, vector<1000x128xf32>
    %reduce_max3A_237 = arith.constant dense<0xFF800000> : vector<128xf32>
    %reduce_max3A_238 = vector.multi_reduction <maximumf>, %select_n3A_236, %reduce_max3A_237 [0] : vector<1000x128xf32> to vector<128xf32>
    %broadcast_in_dim3A_239 = vector.shape_cast %reduce_max3A_238 : vector<128xf32> to vector<1x128xf32>
    %jit3A_240 = arith.constant 1.000000e+30 : f32
    %broadcast_in_dim3A_241 = vector.shape_cast %gt3A_231 : vector<1000x1xi1> to vector<1000x1xi1>
    %broadcast_in_dim3A_242 = vector.broadcast %broadcast_in_dim3A_241 : vector<1000x1xi1> to vector<1000x128xi1>
    %broadcast_in_dim3A_243 = vector.broadcast %jit3A_240 : f32 to vector<1000x128xf32>
    %select_n3A_244 = arith.select %broadcast_in_dim3A_242, %get3A_6, %broadcast_in_dim3A_243 : vector<1000x128xi1>, vector<1000x128xf32>
    %reduce_min3A_245 = arith.constant dense<0x7F800000> : vector<128xf32>
    %reduce_min3A_246 = vector.multi_reduction <minimumf>, %select_n3A_244, %reduce_min3A_245 [0] : vector<1000x128xf32> to vector<128xf32>
    %broadcast_in_dim3A_247 = vector.shape_cast %reduce_min3A_246 : vector<128xf32> to vector<1x128xf32>
    %get3A_248 = arith.constant 6 : index
    %get3A_249 = arith.constant 0 : index
    %get3A_250 = vector.load %arg14[%get3A_248, %get3A_249] : memref<16x128xf32, #tpu.memory_space<vmem>>, vector<1x128xf32>
    %max3A_251 = arith.maximumf %get3A_250, %broadcast_in_dim3A_239 : vector<1x128xf32>
    %swap3A_252 = arith.constant 6 : index
    %swap3A_253 = arith.constant 0 : index
    %swap3A_254 = vector.load %arg14[%swap3A_252, %swap3A_253] : memref<16x128xf32, #tpu.memory_space<vmem>>, vector<1x128xf32>
    tpu.vector_store %arg14[%swap3A_252, %swap3A_253], %max3A_251 {strides = array<i32>} : memref<16x128xf32, #tpu.memory_space<vmem>>, vector<1x128xf32>,
    %get3A_255 = arith.constant 6 : index
    %get3A_256 = arith.constant 0 : index
    %get3A_257 = vector.load %arg15[%get3A_255, %get3A_256] : memref<16x128xf32, #tpu.memory_space<vmem>>, vector<1x128xf32>
    %min3A_258 = arith.minimumf %get3A_257, %broadcast_in_dim3A_247 : vector<1x128xf32>
    %swap3A_259 = arith.constant 6 : index
    %swap3A_260 = arith.constant 0 : index
    %swap3A_261 = vector.load %arg15[%swap3A_259, %swap3A_260] : memref<16x128xf32, #tpu.memory_space<vmem>>, vector<1x128xf32>
    tpu.vector_store %arg15[%swap3A_259, %swap3A_260], %min3A_258 {strides = array<i32>} : memref<16x128xf32, #tpu.memory_space<vmem>>, vector<1x128xf32>,
    %slice3A_262 = vector.extract_strided_slice %get3A_3 {offsets = [0, 7], sizes = [1000, 1], strides = [1, 1]} : vector<1000x16xf32> to vector<1000x1xf32>
    %gt3A_263 = arith.constant 0.000000e+00 : f32
    %gt3A_264 = vector.broadcast %gt3A_263 : f32 to vector<1000x1xf32>
    %gt3A_265 = arith.cmpf ogt, %slice3A_262, %gt3A_264 : vector<1000x1xf32>
    %jit3A_266 = arith.constant -1.000000e+30 : f32
    %broadcast_in_dim3A_267 = vector.shape_cast %gt3A_265 : vector<1000x1xi1> to vector<1000x1xi1>
    %broadcast_in_dim3A_268 = vector.broadcast %broadcast_in_dim3A_267 : vector<1000x1xi1> to vector<1000x128xi1>
    %broadcast_in_dim3A_269 = vector.broadcast %jit3A_266 : f32 to vector<1000x128xf32>
    %select_n3A_270 = arith.select %broadcast_in_dim3A_268, %get3A_6, %broadcast_in_dim3A_269 : vector<1000x128xi1>, vector<1000x128xf32>
    %reduce_max3A_271 = arith.constant dense<0xFF800000> : vector<128xf32>
    %reduce_max3A_272 = vector.multi_reduction <maximumf>, %select_n3A_270, %reduce_max3A_271 [0] : vector<1000x128xf32> to vector<128xf32>
    %broadcast_in_dim3A_273 = vector.shape_cast %reduce_max3A_272 : vector<128xf32> to vector<1x128xf32>
    %jit3A_274 = arith.constant 1.000000e+30 : f32
    %broadcast_in_dim3A_275 = vector.shape_cast %gt3A_265 : vector<1000x1xi1> to vector<1000x1xi1>
    %broadcast_in_dim3A_276 = vector.broadcast %broadcast_in_dim3A_275 : vector<1000x1xi1> to vector<1000x128xi1>
    %broadcast_in_dim3A_277 = vector.broadcast %jit3A_274 : f32 to vector<1000x128xf32>
    %select_n3A_278 = arith.select %broadcast_in_dim3A_276, %get3A_6, %broadcast_in_dim3A_277 : vector<1000x128xi1>, vector<1000x128xf32>
    %reduce_min3A_279 = arith.constant dense<0x7F800000> : vector<128xf32>
    %reduce_min3A_280 = vector.multi_reduction <minimumf>, %select_n3A_278, %reduce_min3A_279 [0] : vector<1000x128xf32> to vector<128xf32>
    %broadcast_in_dim3A_281 = vector.shape_cast %reduce_min3A_280 : vector<128xf32> to vector<1x128xf32>
    %get3A_282 = arith.constant 7 : index
    %get3A_283 = arith.constant 0 : index
    %get3A_284 = vector.load %arg14[%get3A_282, %get3A_283] : memref<16x128xf32, #tpu.memory_space<vmem>>, vector<1x128xf32>
    %max3A_285 = arith.maximumf %get3A_284, %broadcast_in_dim3A_273 : vector<1x128xf32>
    %swap3A_286 = arith.constant 7 : index
    %swap3A_287 = arith.constant 0 : index
    %swap3A_288 = vector.load %arg14[%swap3A_286, %swap3A_287] : memref<16x128xf32, #tpu.memory_space<vmem>>, vector<1x128xf32>
    tpu.vector_store %arg14[%swap3A_286, %swap3A_287], %max3A_285 {strides = array<i32>} : memref<16x128xf32, #tpu.memory_space<vmem>>, vector<1x128xf32>,
    %get3A_289 = arith.constant 7 : index
    %get3A_290 = arith.constant 0 : index
    %get3A_291 = vector.load %arg15[%get3A_289, %get3A_290] : memref<16x128xf32, #tpu.memory_space<vmem>>, vector<1x128xf32>
    %min3A_292 = arith.minimumf %get3A_291, %broadcast_in_dim3A_281 : vector<1x128xf32>
    %swap3A_293 = arith.constant 7 : index
    %swap3A_294 = arith.constant 0 : index
    %swap3A_295 = vector.load %arg15[%swap3A_293, %swap3A_294] : memref<16x128xf32, #tpu.memory_space<vmem>>, vector<1x128xf32>
    tpu.vector_store %arg15[%swap3A_293, %swap3A_294], %min3A_292 {strides = array<i32>} : memref<16x128xf32, #tpu.memory_space<vmem>>, vector<1x128xf32>,
    %slice3A_296 = vector.extract_strided_slice %get3A_3 {offsets = [0, 8], sizes = [1000, 1], strides = [1, 1]} : vector<1000x16xf32> to vector<1000x1xf32>
    %gt3A_297 = arith.constant 0.000000e+00 : f32
    %gt3A_298 = vector.broadcast %gt3A_297 : f32 to vector<1000x1xf32>
    %gt3A_299 = arith.cmpf ogt, %slice3A_296, %gt3A_298 : vector<1000x1xf32>
    %jit3A_300 = arith.constant -1.000000e+30 : f32
    %broadcast_in_dim3A_301 = vector.shape_cast %gt3A_299 : vector<1000x1xi1> to vector<1000x1xi1>
    %broadcast_in_dim3A_302 = vector.broadcast %broadcast_in_dim3A_301 : vector<1000x1xi1> to vector<1000x128xi1>
    %broadcast_in_dim3A_303 = vector.broadcast %jit3A_300 : f32 to vector<1000x128xf32>
    %select_n3A_304 = arith.select %broadcast_in_dim3A_302, %get3A_6, %broadcast_in_dim3A_303 : vector<1000x128xi1>, vector<1000x128xf32>
    %reduce_max3A_305 = arith.constant dense<0xFF800000> : vector<128xf32>
    %reduce_max3A_306 = vector.multi_reduction <maximumf>, %select_n3A_304, %reduce_max3A_305 [0] : vector<1000x128xf32> to vector<128xf32>
    %broadcast_in_dim3A_307 = vector.shape_cast %reduce_max3A_306 : vector<128xf32> to vector<1x128xf32>
    %jit3A_308 = arith.constant 1.000000e+30 : f32
    %broadcast_in_dim3A_309 = vector.shape_cast %gt3A_299 : vector<1000x1xi1> to vector<1000x1xi1>
    %broadcast_in_dim3A_310 = vector.broadcast %broadcast_in_dim3A_309 : vector<1000x1xi1> to vector<1000x128xi1>
    %broadcast_in_dim3A_311 = vector.broadcast %jit3A_308 : f32 to vector<1000x128xf32>
    %select_n3A_312 = arith.select %broadcast_in_dim3A_310, %get3A_6, %broadcast_in_dim3A_311 : vector<1000x128xi1>, vector<1000x128xf32>
    %reduce_min3A_313 = arith.constant dense<0x7F800000> : vector<128xf32>
    %reduce_min3A_314 = vector.multi_reduction <minimumf>, %select_n3A_312, %reduce_min3A_313 [0] : vector<1000x128xf32> to vector<128xf32>
    %broadcast_in_dim3A_315 = vector.shape_cast %reduce_min3A_314 : vector<128xf32> to vector<1x128xf32>
    %get3A_316 = arith.constant 8 : index
    %get3A_317 = arith.constant 0 : index
    %get3A_318 = vector.load %arg14[%get3A_316, %get3A_317] : memref<16x128xf32, #tpu.memory_space<vmem>>, vector<1x128xf32>
    %max3A_319 = arith.maximumf %get3A_318, %broadcast_in_dim3A_307 : vector<1x128xf32>
    %swap3A_320 = arith.constant 8 : index
    %swap3A_321 = arith.constant 0 : index
    %swap3A_322 = vector.load %arg14[%swap3A_320, %swap3A_321] : memref<16x128xf32, #tpu.memory_space<vmem>>, vector<1x128xf32>
    tpu.vector_store %arg14[%swap3A_320, %swap3A_321], %max3A_319 {strides = array<i32>} : memref<16x128xf32, #tpu.memory_space<vmem>>, vector<1x128xf32>,
    %get3A_323 = arith.constant 8 : index
    %get3A_324 = arith.constant 0 : index
    %get3A_325 = vector.load %arg15[%get3A_323, %get3A_324] : memref<16x128xf32, #tpu.memory_space<vmem>>, vector<1x128xf32>
    %min3A_326 = arith.minimumf %get3A_325, %broadcast_in_dim3A_315 : vector<1x128xf32>
    %swap3A_327 = arith.constant 8 : index
    %swap3A_328 = arith.constant 0 : index
    %swap3A_329 = vector.load %arg15[%swap3A_327, %swap3A_328] : memref<16x128xf32, #tpu.memory_space<vmem>>, vector<1x128xf32>
    tpu.vector_store %arg15[%swap3A_327, %swap3A_328], %min3A_326 {strides = array<i32>} : memref<16x128xf32, #tpu.memory_space<vmem>>, vector<1x128xf32>,
    %slice3A_330 = vector.extract_strided_slice %get3A_3 {offsets = [0, 9], sizes = [1000, 1], strides = [1, 1]} : vector<1000x16xf32> to vector<1000x1xf32>
    %gt3A_331 = arith.constant 0.000000e+00 : f32
    %gt3A_332 = vector.broadcast %gt3A_331 : f32 to vector<1000x1xf32>
    %gt3A_333 = arith.cmpf ogt, %slice3A_330, %gt3A_332 : vector<1000x1xf32>
    %jit3A_334 = arith.constant -1.000000e+30 : f32
    %broadcast_in_dim3A_335 = vector.shape_cast %gt3A_333 : vector<1000x1xi1> to vector<1000x1xi1>
    %broadcast_in_dim3A_336 = vector.broadcast %broadcast_in_dim3A_335 : vector<1000x1xi1> to vector<1000x128xi1>
    %broadcast_in_dim3A_337 = vector.broadcast %jit3A_334 : f32 to vector<1000x128xf32>
    %select_n3A_338 = arith.select %broadcast_in_dim3A_336, %get3A_6, %broadcast_in_dim3A_337 : vector<1000x128xi1>, vector<1000x128xf32>
    %reduce_max3A_339 = arith.constant dense<0xFF800000> : vector<128xf32>
    %reduce_max3A_340 = vector.multi_reduction <maximumf>, %select_n3A_338, %reduce_max3A_339 [0] : vector<1000x128xf32> to vector<128xf32>
    %broadcast_in_dim3A_341 = vector.shape_cast %reduce_max3A_340 : vector<128xf32> to vector<1x128xf32>
    %jit3A_342 = arith.constant 1.000000e+30 : f32
    %broadcast_in_dim3A_343 = vector.shape_cast %gt3A_333 : vector<1000x1xi1> to vector<1000x1xi1>
    %broadcast_in_dim3A_344 = vector.broadcast %broadcast_in_dim3A_343 : vector<1000x1xi1> to vector<1000x128xi1>
    %broadcast_in_dim3A_345 = vector.broadcast %jit3A_342 : f32 to vector<1000x128xf32>
    %select_n3A_346 = arith.select %broadcast_in_dim3A_344, %get3A_6, %broadcast_in_dim3A_345 : vector<1000x128xi1>, vector<1000x128xf32>
    %reduce_min3A_347 = arith.constant dense<0x7F800000> : vector<128xf32>
    %reduce_min3A_348 = vector.multi_reduction <minimumf>, %select_n3A_346, %reduce_min3A_347 [0] : vector<1000x128xf32> to vector<128xf32>
    %broadcast_in_dim3A_349 = vector.shape_cast %reduce_min3A_348 : vector<128xf32> to vector<1x128xf32>
    %get3A_350 = arith.constant 9 : index
    %get3A_351 = arith.constant 0 : index
    %get3A_352 = vector.load %arg14[%get3A_350, %get3A_351] : memref<16x128xf32, #tpu.memory_space<vmem>>, vector<1x128xf32>
    %max3A_353 = arith.maximumf %get3A_352, %broadcast_in_dim3A_341 : vector<1x128xf32>
    %swap3A_354 = arith.constant 9 : index
    %swap3A_355 = arith.constant 0 : index
    %swap3A_356 = vector.load %arg14[%swap3A_354, %swap3A_355] : memref<16x128xf32, #tpu.memory_space<vmem>>, vector<1x128xf32>
    tpu.vector_store %arg14[%swap3A_354, %swap3A_355], %max3A_353 {strides = array<i32>} : memref<16x128xf32, #tpu.memory_space<vmem>>, vector<1x128xf32>,
    %get3A_357 = arith.constant 9 : index
    %get3A_358 = arith.constant 0 : index
    %get3A_359 = vector.load %arg15[%get3A_357, %get3A_358] : memref<16x128xf32, #tpu.memory_space<vmem>>, vector<1x128xf32>
    %min3A_360 = arith.minimumf %get3A_359, %broadcast_in_dim3A_349 : vector<1x128xf32>
    %swap3A_361 = arith.constant 9 : index
    %swap3A_362 = arith.constant 0 : index
    %swap3A_363 = vector.load %arg15[%swap3A_361, %swap3A_362] : memref<16x128xf32, #tpu.memory_space<vmem>>, vector<1x128xf32>
    tpu.vector_store %arg15[%swap3A_361, %swap3A_362], %min3A_360 {strides = array<i32>} : memref<16x128xf32, #tpu.memory_space<vmem>>, vector<1x128xf32>,
    %slice3A_364 = vector.extract_strided_slice %get3A_3 {offsets = [0, 10], sizes = [1000, 1], strides = [1, 1]} : vector<1000x16xf32> to vector<1000x1xf32>
    %gt3A_365 = arith.constant 0.000000e+00 : f32
    %gt3A_366 = vector.broadcast %gt3A_365 : f32 to vector<1000x1xf32>
    %gt3A_367 = arith.cmpf ogt, %slice3A_364, %gt3A_366 : vector<1000x1xf32>
    %jit3A_368 = arith.constant -1.000000e+30 : f32
    %broadcast_in_dim3A_369 = vector.shape_cast %gt3A_367 : vector<1000x1xi1> to vector<1000x1xi1>
    %broadcast_in_dim3A_370 = vector.broadcast %broadcast_in_dim3A_369 : vector<1000x1xi1> to vector<1000x128xi1>
    %broadcast_in_dim3A_371 = vector.broadcast %jit3A_368 : f32 to vector<1000x128xf32>
    %select_n3A_372 = arith.select %broadcast_in_dim3A_370, %get3A_6, %broadcast_in_dim3A_371 : vector<1000x128xi1>, vector<1000x128xf32>
    %reduce_max3A_373 = arith.constant dense<0xFF800000> : vector<128xf32>
    %reduce_max3A_374 = vector.multi_reduction <maximumf>, %select_n3A_372, %reduce_max3A_373 [0] : vector<1000x128xf32> to vector<128xf32>
    %broadcast_in_dim3A_375 = vector.shape_cast %reduce_max3A_374 : vector<128xf32> to vector<1x128xf32>
    %jit3A_376 = arith.constant 1.000000e+30 : f32
    %broadcast_in_dim3A_377 = vector.shape_cast %gt3A_367 : vector<1000x1xi1> to vector<1000x1xi1>
    %broadcast_in_dim3A_378 = vector.broadcast %broadcast_in_dim3A_377 : vector<1000x1xi1> to vector<1000x128xi1>
    %broadcast_in_dim3A_379 = vector.broadcast %jit3A_376 : f32 to vector<1000x128xf32>
    %select_n3A_380 = arith.select %broadcast_in_dim3A_378, %get3A_6, %broadcast_in_dim3A_379 : vector<1000x128xi1>, vector<1000x128xf32>
    %reduce_min3A_381 = arith.constant dense<0x7F800000> : vector<128xf32>
    %reduce_min3A_382 = vector.multi_reduction <minimumf>, %select_n3A_380, %reduce_min3A_381 [0] : vector<1000x128xf32> to vector<128xf32>
    %broadcast_in_dim3A_383 = vector.shape_cast %reduce_min3A_382 : vector<128xf32> to vector<1x128xf32>
    %get3A_384 = arith.constant 10 : index
    %get3A_385 = arith.constant 0 : index
    %get3A_386 = vector.load %arg14[%get3A_384, %get3A_385] : memref<16x128xf32, #tpu.memory_space<vmem>>, vector<1x128xf32>
    %max3A_387 = arith.maximumf %get3A_386, %broadcast_in_dim3A_375 : vector<1x128xf32>
    %swap3A_388 = arith.constant 10 : index
    %swap3A_389 = arith.constant 0 : index
    %swap3A_390 = vector.load %arg14[%swap3A_388, %swap3A_389] : memref<16x128xf32, #tpu.memory_space<vmem>>, vector<1x128xf32>
    tpu.vector_store %arg14[%swap3A_388, %swap3A_389], %max3A_387 {strides = array<i32>} : memref<16x128xf32, #tpu.memory_space<vmem>>, vector<1x128xf32>,
    %get3A_391 = arith.constant 10 : index
    %get3A_392 = arith.constant 0 : index
    %get3A_393 = vector.load %arg15[%get3A_391, %get3A_392] : memref<16x128xf32, #tpu.memory_space<vmem>>, vector<1x128xf32>
    %min3A_394 = arith.minimumf %get3A_393, %broadcast_in_dim3A_383 : vector<1x128xf32>
    %swap3A_395 = arith.constant 10 : index
    %swap3A_396 = arith.constant 0 : index
    %swap3A_397 = vector.load %arg15[%swap3A_395, %swap3A_396] : memref<16x128xf32, #tpu.memory_space<vmem>>, vector<1x128xf32>
    tpu.vector_store %arg15[%swap3A_395, %swap3A_396], %min3A_394 {strides = array<i32>} : memref<16x128xf32, #tpu.memory_space<vmem>>, vector<1x128xf32>,
    %slice3A_398 = vector.extract_strided_slice %get3A_3 {offsets = [0, 11], sizes = [1000, 1], strides = [1, 1]} : vector<1000x16xf32> to vector<1000x1xf32>
    %gt3A_399 = arith.constant 0.000000e+00 : f32
    %gt3A_400 = vector.broadcast %gt3A_399 : f32 to vector<1000x1xf32>
    %gt3A_401 = arith.cmpf ogt, %slice3A_398, %gt3A_400 : vector<1000x1xf32>
    %jit3A_402 = arith.constant -1.000000e+30 : f32
    %broadcast_in_dim3A_403 = vector.shape_cast %gt3A_401 : vector<1000x1xi1> to vector<1000x1xi1>
    %broadcast_in_dim3A_404 = vector.broadcast %broadcast_in_dim3A_403 : vector<1000x1xi1> to vector<1000x128xi1>
    %broadcast_in_dim3A_405 = vector.broadcast %jit3A_402 : f32 to vector<1000x128xf32>
    %select_n3A_406 = arith.select %broadcast_in_dim3A_404, %get3A_6, %broadcast_in_dim3A_405 : vector<1000x128xi1>, vector<1000x128xf32>
    %reduce_max3A_407 = arith.constant dense<0xFF800000> : vector<128xf32>
    %reduce_max3A_408 = vector.multi_reduction <maximumf>, %select_n3A_406, %reduce_max3A_407 [0] : vector<1000x128xf32> to vector<128xf32>
    %broadcast_in_dim3A_409 = vector.shape_cast %reduce_max3A_408 : vector<128xf32> to vector<1x128xf32>
    %jit3A_410 = arith.constant 1.000000e+30 : f32
    %broadcast_in_dim3A_411 = vector.shape_cast %gt3A_401 : vector<1000x1xi1> to vector<1000x1xi1>
    %broadcast_in_dim3A_412 = vector.broadcast %broadcast_in_dim3A_411 : vector<1000x1xi1> to vector<1000x128xi1>
    %broadcast_in_dim3A_413 = vector.broadcast %jit3A_410 : f32 to vector<1000x128xf32>
    %select_n3A_414 = arith.select %broadcast_in_dim3A_412, %get3A_6, %broadcast_in_dim3A_413 : vector<1000x128xi1>, vector<1000x128xf32>
    %reduce_min3A_415 = arith.constant dense<0x7F800000> : vector<128xf32>
    %reduce_min3A_416 = vector.multi_reduction <minimumf>, %select_n3A_414, %reduce_min3A_415 [0] : vector<1000x128xf32> to vector<128xf32>
    %broadcast_in_dim3A_417 = vector.shape_cast %reduce_min3A_416 : vector<128xf32> to vector<1x128xf32>
    %get3A_418 = arith.constant 11 : index
    %get3A_419 = arith.constant 0 : index
    %get3A_420 = vector.load %arg14[%get3A_418, %get3A_419] : memref<16x128xf32, #tpu.memory_space<vmem>>, vector<1x128xf32>
    %max3A_421 = arith.maximumf %get3A_420, %broadcast_in_dim3A_409 : vector<1x128xf32>
    %swap3A_422 = arith.constant 11 : index
    %swap3A_423 = arith.constant 0 : index
    %swap3A_424 = vector.load %arg14[%swap3A_422, %swap3A_423] : memref<16x128xf32, #tpu.memory_space<vmem>>, vector<1x128xf32>
    tpu.vector_store %arg14[%swap3A_422, %swap3A_423], %max3A_421 {strides = array<i32>} : memref<16x128xf32, #tpu.memory_space<vmem>>, vector<1x128xf32>,
    %get3A_425 = arith.constant 11 : index
    %get3A_426 = arith.constant 0 : index
    %get3A_427 = vector.load %arg15[%get3A_425, %get3A_426] : memref<16x128xf32, #tpu.memory_space<vmem>>, vector<1x128xf32>
    %min3A_428 = arith.minimumf %get3A_427, %broadcast_in_dim3A_417 : vector<1x128xf32>
    %swap3A_429 = arith.constant 11 : index
    %swap3A_430 = arith.constant 0 : index
    %swap3A_431 = vector.load %arg15[%swap3A_429, %swap3A_430] : memref<16x128xf32, #tpu.memory_space<vmem>>, vector<1x128xf32>
    tpu.vector_store %arg15[%swap3A_429, %swap3A_430], %min3A_428 {strides = array<i32>} : memref<16x128xf32, #tpu.memory_space<vmem>>, vector<1x128xf32>,
    %slice3A_432 = vector.extract_strided_slice %get3A_3 {offsets = [0, 12], sizes = [1000, 1], strides = [1, 1]} : vector<1000x16xf32> to vector<1000x1xf32>
    %gt3A_433 = arith.constant 0.000000e+00 : f32
    %gt3A_434 = vector.broadcast %gt3A_433 : f32 to vector<1000x1xf32>
    %gt3A_435 = arith.cmpf ogt, %slice3A_432, %gt3A_434 : vector<1000x1xf32>
    %jit3A_436 = arith.constant -1.000000e+30 : f32
    %broadcast_in_dim3A_437 = vector.shape_cast %gt3A_435 : vector<1000x1xi1> to vector<1000x1xi1>
    %broadcast_in_dim3A_438 = vector.broadcast %broadcast_in_dim3A_437 : vector<1000x1xi1> to vector<1000x128xi1>
    %broadcast_in_dim3A_439 = vector.broadcast %jit3A_436 : f32 to vector<1000x128xf32>
    %select_n3A_440 = arith.select %broadcast_in_dim3A_438, %get3A_6, %broadcast_in_dim3A_439 : vector<1000x128xi1>, vector<1000x128xf32>
    %reduce_max3A_441 = arith.constant dense<0xFF800000> : vector<128xf32>
    %reduce_max3A_442 = vector.multi_reduction <maximumf>, %select_n3A_440, %reduce_max3A_441 [0] : vector<1000x128xf32> to vector<128xf32>
    %broadcast_in_dim3A_443 = vector.shape_cast %reduce_max3A_442 : vector<128xf32> to vector<1x128xf32>
    %jit3A_444 = arith.constant 1.000000e+30 : f32
    %broadcast_in_dim3A_445 = vector.shape_cast %gt3A_435 : vector<1000x1xi1> to vector<1000x1xi1>
    %broadcast_in_dim3A_446 = vector.broadcast %broadcast_in_dim3A_445 : vector<1000x1xi1> to vector<1000x128xi1>
    %broadcast_in_dim3A_447 = vector.broadcast %jit3A_444 : f32 to vector<1000x128xf32>
    %select_n3A_448 = arith.select %broadcast_in_dim3A_446, %get3A_6, %broadcast_in_dim3A_447 : vector<1000x128xi1>, vector<1000x128xf32>
    %reduce_min3A_449 = arith.constant dense<0x7F800000> : vector<128xf32>
    %reduce_min3A_450 = vector.multi_reduction <minimumf>, %select_n3A_448, %reduce_min3A_449 [0] : vector<1000x128xf32> to vector<128xf32>
    %broadcast_in_dim3A_451 = vector.shape_cast %reduce_min3A_450 : vector<128xf32> to vector<1x128xf32>
    %get3A_452 = arith.constant 12 : index
    %get3A_453 = arith.constant 0 : index
    %get3A_454 = vector.load %arg14[%get3A_452, %get3A_453] : memref<16x128xf32, #tpu.memory_space<vmem>>, vector<1x128xf32>
    %max3A_455 = arith.maximumf %get3A_454, %broadcast_in_dim3A_443 : vector<1x128xf32>
    %swap3A_456 = arith.constant 12 : index
    %swap3A_457 = arith.constant 0 : index
    %swap3A_458 = vector.load %arg14[%swap3A_456, %swap3A_457] : memref<16x128xf32, #tpu.memory_space<vmem>>, vector<1x128xf32>
    tpu.vector_store %arg14[%swap3A_456, %swap3A_457], %max3A_455 {strides = array<i32>} : memref<16x128xf32, #tpu.memory_space<vmem>>, vector<1x128xf32>,
    %get3A_459 = arith.constant 12 : index
    %get3A_460 = arith.constant 0 : index
    %get3A_461 = vector.load %arg15[%get3A_459, %get3A_460] : memref<16x128xf32, #tpu.memory_space<vmem>>, vector<1x128xf32>
    %min3A_462 = arith.minimumf %get3A_461, %broadcast_in_dim3A_451 : vector<1x128xf32>
    %swap3A_463 = arith.constant 12 : index
    %swap3A_464 = arith.constant 0 : index
    %swap3A_465 = vector.load %arg15[%swap3A_463, %swap3A_464] : memref<16x128xf32, #tpu.memory_space<vmem>>, vector<1x128xf32>
    tpu.vector_store %arg15[%swap3A_463, %swap3A_464], %min3A_462 {strides = array<i32>} : memref<16x128xf32, #tpu.memory_space<vmem>>, vector<1x128xf32>,
    %slice3A_466 = vector.extract_strided_slice %get3A_3 {offsets = [0, 13], sizes = [1000, 1], strides = [1, 1]} : vector<1000x16xf32> to vector<1000x1xf32>
    %gt3A_467 = arith.constant 0.000000e+00 : f32
    %gt3A_468 = vector.broadcast %gt3A_467 : f32 to vector<1000x1xf32>
    %gt3A_469 = arith.cmpf ogt, %slice3A_466, %gt3A_468 : vector<1000x1xf32>
    %jit3A_470 = arith.constant -1.000000e+30 : f32
    %broadcast_in_dim3A_471 = vector.shape_cast %gt3A_469 : vector<1000x1xi1> to vector<1000x1xi1>
    %broadcast_in_dim3A_472 = vector.broadcast %broadcast_in_dim3A_471 : vector<1000x1xi1> to vector<1000x128xi1>
    %broadcast_in_dim3A_473 = vector.broadcast %jit3A_470 : f32 to vector<1000x128xf32>
    %select_n3A_474 = arith.select %broadcast_in_dim3A_472, %get3A_6, %broadcast_in_dim3A_473 : vector<1000x128xi1>, vector<1000x128xf32>
    %reduce_max3A_475 = arith.constant dense<0xFF800000> : vector<128xf32>
    %reduce_max3A_476 = vector.multi_reduction <maximumf>, %select_n3A_474, %reduce_max3A_475 [0] : vector<1000x128xf32> to vector<128xf32>
    %broadcast_in_dim3A_477 = vector.shape_cast %reduce_max3A_476 : vector<128xf32> to vector<1x128xf32>
    %jit3A_478 = arith.constant 1.000000e+30 : f32
    %broadcast_in_dim3A_479 = vector.shape_cast %gt3A_469 : vector<1000x1xi1> to vector<1000x1xi1>
    %broadcast_in_dim3A_480 = vector.broadcast %broadcast_in_dim3A_479 : vector<1000x1xi1> to vector<1000x128xi1>
    %broadcast_in_dim3A_481 = vector.broadcast %jit3A_478 : f32 to vector<1000x128xf32>
    %select_n3A_482 = arith.select %broadcast_in_dim3A_480, %get3A_6, %broadcast_in_dim3A_481 : vector<1000x128xi1>, vector<1000x128xf32>
    %reduce_min3A_483 = arith.constant dense<0x7F800000> : vector<128xf32>
    %reduce_min3A_484 = vector.multi_reduction <minimumf>, %select_n3A_482, %reduce_min3A_483 [0] : vector<1000x128xf32> to vector<128xf32>
    %broadcast_in_dim3A_485 = vector.shape_cast %reduce_min3A_484 : vector<128xf32> to vector<1x128xf32>
    %get3A_486 = arith.constant 13 : index
    %get3A_487 = arith.constant 0 : index
    %get3A_488 = vector.load %arg14[%get3A_486, %get3A_487] : memref<16x128xf32, #tpu.memory_space<vmem>>, vector<1x128xf32>
    %max3A_489 = arith.maximumf %get3A_488, %broadcast_in_dim3A_477 : vector<1x128xf32>
    %swap3A_490 = arith.constant 13 : index
    %swap3A_491 = arith.constant 0 : index
    %swap3A_492 = vector.load %arg14[%swap3A_490, %swap3A_491] : memref<16x128xf32, #tpu.memory_space<vmem>>, vector<1x128xf32>
    tpu.vector_store %arg14[%swap3A_490, %swap3A_491], %max3A_489 {strides = array<i32>} : memref<16x128xf32, #tpu.memory_space<vmem>>, vector<1x128xf32>,
    %get3A_493 = arith.constant 13 : index
    %get3A_494 = arith.constant 0 : index
    %get3A_495 = vector.load %arg15[%get3A_493, %get3A_494] : memref<16x128xf32, #tpu.memory_space<vmem>>, vector<1x128xf32>
    %min3A_496 = arith.minimumf %get3A_495, %broadcast_in_dim3A_485 : vector<1x128xf32>
    %swap3A_497 = arith.constant 13 : index
    %swap3A_498 = arith.constant 0 : index
    %swap3A_499 = vector.load %arg15[%swap3A_497, %swap3A_498] : memref<16x128xf32, #tpu.memory_space<vmem>>, vector<1x128xf32>
    tpu.vector_store %arg15[%swap3A_497, %swap3A_498], %min3A_496 {strides = array<i32>} : memref<16x128xf32, #tpu.memory_space<vmem>>, vector<1x128xf32>,
    %slice3A_500 = vector.extract_strided_slice %get3A_3 {offsets = [0, 14], sizes = [1000, 1], strides = [1, 1]} : vector<1000x16xf32> to vector<1000x1xf32>
    %gt3A_501 = arith.constant 0.000000e+00 : f32
    %gt3A_502 = vector.broadcast %gt3A_501 : f32 to vector<1000x1xf32>
    %gt3A_503 = arith.cmpf ogt, %slice3A_500, %gt3A_502 : vector<1000x1xf32>
    %jit3A_504 = arith.constant -1.000000e+30 : f32
    %broadcast_in_dim3A_505 = vector.shape_cast %gt3A_503 : vector<1000x1xi1> to vector<1000x1xi1>
    %broadcast_in_dim3A_506 = vector.broadcast %broadcast_in_dim3A_505 : vector<1000x1xi1> to vector<1000x128xi1>
    %broadcast_in_dim3A_507 = vector.broadcast %jit3A_504 : f32 to vector<1000x128xf32>
    %select_n3A_508 = arith.select %broadcast_in_dim3A_506, %get3A_6, %broadcast_in_dim3A_507 : vector<1000x128xi1>, vector<1000x128xf32>
    %reduce_max3A_509 = arith.constant dense<0xFF800000> : vector<128xf32>
    %reduce_max3A_510 = vector.multi_reduction <maximumf>, %select_n3A_508, %reduce_max3A_509 [0] : vector<1000x128xf32> to vector<128xf32>
    %broadcast_in_dim3A_511 = vector.shape_cast %reduce_max3A_510 : vector<128xf32> to vector<1x128xf32>
    %jit3A_512 = arith.constant 1.000000e+30 : f32
    %broadcast_in_dim3A_513 = vector.shape_cast %gt3A_503 : vector<1000x1xi1> to vector<1000x1xi1>
    %broadcast_in_dim3A_514 = vector.broadcast %broadcast_in_dim3A_513 : vector<1000x1xi1> to vector<1000x128xi1>
    %broadcast_in_dim3A_515 = vector.broadcast %jit3A_512 : f32 to vector<1000x128xf32>
    %select_n3A_516 = arith.select %broadcast_in_dim3A_514, %get3A_6, %broadcast_in_dim3A_515 : vector<1000x128xi1>, vector<1000x128xf32>
    %reduce_min3A_517 = arith.constant dense<0x7F800000> : vector<128xf32>
    %reduce_min3A_518 = vector.multi_reduction <minimumf>, %select_n3A_516, %reduce_min3A_517 [0] : vector<1000x128xf32> to vector<128xf32>
    %broadcast_in_dim3A_519 = vector.shape_cast %reduce_min3A_518 : vector<128xf32> to vector<1x128xf32>
    %get3A_520 = arith.constant 14 : index
    %get3A_521 = arith.constant 0 : index
    %get3A_522 = vector.load %arg14[%get3A_520, %get3A_521] : memref<16x128xf32, #tpu.memory_space<vmem>>, vector<1x128xf32>
    %max3A_523 = arith.maximumf %get3A_522, %broadcast_in_dim3A_511 : vector<1x128xf32>
    %swap3A_524 = arith.constant 14 : index
    %swap3A_525 = arith.constant 0 : index
    %swap3A_526 = vector.load %arg14[%swap3A_524, %swap3A_525] : memref<16x128xf32, #tpu.memory_space<vmem>>, vector<1x128xf32>
    tpu.vector_store %arg14[%swap3A_524, %swap3A_525], %max3A_523 {strides = array<i32>} : memref<16x128xf32, #tpu.memory_space<vmem>>, vector<1x128xf32>,
    %get3A_527 = arith.constant 14 : index
    %get3A_528 = arith.constant 0 : index
    %get3A_529 = vector.load %arg15[%get3A_527, %get3A_528] : memref<16x128xf32, #tpu.memory_space<vmem>>, vector<1x128xf32>
    %min3A_530 = arith.minimumf %get3A_529, %broadcast_in_dim3A_519 : vector<1x128xf32>
    %swap3A_531 = arith.constant 14 : index
    %swap3A_532 = arith.constant 0 : index
    %swap3A_533 = vector.load %arg15[%swap3A_531, %swap3A_532] : memref<16x128xf32, #tpu.memory_space<vmem>>, vector<1x128xf32>
    tpu.vector_store %arg15[%swap3A_531, %swap3A_532], %min3A_530 {strides = array<i32>} : memref<16x128xf32, #tpu.memory_space<vmem>>, vector<1x128xf32>,
    %slice3A_534 = vector.extract_strided_slice %get3A_3 {offsets = [0, 15], sizes = [1000, 1], strides = [1, 1]} : vector<1000x16xf32> to vector<1000x1xf32>
    %gt3A_535 = arith.constant 0.000000e+00 : f32
    %gt3A_536 = vector.broadcast %gt3A_535 : f32 to vector<1000x1xf32>
    %gt3A_537 = arith.cmpf ogt, %slice3A_534, %gt3A_536 : vector<1000x1xf32>
    %jit3A_538 = arith.constant -1.000000e+30 : f32
    %broadcast_in_dim3A_539 = vector.shape_cast %gt3A_537 : vector<1000x1xi1> to vector<1000x1xi1>
    %broadcast_in_dim3A_540 = vector.broadcast %broadcast_in_dim3A_539 : vector<1000x1xi1> to vector<1000x128xi1>
    %broadcast_in_dim3A_541 = vector.broadcast %jit3A_538 : f32 to vector<1000x128xf32>
    %select_n3A_542 = arith.select %broadcast_in_dim3A_540, %get3A_6, %broadcast_in_dim3A_541 : vector<1000x128xi1>, vector<1000x128xf32>
    %reduce_max3A_543 = arith.constant dense<0xFF800000> : vector<128xf32>
    %reduce_max3A_544 = vector.multi_reduction <maximumf>, %select_n3A_542, %reduce_max3A_543 [0] : vector<1000x128xf32> to vector<128xf32>
    %broadcast_in_dim3A_545 = vector.shape_cast %reduce_max3A_544 : vector<128xf32> to vector<1x128xf32>
    %jit3A_546 = arith.constant 1.000000e+30 : f32
    %broadcast_in_dim3A_547 = vector.shape_cast %gt3A_537 : vector<1000x1xi1> to vector<1000x1xi1>
    %broadcast_in_dim3A_548 = vector.broadcast %broadcast_in_dim3A_547 : vector<1000x1xi1> to vector<1000x128xi1>
    %broadcast_in_dim3A_549 = vector.broadcast %jit3A_546 : f32 to vector<1000x128xf32>
    %select_n3A_550 = arith.select %broadcast_in_dim3A_548, %get3A_6, %broadcast_in_dim3A_549 : vector<1000x128xi1>, vector<1000x128xf32>
    %reduce_min3A_551 = arith.constant dense<0x7F800000> : vector<128xf32>
    %reduce_min3A_552 = vector.multi_reduction <minimumf>, %select_n3A_550, %reduce_min3A_551 [0] : vector<1000x128xf32> to vector<128xf32>
    %broadcast_in_dim3A_553 = vector.shape_cast %reduce_min3A_552 : vector<128xf32> to vector<1x128xf32>
    %get3A_554 = arith.constant 15 : index
    %get3A_555 = arith.constant 0 : index
    %get3A_556 = vector.load %arg14[%get3A_554, %get3A_555] : memref<16x128xf32, #tpu.memory_space<vmem>>, vector<1x128xf32>
    %max3A_557 = arith.maximumf %get3A_556, %broadcast_in_dim3A_545 : vector<1x128xf32>
    %swap3A_558 = arith.constant 15 : index
    %swap3A_559 = arith.constant 0 : index
    %swap3A_560 = vector.load %arg14[%swap3A_558, %swap3A_559] : memref<16x128xf32, #tpu.memory_space<vmem>>, vector<1x128xf32>
    tpu.vector_store %arg14[%swap3A_558, %swap3A_559], %max3A_557 {strides = array<i32>} : memref<16x128xf32, #tpu.memory_space<vmem>>, vector<1x128xf32>,
    %get3A_561 = arith.constant 15 : index
    %get3A_562 = arith.constant 0 : index
    %get3A_563 = vector.load %arg15[%get3A_561, %get3A_562] : memref<16x128xf32, #tpu.memory_space<vmem>>, vector<1x128xf32>
    %min3A_564 = arith.minimumf %get3A_563, %broadcast_in_dim3A_553 : vector<1x128xf32>
    %swap3A_565 = arith.constant 15 : index
    %swap3A_566 = arith.constant 0 : index
    %swap3A_567 = vector.load %arg15[%swap3A_565, %swap3A_566] : memref<16x128xf32, #tpu.memory_space<vmem>>, vector<1x128xf32>
    tpu.vector_store %arg15[%swap3A_565, %swap3A_566], %min3A_564 {strides = array<i32>} : memref<16x128xf32, #tpu.memory_space<vmem>>, vector<1x128xf32>,
    %eq3A_568 = arith.constant 9 : i32
    %eq3A_569 = arith.cmpi eq, %arg0, %eq3A_568 : i32
    %convert_element_type3A_570 = arith.extui %eq3A_569 : i1 to i32
    %cond3A_571 = arith.constant 0 : i32
    %cond3A_572 = arith.cmpi ne, %convert_element_type3A_570, %cond3A_571 : i32
    scf.if %cond3A_572 {
      %get3A_573 = arith.constant 0 : index
      %get3A_574 = arith.constant 0 : index
      %get3A_575 = vector.load %arg11[%get3A_573, %get3A_574] : memref<16x128xf32, #tpu.memory_space<vmem>>, vector<16x128xf32>
      %max3A_576 = arith.constant 1.000000e+00 : f32
      %max3A_577 = vector.broadcast %max3A_576 : f32 to vector<16x128xf32>
      %max3A_578 = arith.maximumf %get3A_575, %max3A_577 : vector<16x128xf32>
      %get3A_579 = arith.constant 0 : index
      %get3A_580 = arith.constant 0 : index
      %get3A_581 = vector.load %arg12[%get3A_579, %get3A_580] : memref<16x128xf32, #tpu.memory_space<vmem>>, vector<16x128xf32>
      %div3A = arith.divf %get3A_581, %max3A_578 : vector<16x128xf32>
      %get3A_582 = arith.constant 0 : index
      %get3A_583 = arith.constant 0 : index
      %get3A_584 = vector.load %arg13[%get3A_582, %get3A_583] : memref<16x128xf32, #tpu.memory_space<vmem>>, vector<16x128xf32>
      %div3A_585 = arith.divf %get3A_584, %max3A_578 : vector<16x128xf32>
      %mul3A_586 = arith.mulf %div3A, %div3A : vector<16x128xf32>
      %sub3A = arith.subf %div3A_585, %mul3A_586 : vector<16x128xf32>
      %max3A_587 = arith.constant 9.99999974E-6 : f32
      %max3A_588 = vector.broadcast %max3A_587 : f32 to vector<16x128xf32>
      %max3A_589 = arith.maximumf %sub3A, %max3A_588 : vector<16x128xf32>
      %sqrt3A = math.sqrt %max3A_589 : vector<16x128xf32>
      %get3A_590 = arith.constant 0 : index
      %get3A_591 = arith.constant 0 : index
      %get3A_592 = vector.load %arg3[%get3A_590, %get3A_591] : memref<16x128xf32, #tpu.memory_space<vmem>>, vector<16x128xf32>
      %get3A_593 = arith.constant 0 : index
      %get3A_594 = arith.constant 0 : index
      %get3A_595 = vector.load %arg14[%get3A_593, %get3A_594] : memref<16x128xf32, #tpu.memory_space<vmem>>, vector<16x128xf32>
      %get3A_596 = arith.constant 0 : index
      %get3A_597 = arith.constant 0 : index
      %get3A_598 = vector.load %arg15[%get3A_596, %get3A_597] : memref<16x128xf32, #tpu.memory_space<vmem>>, vector<16x128xf32>
      %concatenate3A = tpu.concatenate %get3A_592, %div3A, %sqrt3A, %get3A_595, %get3A_598 in 1 : vector<16x128xf32>, vector<16x128xf32>, vector<16x128xf32>, vector<16x128xf32>, vector<16x128xf32> -> vector<16x640xf32>
      %get3A_599 = arith.constant 0 : index
      %get3A_600 = arith.constant 0 : index
      %get3A_601 = vector.load %arg4[%get3A_599, %get3A_600] : memref<640x128xf32, #tpu.memory_space<vmem>>, vector<640x128xf32>
      %dot_general3A_602 = arith.constant dense<0.000000e+00> : vector<16x128xf32>
      %dot_general3A_603 = tpu.matmul %concatenate3A, %get3A_601, %dot_general3A_602 {dimension_numbers = #tpu.dot_dimension_numbers<[1], [0], [0], [1], [0, 0, 1, 1], [], []>, transpose_lhs_hint = false} : vector<16x640xf32>, vector<640x128xf32>, vector<16x128xf32> -> vector<16x128xf32>
      %get3A_604 = arith.constant 0 : index
      %get3A_605 = arith.constant 0 : index
      %get3A_606 = vector.load %arg5[%get3A_604, %get3A_605] : memref<1x128xf32, #tpu.memory_space<vmem>>, vector<1x128xf32>
      %add3A_607 = vector.broadcast %get3A_606 : vector<1x128xf32> to vector<16x128xf32>
      %add3A_608 = arith.addf %dot_general3A_603, %add3A_607 : vector<16x128xf32>
      %gt3A_609 = arith.constant 0.000000e+00 : f32
      %gt3A_610 = vector.broadcast %gt3A_609 : f32 to vector<16x128xf32>
      %gt3A_611 = arith.cmpf ogt, %add3A_608, %gt3A_610 : vector<16x128xf32>
      %exp3A = math.exp %add3A_608 : vector<16x128xf32>
      %sub3A_612 = arith.constant 1.000000e+00 : f32
      %sub3A_613 = vector.broadcast %sub3A_612 : f32 to vector<16x128xf32>
      %sub3A_614 = arith.subf %exp3A, %sub3A_613 : vector<16x128xf32>
      %mul3A_615 = arith.constant 1.67326319 : f32
      %mul3A_616 = vector.broadcast %mul3A_615 : f32 to vector<16x128xf32>
      %mul3A_617 = arith.mulf %mul3A_616, %sub3A_614 : vector<16x128xf32>
      %select_n3A_618 = arith.select %gt3A_611, %add3A_608, %mul3A_617 : vector<16x128xi1>, vector<16x128xf32>
      %mul3A_619 = arith.constant 1.05070102 : f32
      %mul3A_620 = vector.broadcast %mul3A_619 : f32 to vector<16x128xf32>
      %mul3A_621 = arith.mulf %mul3A_620, %select_n3A_618 : vector<16x128xf32>
      %get3A_622 = arith.constant 0 : index
      %get3A_623 = arith.constant 0 : index
      %get3A_624 = vector.load %arg6[%get3A_622, %get3A_623] : memref<1x128xf32, #tpu.memory_space<vmem>>, vector<1x128xf32>
      %get3A_625 = arith.constant 0 : index
      %get3A_626 = arith.constant 0 : index
      %get3A_627 = vector.load %arg7[%get3A_625, %get3A_626] : memref<1x128xf32, #tpu.memory_space<vmem>>, vector<1x128xf32>
      %reduce_sum3A = arith.constant dense<0.000000e+00> : vector<16xf32>
      %reduce_sum3A_628 = vector.multi_reduction <add>, %mul3A_621, %reduce_sum3A [1] : vector<16x128xf32> to vector<16xf32>
      %broadcast_in_dim3A_629 = vector.shape_cast %reduce_sum3A_628 : vector<16xf32> to vector<16x1xf32>
      %div3A_630 = arith.constant 1.280000e+02 : f32
      %div3A_631 = vector.broadcast %div3A_630 : f32 to vector<16x1xf32>
      %div3A_632 = arith.divf %broadcast_in_dim3A_629, %div3A_631 : vector<16x1xf32>
      %sub3A_633 = vector.broadcast %div3A_632 : vector<16x1xf32> to vector<16x128xf32>
      %sub3A_634 = arith.subf %mul3A_621, %sub3A_633 : vector<16x128xf32>
      %integer_pow3A = arith.mulf %sub3A_634, %sub3A_634 : vector<16x128xf32>
      %reduce_sum3A_635 = arith.constant dense<0.000000e+00> : vector<16xf32>
      %reduce_sum3A_636 = vector.multi_reduction <add>, %integer_pow3A, %reduce_sum3A_635 [1] : vector<16x128xf32> to vector<16xf32>
      %broadcast_in_dim3A_637 = vector.shape_cast %reduce_sum3A_636 : vector<16xf32> to vector<16x1xf32>
      %div3A_638 = arith.constant 1.280000e+02 : f32
      %div3A_639 = vector.broadcast %div3A_638 : f32 to vector<16x1xf32>
      %div3A_640 = arith.divf %broadcast_in_dim3A_637, %div3A_639 : vector<16x1xf32>
      %sub3A_641 = vector.broadcast %div3A_632 : vector<16x1xf32> to vector<16x128xf32>
      %sub3A_642 = arith.subf %mul3A_621, %sub3A_641 : vector<16x128xf32>
      %add3A_643 = arith.constant 9.99999974E-6 : f32
      %add3A_644 = vector.broadcast %add3A_643 : f32 to vector<16x1xf32>
      %add3A_645 = arith.addf %div3A_640, %add3A_644 : vector<16x1xf32>
      %sqrt3A_646 = math.sqrt %add3A_645 : vector<16x1xf32>
      %div3A_647 = vector.broadcast %sqrt3A_646 : vector<16x1xf32> to vector<16x128xf32>
      %div3A_648 = arith.divf %sub3A_642, %div3A_647 : vector<16x128xf32>
      %mul3A_649 = vector.broadcast %get3A_624 : vector<1x128xf32> to vector<16x128xf32>
      %mul3A_650 = arith.mulf %div3A_648, %mul3A_649 : vector<16x128xf32>
      %add3A_651 = vector.broadcast %get3A_627 : vector<1x128xf32> to vector<16x128xf32>
      %add3A_652 = arith.addf %mul3A_650, %add3A_651 : vector<16x128xf32>
      %get3A_653 = arith.constant 0 : index
      %get3A_654 = arith.constant 0 : index
      %get3A_655 = vector.load %arg8[%get3A_653, %get3A_654] : memref<128x128xf32, #tpu.memory_space<vmem>>, vector<128x128xf32>
      %dot_general3A_656 = arith.constant dense<0.000000e+00> : vector<16x128xf32>
      %dot_general3A_657 = tpu.matmul %add3A_652, %get3A_655, %dot_general3A_656 {dimension_numbers = #tpu.dot_dimension_numbers<[1], [0], [0], [1], [0, 0, 1, 1], [], []>, transpose_lhs_hint = false} : vector<16x128xf32>, vector<128x128xf32>, vector<16x128xf32> -> vector<16x128xf32>
      %get3A_658 = arith.constant 0 : index
      %get3A_659 = arith.constant 0 : index
      %get3A_660 = vector.load %arg9[%get3A_658, %get3A_659] : memref<1x128xf32, #tpu.memory_space<vmem>>, vector<1x128xf32>
      %add3A_661 = vector.broadcast %get3A_660 : vector<1x128xf32> to vector<16x128xf32>
      %add3A_662 = arith.addf %dot_general3A_657, %add3A_661 : vector<16x128xf32>
      %swap3A_663 = arith.constant 0 : index
      %swap3A_664 = arith.constant 0 : index
      %swap3A_665 = vector.load %arg10[%swap3A_663, %swap3A_664] : memref<16x128xf32, #tpu.memory_space<vmem>>, vector<16x128xf32>
      tpu.vector_store %arg10[%swap3A_663, %swap3A_664], %add3A_662 {strides = array<i32>} : memref<16x128xf32, #tpu.memory_space<vmem>>, vector<16x128xf32>,
    } else {
    }
    return
  }
  func.func @transform_0(%arg0: i32) -> (i32, i32) {
    %c0_i32 = arith.constant 0 : i32
    %c0_i32_0 = arith.constant 0 : i32
    return %arg0, %c0_i32 : i32, i32
  }
  func.func @transform_1(%arg0: i32) -> (i32, i32) {
    %c0_i32 = arith.constant 0 : i32
    %c0_i32_0 = arith.constant 0 : i32
    return %arg0, %c0_i32 : i32, i32
  }
  func.func @transform_2(%arg0: i32) -> (i32, i32) {
    %c0_i32 = arith.constant 0 : i32
    %c0_i32_0 = arith.constant 0 : i32
    %c0_i32_1 = arith.constant 0 : i32
    return %c0_i32, %c0_i32_0 : i32, i32
  }
  func.func @transform_3(%arg0: i32) -> (i32, i32) {
    %c0_i32 = arith.constant 0 : i32
    %c0_i32_0 = arith.constant 0 : i32
    %c0_i32_1 = arith.constant 0 : i32
    return %c0_i32, %c0_i32_0 : i32, i32
  }
  func.func @transform_4(%arg0: i32) -> (i32, i32) {
    %c0_i32 = arith.constant 0 : i32
    %c0_i32_0 = arith.constant 0 : i32
    %c0_i32_1 = arith.constant 0 : i32
    return %c0_i32, %c0_i32_0 : i32, i32
  }
  func.func @transform_5(%arg0: i32) -> (i32, i32) {
    %c0_i32 = arith.constant 0 : i32
    %c0_i32_0 = arith.constant 0 : i32
    %c0_i32_1 = arith.constant 0 : i32
    return %c0_i32, %c0_i32_0 : i32, i32
  }
  func.func @transform_6(%arg0: i32) -> (i32, i32) {
    %c0_i32 = arith.constant 0 : i32
    %c0_i32_0 = arith.constant 0 : i32
    %c0_i32_1 = arith.constant 0 : i32
    return %c0_i32, %c0_i32_0 : i32, i32
  }
  func.func @transform_7(%arg0: i32) -> (i32, i32) {
    %c0_i32 = arith.constant 0 : i32
    %c0_i32_0 = arith.constant 0 : i32
    %c0_i32_1 = arith.constant 0 : i32
    return %c0_i32, %c0_i32_0 : i32, i32
  }
  func.func @transform_8(%arg0: i32) -> (i32, i32) {
    %c0_i32 = arith.constant 0 : i32
    %c0_i32_0 = arith.constant 0 : i32
    %c0_i32_1 = arith.constant 0 : i32
    return %c0_i32, %c0_i32_0 : i32, i32
  }
  func.func @transform_9(%arg0: i32) -> (i32, i32) {
    %c0_i32 = arith.constant 0 : i32
    %c0_i32_0 = arith.constant 0 : i32
    %c0_i32_1 = arith.constant 0 : i32
    return %c0_i32, %c0_i32_0 : i32, i32
  }
}

module attributes {stable_mosaic.version = 14 : i64} {
  func.func @_pool_body(%arg0: i32, %arg1: memref<1000x16xf32, #tpu.memory_space<vmem>>, %arg2: memref<1000x128xf32, #tpu.memory_space<vmem>>, %arg3: memref<16x128xf32, #tpu.memory_space<vmem>>, %arg4: memref<640x128xf32, #tpu.memory_space<vmem>>, %arg5: memref<1x128xf32, #tpu.memory_space<vmem>>, %arg6: memref<1x128xf32, #tpu.memory_space<vmem>>, %arg7: memref<1x128xf32, #tpu.memory_space<vmem>>, %arg8: memref<128x128xf32, #tpu.memory_space<vmem>>, %arg9: memref<1x128xf32, #tpu.memory_space<vmem>>, %arg10: memref<16x128xf32, #tpu.memory_space<vmem>>, %arg11: memref<16x128xf32, #tpu.memory_space<vmem>>, %arg12: memref<16x128xf32, #tpu.memory_space<vmem>>, %arg13: memref<16x128xf32, #tpu.memory_space<vmem>>, %arg14: memref<16x128xf32, #tpu.memory_space<vmem>>, %arg15: memref<16x128xf32, #tpu.memory_space<vmem>>) attributes {dimension_semantics = [#tpu.dimension_semantics<arbitrary>], iteration_bounds = array<i64: 10>, scalar_prefetch = 0 : i64, scratch_operands = 5 : i64, tpu.core_type = #tpu.core_type<tc>, window_params = [{transform_indices = @transform_0, window_bounds = array<i64: 1000, 16>}, {transform_indices = @transform_1, window_bounds = array<i64: 1000, 128>}, {pipeline_mode = #tpu.pipeline_mode<synchronous>, transform_indices = @transform_2, window_bounds = array<i64: 16, 128>}, {pipeline_mode = #tpu.pipeline_mode<synchronous>, transform_indices = @transform_3, window_bounds = array<i64: 640, 128>}, {pipeline_mode = #tpu.pipeline_mode<synchronous>, transform_indices = @transform_4, window_bounds = array<i64: 1, 128>}, {pipeline_mode = #tpu.pipeline_mode<synchronous>, transform_indices = @transform_5, window_bounds = array<i64: 1, 128>}, {pipeline_mode = #tpu.pipeline_mode<synchronous>, transform_indices = @transform_6, window_bounds = array<i64: 1, 128>}, {pipeline_mode = #tpu.pipeline_mode<synchronous>, transform_indices = @transform_7, window_bounds = array<i64: 128, 128>}, {pipeline_mode = #tpu.pipeline_mode<synchronous>, transform_indices = @transform_8, window_bounds = array<i64: 1, 128>}, {pipeline_mode = #tpu.pipeline_mode<synchronous>, transform_indices = @transform_9, window_bounds = array<i64: 16, 128>}]} {
    %eq3A = arith.constant 0 : i32
    %eq3A_0 = arith.cmpi eq, %arg0, %eq3A : i32
    %convert_element_type3A = arith.extui %eq3A_0 : i1 to i32
    %cond3A = arith.constant 0 : i32
    %cond3A_1 = arith.cmpi ne, %convert_element_type3A, %cond3A : i32
    scf.if %cond3A_1 {
      %broadcast_in_dim3A_573 = arith.constant 0.000000e+00 : f32
      %broadcast_in_dim3A_574 = vector.broadcast %broadcast_in_dim3A_573 : f32 to vector<16x128xf32>
      %swap3A_575 = arith.constant 0 : index
      %swap3A_576 = arith.constant 0 : index
      %swap3A_577 = vector.load %arg11[%swap3A_575, %swap3A_576] : memref<16x128xf32, #tpu.memory_space<vmem>>, vector<16x128xf32>
      tpu.vector_store %arg11[%swap3A_575, %swap3A_576], %broadcast_in_dim3A_574 {strides = array<i32>} : memref<16x128xf32, #tpu.memory_space<vmem>>, vector<16x128xf32>,
      %broadcast_in_dim3A_578 = arith.constant 0.000000e+00 : f32
      %broadcast_in_dim3A_579 = vector.broadcast %broadcast_in_dim3A_578 : f32 to vector<16x128xf32>
      %swap3A_580 = arith.constant 0 : index
      %swap3A_581 = arith.constant 0 : index
      %swap3A_582 = vector.load %arg12[%swap3A_580, %swap3A_581] : memref<16x128xf32, #tpu.memory_space<vmem>>, vector<16x128xf32>
      tpu.vector_store %arg12[%swap3A_580, %swap3A_581], %broadcast_in_dim3A_579 {strides = array<i32>} : memref<16x128xf32, #tpu.memory_space<vmem>>, vector<16x128xf32>,
      %broadcast_in_dim3A_583 = arith.constant 0.000000e+00 : f32
      %broadcast_in_dim3A_584 = vector.broadcast %broadcast_in_dim3A_583 : f32 to vector<16x128xf32>
      %swap3A_585 = arith.constant 0 : index
      %swap3A_586 = arith.constant 0 : index
      %swap3A_587 = vector.load %arg13[%swap3A_585, %swap3A_586] : memref<16x128xf32, #tpu.memory_space<vmem>>, vector<16x128xf32>
      tpu.vector_store %arg13[%swap3A_585, %swap3A_586], %broadcast_in_dim3A_584 {strides = array<i32>} : memref<16x128xf32, #tpu.memory_space<vmem>>, vector<16x128xf32>,
      %broadcast_in_dim3A_588 = arith.constant -1.000000e+30 : f32
      %broadcast_in_dim3A_589 = vector.broadcast %broadcast_in_dim3A_588 : f32 to vector<16x128xf32>
      %swap3A_590 = arith.constant 0 : index
      %swap3A_591 = arith.constant 0 : index
      %swap3A_592 = vector.load %arg14[%swap3A_590, %swap3A_591] : memref<16x128xf32, #tpu.memory_space<vmem>>, vector<16x128xf32>
      tpu.vector_store %arg14[%swap3A_590, %swap3A_591], %broadcast_in_dim3A_589 {strides = array<i32>} : memref<16x128xf32, #tpu.memory_space<vmem>>, vector<16x128xf32>,
      %broadcast_in_dim3A_593 = arith.constant 1.000000e+30 : f32
      %broadcast_in_dim3A_594 = vector.broadcast %broadcast_in_dim3A_593 : f32 to vector<16x128xf32>
      %swap3A_595 = arith.constant 0 : index
      %swap3A_596 = arith.constant 0 : index
      %swap3A_597 = vector.load %arg15[%swap3A_595, %swap3A_596] : memref<16x128xf32, #tpu.memory_space<vmem>>, vector<16x128xf32>
      tpu.vector_store %arg15[%swap3A_595, %swap3A_596], %broadcast_in_dim3A_594 {strides = array<i32>} : memref<16x128xf32, #tpu.memory_space<vmem>>, vector<16x128xf32>,
    } else {
    }
    %get3A = arith.constant 0 : index
    %get3A_2 = arith.constant 0 : index
    %get3A_3 = vector.load %arg1[%get3A, %get3A_2] : memref<1000x16xf32, #tpu.memory_space<vmem>>, vector<1000x16xf32>
    %get3A_4 = arith.constant 0 : index
    %get3A_5 = arith.constant 0 : index
    %get3A_6 = vector.load %arg2[%get3A_4, %get3A_5] : memref<1000x128xf32, #tpu.memory_space<vmem>>, vector<1000x128xf32>
    %get3A_7 = arith.constant 0 : index
    %get3A_8 = arith.constant 0 : index
    %get3A_9 = vector.load %arg11[%get3A_7, %get3A_8] : memref<16x128xf32, #tpu.memory_space<vmem>>, vector<16x128xf32>
    %broadcast_in_dim3A = arith.constant 1.000000e+00 : f32
    %broadcast_in_dim3A_10 = vector.broadcast %broadcast_in_dim3A : f32 to vector<1000x128xf32>
    %dot_general3A = arith.constant dense<0.000000e+00> : vector<16x128xf32>
    %dot_general3A_11 = tpu.matmul %get3A_3, %broadcast_in_dim3A_10, %dot_general3A {dimension_numbers = #tpu.dot_dimension_numbers<[0], [0], [1], [1], [0, 1, 1, 1], [], []>, transpose_lhs_hint = false} : vector<1000x16xf32>, vector<1000x128xf32>, vector<16x128xf32> -> vector<16x128xf32>
    %add3A = arith.addf %get3A_9, %dot_general3A_11 : vector<16x128xf32>
    %swap3A = arith.constant 0 : index
    %swap3A_12 = arith.constant 0 : index
    %swap3A_13 = vector.load %arg11[%swap3A, %swap3A_12] : memref<16x128xf32, #tpu.memory_space<vmem>>, vector<16x128xf32>
    tpu.vector_store %arg11[%swap3A, %swap3A_12], %add3A {strides = array<i32>} : memref<16x128xf32, #tpu.memory_space<vmem>>, vector<16x128xf32>,
    %get3A_14 = arith.constant 0 : index
    %get3A_15 = arith.constant 0 : index
    %get3A_16 = vector.load %arg12[%get3A_14, %get3A_15] : memref<16x128xf32, #tpu.memory_space<vmem>>, vector<16x128xf32>
    %dot_general3A_17 = arith.constant dense<0.000000e+00> : vector<16x128xf32>
    %dot_general3A_18 = tpu.matmul %get3A_3, %get3A_6, %dot_general3A_17 {dimension_numbers = #tpu.dot_dimension_numbers<[0], [0], [1], [1], [0, 1, 1, 1], [], []>, transpose_lhs_hint = false} : vector<1000x16xf32>, vector<1000x128xf32>, vector<16x128xf32> -> vector<16x128xf32>
    %add3A_19 = arith.addf %get3A_16, %dot_general3A_18 : vector<16x128xf32>
    %swap3A_20 = arith.constant 0 : index
    %swap3A_21 = arith.constant 0 : index
    %swap3A_22 = vector.load %arg12[%swap3A_20, %swap3A_21] : memref<16x128xf32, #tpu.memory_space<vmem>>, vector<16x128xf32>
    tpu.vector_store %arg12[%swap3A_20, %swap3A_21], %add3A_19 {strides = array<i32>} : memref<16x128xf32, #tpu.memory_space<vmem>>, vector<16x128xf32>,
    %get3A_23 = arith.constant 0 : index
    %get3A_24 = arith.constant 0 : index
    %get3A_25 = vector.load %arg13[%get3A_23, %get3A_24] : memref<16x128xf32, #tpu.memory_space<vmem>>, vector<16x128xf32>
    %mul3A = arith.mulf %get3A_6, %get3A_6 : vector<1000x128xf32>
    %dot_general3A_26 = arith.constant dense<0.000000e+00> : vector<16x128xf32>
    %dot_general3A_27 = tpu.matmul %get3A_3, %mul3A, %dot_general3A_26 {dimension_numbers = #tpu.dot_dimension_numbers<[0], [0], [1], [1], [0, 1, 1, 1], [], []>, transpose_lhs_hint = false} : vector<1000x16xf32>, vector<1000x128xf32>, vector<16x128xf32> -> vector<16x128xf32>
    %add3A_28 = arith.addf %get3A_25, %dot_general3A_27 : vector<16x128xf32>
    %swap3A_29 = arith.constant 0 : index
    %swap3A_30 = arith.constant 0 : index
    %swap3A_31 = vector.load %arg13[%swap3A_29, %swap3A_30] : memref<16x128xf32, #tpu.memory_space<vmem>>, vector<16x128xf32>
    tpu.vector_store %arg13[%swap3A_29, %swap3A_30], %add3A_28 {strides = array<i32>} : memref<16x128xf32, #tpu.memory_space<vmem>>, vector<16x128xf32>,
    %slice3A = vector.extract_strided_slice %get3A_3 {offsets = [0, 0], sizes = [1000, 1], strides = [1, 1]} : vector<1000x16xf32> to vector<1000x1xf32>
    %gt3A = arith.constant 0.000000e+00 : f32
    %gt3A_32 = vector.broadcast %gt3A : f32 to vector<1000x1xf32>
    %gt3A_33 = arith.cmpf ogt, %slice3A, %gt3A_32 : vector<1000x1xf32>
    %jit3A = arith.constant -1.000000e+30 : f32
    %broadcast_in_dim3A_34 = vector.shape_cast %gt3A_33 : vector<1000x1xi1> to vector<1000x1xi1>
    %broadcast_in_dim3A_35 = vector.broadcast %broadcast_in_dim3A_34 : vector<1000x1xi1> to vector<1000x128xi1>
    %broadcast_in_dim3A_36 = vector.broadcast %jit3A : f32 to vector<1000x128xf32>
    %select_n3A = arith.select %broadcast_in_dim3A_35, %get3A_6, %broadcast_in_dim3A_36 : vector<1000x128xi1>, vector<1000x128xf32>
    %reduce_max3A = arith.constant dense<0xFF800000> : vector<128xf32>
    %reduce_max3A_37 = vector.multi_reduction <maximumf>, %select_n3A, %reduce_max3A [0] : vector<1000x128xf32> to vector<128xf32>
    %broadcast_in_dim3A_38 = vector.shape_cast %reduce_max3A_37 : vector<128xf32> to vector<1x128xf32>
    %jit3A_39 = arith.constant 1.000000e+30 : f32
    %broadcast_in_dim3A_40 = vector.shape_cast %gt3A_33 : vector<1000x1xi1> to vector<1000x1xi1>
    %broadcast_in_dim3A_41 = vector.broadcast %broadcast_in_dim3A_40 : vector<1000x1xi1> to vector<1000x128xi1>
    %broadcast_in_dim3A_42 = vector.broadcast %jit3A_39 : f32 to vector<1000x128xf32>
    %select_n3A_43 = arith.select %broadcast_in_dim3A_41, %get3A_6, %broadcast_in_dim3A_42 : vector<1000x128xi1>, vector<1000x128xf32>
    %reduce_min3A = arith.constant dense<0x7F800000> : vector<128xf32>
    %reduce_min3A_44 = vector.multi_reduction <minimumf>, %select_n3A_43, %reduce_min3A [0] : vector<1000x128xf32> to vector<128xf32>
    %broadcast_in_dim3A_45 = vector.shape_cast %reduce_min3A_44 : vector<128xf32> to vector<1x128xf32>
    %get3A_46 = arith.constant 0 : index
    %get3A_47 = arith.constant 0 : index
    %get3A_48 = vector.load %arg14[%get3A_46, %get3A_47] : memref<16x128xf32, #tpu.memory_space<vmem>>, vector<1x128xf32>
    %max3A = arith.maximumf %get3A_48, %broadcast_in_dim3A_38 : vector<1x128xf32>
    %swap3A_49 = arith.constant 0 : index
    %swap3A_50 = arith.constant 0 : index
    %swap3A_51 = vector.load %arg14[%swap3A_49, %swap3A_50] : memref<16x128xf32, #tpu.memory_space<vmem>>, vector<1x128xf32>
    tpu.vector_store %arg14[%swap3A_49, %swap3A_50], %max3A {strides = array<i32>} : memref<16x128xf32, #tpu.memory_space<vmem>>, vector<1x128xf32>,
    %get3A_52 = arith.constant 0 : index
    %get3A_53 = arith.constant 0 : index
    %get3A_54 = vector.load %arg15[%get3A_52, %get3A_53] : memref<16x128xf32, #tpu.memory_space<vmem>>, vector<1x128xf32>
    %min3A = arith.minimumf %get3A_54, %broadcast_in_dim3A_45 : vector<1x128xf32>
    %swap3A_55 = arith.constant 0 : index
    %swap3A_56 = arith.constant 0 : index
    %swap3A_57 = vector.load %arg15[%swap3A_55, %swap3A_56] : memref<16x128xf32, #tpu.memory_space<vmem>>, vector<1x128xf32>
    tpu.vector_store %arg15[%swap3A_55, %swap3A_56], %min3A {strides = array<i32>} : memref<16x128xf32, #tpu.memory_space<vmem>>, vector<1x128xf32>,
    %slice3A_58 = vector.extract_strided_slice %get3A_3 {offsets = [0, 1], sizes = [1000, 1], strides = [1, 1]} : vector<1000x16xf32> to vector<1000x1xf32>
    %gt3A_59 = arith.constant 0.000000e+00 : f32
    %gt3A_60 = vector.broadcast %gt3A_59 : f32 to vector<1000x1xf32>
    %gt3A_61 = arith.cmpf ogt, %slice3A_58, %gt3A_60 : vector<1000x1xf32>
    %jit3A_62 = arith.constant -1.000000e+30 : f32
    %broadcast_in_dim3A_63 = vector.shape_cast %gt3A_61 : vector<1000x1xi1> to vector<1000x1xi1>
    %broadcast_in_dim3A_64 = vector.broadcast %broadcast_in_dim3A_63 : vector<1000x1xi1> to vector<1000x128xi1>
    %broadcast_in_dim3A_65 = vector.broadcast %jit3A_62 : f32 to vector<1000x128xf32>
    %select_n3A_66 = arith.select %broadcast_in_dim3A_64, %get3A_6, %broadcast_in_dim3A_65 : vector<1000x128xi1>, vector<1000x128xf32>
    %reduce_max3A_67 = arith.constant dense<0xFF800000> : vector<128xf32>
    %reduce_max3A_68 = vector.multi_reduction <maximumf>, %select_n3A_66, %reduce_max3A_67 [0] : vector<1000x128xf32> to vector<128xf32>
    %broadcast_in_dim3A_69 = vector.shape_cast %reduce_max3A_68 : vector<128xf32> to vector<1x128xf32>
    %jit3A_70 = arith.constant 1.000000e+30 : f32
    %broadcast_in_dim3A_71 = vector.shape_cast %gt3A_61 : vector<1000x1xi1> to vector<1000x1xi1>
    %broadcast_in_dim3A_72 = vector.broadcast %broadcast_in_dim3A_71 : vector<1000x1xi1> to vector<1000x128xi1>
    %broadcast_in_dim3A_73 = vector.broadcast %jit3A_70 : f32 to vector<1000x128xf32>
    %select_n3A_74 = arith.select %broadcast_in_dim3A_72, %get3A_6, %broadcast_in_dim3A_73 : vector<1000x128xi1>, vector<1000x128xf32>
    %reduce_min3A_75 = arith.constant dense<0x7F800000> : vector<128xf32>
    %reduce_min3A_76 = vector.multi_reduction <minimumf>, %select_n3A_74, %reduce_min3A_75 [0] : vector<1000x128xf32> to vector<128xf32>
    %broadcast_in_dim3A_77 = vector.shape_cast %reduce_min3A_76 : vector<128xf32> to vector<1x128xf32>
    %get3A_78 = arith.constant 1 : index
    %get3A_79 = arith.constant 0 : index
    %get3A_80 = vector.load %arg14[%get3A_78, %get3A_79] : memref<16x128xf32, #tpu.memory_space<vmem>>, vector<1x128xf32>
    %max3A_81 = arith.maximumf %get3A_80, %broadcast_in_dim3A_69 : vector<1x128xf32>
    %swap3A_82 = arith.constant 1 : index
    %swap3A_83 = arith.constant 0 : index
    %swap3A_84 = vector.load %arg14[%swap3A_82, %swap3A_83] : memref<16x128xf32, #tpu.memory_space<vmem>>, vector<1x128xf32>
    tpu.vector_store %arg14[%swap3A_82, %swap3A_83], %max3A_81 {strides = array<i32>} : memref<16x128xf32, #tpu.memory_space<vmem>>, vector<1x128xf32>,
    %get3A_85 = arith.constant 1 : index
    %get3A_86 = arith.constant 0 : index
    %get3A_87 = vector.load %arg15[%get3A_85, %get3A_86] : memref<16x128xf32, #tpu.memory_space<vmem>>, vector<1x128xf32>
    %min3A_88 = arith.minimumf %get3A_87, %broadcast_in_dim3A_77 : vector<1x128xf32>
    %swap3A_89 = arith.constant 1 : index
    %swap3A_90 = arith.constant 0 : index
    %swap3A_91 = vector.load %arg15[%swap3A_89, %swap3A_90] : memref<16x128xf32, #tpu.memory_space<vmem>>, vector<1x128xf32>
    tpu.vector_store %arg15[%swap3A_89, %swap3A_90], %min3A_88 {strides = array<i32>} : memref<16x128xf32, #tpu.memory_space<vmem>>, vector<1x128xf32>,
    %slice3A_92 = vector.extract_strided_slice %get3A_3 {offsets = [0, 2], sizes = [1000, 1], strides = [1, 1]} : vector<1000x16xf32> to vector<1000x1xf32>
    %gt3A_93 = arith.constant 0.000000e+00 : f32
    %gt3A_94 = vector.broadcast %gt3A_93 : f32 to vector<1000x1xf32>
    %gt3A_95 = arith.cmpf ogt, %slice3A_92, %gt3A_94 : vector<1000x1xf32>
    %jit3A_96 = arith.constant -1.000000e+30 : f32
    %broadcast_in_dim3A_97 = vector.shape_cast %gt3A_95 : vector<1000x1xi1> to vector<1000x1xi1>
    %broadcast_in_dim3A_98 = vector.broadcast %broadcast_in_dim3A_97 : vector<1000x1xi1> to vector<1000x128xi1>
    %broadcast_in_dim3A_99 = vector.broadcast %jit3A_96 : f32 to vector<1000x128xf32>
    %select_n3A_100 = arith.select %broadcast_in_dim3A_98, %get3A_6, %broadcast_in_dim3A_99 : vector<1000x128xi1>, vector<1000x128xf32>
    %reduce_max3A_101 = arith.constant dense<0xFF800000> : vector<128xf32>
    %reduce_max3A_102 = vector.multi_reduction <maximumf>, %select_n3A_100, %reduce_max3A_101 [0] : vector<1000x128xf32> to vector<128xf32>
    %broadcast_in_dim3A_103 = vector.shape_cast %reduce_max3A_102 : vector<128xf32> to vector<1x128xf32>
    %jit3A_104 = arith.constant 1.000000e+30 : f32
    %broadcast_in_dim3A_105 = vector.shape_cast %gt3A_95 : vector<1000x1xi1> to vector<1000x1xi1>
    %broadcast_in_dim3A_106 = vector.broadcast %broadcast_in_dim3A_105 : vector<1000x1xi1> to vector<1000x128xi1>
    %broadcast_in_dim3A_107 = vector.broadcast %jit3A_104 : f32 to vector<1000x128xf32>
    %select_n3A_108 = arith.select %broadcast_in_dim3A_106, %get3A_6, %broadcast_in_dim3A_107 : vector<1000x128xi1>, vector<1000x128xf32>
    %reduce_min3A_109 = arith.constant dense<0x7F800000> : vector<128xf32>
    %reduce_min3A_110 = vector.multi_reduction <minimumf>, %select_n3A_108, %reduce_min3A_109 [0] : vector<1000x128xf32> to vector<128xf32>
    %broadcast_in_dim3A_111 = vector.shape_cast %reduce_min3A_110 : vector<128xf32> to vector<1x128xf32>
    %get3A_112 = arith.constant 2 : index
    %get3A_113 = arith.constant 0 : index
    %get3A_114 = vector.load %arg14[%get3A_112, %get3A_113] : memref<16x128xf32, #tpu.memory_space<vmem>>, vector<1x128xf32>
    %max3A_115 = arith.maximumf %get3A_114, %broadcast_in_dim3A_103 : vector<1x128xf32>
    %swap3A_116 = arith.constant 2 : index
    %swap3A_117 = arith.constant 0 : index
    %swap3A_118 = vector.load %arg14[%swap3A_116, %swap3A_117] : memref<16x128xf32, #tpu.memory_space<vmem>>, vector<1x128xf32>
    tpu.vector_store %arg14[%swap3A_116, %swap3A_117], %max3A_115 {strides = array<i32>} : memref<16x128xf32, #tpu.memory_space<vmem>>, vector<1x128xf32>,
    %get3A_119 = arith.constant 2 : index
    %get3A_120 = arith.constant 0 : index
    %get3A_121 = vector.load %arg15[%get3A_119, %get3A_120] : memref<16x128xf32, #tpu.memory_space<vmem>>, vector<1x128xf32>
    %min3A_122 = arith.minimumf %get3A_121, %broadcast_in_dim3A_111 : vector<1x128xf32>
    %swap3A_123 = arith.constant 2 : index
    %swap3A_124 = arith.constant 0 : index
    %swap3A_125 = vector.load %arg15[%swap3A_123, %swap3A_124] : memref<16x128xf32, #tpu.memory_space<vmem>>, vector<1x128xf32>
    tpu.vector_store %arg15[%swap3A_123, %swap3A_124], %min3A_122 {strides = array<i32>} : memref<16x128xf32, #tpu.memory_space<vmem>>, vector<1x128xf32>,
    %slice3A_126 = vector.extract_strided_slice %get3A_3 {offsets = [0, 3], sizes = [1000, 1], strides = [1, 1]} : vector<1000x16xf32> to vector<1000x1xf32>
    %gt3A_127 = arith.constant 0.000000e+00 : f32
    %gt3A_128 = vector.broadcast %gt3A_127 : f32 to vector<1000x1xf32>
    %gt3A_129 = arith.cmpf ogt, %slice3A_126, %gt3A_128 : vector<1000x1xf32>
    %jit3A_130 = arith.constant -1.000000e+30 : f32
    %broadcast_in_dim3A_131 = vector.shape_cast %gt3A_129 : vector<1000x1xi1> to vector<1000x1xi1>
    %broadcast_in_dim3A_132 = vector.broadcast %broadcast_in_dim3A_131 : vector<1000x1xi1> to vector<1000x128xi1>
    %broadcast_in_dim3A_133 = vector.broadcast %jit3A_130 : f32 to vector<1000x128xf32>
    %select_n3A_134 = arith.select %broadcast_in_dim3A_132, %get3A_6, %broadcast_in_dim3A_133 : vector<1000x128xi1>, vector<1000x128xf32>
    %reduce_max3A_135 = arith.constant dense<0xFF800000> : vector<128xf32>
    %reduce_max3A_136 = vector.multi_reduction <maximumf>, %select_n3A_134, %reduce_max3A_135 [0] : vector<1000x128xf32> to vector<128xf32>
    %broadcast_in_dim3A_137 = vector.shape_cast %reduce_max3A_136 : vector<128xf32> to vector<1x128xf32>
    %jit3A_138 = arith.constant 1.000000e+30 : f32
    %broadcast_in_dim3A_139 = vector.shape_cast %gt3A_129 : vector<1000x1xi1> to vector<1000x1xi1>
    %broadcast_in_dim3A_140 = vector.broadcast %broadcast_in_dim3A_139 : vector<1000x1xi1> to vector<1000x128xi1>
    %broadcast_in_dim3A_141 = vector.broadcast %jit3A_138 : f32 to vector<1000x128xf32>
    %select_n3A_142 = arith.select %broadcast_in_dim3A_140, %get3A_6, %broadcast_in_dim3A_141 : vector<1000x128xi1>, vector<1000x128xf32>
    %reduce_min3A_143 = arith.constant dense<0x7F800000> : vector<128xf32>
    %reduce_min3A_144 = vector.multi_reduction <minimumf>, %select_n3A_142, %reduce_min3A_143 [0] : vector<1000x128xf32> to vector<128xf32>
    %broadcast_in_dim3A_145 = vector.shape_cast %reduce_min3A_144 : vector<128xf32> to vector<1x128xf32>
    %get3A_146 = arith.constant 3 : index
    %get3A_147 = arith.constant 0 : index
    %get3A_148 = vector.load %arg14[%get3A_146, %get3A_147] : memref<16x128xf32, #tpu.memory_space<vmem>>, vector<1x128xf32>
    %max3A_149 = arith.maximumf %get3A_148, %broadcast_in_dim3A_137 : vector<1x128xf32>
    %swap3A_150 = arith.constant 3 : index
    %swap3A_151 = arith.constant 0 : index
    %swap3A_152 = vector.load %arg14[%swap3A_150, %swap3A_151] : memref<16x128xf32, #tpu.memory_space<vmem>>, vector<1x128xf32>
    tpu.vector_store %arg14[%swap3A_150, %swap3A_151], %max3A_149 {strides = array<i32>} : memref<16x128xf32, #tpu.memory_space<vmem>>, vector<1x128xf32>,
    %get3A_153 = arith.constant 3 : index
    %get3A_154 = arith.constant 0 : index
    %get3A_155 = vector.load %arg15[%get3A_153, %get3A_154] : memref<16x128xf32, #tpu.memory_space<vmem>>, vector<1x128xf32>
    %min3A_156 = arith.minimumf %get3A_155, %broadcast_in_dim3A_145 : vector<1x128xf32>
    %swap3A_157 = arith.constant 3 : index
    %swap3A_158 = arith.constant 0 : index
    %swap3A_159 = vector.load %arg15[%swap3A_157, %swap3A_158] : memref<16x128xf32, #tpu.memory_space<vmem>>, vector<1x128xf32>
    tpu.vector_store %arg15[%swap3A_157, %swap3A_158], %min3A_156 {strides = array<i32>} : memref<16x128xf32, #tpu.memory_space<vmem>>, vector<1x128xf32>,
    %slice3A_160 = vector.extract_strided_slice %get3A_3 {offsets = [0, 4], sizes = [1000, 1], strides = [1, 1]} : vector<1000x16xf32> to vector<1000x1xf32>
    %gt3A_161 = arith.constant 0.000000e+00 : f32
    %gt3A_162 = vector.broadcast %gt3A_161 : f32 to vector<1000x1xf32>
    %gt3A_163 = arith.cmpf ogt, %slice3A_160, %gt3A_162 : vector<1000x1xf32>
    %jit3A_164 = arith.constant -1.000000e+30 : f32
    %broadcast_in_dim3A_165 = vector.shape_cast %gt3A_163 : vector<1000x1xi1> to vector<1000x1xi1>
    %broadcast_in_dim3A_166 = vector.broadcast %broadcast_in_dim3A_165 : vector<1000x1xi1> to vector<1000x128xi1>
    %broadcast_in_dim3A_167 = vector.broadcast %jit3A_164 : f32 to vector<1000x128xf32>
    %select_n3A_168 = arith.select %broadcast_in_dim3A_166, %get3A_6, %broadcast_in_dim3A_167 : vector<1000x128xi1>, vector<1000x128xf32>
    %reduce_max3A_169 = arith.constant dense<0xFF800000> : vector<128xf32>
    %reduce_max3A_170 = vector.multi_reduction <maximumf>, %select_n3A_168, %reduce_max3A_169 [0] : vector<1000x128xf32> to vector<128xf32>
    %broadcast_in_dim3A_171 = vector.shape_cast %reduce_max3A_170 : vector<128xf32> to vector<1x128xf32>
    %jit3A_172 = arith.constant 1.000000e+30 : f32
    %broadcast_in_dim3A_173 = vector.shape_cast %gt3A_163 : vector<1000x1xi1> to vector<1000x1xi1>
    %broadcast_in_dim3A_174 = vector.broadcast %broadcast_in_dim3A_173 : vector<1000x1xi1> to vector<1000x128xi1>
    %broadcast_in_dim3A_175 = vector.broadcast %jit3A_172 : f32 to vector<1000x128xf32>
    %select_n3A_176 = arith.select %broadcast_in_dim3A_174, %get3A_6, %broadcast_in_dim3A_175 : vector<1000x128xi1>, vector<1000x128xf32>
    %reduce_min3A_177 = arith.constant dense<0x7F800000> : vector<128xf32>
    %reduce_min3A_178 = vector.multi_reduction <minimumf>, %select_n3A_176, %reduce_min3A_177 [0] : vector<1000x128xf32> to vector<128xf32>
    %broadcast_in_dim3A_179 = vector.shape_cast %reduce_min3A_178 : vector<128xf32> to vector<1x128xf32>
    %get3A_180 = arith.constant 4 : index
    %get3A_181 = arith.constant 0 : index
    %get3A_182 = vector.load %arg14[%get3A_180, %get3A_181] : memref<16x128xf32, #tpu.memory_space<vmem>>, vector<1x128xf32>
    %max3A_183 = arith.maximumf %get3A_182, %broadcast_in_dim3A_171 : vector<1x128xf32>
    %swap3A_184 = arith.constant 4 : index
    %swap3A_185 = arith.constant 0 : index
    %swap3A_186 = vector.load %arg14[%swap3A_184, %swap3A_185] : memref<16x128xf32, #tpu.memory_space<vmem>>, vector<1x128xf32>
    tpu.vector_store %arg14[%swap3A_184, %swap3A_185], %max3A_183 {strides = array<i32>} : memref<16x128xf32, #tpu.memory_space<vmem>>, vector<1x128xf32>,
    %get3A_187 = arith.constant 4 : index
    %get3A_188 = arith.constant 0 : index
    %get3A_189 = vector.load %arg15[%get3A_187, %get3A_188] : memref<16x128xf32, #tpu.memory_space<vmem>>, vector<1x128xf32>
    %min3A_190 = arith.minimumf %get3A_189, %broadcast_in_dim3A_179 : vector<1x128xf32>
    %swap3A_191 = arith.constant 4 : index
    %swap3A_192 = arith.constant 0 : index
    %swap3A_193 = vector.load %arg15[%swap3A_191, %swap3A_192] : memref<16x128xf32, #tpu.memory_space<vmem>>, vector<1x128xf32>
    tpu.vector_store %arg15[%swap3A_191, %swap3A_192], %min3A_190 {strides = array<i32>} : memref<16x128xf32, #tpu.memory_space<vmem>>, vector<1x128xf32>,
    %slice3A_194 = vector.extract_strided_slice %get3A_3 {offsets = [0, 5], sizes = [1000, 1], strides = [1, 1]} : vector<1000x16xf32> to vector<1000x1xf32>
    %gt3A_195 = arith.constant 0.000000e+00 : f32
    %gt3A_196 = vector.broadcast %gt3A_195 : f32 to vector<1000x1xf32>
    %gt3A_197 = arith.cmpf ogt, %slice3A_194, %gt3A_196 : vector<1000x1xf32>
    %jit3A_198 = arith.constant -1.000000e+30 : f32
    %broadcast_in_dim3A_199 = vector.shape_cast %gt3A_197 : vector<1000x1xi1> to vector<1000x1xi1>
    %broadcast_in_dim3A_200 = vector.broadcast %broadcast_in_dim3A_199 : vector<1000x1xi1> to vector<1000x128xi1>
    %broadcast_in_dim3A_201 = vector.broadcast %jit3A_198 : f32 to vector<1000x128xf32>
    %select_n3A_202 = arith.select %broadcast_in_dim3A_200, %get3A_6, %broadcast_in_dim3A_201 : vector<1000x128xi1>, vector<1000x128xf32>
    %reduce_max3A_203 = arith.constant dense<0xFF800000> : vector<128xf32>
    %reduce_max3A_204 = vector.multi_reduction <maximumf>, %select_n3A_202, %reduce_max3A_203 [0] : vector<1000x128xf32> to vector<128xf32>
    %broadcast_in_dim3A_205 = vector.shape_cast %reduce_max3A_204 : vector<128xf32> to vector<1x128xf32>
    %jit3A_206 = arith.constant 1.000000e+30 : f32
    %broadcast_in_dim3A_207 = vector.shape_cast %gt3A_197 : vector<1000x1xi1> to vector<1000x1xi1>
    %broadcast_in_dim3A_208 = vector.broadcast %broadcast_in_dim3A_207 : vector<1000x1xi1> to vector<1000x128xi1>
    %broadcast_in_dim3A_209 = vector.broadcast %jit3A_206 : f32 to vector<1000x128xf32>
    %select_n3A_210 = arith.select %broadcast_in_dim3A_208, %get3A_6, %broadcast_in_dim3A_209 : vector<1000x128xi1>, vector<1000x128xf32>
    %reduce_min3A_211 = arith.constant dense<0x7F800000> : vector<128xf32>
    %reduce_min3A_212 = vector.multi_reduction <minimumf>, %select_n3A_210, %reduce_min3A_211 [0] : vector<1000x128xf32> to vector<128xf32>
    %broadcast_in_dim3A_213 = vector.shape_cast %reduce_min3A_212 : vector<128xf32> to vector<1x128xf32>
    %get3A_214 = arith.constant 5 : index
    %get3A_215 = arith.constant 0 : index
    %get3A_216 = vector.load %arg14[%get3A_214, %get3A_215] : memref<16x128xf32, #tpu.memory_space<vmem>>, vector<1x128xf32>
    %max3A_217 = arith.maximumf %get3A_216, %broadcast_in_dim3A_205 : vector<1x128xf32>
    %swap3A_218 = arith.constant 5 : index
    %swap3A_219 = arith.constant 0 : index
    %swap3A_220 = vector.load %arg14[%swap3A_218, %swap3A_219] : memref<16x128xf32, #tpu.memory_space<vmem>>, vector<1x128xf32>
    tpu.vector_store %arg14[%swap3A_218, %swap3A_219], %max3A_217 {strides = array<i32>} : memref<16x128xf32, #tpu.memory_space<vmem>>, vector<1x128xf32>,
    %get3A_221 = arith.constant 5 : index
    %get3A_222 = arith.constant 0 : index
    %get3A_223 = vector.load %arg15[%get3A_221, %get3A_222] : memref<16x128xf32, #tpu.memory_space<vmem>>, vector<1x128xf32>
    %min3A_224 = arith.minimumf %get3A_223, %broadcast_in_dim3A_213 : vector<1x128xf32>
    %swap3A_225 = arith.constant 5 : index
    %swap3A_226 = arith.constant 0 : index
    %swap3A_227 = vector.load %arg15[%swap3A_225, %swap3A_226] : memref<16x128xf32, #tpu.memory_space<vmem>>, vector<1x128xf32>
    tpu.vector_store %arg15[%swap3A_225, %swap3A_226], %min3A_224 {strides = array<i32>} : memref<16x128xf32, #tpu.memory_space<vmem>>, vector<1x128xf32>,
    %slice3A_228 = vector.extract_strided_slice %get3A_3 {offsets = [0, 6], sizes = [1000, 1], strides = [1, 1]} : vector<1000x16xf32> to vector<1000x1xf32>
    %gt3A_229 = arith.constant 0.000000e+00 : f32
    %gt3A_230 = vector.broadcast %gt3A_229 : f32 to vector<1000x1xf32>
    %gt3A_231 = arith.cmpf ogt, %slice3A_228, %gt3A_230 : vector<1000x1xf32>
    %jit3A_232 = arith.constant -1.000000e+30 : f32
    %broadcast_in_dim3A_233 = vector.shape_cast %gt3A_231 : vector<1000x1xi1> to vector<1000x1xi1>
    %broadcast_in_dim3A_234 = vector.broadcast %broadcast_in_dim3A_233 : vector<1000x1xi1> to vector<1000x128xi1>
    %broadcast_in_dim3A_235 = vector.broadcast %jit3A_232 : f32 to vector<1000x128xf32>
    %select_n3A_236 = arith.select %broadcast_in_dim3A_234, %get3A_6, %broadcast_in_dim3A_235 : vector<1000x128xi1>, vector<1000x128xf32>
    %reduce_max3A_237 = arith.constant dense<0xFF800000> : vector<128xf32>
    %reduce_max3A_238 = vector.multi_reduction <maximumf>, %select_n3A_236, %reduce_max3A_237 [0] : vector<1000x128xf32> to vector<128xf32>
    %broadcast_in_dim3A_239 = vector.shape_cast %reduce_max3A_238 : vector<128xf32> to vector<1x128xf32>
    %jit3A_240 = arith.constant 1.000000e+30 : f32
    %broadcast_in_dim3A_241 = vector.shape_cast %gt3A_231 : vector<1000x1xi1> to vector<1000x1xi1>
    %broadcast_in_dim3A_242 = vector.broadcast %broadcast_in_dim3A_241 : vector<1000x1xi1> to vector<1000x128xi1>
    %broadcast_in_dim3A_243 = vector.broadcast %jit3A_240 : f32 to vector<1000x128xf32>
    %select_n3A_244 = arith.select %broadcast_in_dim3A_242, %get3A_6, %broadcast_in_dim3A_243 : vector<1000x128xi1>, vector<1000x128xf32>
    %reduce_min3A_245 = arith.constant dense<0x7F800000> : vector<128xf32>
    %reduce_min3A_246 = vector.multi_reduction <minimumf>, %select_n3A_244, %reduce_min3A_245 [0] : vector<1000x128xf32> to vector<128xf32>
    %broadcast_in_dim3A_247 = vector.shape_cast %reduce_min3A_246 : vector<128xf32> to vector<1x128xf32>
    %get3A_248 = arith.constant 6 : index
    %get3A_249 = arith.constant 0 : index
    %get3A_250 = vector.load %arg14[%get3A_248, %get3A_249] : memref<16x128xf32, #tpu.memory_space<vmem>>, vector<1x128xf32>
    %max3A_251 = arith.maximumf %get3A_250, %broadcast_in_dim3A_239 : vector<1x128xf32>
    %swap3A_252 = arith.constant 6 : index
    %swap3A_253 = arith.constant 0 : index
    %swap3A_254 = vector.load %arg14[%swap3A_252, %swap3A_253] : memref<16x128xf32, #tpu.memory_space<vmem>>, vector<1x128xf32>
    tpu.vector_store %arg14[%swap3A_252, %swap3A_253], %max3A_251 {strides = array<i32>} : memref<16x128xf32, #tpu.memory_space<vmem>>, vector<1x128xf32>,
    %get3A_255 = arith.constant 6 : index
    %get3A_256 = arith.constant 0 : index
    %get3A_257 = vector.load %arg15[%get3A_255, %get3A_256] : memref<16x128xf32, #tpu.memory_space<vmem>>, vector<1x128xf32>
    %min3A_258 = arith.minimumf %get3A_257, %broadcast_in_dim3A_247 : vector<1x128xf32>
    %swap3A_259 = arith.constant 6 : index
    %swap3A_260 = arith.constant 0 : index
    %swap3A_261 = vector.load %arg15[%swap3A_259, %swap3A_260] : memref<16x128xf32, #tpu.memory_space<vmem>>, vector<1x128xf32>
    tpu.vector_store %arg15[%swap3A_259, %swap3A_260], %min3A_258 {strides = array<i32>} : memref<16x128xf32, #tpu.memory_space<vmem>>, vector<1x128xf32>,
    %slice3A_262 = vector.extract_strided_slice %get3A_3 {offsets = [0, 7], sizes = [1000, 1], strides = [1, 1]} : vector<1000x16xf32> to vector<1000x1xf32>
    %gt3A_263 = arith.constant 0.000000e+00 : f32
    %gt3A_264 = vector.broadcast %gt3A_263 : f32 to vector<1000x1xf32>
    %gt3A_265 = arith.cmpf ogt, %slice3A_262, %gt3A_264 : vector<1000x1xf32>
    %jit3A_266 = arith.constant -1.000000e+30 : f32
    %broadcast_in_dim3A_267 = vector.shape_cast %gt3A_265 : vector<1000x1xi1> to vector<1000x1xi1>
    %broadcast_in_dim3A_268 = vector.broadcast %broadcast_in_dim3A_267 : vector<1000x1xi1> to vector<1000x128xi1>
    %broadcast_in_dim3A_269 = vector.broadcast %jit3A_266 : f32 to vector<1000x128xf32>
    %select_n3A_270 = arith.select %broadcast_in_dim3A_268, %get3A_6, %broadcast_in_dim3A_269 : vector<1000x128xi1>, vector<1000x128xf32>
    %reduce_max3A_271 = arith.constant dense<0xFF800000> : vector<128xf32>
    %reduce_max3A_272 = vector.multi_reduction <maximumf>, %select_n3A_270, %reduce_max3A_271 [0] : vector<1000x128xf32> to vector<128xf32>
    %broadcast_in_dim3A_273 = vector.shape_cast %reduce_max3A_272 : vector<128xf32> to vector<1x128xf32>
    %jit3A_274 = arith.constant 1.000000e+30 : f32
    %broadcast_in_dim3A_275 = vector.shape_cast %gt3A_265 : vector<1000x1xi1> to vector<1000x1xi1>
    %broadcast_in_dim3A_276 = vector.broadcast %broadcast_in_dim3A_275 : vector<1000x1xi1> to vector<1000x128xi1>
    %broadcast_in_dim3A_277 = vector.broadcast %jit3A_274 : f32 to vector<1000x128xf32>
    %select_n3A_278 = arith.select %broadcast_in_dim3A_276, %get3A_6, %broadcast_in_dim3A_277 : vector<1000x128xi1>, vector<1000x128xf32>
    %reduce_min3A_279 = arith.constant dense<0x7F800000> : vector<128xf32>
    %reduce_min3A_280 = vector.multi_reduction <minimumf>, %select_n3A_278, %reduce_min3A_279 [0] : vector<1000x128xf32> to vector<128xf32>
    %broadcast_in_dim3A_281 = vector.shape_cast %reduce_min3A_280 : vector<128xf32> to vector<1x128xf32>
    %get3A_282 = arith.constant 7 : index
    %get3A_283 = arith.constant 0 : index
    %get3A_284 = vector.load %arg14[%get3A_282, %get3A_283] : memref<16x128xf32, #tpu.memory_space<vmem>>, vector<1x128xf32>
    %max3A_285 = arith.maximumf %get3A_284, %broadcast_in_dim3A_273 : vector<1x128xf32>
    %swap3A_286 = arith.constant 7 : index
    %swap3A_287 = arith.constant 0 : index
    %swap3A_288 = vector.load %arg14[%swap3A_286, %swap3A_287] : memref<16x128xf32, #tpu.memory_space<vmem>>, vector<1x128xf32>
    tpu.vector_store %arg14[%swap3A_286, %swap3A_287], %max3A_285 {strides = array<i32>} : memref<16x128xf32, #tpu.memory_space<vmem>>, vector<1x128xf32>,
    %get3A_289 = arith.constant 7 : index
    %get3A_290 = arith.constant 0 : index
    %get3A_291 = vector.load %arg15[%get3A_289, %get3A_290] : memref<16x128xf32, #tpu.memory_space<vmem>>, vector<1x128xf32>
    %min3A_292 = arith.minimumf %get3A_291, %broadcast_in_dim3A_281 : vector<1x128xf32>
    %swap3A_293 = arith.constant 7 : index
    %swap3A_294 = arith.constant 0 : index
    %swap3A_295 = vector.load %arg15[%swap3A_293, %swap3A_294] : memref<16x128xf32, #tpu.memory_space<vmem>>, vector<1x128xf32>
    tpu.vector_store %arg15[%swap3A_293, %swap3A_294], %min3A_292 {strides = array<i32>} : memref<16x128xf32, #tpu.memory_space<vmem>>, vector<1x128xf32>,
    %slice3A_296 = vector.extract_strided_slice %get3A_3 {offsets = [0, 8], sizes = [1000, 1], strides = [1, 1]} : vector<1000x16xf32> to vector<1000x1xf32>
    %gt3A_297 = arith.constant 0.000000e+00 : f32
    %gt3A_298 = vector.broadcast %gt3A_297 : f32 to vector<1000x1xf32>
    %gt3A_299 = arith.cmpf ogt, %slice3A_296, %gt3A_298 : vector<1000x1xf32>
    %jit3A_300 = arith.constant -1.000000e+30 : f32
    %broadcast_in_dim3A_301 = vector.shape_cast %gt3A_299 : vector<1000x1xi1> to vector<1000x1xi1>
    %broadcast_in_dim3A_302 = vector.broadcast %broadcast_in_dim3A_301 : vector<1000x1xi1> to vector<1000x128xi1>
    %broadcast_in_dim3A_303 = vector.broadcast %jit3A_300 : f32 to vector<1000x128xf32>
    %select_n3A_304 = arith.select %broadcast_in_dim3A_302, %get3A_6, %broadcast_in_dim3A_303 : vector<1000x128xi1>, vector<1000x128xf32>
    %reduce_max3A_305 = arith.constant dense<0xFF800000> : vector<128xf32>
    %reduce_max3A_306 = vector.multi_reduction <maximumf>, %select_n3A_304, %reduce_max3A_305 [0] : vector<1000x128xf32> to vector<128xf32>
    %broadcast_in_dim3A_307 = vector.shape_cast %reduce_max3A_306 : vector<128xf32> to vector<1x128xf32>
    %jit3A_308 = arith.constant 1.000000e+30 : f32
    %broadcast_in_dim3A_309 = vector.shape_cast %gt3A_299 : vector<1000x1xi1> to vector<1000x1xi1>
    %broadcast_in_dim3A_310 = vector.broadcast %broadcast_in_dim3A_309 : vector<1000x1xi1> to vector<1000x128xi1>
    %broadcast_in_dim3A_311 = vector.broadcast %jit3A_308 : f32 to vector<1000x128xf32>
    %select_n3A_312 = arith.select %broadcast_in_dim3A_310, %get3A_6, %broadcast_in_dim3A_311 : vector<1000x128xi1>, vector<1000x128xf32>
    %reduce_min3A_313 = arith.constant dense<0x7F800000> : vector<128xf32>
    %reduce_min3A_314 = vector.multi_reduction <minimumf>, %select_n3A_312, %reduce_min3A_313 [0] : vector<1000x128xf32> to vector<128xf32>
    %broadcast_in_dim3A_315 = vector.shape_cast %reduce_min3A_314 : vector<128xf32> to vector<1x128xf32>
    %get3A_316 = arith.constant 8 : index
    %get3A_317 = arith.constant 0 : index
    %get3A_318 = vector.load %arg14[%get3A_316, %get3A_317] : memref<16x128xf32, #tpu.memory_space<vmem>>, vector<1x128xf32>
    %max3A_319 = arith.maximumf %get3A_318, %broadcast_in_dim3A_307 : vector<1x128xf32>
    %swap3A_320 = arith.constant 8 : index
    %swap3A_321 = arith.constant 0 : index
    %swap3A_322 = vector.load %arg14[%swap3A_320, %swap3A_321] : memref<16x128xf32, #tpu.memory_space<vmem>>, vector<1x128xf32>
    tpu.vector_store %arg14[%swap3A_320, %swap3A_321], %max3A_319 {strides = array<i32>} : memref<16x128xf32, #tpu.memory_space<vmem>>, vector<1x128xf32>,
    %get3A_323 = arith.constant 8 : index
    %get3A_324 = arith.constant 0 : index
    %get3A_325 = vector.load %arg15[%get3A_323, %get3A_324] : memref<16x128xf32, #tpu.memory_space<vmem>>, vector<1x128xf32>
    %min3A_326 = arith.minimumf %get3A_325, %broadcast_in_dim3A_315 : vector<1x128xf32>
    %swap3A_327 = arith.constant 8 : index
    %swap3A_328 = arith.constant 0 : index
    %swap3A_329 = vector.load %arg15[%swap3A_327, %swap3A_328] : memref<16x128xf32, #tpu.memory_space<vmem>>, vector<1x128xf32>
    tpu.vector_store %arg15[%swap3A_327, %swap3A_328], %min3A_326 {strides = array<i32>} : memref<16x128xf32, #tpu.memory_space<vmem>>, vector<1x128xf32>,
    %slice3A_330 = vector.extract_strided_slice %get3A_3 {offsets = [0, 9], sizes = [1000, 1], strides = [1, 1]} : vector<1000x16xf32> to vector<1000x1xf32>
    %gt3A_331 = arith.constant 0.000000e+00 : f32
    %gt3A_332 = vector.broadcast %gt3A_331 : f32 to vector<1000x1xf32>
    %gt3A_333 = arith.cmpf ogt, %slice3A_330, %gt3A_332 : vector<1000x1xf32>
    %jit3A_334 = arith.constant -1.000000e+30 : f32
    %broadcast_in_dim3A_335 = vector.shape_cast %gt3A_333 : vector<1000x1xi1> to vector<1000x1xi1>
    %broadcast_in_dim3A_336 = vector.broadcast %broadcast_in_dim3A_335 : vector<1000x1xi1> to vector<1000x128xi1>
    %broadcast_in_dim3A_337 = vector.broadcast %jit3A_334 : f32 to vector<1000x128xf32>
    %select_n3A_338 = arith.select %broadcast_in_dim3A_336, %get3A_6, %broadcast_in_dim3A_337 : vector<1000x128xi1>, vector<1000x128xf32>
    %reduce_max3A_339 = arith.constant dense<0xFF800000> : vector<128xf32>
    %reduce_max3A_340 = vector.multi_reduction <maximumf>, %select_n3A_338, %reduce_max3A_339 [0] : vector<1000x128xf32> to vector<128xf32>
    %broadcast_in_dim3A_341 = vector.shape_cast %reduce_max3A_340 : vector<128xf32> to vector<1x128xf32>
    %jit3A_342 = arith.constant 1.000000e+30 : f32
    %broadcast_in_dim3A_343 = vector.shape_cast %gt3A_333 : vector<1000x1xi1> to vector<1000x1xi1>
    %broadcast_in_dim3A_344 = vector.broadcast %broadcast_in_dim3A_343 : vector<1000x1xi1> to vector<1000x128xi1>
    %broadcast_in_dim3A_345 = vector.broadcast %jit3A_342 : f32 to vector<1000x128xf32>
    %select_n3A_346 = arith.select %broadcast_in_dim3A_344, %get3A_6, %broadcast_in_dim3A_345 : vector<1000x128xi1>, vector<1000x128xf32>
    %reduce_min3A_347 = arith.constant dense<0x7F800000> : vector<128xf32>
    %reduce_min3A_348 = vector.multi_reduction <minimumf>, %select_n3A_346, %reduce_min3A_347 [0] : vector<1000x128xf32> to vector<128xf32>
    %broadcast_in_dim3A_349 = vector.shape_cast %reduce_min3A_348 : vector<128xf32> to vector<1x128xf32>
    %get3A_350 = arith.constant 9 : index
    %get3A_351 = arith.constant 0 : index
    %get3A_352 = vector.load %arg14[%get3A_350, %get3A_351] : memref<16x128xf32, #tpu.memory_space<vmem>>, vector<1x128xf32>
    %max3A_353 = arith.maximumf %get3A_352, %broadcast_in_dim3A_341 : vector<1x128xf32>
    %swap3A_354 = arith.constant 9 : index
    %swap3A_355 = arith.constant 0 : index
    %swap3A_356 = vector.load %arg14[%swap3A_354, %swap3A_355] : memref<16x128xf32, #tpu.memory_space<vmem>>, vector<1x128xf32>
    tpu.vector_store %arg14[%swap3A_354, %swap3A_355], %max3A_353 {strides = array<i32>} : memref<16x128xf32, #tpu.memory_space<vmem>>, vector<1x128xf32>,
    %get3A_357 = arith.constant 9 : index
    %get3A_358 = arith.constant 0 : index
    %get3A_359 = vector.load %arg15[%get3A_357, %get3A_358] : memref<16x128xf32, #tpu.memory_space<vmem>>, vector<1x128xf32>
    %min3A_360 = arith.minimumf %get3A_359, %broadcast_in_dim3A_349 : vector<1x128xf32>
    %swap3A_361 = arith.constant 9 : index
    %swap3A_362 = arith.constant 0 : index
    %swap3A_363 = vector.load %arg15[%swap3A_361, %swap3A_362] : memref<16x128xf32, #tpu.memory_space<vmem>>, vector<1x128xf32>
    tpu.vector_store %arg15[%swap3A_361, %swap3A_362], %min3A_360 {strides = array<i32>} : memref<16x128xf32, #tpu.memory_space<vmem>>, vector<1x128xf32>,
    %slice3A_364 = vector.extract_strided_slice %get3A_3 {offsets = [0, 10], sizes = [1000, 1], strides = [1, 1]} : vector<1000x16xf32> to vector<1000x1xf32>
    %gt3A_365 = arith.constant 0.000000e+00 : f32
    %gt3A_366 = vector.broadcast %gt3A_365 : f32 to vector<1000x1xf32>
    %gt3A_367 = arith.cmpf ogt, %slice3A_364, %gt3A_366 : vector<1000x1xf32>
    %jit3A_368 = arith.constant -1.000000e+30 : f32
    %broadcast_in_dim3A_369 = vector.shape_cast %gt3A_367 : vector<1000x1xi1> to vector<1000x1xi1>
    %broadcast_in_dim3A_370 = vector.broadcast %broadcast_in_dim3A_369 : vector<1000x1xi1> to vector<1000x128xi1>
    %broadcast_in_dim3A_371 = vector.broadcast %jit3A_368 : f32 to vector<1000x128xf32>
    %select_n3A_372 = arith.select %broadcast_in_dim3A_370, %get3A_6, %broadcast_in_dim3A_371 : vector<1000x128xi1>, vector<1000x128xf32>
    %reduce_max3A_373 = arith.constant dense<0xFF800000> : vector<128xf32>
    %reduce_max3A_374 = vector.multi_reduction <maximumf>, %select_n3A_372, %reduce_max3A_373 [0] : vector<1000x128xf32> to vector<128xf32>
    %broadcast_in_dim3A_375 = vector.shape_cast %reduce_max3A_374 : vector<128xf32> to vector<1x128xf32>
    %jit3A_376 = arith.constant 1.000000e+30 : f32
    %broadcast_in_dim3A_377 = vector.shape_cast %gt3A_367 : vector<1000x1xi1> to vector<1000x1xi1>
    %broadcast_in_dim3A_378 = vector.broadcast %broadcast_in_dim3A_377 : vector<1000x1xi1> to vector<1000x128xi1>
    %broadcast_in_dim3A_379 = vector.broadcast %jit3A_376 : f32 to vector<1000x128xf32>
    %select_n3A_380 = arith.select %broadcast_in_dim3A_378, %get3A_6, %broadcast_in_dim3A_379 : vector<1000x128xi1>, vector<1000x128xf32>
    %reduce_min3A_381 = arith.constant dense<0x7F800000> : vector<128xf32>
    %reduce_min3A_382 = vector.multi_reduction <minimumf>, %select_n3A_380, %reduce_min3A_381 [0] : vector<1000x128xf32> to vector<128xf32>
    %broadcast_in_dim3A_383 = vector.shape_cast %reduce_min3A_382 : vector<128xf32> to vector<1x128xf32>
    %get3A_384 = arith.constant 10 : index
    %get3A_385 = arith.constant 0 : index
    %get3A_386 = vector.load %arg14[%get3A_384, %get3A_385] : memref<16x128xf32, #tpu.memory_space<vmem>>, vector<1x128xf32>
    %max3A_387 = arith.maximumf %get3A_386, %broadcast_in_dim3A_375 : vector<1x128xf32>
    %swap3A_388 = arith.constant 10 : index
    %swap3A_389 = arith.constant 0 : index
    %swap3A_390 = vector.load %arg14[%swap3A_388, %swap3A_389] : memref<16x128xf32, #tpu.memory_space<vmem>>, vector<1x128xf32>
    tpu.vector_store %arg14[%swap3A_388, %swap3A_389], %max3A_387 {strides = array<i32>} : memref<16x128xf32, #tpu.memory_space<vmem>>, vector<1x128xf32>,
    %get3A_391 = arith.constant 10 : index
    %get3A_392 = arith.constant 0 : index
    %get3A_393 = vector.load %arg15[%get3A_391, %get3A_392] : memref<16x128xf32, #tpu.memory_space<vmem>>, vector<1x128xf32>
    %min3A_394 = arith.minimumf %get3A_393, %broadcast_in_dim3A_383 : vector<1x128xf32>
    %swap3A_395 = arith.constant 10 : index
    %swap3A_396 = arith.constant 0 : index
    %swap3A_397 = vector.load %arg15[%swap3A_395, %swap3A_396] : memref<16x128xf32, #tpu.memory_space<vmem>>, vector<1x128xf32>
    tpu.vector_store %arg15[%swap3A_395, %swap3A_396], %min3A_394 {strides = array<i32>} : memref<16x128xf32, #tpu.memory_space<vmem>>, vector<1x128xf32>,
    %slice3A_398 = vector.extract_strided_slice %get3A_3 {offsets = [0, 11], sizes = [1000, 1], strides = [1, 1]} : vector<1000x16xf32> to vector<1000x1xf32>
    %gt3A_399 = arith.constant 0.000000e+00 : f32
    %gt3A_400 = vector.broadcast %gt3A_399 : f32 to vector<1000x1xf32>
    %gt3A_401 = arith.cmpf ogt, %slice3A_398, %gt3A_400 : vector<1000x1xf32>
    %jit3A_402 = arith.constant -1.000000e+30 : f32
    %broadcast_in_dim3A_403 = vector.shape_cast %gt3A_401 : vector<1000x1xi1> to vector<1000x1xi1>
    %broadcast_in_dim3A_404 = vector.broadcast %broadcast_in_dim3A_403 : vector<1000x1xi1> to vector<1000x128xi1>
    %broadcast_in_dim3A_405 = vector.broadcast %jit3A_402 : f32 to vector<1000x128xf32>
    %select_n3A_406 = arith.select %broadcast_in_dim3A_404, %get3A_6, %broadcast_in_dim3A_405 : vector<1000x128xi1>, vector<1000x128xf32>
    %reduce_max3A_407 = arith.constant dense<0xFF800000> : vector<128xf32>
    %reduce_max3A_408 = vector.multi_reduction <maximumf>, %select_n3A_406, %reduce_max3A_407 [0] : vector<1000x128xf32> to vector<128xf32>
    %broadcast_in_dim3A_409 = vector.shape_cast %reduce_max3A_408 : vector<128xf32> to vector<1x128xf32>
    %jit3A_410 = arith.constant 1.000000e+30 : f32
    %broadcast_in_dim3A_411 = vector.shape_cast %gt3A_401 : vector<1000x1xi1> to vector<1000x1xi1>
    %broadcast_in_dim3A_412 = vector.broadcast %broadcast_in_dim3A_411 : vector<1000x1xi1> to vector<1000x128xi1>
    %broadcast_in_dim3A_413 = vector.broadcast %jit3A_410 : f32 to vector<1000x128xf32>
    %select_n3A_414 = arith.select %broadcast_in_dim3A_412, %get3A_6, %broadcast_in_dim3A_413 : vector<1000x128xi1>, vector<1000x128xf32>
    %reduce_min3A_415 = arith.constant dense<0x7F800000> : vector<128xf32>
    %reduce_min3A_416 = vector.multi_reduction <minimumf>, %select_n3A_414, %reduce_min3A_415 [0] : vector<1000x128xf32> to vector<128xf32>
    %broadcast_in_dim3A_417 = vector.shape_cast %reduce_min3A_416 : vector<128xf32> to vector<1x128xf32>
    %get3A_418 = arith.constant 11 : index
    %get3A_419 = arith.constant 0 : index
    %get3A_420 = vector.load %arg14[%get3A_418, %get3A_419] : memref<16x128xf32, #tpu.memory_space<vmem>>, vector<1x128xf32>
    %max3A_421 = arith.maximumf %get3A_420, %broadcast_in_dim3A_409 : vector<1x128xf32>
    %swap3A_422 = arith.constant 11 : index
    %swap3A_423 = arith.constant 0 : index
    %swap3A_424 = vector.load %arg14[%swap3A_422, %swap3A_423] : memref<16x128xf32, #tpu.memory_space<vmem>>, vector<1x128xf32>
    tpu.vector_store %arg14[%swap3A_422, %swap3A_423], %max3A_421 {strides = array<i32>} : memref<16x128xf32, #tpu.memory_space<vmem>>, vector<1x128xf32>,
    %get3A_425 = arith.constant 11 : index
    %get3A_426 = arith.constant 0 : index
    %get3A_427 = vector.load %arg15[%get3A_425, %get3A_426] : memref<16x128xf32, #tpu.memory_space<vmem>>, vector<1x128xf32>
    %min3A_428 = arith.minimumf %get3A_427, %broadcast_in_dim3A_417 : vector<1x128xf32>
    %swap3A_429 = arith.constant 11 : index
    %swap3A_430 = arith.constant 0 : index
    %swap3A_431 = vector.load %arg15[%swap3A_429, %swap3A_430] : memref<16x128xf32, #tpu.memory_space<vmem>>, vector<1x128xf32>
    tpu.vector_store %arg15[%swap3A_429, %swap3A_430], %min3A_428 {strides = array<i32>} : memref<16x128xf32, #tpu.memory_space<vmem>>, vector<1x128xf32>,
    %slice3A_432 = vector.extract_strided_slice %get3A_3 {offsets = [0, 12], sizes = [1000, 1], strides = [1, 1]} : vector<1000x16xf32> to vector<1000x1xf32>
    %gt3A_433 = arith.constant 0.000000e+00 : f32
    %gt3A_434 = vector.broadcast %gt3A_433 : f32 to vector<1000x1xf32>
    %gt3A_435 = arith.cmpf ogt, %slice3A_432, %gt3A_434 : vector<1000x1xf32>
    %jit3A_436 = arith.constant -1.000000e+30 : f32
    %broadcast_in_dim3A_437 = vector.shape_cast %gt3A_435 : vector<1000x1xi1> to vector<1000x1xi1>
    %broadcast_in_dim3A_438 = vector.broadcast %broadcast_in_dim3A_437 : vector<1000x1xi1> to vector<1000x128xi1>
    %broadcast_in_dim3A_439 = vector.broadcast %jit3A_436 : f32 to vector<1000x128xf32>
    %select_n3A_440 = arith.select %broadcast_in_dim3A_438, %get3A_6, %broadcast_in_dim3A_439 : vector<1000x128xi1>, vector<1000x128xf32>
    %reduce_max3A_441 = arith.constant dense<0xFF800000> : vector<128xf32>
    %reduce_max3A_442 = vector.multi_reduction <maximumf>, %select_n3A_440, %reduce_max3A_441 [0] : vector<1000x128xf32> to vector<128xf32>
    %broadcast_in_dim3A_443 = vector.shape_cast %reduce_max3A_442 : vector<128xf32> to vector<1x128xf32>
    %jit3A_444 = arith.constant 1.000000e+30 : f32
    %broadcast_in_dim3A_445 = vector.shape_cast %gt3A_435 : vector<1000x1xi1> to vector<1000x1xi1>
    %broadcast_in_dim3A_446 = vector.broadcast %broadcast_in_dim3A_445 : vector<1000x1xi1> to vector<1000x128xi1>
    %broadcast_in_dim3A_447 = vector.broadcast %jit3A_444 : f32 to vector<1000x128xf32>
    %select_n3A_448 = arith.select %broadcast_in_dim3A_446, %get3A_6, %broadcast_in_dim3A_447 : vector<1000x128xi1>, vector<1000x128xf32>
    %reduce_min3A_449 = arith.constant dense<0x7F800000> : vector<128xf32>
    %reduce_min3A_450 = vector.multi_reduction <minimumf>, %select_n3A_448, %reduce_min3A_449 [0] : vector<1000x128xf32> to vector<128xf32>
    %broadcast_in_dim3A_451 = vector.shape_cast %reduce_min3A_450 : vector<128xf32> to vector<1x128xf32>
    %get3A_452 = arith.constant 12 : index
    %get3A_453 = arith.constant 0 : index
    %get3A_454 = vector.load %arg14[%get3A_452, %get3A_453] : memref<16x128xf32, #tpu.memory_space<vmem>>, vector<1x128xf32>
    %max3A_455 = arith.maximumf %get3A_454, %broadcast_in_dim3A_443 : vector<1x128xf32>
    %swap3A_456 = arith.constant 12 : index
    %swap3A_457 = arith.constant 0 : index
    %swap3A_458 = vector.load %arg14[%swap3A_456, %swap3A_457] : memref<16x128xf32, #tpu.memory_space<vmem>>, vector<1x128xf32>
    tpu.vector_store %arg14[%swap3A_456, %swap3A_457], %max3A_455 {strides = array<i32>} : memref<16x128xf32, #tpu.memory_space<vmem>>, vector<1x128xf32>,
    %get3A_459 = arith.constant 12 : index
    %get3A_460 = arith.constant 0 : index
    %get3A_461 = vector.load %arg15[%get3A_459, %get3A_460] : memref<16x128xf32, #tpu.memory_space<vmem>>, vector<1x128xf32>
    %min3A_462 = arith.minimumf %get3A_461, %broadcast_in_dim3A_451 : vector<1x128xf32>
    %swap3A_463 = arith.constant 12 : index
    %swap3A_464 = arith.constant 0 : index
    %swap3A_465 = vector.load %arg15[%swap3A_463, %swap3A_464] : memref<16x128xf32, #tpu.memory_space<vmem>>, vector<1x128xf32>
    tpu.vector_store %arg15[%swap3A_463, %swap3A_464], %min3A_462 {strides = array<i32>} : memref<16x128xf32, #tpu.memory_space<vmem>>, vector<1x128xf32>,
    %slice3A_466 = vector.extract_strided_slice %get3A_3 {offsets = [0, 13], sizes = [1000, 1], strides = [1, 1]} : vector<1000x16xf32> to vector<1000x1xf32>
    %gt3A_467 = arith.constant 0.000000e+00 : f32
    %gt3A_468 = vector.broadcast %gt3A_467 : f32 to vector<1000x1xf32>
    %gt3A_469 = arith.cmpf ogt, %slice3A_466, %gt3A_468 : vector<1000x1xf32>
    %jit3A_470 = arith.constant -1.000000e+30 : f32
    %broadcast_in_dim3A_471 = vector.shape_cast %gt3A_469 : vector<1000x1xi1> to vector<1000x1xi1>
    %broadcast_in_dim3A_472 = vector.broadcast %broadcast_in_dim3A_471 : vector<1000x1xi1> to vector<1000x128xi1>
    %broadcast_in_dim3A_473 = vector.broadcast %jit3A_470 : f32 to vector<1000x128xf32>
    %select_n3A_474 = arith.select %broadcast_in_dim3A_472, %get3A_6, %broadcast_in_dim3A_473 : vector<1000x128xi1>, vector<1000x128xf32>
    %reduce_max3A_475 = arith.constant dense<0xFF800000> : vector<128xf32>
    %reduce_max3A_476 = vector.multi_reduction <maximumf>, %select_n3A_474, %reduce_max3A_475 [0] : vector<1000x128xf32> to vector<128xf32>
    %broadcast_in_dim3A_477 = vector.shape_cast %reduce_max3A_476 : vector<128xf32> to vector<1x128xf32>
    %jit3A_478 = arith.constant 1.000000e+30 : f32
    %broadcast_in_dim3A_479 = vector.shape_cast %gt3A_469 : vector<1000x1xi1> to vector<1000x1xi1>
    %broadcast_in_dim3A_480 = vector.broadcast %broadcast_in_dim3A_479 : vector<1000x1xi1> to vector<1000x128xi1>
    %broadcast_in_dim3A_481 = vector.broadcast %jit3A_478 : f32 to vector<1000x128xf32>
    %select_n3A_482 = arith.select %broadcast_in_dim3A_480, %get3A_6, %broadcast_in_dim3A_481 : vector<1000x128xi1>, vector<1000x128xf32>
    %reduce_min3A_483 = arith.constant dense<0x7F800000> : vector<128xf32>
    %reduce_min3A_484 = vector.multi_reduction <minimumf>, %select_n3A_482, %reduce_min3A_483 [0] : vector<1000x128xf32> to vector<128xf32>
    %broadcast_in_dim3A_485 = vector.shape_cast %reduce_min3A_484 : vector<128xf32> to vector<1x128xf32>
    %get3A_486 = arith.constant 13 : index
    %get3A_487 = arith.constant 0 : index
    %get3A_488 = vector.load %arg14[%get3A_486, %get3A_487] : memref<16x128xf32, #tpu.memory_space<vmem>>, vector<1x128xf32>
    %max3A_489 = arith.maximumf %get3A_488, %broadcast_in_dim3A_477 : vector<1x128xf32>
    %swap3A_490 = arith.constant 13 : index
    %swap3A_491 = arith.constant 0 : index
    %swap3A_492 = vector.load %arg14[%swap3A_490, %swap3A_491] : memref<16x128xf32, #tpu.memory_space<vmem>>, vector<1x128xf32>
    tpu.vector_store %arg14[%swap3A_490, %swap3A_491], %max3A_489 {strides = array<i32>} : memref<16x128xf32, #tpu.memory_space<vmem>>, vector<1x128xf32>,
    %get3A_493 = arith.constant 13 : index
    %get3A_494 = arith.constant 0 : index
    %get3A_495 = vector.load %arg15[%get3A_493, %get3A_494] : memref<16x128xf32, #tpu.memory_space<vmem>>, vector<1x128xf32>
    %min3A_496 = arith.minimumf %get3A_495, %broadcast_in_dim3A_485 : vector<1x128xf32>
    %swap3A_497 = arith.constant 13 : index
    %swap3A_498 = arith.constant 0 : index
    %swap3A_499 = vector.load %arg15[%swap3A_497, %swap3A_498] : memref<16x128xf32, #tpu.memory_space<vmem>>, vector<1x128xf32>
    tpu.vector_store %arg15[%swap3A_497, %swap3A_498], %min3A_496 {strides = array<i32>} : memref<16x128xf32, #tpu.memory_space<vmem>>, vector<1x128xf32>,
    %slice3A_500 = vector.extract_strided_slice %get3A_3 {offsets = [0, 14], sizes = [1000, 1], strides = [1, 1]} : vector<1000x16xf32> to vector<1000x1xf32>
    %gt3A_501 = arith.constant 0.000000e+00 : f32
    %gt3A_502 = vector.broadcast %gt3A_501 : f32 to vector<1000x1xf32>
    %gt3A_503 = arith.cmpf ogt, %slice3A_500, %gt3A_502 : vector<1000x1xf32>
    %jit3A_504 = arith.constant -1.000000e+30 : f32
    %broadcast_in_dim3A_505 = vector.shape_cast %gt3A_503 : vector<1000x1xi1> to vector<1000x1xi1>
    %broadcast_in_dim3A_506 = vector.broadcast %broadcast_in_dim3A_505 : vector<1000x1xi1> to vector<1000x128xi1>
    %broadcast_in_dim3A_507 = vector.broadcast %jit3A_504 : f32 to vector<1000x128xf32>
    %select_n3A_508 = arith.select %broadcast_in_dim3A_506, %get3A_6, %broadcast_in_dim3A_507 : vector<1000x128xi1>, vector<1000x128xf32>
    %reduce_max3A_509 = arith.constant dense<0xFF800000> : vector<128xf32>
    %reduce_max3A_510 = vector.multi_reduction <maximumf>, %select_n3A_508, %reduce_max3A_509 [0] : vector<1000x128xf32> to vector<128xf32>
    %broadcast_in_dim3A_511 = vector.shape_cast %reduce_max3A_510 : vector<128xf32> to vector<1x128xf32>
    %jit3A_512 = arith.constant 1.000000e+30 : f32
    %broadcast_in_dim3A_513 = vector.shape_cast %gt3A_503 : vector<1000x1xi1> to vector<1000x1xi1>
    %broadcast_in_dim3A_514 = vector.broadcast %broadcast_in_dim3A_513 : vector<1000x1xi1> to vector<1000x128xi1>
    %broadcast_in_dim3A_515 = vector.broadcast %jit3A_512 : f32 to vector<1000x128xf32>
    %select_n3A_516 = arith.select %broadcast_in_dim3A_514, %get3A_6, %broadcast_in_dim3A_515 : vector<1000x128xi1>, vector<1000x128xf32>
    %reduce_min3A_517 = arith.constant dense<0x7F800000> : vector<128xf32>
    %reduce_min3A_518 = vector.multi_reduction <minimumf>, %select_n3A_516, %reduce_min3A_517 [0] : vector<1000x128xf32> to vector<128xf32>
    %broadcast_in_dim3A_519 = vector.shape_cast %reduce_min3A_518 : vector<128xf32> to vector<1x128xf32>
    %get3A_520 = arith.constant 14 : index
    %get3A_521 = arith.constant 0 : index
    %get3A_522 = vector.load %arg14[%get3A_520, %get3A_521] : memref<16x128xf32, #tpu.memory_space<vmem>>, vector<1x128xf32>
    %max3A_523 = arith.maximumf %get3A_522, %broadcast_in_dim3A_511 : vector<1x128xf32>
    %swap3A_524 = arith.constant 14 : index
    %swap3A_525 = arith.constant 0 : index
    %swap3A_526 = vector.load %arg14[%swap3A_524, %swap3A_525] : memref<16x128xf32, #tpu.memory_space<vmem>>, vector<1x128xf32>
    tpu.vector_store %arg14[%swap3A_524, %swap3A_525], %max3A_523 {strides = array<i32>} : memref<16x128xf32, #tpu.memory_space<vmem>>, vector<1x128xf32>,
    %get3A_527 = arith.constant 14 : index
    %get3A_528 = arith.constant 0 : index
    %get3A_529 = vector.load %arg15[%get3A_527, %get3A_528] : memref<16x128xf32, #tpu.memory_space<vmem>>, vector<1x128xf32>
    %min3A_530 = arith.minimumf %get3A_529, %broadcast_in_dim3A_519 : vector<1x128xf32>
    %swap3A_531 = arith.constant 14 : index
    %swap3A_532 = arith.constant 0 : index
    %swap3A_533 = vector.load %arg15[%swap3A_531, %swap3A_532] : memref<16x128xf32, #tpu.memory_space<vmem>>, vector<1x128xf32>
    tpu.vector_store %arg15[%swap3A_531, %swap3A_532], %min3A_530 {strides = array<i32>} : memref<16x128xf32, #tpu.memory_space<vmem>>, vector<1x128xf32>,
    %slice3A_534 = vector.extract_strided_slice %get3A_3 {offsets = [0, 15], sizes = [1000, 1], strides = [1, 1]} : vector<1000x16xf32> to vector<1000x1xf32>
    %gt3A_535 = arith.constant 0.000000e+00 : f32
    %gt3A_536 = vector.broadcast %gt3A_535 : f32 to vector<1000x1xf32>
    %gt3A_537 = arith.cmpf ogt, %slice3A_534, %gt3A_536 : vector<1000x1xf32>
    %jit3A_538 = arith.constant -1.000000e+30 : f32
    %broadcast_in_dim3A_539 = vector.shape_cast %gt3A_537 : vector<1000x1xi1> to vector<1000x1xi1>
    %broadcast_in_dim3A_540 = vector.broadcast %broadcast_in_dim3A_539 : vector<1000x1xi1> to vector<1000x128xi1>
    %broadcast_in_dim3A_541 = vector.broadcast %jit3A_538 : f32 to vector<1000x128xf32>
    %select_n3A_542 = arith.select %broadcast_in_dim3A_540, %get3A_6, %broadcast_in_dim3A_541 : vector<1000x128xi1>, vector<1000x128xf32>
    %reduce_max3A_543 = arith.constant dense<0xFF800000> : vector<128xf32>
    %reduce_max3A_544 = vector.multi_reduction <maximumf>, %select_n3A_542, %reduce_max3A_543 [0] : vector<1000x128xf32> to vector<128xf32>
    %broadcast_in_dim3A_545 = vector.shape_cast %reduce_max3A_544 : vector<128xf32> to vector<1x128xf32>
    %jit3A_546 = arith.constant 1.000000e+30 : f32
    %broadcast_in_dim3A_547 = vector.shape_cast %gt3A_537 : vector<1000x1xi1> to vector<1000x1xi1>
    %broadcast_in_dim3A_548 = vector.broadcast %broadcast_in_dim3A_547 : vector<1000x1xi1> to vector<1000x128xi1>
    %broadcast_in_dim3A_549 = vector.broadcast %jit3A_546 : f32 to vector<1000x128xf32>
    %select_n3A_550 = arith.select %broadcast_in_dim3A_548, %get3A_6, %broadcast_in_dim3A_549 : vector<1000x128xi1>, vector<1000x128xf32>
    %reduce_min3A_551 = arith.constant dense<0x7F800000> : vector<128xf32>
    %reduce_min3A_552 = vector.multi_reduction <minimumf>, %select_n3A_550, %reduce_min3A_551 [0] : vector<1000x128xf32> to vector<128xf32>
    %broadcast_in_dim3A_553 = vector.shape_cast %reduce_min3A_552 : vector<128xf32> to vector<1x128xf32>
    %get3A_554 = arith.constant 15 : index
    %get3A_555 = arith.constant 0 : index
    %get3A_556 = vector.load %arg14[%get3A_554, %get3A_555] : memref<16x128xf32, #tpu.memory_space<vmem>>, vector<1x128xf32>
    %max3A_557 = arith.maximumf %get3A_556, %broadcast_in_dim3A_545 : vector<1x128xf32>
    %swap3A_558 = arith.constant 15 : index
    %swap3A_559 = arith.constant 0 : index
    %swap3A_560 = vector.load %arg14[%swap3A_558, %swap3A_559] : memref<16x128xf32, #tpu.memory_space<vmem>>, vector<1x128xf32>
    tpu.vector_store %arg14[%swap3A_558, %swap3A_559], %max3A_557 {strides = array<i32>} : memref<16x128xf32, #tpu.memory_space<vmem>>, vector<1x128xf32>,
    %get3A_561 = arith.constant 15 : index
    %get3A_562 = arith.constant 0 : index
    %get3A_563 = vector.load %arg15[%get3A_561, %get3A_562] : memref<16x128xf32, #tpu.memory_space<vmem>>, vector<1x128xf32>
    %min3A_564 = arith.minimumf %get3A_563, %broadcast_in_dim3A_553 : vector<1x128xf32>
    %swap3A_565 = arith.constant 15 : index
    %swap3A_566 = arith.constant 0 : index
    %swap3A_567 = vector.load %arg15[%swap3A_565, %swap3A_566] : memref<16x128xf32, #tpu.memory_space<vmem>>, vector<1x128xf32>
    tpu.vector_store %arg15[%swap3A_565, %swap3A_566], %min3A_564 {strides = array<i32>} : memref<16x128xf32, #tpu.memory_space<vmem>>, vector<1x128xf32>,
    %eq3A_568 = arith.constant 9 : i32
    %eq3A_569 = arith.cmpi eq, %arg0, %eq3A_568 : i32
    %convert_element_type3A_570 = arith.extui %eq3A_569 : i1 to i32
    %cond3A_571 = arith.constant 0 : i32
    %cond3A_572 = arith.cmpi ne, %convert_element_type3A_570, %cond3A_571 : i32
    scf.if %cond3A_572 {
      %get3A_573 = arith.constant 0 : index
      %get3A_574 = arith.constant 0 : index
      %get3A_575 = vector.load %arg11[%get3A_573, %get3A_574] : memref<16x128xf32, #tpu.memory_space<vmem>>, vector<16x128xf32>
      %max3A_576 = arith.constant 1.000000e+00 : f32
      %max3A_577 = vector.broadcast %max3A_576 : f32 to vector<16x128xf32>
      %max3A_578 = arith.maximumf %get3A_575, %max3A_577 : vector<16x128xf32>
      %get3A_579 = arith.constant 0 : index
      %get3A_580 = arith.constant 0 : index
      %get3A_581 = vector.load %arg12[%get3A_579, %get3A_580] : memref<16x128xf32, #tpu.memory_space<vmem>>, vector<16x128xf32>
      %div3A = arith.divf %get3A_581, %max3A_578 : vector<16x128xf32>
      %get3A_582 = arith.constant 0 : index
      %get3A_583 = arith.constant 0 : index
      %get3A_584 = vector.load %arg13[%get3A_582, %get3A_583] : memref<16x128xf32, #tpu.memory_space<vmem>>, vector<16x128xf32>
      %div3A_585 = arith.divf %get3A_584, %max3A_578 : vector<16x128xf32>
      %mul3A_586 = arith.mulf %div3A, %div3A : vector<16x128xf32>
      %sub3A = arith.subf %div3A_585, %mul3A_586 : vector<16x128xf32>
      %max3A_587 = arith.constant 9.99999974E-6 : f32
      %max3A_588 = vector.broadcast %max3A_587 : f32 to vector<16x128xf32>
      %max3A_589 = arith.maximumf %sub3A, %max3A_588 : vector<16x128xf32>
      %sqrt3A = math.sqrt %max3A_589 : vector<16x128xf32>
      %get3A_590 = arith.constant 0 : index
      %get3A_591 = arith.constant 0 : index
      %get3A_592 = vector.load %arg3[%get3A_590, %get3A_591] : memref<16x128xf32, #tpu.memory_space<vmem>>, vector<16x128xf32>
      %get3A_593 = arith.constant 0 : index
      %get3A_594 = arith.constant 0 : index
      %get3A_595 = vector.load %arg14[%get3A_593, %get3A_594] : memref<16x128xf32, #tpu.memory_space<vmem>>, vector<16x128xf32>
      %get3A_596 = arith.constant 0 : index
      %get3A_597 = arith.constant 0 : index
      %get3A_598 = vector.load %arg15[%get3A_596, %get3A_597] : memref<16x128xf32, #tpu.memory_space<vmem>>, vector<16x128xf32>
      %concatenate3A = tpu.concatenate %get3A_592, %div3A, %sqrt3A, %get3A_595, %get3A_598 in 1 : vector<16x128xf32>, vector<16x128xf32>, vector<16x128xf32>, vector<16x128xf32>, vector<16x128xf32> -> vector<16x640xf32>
      %get3A_599 = arith.constant 0 : index
      %get3A_600 = arith.constant 0 : index
      %get3A_601 = vector.load %arg4[%get3A_599, %get3A_600] : memref<640x128xf32, #tpu.memory_space<vmem>>, vector<640x128xf32>
      %dot_general3A_602 = arith.constant dense<0.000000e+00> : vector<16x128xf32>
      %dot_general3A_603 = tpu.matmul %concatenate3A, %get3A_601, %dot_general3A_602 {dimension_numbers = #tpu.dot_dimension_numbers<[1], [0], [0], [1], [0, 0, 1, 1], [], []>, transpose_lhs_hint = false} : vector<16x640xf32>, vector<640x128xf32>, vector<16x128xf32> -> vector<16x128xf32>
      %get3A_604 = arith.constant 0 : index
      %get3A_605 = arith.constant 0 : index
      %get3A_606 = vector.load %arg5[%get3A_604, %get3A_605] : memref<1x128xf32, #tpu.memory_space<vmem>>, vector<1x128xf32>
      %add3A_607 = vector.broadcast %get3A_606 : vector<1x128xf32> to vector<16x128xf32>
      %add3A_608 = arith.addf %dot_general3A_603, %add3A_607 : vector<16x128xf32>
      %gt3A_609 = arith.constant 0.000000e+00 : f32
      %gt3A_610 = vector.broadcast %gt3A_609 : f32 to vector<16x128xf32>
      %gt3A_611 = arith.cmpf ogt, %add3A_608, %gt3A_610 : vector<16x128xf32>
      %exp3A = math.exp %add3A_608 : vector<16x128xf32>
      %sub3A_612 = arith.constant 1.000000e+00 : f32
      %sub3A_613 = vector.broadcast %sub3A_612 : f32 to vector<16x128xf32>
      %sub3A_614 = arith.subf %exp3A, %sub3A_613 : vector<16x128xf32>
      %mul3A_615 = arith.constant 1.67326319 : f32
      %mul3A_616 = vector.broadcast %mul3A_615 : f32 to vector<16x128xf32>
      %mul3A_617 = arith.mulf %mul3A_616, %sub3A_614 : vector<16x128xf32>
      %select_n3A_618 = arith.select %gt3A_611, %add3A_608, %mul3A_617 : vector<16x128xi1>, vector<16x128xf32>
      %mul3A_619 = arith.constant 1.05070102 : f32
      %mul3A_620 = vector.broadcast %mul3A_619 : f32 to vector<16x128xf32>
      %mul3A_621 = arith.mulf %mul3A_620, %select_n3A_618 : vector<16x128xf32>
      %get3A_622 = arith.constant 0 : index
      %get3A_623 = arith.constant 0 : index
      %get3A_624 = vector.load %arg6[%get3A_622, %get3A_623] : memref<1x128xf32, #tpu.memory_space<vmem>>, vector<1x128xf32>
      %get3A_625 = arith.constant 0 : index
      %get3A_626 = arith.constant 0 : index
      %get3A_627 = vector.load %arg7[%get3A_625, %get3A_626] : memref<1x128xf32, #tpu.memory_space<vmem>>, vector<1x128xf32>
      %reduce_sum3A = arith.constant dense<0.000000e+00> : vector<16xf32>
      %reduce_sum3A_628 = vector.multi_reduction <add>, %mul3A_621, %reduce_sum3A [1] : vector<16x128xf32> to vector<16xf32>
      %broadcast_in_dim3A_629 = vector.shape_cast %reduce_sum3A_628 : vector<16xf32> to vector<16x1xf32>
      %div3A_630 = arith.constant 1.280000e+02 : f32
      %div3A_631 = vector.broadcast %div3A_630 : f32 to vector<16x1xf32>
      %div3A_632 = arith.divf %broadcast_in_dim3A_629, %div3A_631 : vector<16x1xf32>
      %sub3A_633 = vector.broadcast %div3A_632 : vector<16x1xf32> to vector<16x128xf32>
      %sub3A_634 = arith.subf %mul3A_621, %sub3A_633 : vector<16x128xf32>
      %integer_pow3A = arith.mulf %sub3A_634, %sub3A_634 : vector<16x128xf32>
      %reduce_sum3A_635 = arith.constant dense<0.000000e+00> : vector<16xf32>
      %reduce_sum3A_636 = vector.multi_reduction <add>, %integer_pow3A, %reduce_sum3A_635 [1] : vector<16x128xf32> to vector<16xf32>
      %broadcast_in_dim3A_637 = vector.shape_cast %reduce_sum3A_636 : vector<16xf32> to vector<16x1xf32>
      %div3A_638 = arith.constant 1.280000e+02 : f32
      %div3A_639 = vector.broadcast %div3A_638 : f32 to vector<16x1xf32>
      %div3A_640 = arith.divf %broadcast_in_dim3A_637, %div3A_639 : vector<16x1xf32>
      %sub3A_641 = vector.broadcast %div3A_632 : vector<16x1xf32> to vector<16x128xf32>
      %sub3A_642 = arith.subf %mul3A_621, %sub3A_641 : vector<16x128xf32>
      %add3A_643 = arith.constant 9.99999974E-6 : f32
      %add3A_644 = vector.broadcast %add3A_643 : f32 to vector<16x1xf32>
      %add3A_645 = arith.addf %div3A_640, %add3A_644 : vector<16x1xf32>
      %sqrt3A_646 = math.sqrt %add3A_645 : vector<16x1xf32>
      %div3A_647 = vector.broadcast %sqrt3A_646 : vector<16x1xf32> to vector<16x128xf32>
      %div3A_648 = arith.divf %sub3A_642, %div3A_647 : vector<16x128xf32>
      %mul3A_649 = vector.broadcast %get3A_624 : vector<1x128xf32> to vector<16x128xf32>
      %mul3A_650 = arith.mulf %div3A_648, %mul3A_649 : vector<16x128xf32>
      %add3A_651 = vector.broadcast %get3A_627 : vector<1x128xf32> to vector<16x128xf32>
      %add3A_652 = arith.addf %mul3A_650, %add3A_651 : vector<16x128xf32>
      %get3A_653 = arith.constant 0 : index
      %get3A_654 = arith.constant 0 : index
      %get3A_655 = vector.load %arg8[%get3A_653, %get3A_654] : memref<128x128xf32, #tpu.memory_space<vmem>>, vector<128x128xf32>
      %dot_general3A_656 = arith.constant dense<0.000000e+00> : vector<16x128xf32>
      %dot_general3A_657 = tpu.matmul %add3A_652, %get3A_655, %dot_general3A_656 {dimension_numbers = #tpu.dot_dimension_numbers<[1], [0], [0], [1], [0, 0, 1, 1], [], []>, transpose_lhs_hint = false} : vector<16x128xf32>, vector<128x128xf32>, vector<16x128xf32> -> vector<16x128xf32>
      %get3A_658 = arith.constant 0 : index
      %get3A_659 = arith.constant 0 : index
      %get3A_660 = vector.load %arg9[%get3A_658, %get3A_659] : memref<1x128xf32, #tpu.memory_space<vmem>>, vector<1x128xf32>
      %add3A_661 = vector.broadcast %get3A_660 : vector<1x128xf32> to vector<16x128xf32>
      %add3A_662 = arith.addf %dot_general3A_657, %add3A_661 : vector<16x128xf32>
      %swap3A_663 = arith.constant 0 : index
      %swap3A_664 = arith.constant 0 : index
      %swap3A_665 = vector.load %arg10[%swap3A_663, %swap3A_664] : memref<16x128xf32, #tpu.memory_space<vmem>>, vector<16x128xf32>
      tpu.vector_store %arg10[%swap3A_663, %swap3A_664], %add3A_662 {strides = array<i32>} : memref<16x128xf32, #tpu.memory_space<vmem>>, vector<16x128xf32>,
    } else {
    }
    return
  }
  func.func @transform_0(%arg0: i32) -> (i32, i32) {
    %c0_i32 = arith.constant 0 : i32
    %c0_i32_0 = arith.constant 0 : i32
    return %arg0, %c0_i32 : i32, i32
  }
  func.func @transform_1(%arg0: i32) -> (i32, i32) {
    %c0_i32 = arith.constant 0 : i32
    %c0_i32_0 = arith.constant 0 : i32
    return %arg0, %c0_i32 : i32, i32
  }
  func.func @transform_2(%arg0: i32) -> (i32, i32) {
    %c0_i32 = arith.constant 0 : i32
    %c0_i32_0 = arith.constant 0 : i32
    %c0_i32_1 = arith.constant 0 : i32
    return %c0_i32, %c0_i32_0 : i32, i32
  }
  func.func @transform_3(%arg0: i32) -> (i32, i32) {
    %c0_i32 = arith.constant 0 : i32
    %c0_i32_0 = arith.constant 0 : i32
    %c0_i32_1 = arith.constant 0 : i32
    return %c0_i32, %c0_i32_0 : i32, i32
  }
  func.func @transform_4(%arg0: i32) -> (i32, i32) {
    %c0_i32 = arith.constant 0 : i32
    %c0_i32_0 = arith.constant 0 : i32
    %c0_i32_1 = arith.constant 0 : i32
    return %c0_i32, %c0_i32_0 : i32, i32
  }
  func.func @transform_5(%arg0: i32) -> (i32, i32) {
    %c0_i32 = arith.constant 0 : i32
    %c0_i32_0 = arith.constant 0 : i32
    %c0_i32_1 = arith.constant 0 : i32
    return %c0_i32, %c0_i32_0 : i32, i32
  }
  func.func @transform_6(%arg0: i32) -> (i32, i32) {
    %c0_i32 = arith.constant 0 : i32
    %c0_i32_0 = arith.constant 0 : i32
    %c0_i32_1 = arith.constant 0 : i32
    return %c0_i32, %c0_i32_0 : i32, i32
  }
  func.func @transform_7(%arg0: i32) -> (i32, i32) {
    %c0_i32 = arith.constant 0 : i32
    %c0_i32_0 = arith.constant 0 : i32
    %c0_i32_1 = arith.constant 0 : i32
    return %c0_i32, %c0_i32_0 : i32, i32
  }
  func.func @transform_8(%arg0: i32) -> (i32, i32) {
    %c0_i32 = arith.constant 0 : i32
    %c0_i32_0 = arith.constant 0 : i32
    %c0_i32_1 = arith.constant 0 : i32
    return %c0_i32, %c0_i32_0 : i32, i32
  }
  func.func @transform_9(%arg0: i32) -> (i32, i32) {
    %c0_i32 = arith.constant 0 : i32
    %c0_i32_0 = arith.constant 0 : i32
    %c0_i32_1 = arith.constant 0 : i32
    return %c0_i32, %c0_i32_0 : i32, i32
  }
}

</mosaic_0001>

<sc_bundles>
// kernel: scatter_offload_async_start.1
scs
__scs_entry_jumppad:
0x0: {  	(pc) =	sbr.rel $0x88, $3  }
0x1: {  	(tag) =	ssettag $0x0;
	lr =	simm.s32 $0x1  }
0x2: {  	[smem:$0x3F71] =	sst lr;
	_ =	strace $0xD0000000  }
0x3: {  	_ = 	snop  }
0x4: {  	_ = 	snop  }
0x5: {  	_ = 	snop  }
0x6: {  	_ = 	snop  }
0x7: {  	_ = 	snop  }
__scs_overlays_trampoline_lowered:
0x8: {  	[smem:$0x3F80] =	sst s0  }
0x9: {  	[smem:$0x3F81] =	sst s1  }
0xa: {  	[smem:$0x3F82] =	sst s2  }
0xb: {  	[smem:$0x3F83] =	sst s3  }
0xc: {  	[smem:$0x3F84] =	sst s4  }
0xd: {  	[smem:$0x3F85] =	sst s5  }
0xe: {  	[smem:$0x3F86] =	sst s6  }
0xf: {  	[smem:$0x3F87] =	sst s7  }
0x10: {  	[smem:$0x3F88] =	sst s8  }
0x11: {  	[smem:$0x3F89] =	sst s9;
	s0 =	simm.s32 @!p0 $0x0  }
0x12: {  	s1 =	sld [smem:$0x3F6F];
	s0 =	simm.s32 @p0 $0x1  }
0x13: {  	[smem:$0x3F8A] =	sst s0;
	s0 =	simm.s32 @!p1 $0x0  }
0x14: {  	s2 =	sld [smem:$0x3F6E];
	s0 =	simm.s32 @p1 $0x1  }
0x15: {  	[smem:$0x3F8B] =	sst s0;
	s0 =	simm.s32 @!p2 $0x0  }
0x16: {  	s3 =	sld [smem:$0x3FDB];
	s0 =	simm.s32 @p2 $0x1  }
0x17: {  	s4 =	simm.s32 $0x1BF5;
	[smem:$0x3F8D] =	sst s0  }
0x18: {  	s0 =	sld [smem:$0x3F70];
	_ =	swait.ge [sflag:s4], $0x0  }
0x19: {  	s7 =	sld [smem:$0x3F71]  }
0x1a: {  	s8 =	sadd.s32 $0xFFFFE003, lr  }
0x1b: {  	s9 =	sadd.s32 $0xFFFFFEF7, lr;
	s5 =	simm.s32 $0xFFFFFFFF;
	p2 =	slt.u32 s8, $0xFFFFF086  }
0x1c: {  	p1 =	slt.u32 s9, $0xF7A;
	s5 =	simm.s32 @!p2 $0x0  }
0x1d: {  	s5 =	simm.s32 @p1 $0x1;
	p0 =	seq.s32 s7, s2  }
0x1e: {  	s7 =	smul.u32 @!p0 $0xF7A, s2;
	p2 =	seq.s32 @!p0 s5, $0x0  }
0x1f: {  	s9 =	smul.u32 $0xF7A, s1;
	s8 =	simm.s32 @!p0 $0x1BF5;
	p2 =	por !p2, p0  }
0x20: {  	[sflag:s8] =	ssyncset.s32 @!p0 $0xFFFFF086;
	s6 =	sadd.s32 @!p0 s3, s7;
	s7 =	simm.s32 @!p0 $0x108  }
0x21: {  	s3 =	sadd.s32 s3, s9;
	s6 =	sadd.s32 @!p0 $0x88, s6;
	s7 =	simm.s32 @p2 $0x1082  }
0x22: {  	[simem:s7], [sflag:s8] =	dma.local @!p0 [hbm:s6], $0xF7A  }
0x23: {  	s9 =	sor.u32 $0xD0000000, s2;
	s6 =	simm.s32 $0x108;
	_ =	swait.ge @!p0 [sflag:s8], $0x0  }
0x24: {  	s3 =	sadd.s32 $0x88, s3;
	s6 =	simm.s32 @!p1 $0x1082;
	[sflag:s4] =	ssyncset.s32 $0xFFFFF086  }
0x25: {  	[simem:s6], [sflag:s4] =	dma.local [hbm:s3], $0xF7A  }
0x26: {  	[smem:$0x3F71] =	sst s1;
	(tag) =	ssettag s2;
	_ =	strace s9  }
0x27: {  	s1 =	sld [smem:$0x3F81]  }
0x28: {  	s2 =	sld [smem:$0x3F82]  }
0x29: {  	s4 =	sld [smem:$0x3F84]  }
0x2a: {  	p0 =	seq.s32 s5, $0x0;
	s5 =	sld [smem:$0x3F85]  }
0x2b: {  	s6 =	sld [smem:$0x3F86]  }
0x2c: {  	s7 =	sld [smem:$0x3F87]  }
0x2d: {  	s3 =	simm.s32 $0x108;
	s8 =	sld [smem:$0x3F88]  }
0x2e: {  	s3 =	simm.s32 @!p0 $0x1082;
	s9 =	sld [smem:$0x3F89]  }
0x2f: {  	lr =	sadd.s32 s0, s3;
	s0 =	sld [smem:$0x3F80]  }
0x30: {  	s3 =	sld [smem:$0x3F83]  }
0x31: {  	[smem:$0x3F8C] =	sst s10  }
0x32: {  	s10 =	sld [smem:$0x3F8A];
	_ =	sdelay $0x3  }
0x33: {  	p0 =	seq.s32 s10, $0x1;
	s10 =	sld [smem:$0x3F8C];
	_ =	sdelay $0x3  }
0x34: {  	[smem:$0x3F8C] =	sst s10  }
0x35: {  	s10 =	sld [smem:$0x3F8B];
	_ =	sdelay $0x3  }
0x36: {  	p1 =	seq.s32 s10, $0x1;
	s10 =	sld [smem:$0x3F8C];
	_ =	sdelay $0x3  }
0x37: {  	[smem:$0x3F8C] =	sst s10  }
0x38: {  	s10 =	sld [smem:$0x3F8D]  }
0x39: {  	_ = 	snop;
	(pc) =	sbr.ind lr, $3  }
0x3a: {  	_ = 	snop  }
0x3b: {  	_ = 	snop  }
0x3c: {  	p2 =	seq.s32 s10, $0x1;
	s10 =	sld [smem:$0x3F8C]  }
0x3d: {  	_ =	shalt  }
0x3e: {  	_ =	shalt  }
0x3f: {  	_ =	shalt  }
0x40: {  	_ =	shalt  }
0x41: {  	_ =	shalt  }
0x42: {  	_ =	shalt  }
0x43: {  	_ =	shalt  }
0x44: {  	_ =	shalt  }
0x45: {  	_ =	shalt  }
0x46: {  	_ =	shalt  }
0x47: {  	_ =	shalt  }
0x48: {  	_ =	shalt  }
0x49: {  	_ =	shalt  }
0x4a: {  	_ =	shalt  }
0x4b: {  	_ =	shalt  }
0x4c: {  	_ =	shalt  }
0x4d: {  	_ =	shalt  }
0x4e: {  	_ =	shalt  }
0x4f: {  	_ =	shalt  }
0x50: {  	_ =	shalt  }
0x51: {  	_ =	shalt  }
0x52: {  	_ =	shalt  }
0x53: {  	_ =	shalt  }
0x54: {  	_ =	shalt  }
0x55: {  	_ =	shalt  }
0x56: {  	_ =	shalt  }
0x57: {  	_ =	shalt  }
0x58: {  	_ =	shalt  }
0x59: {  	_ =	shalt  }
0x5a: {  	_ =	shalt  }
0x5b: {  	_ =	shalt  }
0x5c: {  	_ =	shalt  }
0x5d: {  	_ =	shalt  }
0x5e: {  	_ =	shalt  }
0x5f: {  	_ =	shalt  }
0x60: {  	_ =	shalt  }
0x61: {  	_ =	shalt  }
0x62: {  	_ =	shalt  }
0x63: {  	_ =	shalt  }
0x64: {  	_ =	shalt  }
0x65: {  	_ =	shalt  }
0x66: {  	_ =	shalt  }
0x67: {  	_ =	shalt  }
0x68: {  	_ =	shalt  }
0x69: {  	_ =	shalt  }
0x6a: {  	_ =	shalt  }
0x6b: {  	_ =	shalt  }
0x6c: {  	_ =	shalt  }
0x6d: {  	_ =	shalt  }
0x6e: {  	_ =	shalt  }
0x6f: {  	_ =	shalt  }
0x70: {  	_ =	shalt  }
0x71: {  	_ =	shalt  }
0x72: {  	_ =	shalt  }
0x73: {  	_ =	shalt  }
0x74: {  	_ =	shalt  }
0x75: {  	_ =	shalt  }
0x76: {  	_ =	shalt  }
0x77: {  	_ =	shalt  }
0x78: {  	_ =	shalt  }
0x79: {  	_ =	shalt  }
0x7a: {  	_ =	shalt  }
0x7b: {  	_ =	shalt  }
0x7c: {  	_ =	shalt  }
0x7d: {  	_ =	shalt  }
0x7e: {  	_ =	shalt  }
0x7f: {  	_ =	shalt  }
0x80: {  	_ =	shalt  }
0x81: {  	_ =	shalt  }
0x82: {  	_ =	shalt  }
0x83: {  	_ =	shalt  }
0x84: {  	_ =	shalt  }
0x85: {  	_ =	shalt  }
0x86: {  	_ =	shalt  }
0x87: {  	_ =	shalt  }
.Lfunc_end0:
.L_simem_size_0:
called_computation.1_lowered:
.L_overlay_start_0:
0x88: {  	s2 =	sld [smem:$0x3FD9]  }
0x89: {  	s3 =	sld [smem:$0x3FFE];
	_ =	sdelay $0x1  }
0x8a: {  	s1 =	srdreg.scid  }
0x8b: {  	s0 =	sand.u32 $0x1, s1  }
0x8c: {  	s15 =	sshll.u32 s0, $0xA;
	s2 =	sadd.s32 s3, s2  }
0x8d: {  	s2 =	sadd.s32 s2, s15  }
0x8e: {  	[smem:$0x3F98] =	sst s2  }
0x8f: {  	_ = 	snop  }
0x90: {  	(tm) =	ssettm $0x1  }
0x91: {  	s16 =	sld [smem:$0x3FFB];
	_ =	sdelay $0x3  }
0x92: {  	_ =	strace s16  }
0x93: {  	s2 =	sld [smem:$0x3FFC];
	_ =	sdelay $0x3  }
0x94: {  	_ =	strace s2  }
0x95: {  	s2 =	sld [smem:$0x3FFD];
	_ =	sdelay $0x3  }
0x96: {  	_ =	strace s2  }
0x97: {  	_ =	strace $0x8FFFFFFF  }
0x98: {  	s17 =	sld [smem:$0x3FDB];
	_ =	sdelay $0x1  }
0x99: {  	s18 =	simm.s32 $_scs_section_size  }
0x9a: {  	s4 =	simm.s32 $_size__tile_overlayer_lowered;
	s5 =	simm.s32 $_tile_overlayer_lowered  }
0x9b: {  	s21 =	simm.s32 $0x1BFF;
	s20 =	sshll.u32 s5, $0x1;
	s2 =	sadd.s32 s18, s17  }
0x9c: {  	s6 =	simm.s32 $0x0;
	s19 =	sshll.u32 s4, $0x1;
	s4 =	sadd.s32 s20, s2  }
0x9d: {  	[timem:s6], [sflag:s21] =	dma.local [hbm:s4], s19  }
0x9e: {  	_ =	swait.ge [sflag:s21], s19  }
0x9f: {  	s3 =	ssub.s32 $0x0, s19;
	[sflag:s21] =	ssyncset.done $0x0  }
0xa0: {  	[sflag:s21] =	ssyncadd.s32 s3;
	_ =	sdelay $0x1  }
0xa1: {  	s22 =	simm.s32 $0x1B8B  }
0xa2: {  	_ =	swait.ge [sflag:s22], $0x1  }
0xa3: {  	[sflag:s22] =	ssyncset.done $0x0  }
0xa4: {  	s23 =	sld [smem:$0x3FFE];
	[sflag:s22] =	ssyncadd.s32 $0xFFFFFFFF  }
0xa5: {  	s25 =	simm.s32 $0x1B8E;
	s24 =	sld [smem:$0x0]  }
0xa6: {  	s26 =	simm.s32 $execute0_lowered;
	[smem:$0x3FD2] =	sst s25  }
0xa7: {  	s5 =	sshll.u32 s26, $0x1;
	_ =	strace $0x8000004C;
	[dreg:$0x1] =	wrdreg $0xFFFFFFFF  }
0xa8: {  	s28 =	simm.s32 $_size_execute0_lowered;
	s2 =	sadd.s32 s2, s5;
	[dreg:$0x0] =	wrdreg $0x0  }
0xa9: {  	s5 =	sshll.u32 s28, $0x1;
	[dreg:$0x2] =	wrdreg s2  }
0xaa: {  	[dreg:$0x3] =	wrdreg s5  }
0xab: {  	[dreg:$0x4] =	wrdreg $0xC0  }
0xac: {  	_ =	task [dreg:s6], $0x5FFFF  }
0xad: {  	[dreg:$0x1] =	wrdreg $0xFFFFFFFF  }
0xae: {  	[dreg:$0x0] =	wrdreg $0x60  }
0xaf: {  	[dreg:$0x2] =	wrdreg s23  }
0xb0: {  	[dreg:$0x3] =	wrdreg s1  }
0xb1: {  	[dreg:$0x4] =	wrdreg s24  }
0xb2: {  	[dreg:$0x5] =	wrdreg $0x9  }
0xb3: {  	_ =	task.clear_ibuf [dreg:s6], $0x6FFFF;
	_ =	strace $0x9000004C  }
0xb4: {  	s29 =	simm.s32 $0x9;
	_ =	strace $0x8000004E  }
0xb5: {  	_ =	swait.ge [sflag:s29], $0x1  }
0xb6: {  	[sflag:s29] =	ssyncadd.s32 $0xFFFFFFFF  }
0xb7: {  	_ =	strace $0x9000004E  }
0xb8: {  	_ =	sfence  }
0xb9: {  	s30 =	sld [smem:$0x0];
	_ =	sdelay $0x2  }
0xba: {  	s31 =	sshll.u32 s1, $0xD;
	s1 =	sshrl.u32 s1, $0x2  }
0xbb: {  	s3 =	sand.u32 $0x4000, s31;
	s1 =	sadd.s32 s1, s30  }
0xbc: {  	s0 =	sor.u32 s3, s0;
	s1 =	sshll.u32 s1, $0x11  }
0xbd: {  	s0 =	sor.u32 s1, s0  }
0xbe: {  	s0 =	sadd.s32 $0x8F2B, s0  }
0xbf: {  	[sflag:s0] =	ssyncadd.remote.s32 $0x1  }
0xc0: {  	_ =	sfence.sel $0xFFFF  }
0xc1: {  	[dreg:$0x0] =	wrdreg $0xFFFFFFFF;
	(pc) =	sbr.abs _section_cstart, $3  }
0xc2: {  	[dreg:$0x1] =	wrdreg $0xFFFFFFFF  }
0xc3: {  	_ =	task.clear_ibuf [dreg:s6], $0x2FFFF;
	_ =	strace $0x9FFFFFFF  }
0xc4: {  	(tm) =	ssettm $0x7FFFFFFF  }
0xc5: {  	_ =	shalt  }
tec
execute0_lowered:
.L_overlay_start_1:
0x0: {  	(tag) =	ssettag $0x1  }
0x1: {  	s11 =	rddreg [dreg:$0x0]  }
0x2: {  	s2 =	rddreg [dreg:$0x1];
	_ =	strace $0x8000004D;
	s12 =	simm.s32 $0x1  }
0x3: {  	v0 =	vimm.s32 $0x0;
	[sflag:s12] =	ssyncpa.u1 $0x0  }
0x4: {  	[tilespmem:$0x28] =	vst v0  }
0x5: {  	[tilespmem:$0x38] =	vst v0  }
0x6: {  	[tilespmem:$0x48] =	vst v0  }
0x7: {  	[tilespmem:$0x58] =	vst v0  }
0x8: {  	[tilespmem:$0x68] =	vst v0  }
0x9: {  	[tilespmem:$0x78] =	vst v0  }
0xa: {  	[tilespmem:$0x88] =	vst v0  }
0xb: {  	[tilespmem:$0x98] =	vst v0  }
0xc: {  	[tilespmem:$0xA8] =	vst v0  }
0xd: {  	[tilespmem:$0xB8] =	vst v0  }
0xe: {  	[tilespmem:$0xC8] =	vst v0  }
0xf: {  	[tilespmem:$0xD8] =	vst v0  }
0x10: {  	[tilespmem:$0xE8] =	vst v0  }
0x11: {  	[tilespmem:$0xF8] =	vst v0  }
0x12: {  	[tilespmem:$0x108] =	vst v0  }
0x13: {  	[tilespmem:$0x118] =	vst v0  }
0x14: {  	[tilespmem:$0x128] =	vst v0  }
0x15: {  	[tilespmem:$0x138] =	vst v0  }
0x16: {  	[tilespmem:$0x148] =	vst v0  }
0x17: {  	[tilespmem:$0x158] =	vst v0  }
0x18: {  	[tilespmem:$0x168] =	vst v0  }
0x19: {  	[tilespmem:$0x178] =	vst v0  }
0x1a: {  	[tilespmem:$0x188] =	vst v0  }
0x1b: {  	[tilespmem:$0x198] =	vst v0  }
0x1c: {  	[tilespmem:$0x1A8] =	vst v0  }
0x1d: {  	[tilespmem:$0x1B8] =	vst v0  }
0x1e: {  	[tilespmem:$0x1C8] =	vst v0  }
0x1f: {  	[tilespmem:$0x1D8] =	vst v0  }
0x20: {  	[tilespmem:$0x1E8] =	vst v0  }
0x21: {  	[tilespmem:$0x1F8] =	vst v0  }
0x22: {  	[tilespmem:$0x208] =	vst v0  }
0x23: {  	[tilespmem:$0x218] =	vst v0  }
0x24: {  	[tilespmem:$0x228] =	vst v0  }
0x25: {  	[tilespmem:$0x238] =	vst v0  }
0x26: {  	[tilespmem:$0x248] =	vst v0  }
0x27: {  	[tilespmem:$0x258] =	vst v0  }
0x28: {  	[tilespmem:$0x268] =	vst v0  }
0x29: {  	[tilespmem:$0x278] =	vst v0  }
0x2a: {  	[tilespmem:$0x288] =	vst v0  }
0x2b: {  	[tilespmem:$0x298] =	vst v0  }
0x2c: {  	[tilespmem:$0x2A8] =	vst v0  }
0x2d: {  	[tilespmem:$0x2B8] =	vst v0  }
0x2e: {  	[tilespmem:$0x2C8] =	vst v0  }
0x2f: {  	[tilespmem:$0x2D8] =	vst v0  }
0x30: {  	[tilespmem:$0x2E8] =	vst v0  }
0x31: {  	[tilespmem:$0x2F8] =	vst v0  }
0x32: {  	[tilespmem:$0x308] =	vst v0  }
0x33: {  	[tilespmem:$0x318] =	vst v0  }
0x34: {  	[tilespmem:$0x328] =	vst v0  }
0x35: {  	[tilespmem:$0x338] =	vst v0  }
0x36: {  	[tilespmem:$0x348] =	vst v0  }
0x37: {  	[tilespmem:$0x358] =	vst v0  }
0x38: {  	[tilespmem:$0x368] =	vst v0  }
0x39: {  	[tilespmem:$0x378] =	vst v0  }
0x3a: {  	[tilespmem:$0x388] =	vst v0  }
0x3b: {  	[tilespmem:$0x398] =	vst v0  }
0x3c: {  	[tilespmem:$0x3A8] =	vst v0  }
0x3d: {  	[tilespmem:$0x3B8] =	vst v0  }
0x3e: {  	[tilespmem:$0x3C8] =	vst v0  }
0x3f: {  	[tilespmem:$0x3D8] =	vst v0  }
0x40: {  	[tilespmem:$0x3E8] =	vst v0  }
0x41: {  	[tilespmem:$0x3F8] =	vst v0  }
0x42: {  	[tilespmem:$0x408] =	vst v0  }
0x43: {  	[tilespmem:$0x418] =	vst v0  }
0x44: {  	[tilespmem:$0x428] =	vst v0  }
0x45: {  	[tilespmem:$0x438] =	vst v0  }
0x46: {  	[tilespmem:$0x448] =	vst v0  }
0x47: {  	[tilespmem:$0x458] =	vst v0  }
0x48: {  	[tilespmem:$0x468] =	vst v0  }
0x49: {  	[tilespmem:$0x478] =	vst v0  }
0x4a: {  	[tilespmem:$0x488] =	vst v0  }
0x4b: {  	[tilespmem:$0x498] =	vst v0  }
0x4c: {  	[tilespmem:$0x4A8] =	vst v0  }
0x4d: {  	[tilespmem:$0x4B8] =	vst v0  }
0x4e: {  	[tilespmem:$0x4C8] =	vst v0  }
0x4f: {  	[tilespmem:$0x4D8] =	vst v0  }
0x50: {  	[tilespmem:$0x4E8] =	vst v0  }
0x51: {  	[tilespmem:$0x4F8] =	vst v0  }
0x52: {  	[tilespmem:$0x508] =	vst v0  }
0x53: {  	[tilespmem:$0x518] =	vst v0  }
0x54: {  	[tilespmem:$0x528] =	vst v0  }
0x55: {  	[tilespmem:$0x538] =	vst v0  }
0x56: {  	[tilespmem:$0x548] =	vst v0  }
0x57: {  	[tilespmem:$0x558] =	vst v0  }
0x58: {  	[tilespmem:$0x568] =	vst v0  }
0x59: {  	[tilespmem:$0x578] =	vst v0  }
0x5a: {  	[tilespmem:$0x588] =	vst v0  }
0x5b: {  	[tilespmem:$0x598] =	vst v0  }
0x5c: {  	[tilespmem:$0x5A8] =	vst v0  }
0x5d: {  	[tilespmem:$0x5B8] =	vst v0  }
0x5e: {  	[tilespmem:$0x5C8] =	vst v0  }
0x5f: {  	[tilespmem:$0x5D8] =	vst v0  }
0x60: {  	[tilespmem:$0x5E8] =	vst v0  }
0x61: {  	[tilespmem:$0x5F8] =	vst v0  }
0x62: {  	[tilespmem:$0x608] =	vst v0  }
0x63: {  	[tilespmem:$0x618] =	vst v0  }
0x64: {  	[tilespmem:$0x628] =	vst v0  }
0x65: {  	[tilespmem:$0x638] =	vst v0  }
0x66: {  	[tilespmem:$0x648] =	vst v0  }
0x67: {  	[tilespmem:$0x658] =	vst v0  }
0x68: {  	[tilespmem:$0x668] =	vst v0  }
0x69: {  	[tilespmem:$0x678] =	vst v0  }
0x6a: {  	[tilespmem:$0x688] =	vst v0  }
0x6b: {  	[tilespmem:$0x698] =	vst v0  }
0x6c: {  	[tilespmem:$0x6A8] =	vst v0  }
0x6d: {  	[tilespmem:$0x6B8] =	vst v0  }
0x6e: {  	[tilespmem:$0x6C8] =	vst v0  }
0x6f: {  	[tilespmem:$0x6D8] =	vst v0  }
0x70: {  	[tilespmem:$0x6E8] =	vst v0  }
0x71: {  	[tilespmem:$0x6F8] =	vst v0  }
0x72: {  	[tilespmem:$0x708] =	vst v0  }
0x73: {  	[tilespmem:$0x718] =	vst v0  }
0x74: {  	[tilespmem:$0x728] =	vst v0  }
0x75: {  	[tilespmem:$0x738] =	vst v0  }
0x76: {  	[tilespmem:$0x748] =	vst v0  }
0x77: {  	[tilespmem:$0x758] =	vst v0  }
0x78: {  	[tilespmem:$0x768] =	vst v0  }
0x79: {  	[tilespmem:$0x778] =	vst v0  }
0x7a: {  	[tilespmem:$0x788] =	vst v0  }
0x7b: {  	[tilespmem:$0x798] =	vst v0  }
0x7c: {  	[tilespmem:$0x7A8] =	vst v0  }
0x7d: {  	[tilespmem:$0x7B8] =	vst v0  }
0x7e: {  	[tilespmem:$0x7C8] =	vst v0  }
0x7f: {  	[tilespmem:$0x7D8] =	vst v0  }
0x80: {  	[tilespmem:$0x7E8] =	vst v0  }
0x81: {  	[tilespmem:$0x7F8] =	vst v0  }
0x82: {  	[tilespmem:$0x808] =	vst v0  }
0x83: {  	[tilespmem:$0x818] =	vst v0  }
0x84: {  	[tilespmem:$0x828] =	vst v0  }
0x85: {  	[tilespmem:$0x838] =	vst v0  }
0x86: {  	[tilespmem:$0x848] =	vst v0  }
0x87: {  	[tilespmem:$0x858] =	vst v0  }
0x88: {  	[tilespmem:$0x868] =	vst v0  }
0x89: {  	[tilespmem:$0x878] =	vst v0  }
0x8a: {  	[tilespmem:$0x888] =	vst v0  }
0x8b: {  	[tilespmem:$0x898] =	vst v0  }
0x8c: {  	[tilespmem:$0x8A8] =	vst v0  }
0x8d: {  	[tilespmem:$0x8B8] =	vst v0  }
0x8e: {  	[tilespmem:$0x8C8] =	vst v0  }
0x8f: {  	[tilespmem:$0x8D8] =	vst v0  }
0x90: {  	[tilespmem:$0x8E8] =	vst v0  }
0x91: {  	[tilespmem:$0x8F8] =	vst v0  }
0x92: {  	[tilespmem:$0x908] =	vst v0  }
0x93: {  	[tilespmem:$0x918] =	vst v0  }
0x94: {  	[tilespmem:$0x928] =	vst v0  }
0x95: {  	[tilespmem:$0x938] =	vst v0  }
0x96: {  	[tilespmem:$0x948] =	vst v0  }
0x97: {  	[tilespmem:$0x958] =	vst v0  }
0x98: {  	[tilespmem:$0x968] =	vst v0  }
0x99: {  	[tilespmem:$0x978] =	vst v0  }
0x9a: {  	[tilespmem:$0x988] =	vst v0  }
0x9b: {  	[tilespmem:$0x998] =	vst v0  }
0x9c: {  	[tilespmem:$0x9A8] =	vst v0  }
0x9d: {  	[tilespmem:$0x9B8] =	vst v0  }
0x9e: {  	[tilespmem:$0x9C8] =	vst v0  }
0x9f: {  	[tilespmem:$0x9D8] =	vst v0  }
0xa0: {  	[tilespmem:$0x9E8] =	vst v0  }
0xa1: {  	[tilespmem:$0x9F8] =	vst v0  }
0xa2: {  	[tilespmem:$0xA08] =	vst v0  }
0xa3: {  	[tilespmem:$0xA18] =	vst v0  }
0xa4: {  	[tilespmem:$0xA28] =	vst v0  }
0xa5: {  	[tilespmem:$0xA38] =	vst v0  }
0xa6: {  	[tilespmem:$0xA48] =	vst v0  }
0xa7: {  	[tilespmem:$0xA58] =	vst v0  }
0xa8: {  	[tilespmem:$0xA68] =	vst v0  }
0xa9: {  	[tilespmem:$0xA78] =	vst v0  }
0xaa: {  	[tilespmem:$0xA88] =	vst v0  }
0xab: {  	[tilespmem:$0xA98] =	vst v0  }
0xac: {  	[tilespmem:$0xAA8] =	vst v0  }
0xad: {  	[tilespmem:$0xAB8] =	vst v0  }
0xae: {  	[tilespmem:$0xAC8] =	vst v0  }
0xaf: {  	[tilespmem:$0xAD8] =	vst v0  }
0xb0: {  	[tilespmem:$0xAE8] =	vst v0  }
0xb1: {  	[tilespmem:$0xAF8] =	vst v0  }
0xb2: {  	[tilespmem:$0xB08] =	vst v0  }
0xb3: {  	[tilespmem:$0xB18] =	vst v0  }
0xb4: {  	[tilespmem:$0xB28] =	vst v0  }
0xb5: {  	[tilespmem:$0xB38] =	vst v0  }
0xb6: {  	[tilespmem:$0xB48] =	vst v0  }
0xb7: {  	[tilespmem:$0xB58] =	vst v0  }
0xb8: {  	[tilespmem:$0xB68] =	vst v0  }
0xb9: {  	[tilespmem:$0xB78] =	vst v0  }
0xba: {  	[tilespmem:$0xB88] =	vst v0  }
0xbb: {  	[tilespmem:$0xB98] =	vst v0  }
0xbc: {  	[tilespmem:$0xBA8] =	vst v0  }
0xbd: {  	[tilespmem:$0xBB8] =	vst v0  }
0xbe: {  	[tilespmem:$0xBC8] =	vst v0  }
0xbf: {  	[tilespmem:$0xBD8] =	vst v0  }
0xc0: {  	[tilespmem:$0xBE8] =	vst v0  }
0xc1: {  	[tilespmem:$0xBF8] =	vst v0  }
0xc2: {  	[tilespmem:$0xC08] =	vst v0  }
0xc3: {  	[tilespmem:$0xC18] =	vst v0  }
0xc4: {  	[tilespmem:$0xC28] =	vst v0  }
0xc5: {  	[tilespmem:$0xC38] =	vst v0  }
0xc6: {  	[tilespmem:$0xC48] =	vst v0  }
0xc7: {  	[tilespmem:$0xC58] =	vst v0  }
0xc8: {  	[tilespmem:$0xC68] =	vst v0  }
0xc9: {  	[tilespmem:$0xC78] =	vst v0  }
0xca: {  	[tilespmem:$0xC88] =	vst v0  }
0xcb: {  	[tilespmem:$0xC98] =	vst v0  }
0xcc: {  	[tilespmem:$0xCA8] =	vst v0  }
0xcd: {  	[tilespmem:$0xCB8] =	vst v0  }
0xce: {  	[tilespmem:$0xCC8] =	vst v0  }
0xcf: {  	[tilespmem:$0xCD8] =	vst v0  }
0xd0: {  	[tilespmem:$0xCE8] =	vst v0  }
0xd1: {  	[tilespmem:$0xCF8] =	vst v0  }
0xd2: {  	[tilespmem:$0xD08] =	vst v0  }
0xd3: {  	[tilespmem:$0xD18] =	vst v0  }
0xd4: {  	[tilespmem:$0xD28] =	vst v0  }
0xd5: {  	[tilespmem:$0xD38] =	vst v0  }
0xd6: {  	[tilespmem:$0xD48] =	vst v0  }
0xd7: {  	[tilespmem:$0xD58] =	vst v0  }
0xd8: {  	[tilespmem:$0xD68] =	vst v0  }
0xd9: {  	[tilespmem:$0xD78] =	vst v0  }
0xda: {  	[tilespmem:$0xD88] =	vst v0  }
0xdb: {  	[tilespmem:$0xD98] =	vst v0  }
0xdc: {  	[tilespmem:$0xDA8] =	vst v0  }
0xdd: {  	[tilespmem:$0xDB8] =	vst v0  }
0xde: {  	[tilespmem:$0xDC8] =	vst v0  }
0xdf: {  	[tilespmem:$0xDD8] =	vst v0  }
0xe0: {  	[tilespmem:$0xDE8] =	vst v0  }
0xe1: {  	[tilespmem:$0xDF8] =	vst v0  }
0xe2: {  	[tilespmem:$0xE08] =	vst v0  }
0xe3: {  	[tilespmem:$0xE18] =	vst v0  }
0xe4: {  	[tilespmem:$0xE28] =	vst v0  }
0xe5: {  	[tilespmem:$0xE38] =	vst v0  }
0xe6: {  	[tilespmem:$0xE48] =	vst v0  }
0xe7: {  	[tilespmem:$0xE58] =	vst v0  }
0xe8: {  	[tilespmem:$0xE68] =	vst v0  }
0xe9: {  	[tilespmem:$0xE78] =	vst v0  }
0xea: {  	[tilespmem:$0xE88] =	vst v0  }
0xeb: {  	[tilespmem:$0xE98] =	vst v0  }
0xec: {  	[tilespmem:$0xEA8] =	vst v0  }
0xed: {  	[tilespmem:$0xEB8] =	vst v0  }
0xee: {  	[tilespmem:$0xEC8] =	vst v0  }
0xef: {  	[tilespmem:$0xED8] =	vst v0  }
0xf0: {  	[tilespmem:$0xEE8] =	vst v0  }
0xf1: {  	[tilespmem:$0xEF8] =	vst v0  }
0xf2: {  	[tilespmem:$0xF08] =	vst v0  }
0xf3: {  	[tilespmem:$0xF18] =	vst v0  }
0xf4: {  	[tilespmem:$0xF28] =	vst v0  }
0xf5: {  	[tilespmem:$0xF38] =	vst v0  }
0xf6: {  	[tilespmem:$0xF48] =	vst v0  }
0xf7: {  	[tilespmem:$0xF58] =	vst v0  }
0xf8: {  	[tilespmem:$0xF68] =	vst v0  }
0xf9: {  	[tilespmem:$0xF78] =	vst v0  }
0xfa: {  	[tilespmem:$0xF88] =	vst v0  }
0xfb: {  	[tilespmem:$0xF98] =	vst v0  }
0xfc: {  	[tilespmem:$0xFA8] =	vst v0  }
0xfd: {  	[tilespmem:$0xFB8] =	vst v0  }
0xfe: {  	[tilespmem:$0xFC8] =	vst v0  }
0xff: {  	[tilespmem:$0xFD8] =	vst v0  }
0x100: {  	[tilespmem:$0xFE8] =	vst v0  }
0x101: {  	[tilespmem:$0xFF8] =	vst v0  }
0x102: {  	[tilespmem:$0x1028] =	vst v0  }
0x103: {  	[tilespmem:$0x10E8] =	vst v0  }
0x104: {  	[tilespmem:$0x1068] =	vst v0  }
0x105: {  	[tilespmem:$0x1B28] =	vst v0  }
0x106: {  	[tilespmem:$0x1B18] =	vst v0  }
0x107: {  	[tilespmem:$0x1B08] =	vst v0  }
0x108: {  	[tilespmem:$0x1AF8] =	vst v0  }
0x109: {  	[tilespmem:$0x1AE8] =	vst v0  }
0x10a: {  	[tilespmem:$0x1AD8] =	vst v0  }
0x10b: {  	[tilespmem:$0x1AC8] =	vst v0  }
0x10c: {  	[tilespmem:$0x1AB8] =	vst v0  }
0x10d: {  	[tilespmem:$0x1AA8] =	vst v0  }
0x10e: {  	[tilespmem:$0x1A98] =	vst v0  }
0x10f: {  	[tilespmem:$0x1A88] =	vst v0  }
0x110: {  	[tilespmem:$0x1A78] =	vst v0  }
0x111: {  	[tilespmem:$0x1A68] =	vst v0  }
0x112: {  	[tilespmem:$0x1A58] =	vst v0  }
0x113: {  	[tilespmem:$0x1A48] =	vst v0  }
0x114: {  	[tilespmem:$0x1A38] =	vst v0  }
0x115: {  	[tilespmem:$0x1A28] =	vst v0  }
0x116: {  	[tilespmem:$0x1A18] =	vst v0  }
0x117: {  	[tilespmem:$0x1A08] =	vst v0  }
0x118: {  	[tilespmem:$0x19F8] =	vst v0  }
0x119: {  	[tilespmem:$0x19E8] =	vst v0  }
0x11a: {  	[tilespmem:$0x19D8] =	vst v0  }
0x11b: {  	[tilespmem:$0x19C8] =	vst v0  }
0x11c: {  	[tilespmem:$0x19B8] =	vst v0  }
0x11d: {  	[tilespmem:$0x19A8] =	vst v0  }
0x11e: {  	[tilespmem:$0x1998] =	vst v0  }
0x11f: {  	[tilespmem:$0x1988] =	vst v0  }
0x120: {  	[tilespmem:$0x1978] =	vst v0  }
0x121: {  	[tilespmem:$0x1968] =	vst v0  }
0x122: {  	[tilespmem:$0x1958] =	vst v0  }
0x123: {  	[tilespmem:$0x1948] =	vst v0  }
0x124: {  	[tilespmem:$0x1938] =	vst v0  }
0x125: {  	[tilespmem:$0x1928] =	vst v0  }
0x126: {  	[tilespmem:$0x1918] =	vst v0  }
0x127: {  	[tilespmem:$0x1908] =	vst v0  }
0x128: {  	[tilespmem:$0x18F8] =	vst v0  }
0x129: {  	[tilespmem:$0x18E8] =	vst v0  }
0x12a: {  	[tilespmem:$0x18D8] =	vst v0  }
0x12b: {  	[tilespmem:$0x18C8] =	vst v0  }
0x12c: {  	[tilespmem:$0x18B8] =	vst v0  }
0x12d: {  	[tilespmem:$0x18A8] =	vst v0  }
0x12e: {  	[tilespmem:$0x1898] =	vst v0  }
0x12f: {  	[tilespmem:$0x1888] =	vst v0  }
0x130: {  	[tilespmem:$0x1878] =	vst v0  }
0x131: {  	[tilespmem:$0x1868] =	vst v0  }
0x132: {  	[tilespmem:$0x1858] =	vst v0  }
0x133: {  	[tilespmem:$0x1848] =	vst v0  }
0x134: {  	[tilespmem:$0x1838] =	vst v0  }
0x135: {  	[tilespmem:$0x1828] =	vst v0  }
0x136: {  	[tilespmem:$0x1818] =	vst v0  }
0x137: {  	[tilespmem:$0x1808] =	vst v0  }
0x138: {  	[tilespmem:$0x17F8] =	vst v0  }
0x139: {  	[tilespmem:$0x17E8] =	vst v0  }
0x13a: {  	[tilespmem:$0x17D8] =	vst v0  }
0x13b: {  	[tilespmem:$0x17C8] =	vst v0  }
0x13c: {  	[tilespmem:$0x17B8] =	vst v0  }
0x13d: {  	[tilespmem:$0x17A8] =	vst v0  }
0x13e: {  	[tilespmem:$0x1798] =	vst v0  }
0x13f: {  	[tilespmem:$0x1788] =	vst v0  }
0x140: {  	[tilespmem:$0x1778] =	vst v0  }
0x141: {  	[tilespmem:$0x1768] =	vst v0  }
0x142: {  	[tilespmem:$0x1758] =	vst v0  }
0x143: {  	[tilespmem:$0x1748] =	vst v0  }
0x144: {  	[tilespmem:$0x1738] =	vst v0  }
0x145: {  	[tilespmem:$0x1728] =	vst v0  }
0x146: {  	[tilespmem:$0x1718] =	vst v0  }
0x147: {  	[tilespmem:$0x1708] =	vst v0  }
0x148: {  	[tilespmem:$0x16F8] =	vst v0  }
0x149: {  	[tilespmem:$0x16E8] =	vst v0  }
0x14a: {  	[tilespmem:$0x16D8] =	vst v0  }
0x14b: {  	[tilespmem:$0x16C8] =	vst v0  }
0x14c: {  	[tilespmem:$0x16B8] =	vst v0  }
0x14d: {  	[tilespmem:$0x16A8] =	vst v0  }
0x14e: {  	[tilespmem:$0x1698] =	vst v0  }
0x14f: {  	[tilespmem:$0x1688] =	vst v0  }
0x150: {  	[tilespmem:$0x1678] =	vst v0  }
0x151: {  	[tilespmem:$0x1668] =	vst v0  }
0x152: {  	[tilespmem:$0x1658] =	vst v0  }
0x153: {  	[tilespmem:$0x1648] =	vst v0  }
0x154: {  	[tilespmem:$0x1638] =	vst v0  }
0x155: {  	[tilespmem:$0x1628] =	vst v0  }
0x156: {  	[tilespmem:$0x1618] =	vst v0  }
0x157: {  	[tilespmem:$0x1608] =	vst v0  }
0x158: {  	[tilespmem:$0x15F8] =	vst v0  }
0x159: {  	[tilespmem:$0x15E8] =	vst v0  }
0x15a: {  	[tilespmem:$0x15D8] =	vst v0  }
0x15b: {  	[tilespmem:$0x15C8] =	vst v0  }
0x15c: {  	[tilespmem:$0x15B8] =	vst v0  }
0x15d: {  	[tilespmem:$0x15A8] =	vst v0  }
0x15e: {  	[tilespmem:$0x1598] =	vst v0  }
0x15f: {  	[tilespmem:$0x1588] =	vst v0  }
0x160: {  	[tilespmem:$0x1578] =	vst v0  }
0x161: {  	[tilespmem:$0x1568] =	vst v0  }
0x162: {  	[tilespmem:$0x1558] =	vst v0  }
0x163: {  	[tilespmem:$0x1548] =	vst v0  }
0x164: {  	[tilespmem:$0x1538] =	vst v0  }
0x165: {  	[tilespmem:$0x1528] =	vst v0  }
0x166: {  	[tilespmem:$0x1518] =	vst v0  }
0x167: {  	[tilespmem:$0x1508] =	vst v0  }
0x168: {  	[tilespmem:$0x14F8] =	vst v0  }
0x169: {  	[tilespmem:$0x14E8] =	vst v0  }
0x16a: {  	[tilespmem:$0x14D8] =	vst v0  }
0x16b: {  	[tilespmem:$0x14C8] =	vst v0  }
0x16c: {  	[tilespmem:$0x14B8] =	vst v0  }
0x16d: {  	[tilespmem:$0x14A8] =	vst v0  }
0x16e: {  	[tilespmem:$0x1498] =	vst v0  }
0x16f: {  	[tilespmem:$0x1488] =	vst v0  }
0x170: {  	[tilespmem:$0x1478] =	vst v0  }
0x171: {  	[tilespmem:$0x1468] =	vst v0  }
0x172: {  	[tilespmem:$0x1458] =	vst v0  }
0x173: {  	[tilespmem:$0x1448] =	vst v0  }
0x174: {  	[tilespmem:$0x1438] =	vst v0  }
0x175: {  	[tilespmem:$0x1428] =	vst v0  }
0x176: {  	[tilespmem:$0x1418] =	vst v0  }
0x177: {  	[tilespmem:$0x1408] =	vst v0  }
0x178: {  	[tilespmem:$0x13F8] =	vst v0  }
0x179: {  	[tilespmem:$0x13E8] =	vst v0  }
0x17a: {  	[tilespmem:$0x13D8] =	vst v0  }
0x17b: {  	[tilespmem:$0x13C8] =	vst v0  }
0x17c: {  	[tilespmem:$0x13B8] =	vst v0  }
0x17d: {  	[tilespmem:$0x13A8] =	vst v0  }
0x17e: {  	[tilespmem:$0x1398] =	vst v0  }
0x17f: {  	[tilespmem:$0x1388] =	vst v0  }
0x180: {  	[tilespmem:$0x1378] =	vst v0  }
0x181: {  	[tilespmem:$0x1368] =	vst v0  }
0x182: {  	[tilespmem:$0x1358] =	vst v0  }
0x183: {  	[tilespmem:$0x1348] =	vst v0  }
0x184: {  	[tilespmem:$0x1338] =	vst v0  }
0x185: {  	[tilespmem:$0x1328] =	vst v0  }
0x186: {  	[tilespmem:$0x1318] =	vst v0  }
0x187: {  	[tilespmem:$0x1308] =	vst v0  }
0x188: {  	[tilespmem:$0x12F8] =	vst v0  }
0x189: {  	[tilespmem:$0x12E8] =	vst v0  }
0x18a: {  	[tilespmem:$0x12D8] =	vst v0  }
0x18b: {  	[tilespmem:$0x12C8] =	vst v0  }
0x18c: {  	[tilespmem:$0x12B8] =	vst v0  }
0x18d: {  	[tilespmem:$0x12A8] =	vst v0  }
0x18e: {  	[tilespmem:$0x1298] =	vst v0  }
0x18f: {  	[tilespmem:$0x1288] =	vst v0  }
0x190: {  	[tilespmem:$0x1278] =	vst v0  }
0x191: {  	[tilespmem:$0x1268] =	vst v0  }
0x192: {  	[tilespmem:$0x1258] =	vst v0  }
0x193: {  	[tilespmem:$0x1248] =	vst v0  }
0x194: {  	[tilespmem:$0x1238] =	vst v0  }
0x195: {  	[tilespmem:$0x1228] =	vst v0  }
0x196: {  	[tilespmem:$0x1218] =	vst v0  }
0x197: {  	[tilespmem:$0x1208] =	vst v0  }
0x198: {  	[tilespmem:$0x11F8] =	vst v0  }
0x199: {  	[tilespmem:$0x11E8] =	vst v0  }
0x19a: {  	[tilespmem:$0x11D8] =	vst v0  }
0x19b: {  	[tilespmem:$0x11C8] =	vst v0  }
0x19c: {  	[tilespmem:$0x11B8] =	vst v0  }
0x19d: {  	[tilespmem:$0x11A8] =	vst v0  }
0x19e: {  	[tilespmem:$0x1198] =	vst v0  }
0x19f: {  	[tilespmem:$0x1188] =	vst v0  }
0x1a0: {  	[tilespmem:$0x1178] =	vst v0  }
0x1a1: {  	[tilespmem:$0x1168] =	vst v0  }
0x1a2: {  	[tilespmem:$0x1158] =	vst v0  }
0x1a3: {  	[tilespmem:$0x1148] =	vst v0  }
0x1a4: {  	[tilespmem:$0x1138] =	vst v0  }
0x1a5: {  	[tilespmem:$0x1128] =	vst v0  }
0x1a6: {  	[tilespmem:$0x1118] =	vst v0  }
0x1a7: {  	s4 =	stileid.u32;
	[tilespmem:$0x1108] =	vst v0  }
0x1a8: {  	s0 =	smul.u32 $0xB, s4;
	[tilespmem:$0x10F8] =	vst v0  }
0x1a9: {  	s1 =	smin.u32 s4, $0xA;
	[tilespmem:$0x10C8] =	vst v0  }
0x1aa: {  	[tilespmem:$0x10D8] =	vst v0;
	s0 =	sadd.s32 s1, s0  }
0x1ab: {  	p0 =	slt.u32 s4, $0xA;
	[tilespmem:$0x10B8] =	vst v0;
	s1 =	simm.s32 $0x1440;
	s6 =	smul.u32 $0x1B0, s0  }
0x1ac: {  	s1 =	simm.s32 @!p0 $0x1290;
	[tilespmem:$0x1038] =	vst v0  }
0x1ad: {  	[tilespmem:$0x10A8] =	vst v0;
	s0 =	sadd.s32 s1, s6  }
0x1ae: {  	s3 =	simm.s32 $0x2;
	s8 =	simm.s32 $0x9;
	[tilespmem:$0x1098] =	vst v0;
	s7 =	smin.u32 s0, $0x13880  }
0x1af: {  	s10 =	simm.s32 $0xA;
	s30 =	simm.s32 $0xB;
	[tilespmem:$0x1088] =	vst v0;
	s0 =	ssub.s32 s7, s6  }
0x1b0: {  	s16 =	simm.s32 $0x0;
	p4 =	por $0x0, $0x0;
	[tilespmem:$0x1078] =	vst v0;
	p0 =	sgt.s32 s0, $0x0  }
0x1b1: {  	s17 =	simm.s32 $0xC;
	s21 =	simm.s32 $0x0;
	[tilespmem:$0x1058] =	vst v0;
	s0 =	simm.s32 @!p0 $0x0  }
0x1b2: {  	s18 =	simm.s32 $0x0;
	s2 =	sand.u32 $0x1, s2;
	[tilespmem:$0x1048] =	vst v0;
	s29 =	smulhi.u32 $0x4BDA12F7, s0  }
0x1b3: {  	s20 =	simm.s32 $0x0;
	s31 =	sshll.u32 s4, $0x5;
	[tilespmem:$0x1018] =	vst v0;
	[dreg:$0x5] =	wrdreg s2  }
0x1b4: {  	s2 =	smul.u32 $0x2710, s2;
	[tilespmem:$0x1008] =	vst v0;
	[sflag:s3] =	ssyncpa.u1 $0x0;
	s1 =	sshrl.u32 s29, $0x7  }
0x1b5: {  	v0 =	vimm.s32 $0xFFFFFFFF;
	s3 =	sadd.s32 $0x28E600, s11;
	[dreg:$0x4] =	wrdreg s31;
	s5 =	smul.u32 $0x1B0, s1  }
.Ltmp0:
0x1b6: {  	[tilespmem:$0x3648] =	vst v0;
	[sflag:s8] =	ssyncpa.u1 $0x0;
	s2 =	sadd.s32 s2, s11;
	(pc) =	sbr.rel .LBB2_1-.Ltmp0, $4  }
0x1b7: {  	[sflag:s10] =	ssyncpa.u1 $0x0;
	s11 =	sadd.s32 $0x9600, s11;
	p0 =	sne.s32 s0, s5  }
0x1b8: {  	[sflag:s30] =	ssyncpa.u1 $0x0;
	s14 =	sadd.s32 $0x289600, s2;
	s12 =	simm.s32 @!p0 $0x0  }
0x1b9: {  	s15 =	sadd.s32 $0x284600, s2;
	s19 =	smov.u32 s6;
	s12 =	sadd.s32 s12, s1  }
0x1ba: {  	v0 =	vlaneseq.u32;
	[dreg:$0x6] =	wrdreg s6;
	p0 =	por $0x1, $0x1;
	s4 =	sadd.s32 $0x1, s12  }
.LBB2_18:
0x1bb: {  	s0 =	simm.s32 $0x2  }
0x1bc: {  	_ =	swait.ge [sflag:s0], $0x0  }
0x1bd: {  	[sflag:s0] =	ssyncset.done $0x0;
	s0 =	simm.s32 $0x0  }
.LBB2_19:
0x1be: {  	_ =	swait.ge [sflag:s17], s0  }
0x1bf: {  	s31 =	ssub.s32 $0x0, s0;
	v1 =	vmov s23;
	vm0 =	veq.s32 v0, $0x0;
	[sflag:s17] =	ssyncset.done $0x0  }
0x1c0: {  	vm15 =	veq.s32 v0, $0x2;
	v1 =	vsel vm0, s28, v1;
	[sflag:s17] =	ssyncadd.s32 s31  }
0x1c1: {  	v1 =	vsel vm15, s21, v1;
	[sflag:s17] =	ssyncpa.u1 $0x1  }
0x1c2: {  	[tilespmem:$0x3648] =	vst v1  }
.LBB2_20:
0x1c3: {  	s0 =	sadd.s32 $0x1B0, s19  }
0x1c4: {  	s1 =	smov.u32 s6;
	p1 =	slt.s32 s0, s7  }
0x1c5: {  	s1 =	smov.u32 @p1 s0;
	p1 =	sne.s32 s20, s4  }
.Ltmp1:
0x1c6: {  	_ = 	snop;
	(pc) =	sbr.rel @!p1 .LBB2_21-.Ltmp1, $4  }
0x1c7: {  	_ = 	snop  }
0x1c8: {  	s21 =	smov.u32 s18  }
0x1c9: {  	s31 =	sadd.s32 $0x1, s20;
	s18 =	smov.u32 s19;
	p0 =	por !p0, !p0  }
0x1ca: {  	p4 =	por !p4, !p4;
	s20 =	smov.u32 s31;
	s19 =	smov.u32 s1  }
.LBB2_1:
0x1cb: {  	p2 =	sge.u32 s20, s12  }
0x1cc: {  	s0 =	smulhi.u32 @!p2 $0xAAAAAAAB, s20  }
0x1cd: {  	s1 =	smov.u32 s19;
	p3 =	sgt.s32 @!p2 s19, $0x136D0  }
0x1ce: {  	s2 =	sshra.s32 @!p2 s19, $0x1F;
	p3 =	por !p3, p2;
	s0 =	sshrl.u32 @!p2 s0, $0x1  }
0x1cf: {  	s2 =	sand.u32 @!p2 s2, s19;
	s1 =	simm.s32 @p3 $0x136D0;
	s0 =	smul.u32 @!p2 $0x3, s0  }
0x1d0: {  	s1 =	ssub.s32 @!p2 s1, s2  }
0x1d1: {  	s23 =	sadd.s32 $0xFFFFFFFF, s20;
	s1 =	sadd.s32 @!p2 $0xFFFEC930, s1;
	s0 =	ssub.s32 @!p2 s20, s0  }
0x1d2: {  	s2 =	sshll.u32 @!p2 s1, $0x2;
	p3 =	sgt.s32 @!p2 s1, $0x1AF;
	s0 =	smul.u32 @!p2 $0x6C0, s0  }
0x1d3: {  	s5 =	sand.u32 @!p2 $0x7, s19;
	s1 =	ssub.s32 @!p2 $0x6C0, s2;
	p3 =	por !p3, p2  }
0x1d4: {  	s2 =	sshrl.u32 @!p2 s19, $0x3;
	s1 =	sshrl.u32 @!p2 s1, $0x2;
	s0 =	sshrl.u32 @!p2 s0, $0x2  }
0x1d5: {  	s2 =	sadd.s32 @!p2 s2, s14;
	s1 =	simm.s32 @!p3 $0x0;
	s0 =	sadd.s32 @!p2 $0x3888, s0  }
0x1d6: {  	[tilespmem:s0], [sflag:$0xA] =	stream.linear.gather @!p2 [hbm4b:s2+s5], s1, $0x38;
	[tilespmem:$0x1F0F8] =	vst v63  }
0x1d7: {  	p2 =	sge.u32 s23, s12  }
0x1d8: {  	p3 =	sgt.s32 @!p2 s18, $0x136D0  }
0x1d9: {  	s0 =	smov.u32 s18;
	s1 =	sshra.s32 @!p2 s18, $0x1F;
	p3 =	por !p3, p2  }
0x1da: {  	s1 =	sand.u32 @!p2 s1, s18;
	s0 =	simm.s32 @p3 $0x136D0  }
0x1db: {  	s0 =	ssub.s32 @!p2 s0, s1  }
0x1dc: {  	s0 =	sadd.s32 @!p2 $0xFFFEC930, s0  }
0x1dd: {  	s1 =	sshll.u32 @!p2 s0, $0x2  }
0x1de: {  	p3 =	sgt.s32 @!p2 s0, $0x1AF;
	s0 =	ssub.s32 @!p2 $0x6C0, s1  }
0x1df: {  	s22 =	ssub.s32 @!p2 $0x13880, s18;
	p3 =	por !p3, p2;
	s0 =	sshrl.u32 @!p2 s0, $0x2  }
0x1e0: {  	s1 =	sand.u32 @!p2 $0x1, s23;
	s0 =	simm.s32 @!p3 $0x0;
	p3 =	slt.s32 @!p2 s22, $0x1  }
0x1e1: {  	s2 =	simm.s32 @!p2 $0xA;
	s1 =	smul.u32 @!p2 $0x6C0, s1;
	p3 =	por p2, p3  }
.Ltmp2:
0x1e2: {  	_ =	swait.ge @!p2 [sflag:s2], s0;
	(pc) =	sbr.rel @p3 .LBB2_7-.Ltmp2, $4  }
0x1e3: {  	s5 =	ssub.s32 @!p2 $0x0, s0;
	[sflag:s2] =	ssyncset.done @!p2 $0x0  }
0x1e4: {  	s1 =	sshrl.u32 @!p2 s1, $0x2;
	[sflag:s2] =	ssyncadd.s32 @!p2 s5;
	s2 =	sshrl.u32 @!p2 s18, $0x3  }
0x1e5: {  	s1 =	sadd.s32 @!p2 $0x3D98, s1;
	s5 =	sand.u32 @!p2 $0x7, s18;
	s2 =	sadd.s32 @!p2 s2, s15  }
0x1e6: {  	[tilespmem:s1], [sflag:$0xB] =	stream.linear.gather @!p2 [hbm4b:s2+s5], s0, $0x38;
	[tilespmem:$0x1F0F8] =	vst v63  }
0x1e7: {  	s0 =	smulhi.u32 $0xAAAAAAAB, s23;
	_ =	sdelay $0x1  }
0x1e8: {  	s0 =	sshrl.u32 s0, $0x1  }
0x1e9: {  	s0 =	smul.u32 $0x3, s0;
	_ =	sdelay $0x1  }
0x1ea: {  	s0 =	ssub.s32 s23, s0  }
0x1eb: {  	s1 =	simm.s32 $0x1;
	s0 =	smul.u32 $0x6C0, s0  }
.Ltmp3:
0x1ec: {  	s1 =	simm.s32 @!p0 $0x0;
	(pc) =	sbr.rel .LBB2_4-.Ltmp3, $4  }
0x1ed: {  	s1 =	smul.u32 $0x36000, s1  }
0x1ee: {  	p3 =	slt.s32 @!p2 s22, $0x1B0;
	s0 =	sshrl.u32 s0, $0x2  }
0x1ef: {  	p2 =	por !p3, p2;
	s1 =	sshrl.u32 s1, $0x2;
	s0 =	sadd.s32 $0x3888, s0  }
0x1f0: {  	s24 =	simm.s32 $0x0;
	s22 =	simm.s32 @p2 $0x1B0;
	s23 =	sadd.s32 $0x40F8, s1;
	v1 =	vmov s0  }
.LBB2_3:
0x1f1: {  	p2 =	sge.s32 s24, s22  }
.Ltmp4:
0x1f2: {  	_ = 	snop;
	(pc) =	sbr.rel @p2 .LBB2_7-.Ltmp4, $2  }
0x1f3: {  	_ =	sdelay $0x2  }
0x1f4: {  	s23 =	sadd.s32 $0x800, s23  }
.LBB2_4:
0x1f5: {  	p2 =	sle.s32 s22, s24  }
.Ltmp5:
0x1f6: {  	_ = 	snop;
	(pc) =	sbr.rel @p2 .LBB2_3-.Ltmp5, $2  }
0x1f7: {  	_ =	sdelay $0x2  }
0x1f8: {  	s0 =	smov.u32 s24;
	s24 =	sadd.s32 $0x10, s24  }
0x1f9: {  	s1 =	ssub.s32 s22, s0  }
0x1fa: {  	p2 =	slt.s32 s1, $0x10  }
0x1fb: {  	s1 =	simm.s32 @!p2 $0x10  }
0x1fc: {  	v2 =	vmov s1  }
0x1fd: {  	vm0 =	vgt.s32 v2, v0;
	_ =	sdelay $0x5  }
0x1fe: {  	v2 =	vld.idx.msk [tilespmem:v1+s0+$0x0 ss:$0x1], vm0;
	_ =	sdelay $0x2  }
0x1ff: {  	p2 =	slt.s32 s24, s22;
	s1 =	smov.u32 s22  }
0x200: {  	s2 =	smov.u32 s23;
	s25 =	simm.s32 $0x0;
	s1 =	smov.u32 @p2 s24  }
.LBB2_6:
0x201: {  	(v2sf) =	vpush v2, s25;
	_ =	sdelay $0xc  }
0x202: {  	s25 =	sadd.s32 $0x1, s25  }
0x203: {  	s31 =	sadd.s32 s25, s0  }
0x204: {  	p2 =	slt.s32 s31, s1;
	s5 =	spop (v2sf)  }
.Ltmp6:
0x205: {  	s5 =	sshll.u32 s5, $0x4;
	(pc) =	sbr.rel @p2 .LBB2_6-.Ltmp6, $4  }
0x206: {  	s5 =	sand.u32 $0x1FFFFFF0, s5  }
0x207: {  	s5 =	sadd.s32 s11, s5  }
0x208: {  	[tilespmem:s2], [sflag:$0x9] =	stream.linear.gather [hbm4b:s5+s16], $0x5, $0x38;
	[tilespmem:$0x1F0F8] =	vst v63  }
0x209: {  	s2 =	sadd.s32 $0x80, s2  }
.Ltmp7:
0x20a: {  	_ = 	snop;
	(pc) =	sbr.rel .LBB2_3-.Ltmp7, $1  }
0x20b: {  	_ =	sdelay $0x3  }
.LBB2_7:
0x20c: {  	p2 =	slt.u32 s20, $0x2  }
.Ltmp8:
0x20d: {  	_ = 	snop;
	(pc) =	sbr.rel @p2 .LBB2_20-.Ltmp8, $1  }
0x20e: {  	_ =	sdelay $0x3  }
0x20f: {  	s0 =	ssub.s32 $0x13880, s21;
	p2 =	sgt.s32 s21, $0x136D0  }
0x210: {  	s1 =	smov.u32 s21;
	s2 =	sshra.s32 s21, $0x1F;
	p3 =	slt.s32 s0, $0x1B0  }
0x211: {  	s1 =	simm.s32 @!p2 $0x136D0;
	s2 =	sand.u32 s2, s21;
	s0 =	simm.s32 @!p3 $0x1B0  }
0x212: {  	s1 =	ssub.s32 s1, s2;
	s0 =	smul.u32 $0x14, s0  }
0x213: {  	s1 =	sadd.s32 $0xFFFEC930, s1  }
0x214: {  	s26 =	simm.s32 $0x9;
	s24 =	sshll.u32 s1, $0x2;
	s0 =	sshrl.u32 s0, $0x2  }
0x215: {  	p2 =	sgt.s32 s1, $0x1AF;
	s25 =	ssub.s32 $0x6C0, s24;
	_ =	swait.ge [sflag:s26], s0  }
0x216: {  	s0 =	ssub.s32 $0x0, s0;
	s1 =	sshrl.u32 s25, $0x2;
	[sflag:s26] =	ssyncset.done $0x0  }
0x217: {  	s28 =	simm.s32 $0xB;
	s1 =	simm.s32 @p2 $0x0;
	[sflag:s26] =	ssyncadd.s32 s0  }
0x218: {  	_ =	swait.ge [sflag:s28], s1  }
0x219: {  	s30 =	ssub.s32 $0x0, s1;
	[sflag:s28] =	ssyncset.done $0x0  }
0x21a: {  	[sflag:s28] =	ssyncadd.s32 s30  }
0x21b: {  	v1 =	vld [tilespmem:$0x3648];
	_ =	sdelay $0x4  }
0x21c: {  	(v2sf) =	vpush v1, $0x0  }
0x21d: {  	(v2sf) =	vpush v1, $0x1  }
0x21e: {  	(v2sf) =	vpush v1, $0x2;
	_ =	sdelay $0x3  }
0x21f: {  	s0 =	sadd.s32 $0x1B0, s21  }
0x220: {  	p2 =	slt.s32 s7, s0;
	s1 =	ssub.s32 $0x27100, s21  }
0x221: {  	s0 =	smov.u32 @p2 s7;
	p2 =	sgt.s32 s1, $0x0  }
0x222: {  	s25 =	ssub.s32 s0, s21;
	s1 =	simm.s32 @!p2 $0x0  }
0x223: {  	p2 =	slt.s32 s1, s25  }
0x224: {  	s25 =	smov.u32 @p2 s1  }
0x225: {  	s24 =	simm.s32 $0x1;
	p2 =	slt.s32 s25, $0x1  }
.Ltmp9:
0x226: {  	s24 =	simm.s32 @!p4 $0x0;
	(pc) =	sbr.rel @p2 .LBB2_12-.Ltmp9, $4  }
0x227: {  	s31 =	smul.u32 $0x6C0, s24  }
0x228: {  	s26 =	spop (v2sf)  }
0x229: {  	s0 =	sshrl.u32 s31, $0x2;
	s29 =	spop (v2sf)  }
0x22a: {  	s22 =	sadd.s32 $0x3D98, s0;
	s21 =	spop (v2sf)  }
0x22b: {  	s0 =	smin.u32 s25, $0x10  }
0x22c: {  	v1 =	vmov s0  }
0x22d: {  	p3 =	sgt.s32 s25, $0x10;
	vm1 =	vgt.u32 v1, v0  }
.Ltmp10:
0x22e: {  	_ = 	snop;
	(pc) =	sbr.rel @!p3 .LBB2_11-.Ltmp10, $2  }
0x22f: {  	_ =	sdelay $0x2  }
0x230: {  	s23 =	simm.s32 $0x10;
	s28 =	sadd.s32 $0xFFFFFFF0, s25;
	s0 =	smov.u32 s22;
	vm0 =	vmmov vm1  }
.LBB2_10:
0x231: {  	s1 =	smin.u32 s28, $0x10;
	s23 =	sadd.s32 $0x10, s23;
	v1 =	vld.msk [tilespmem:s0+$0x0 ss:$0x1], vm1  }
0x232: {  	v2 =	vmov s1;
	p3 =	slt.s32 s23, s25  }
0x233: {  	vm1 =	vgt.u32 v2, v0  }
.Ltmp11:
0x234: {  	(pc) =	sbr.rel @p3 .LBB2_10-.Ltmp11, $3  }
0x235: {  	_ =	sdelay $0x1  }
0x236: {  	v1 =	vshll.u32 v1, $0x4  }
0x237: {  	s28 =	sadd.s32 $0xFFFFFFF0, s28;
	[tilespmem:s0+$0x0] =	vst.msk vm0, v1;
	s0 =	sadd.s32 $0x10, s0;
	vm0 =	vmmov vm1  }
.LBB2_11:
0x238: {  	_ =	sdelay $0x4  }
0x239: {  	v1 =	vld.msk [tilespmem:s0+$0x0 ss:$0x1], vm1;
	_ =	sdelay $0x4  }
0x23a: {  	v1 =	vshll.u32 v1, $0x4  }
0x23b: {  	[tilespmem:s0+$0x0] =	vst.msk vm0, v1  }
.LBB2_12:
0x23c: {  	s0 =	sand.u32 $0x1, s20  }
0x23d: {  	s0 =	smul.u32 $0x1B0, s0  }
0x23e: {  	p3 =	sne.s32 s29, $0xFFFFFFFF  }
0x23f: {  	v1 =	vld.msk @!p3 [tilespmem:s0+$0x3D98], $0x1;
	_ =	sdelay $0x4  }
0x240: {  	(v2sf) =	vpush @!p3 v1, $0x0;
	_ =	sdelay $0xc  }
.Ltmp12:
0x241: {  	_ = 	snop;
	(pc) =	sbr.rel @p2 .LBB2_18-.Ltmp12, $4  }
0x242: {  	_ = 	snop  }
0x243: {  	s28 =	spop @!p3 (v2sf)  }
0x244: {  	s21 =	simm.s32 @!p3 $0x0;
	s23 =	smov.u32 s28  }
0x245: {  	[sflag:s17] =	ssyncpa.u1 $0x0;
	s28 =	smov.u32 @p3 s26;
	s23 =	smov.u32 @p3 s29  }
0x246: {  	v1 =	vld.msk [tilespmem:s22+$0x0], $0x1;
	_ =	sdelay $0x4  }
0x247: {  	(v2sf) =	vpush v1, $0x0;
	_ =	sdelay $0xe  }
0x248: {  	s0 =	simm.s32 @!p4 $0x0;
	s26 =	smul.u32 $0x36000, s24;
	s31 =	spop (v2sf)  }
0x249: {  	s29 =	ssub.s32 $0x0, s25;
	s0 =	simm.s32 @p4 $0x1;
	p2 =	seq.s32 s28, s31  }
0x24a: {  	s1 =	smov.u32 s28;
	[smem:$0x7FD] =	sst s0;
	p3 =	sgt.s32 @!p2 s28, $0x0  }
0x24b: {  	s0 =	sshrl.u32 s26, $0x2;
	s26 =	sadd.s32 $0x1, s29;
	p3 =	por !p3, p2  }
0x24c: {  	s1 =	simm.s32 @p3 $0x0;
	p3 =	seq.s32 s26, $0x0  }
.Ltmp13:
0x24d: {  	_ = 	snop;
	(pc) =	sbr.rel @p3 .LBB2_15-.Ltmp13, $4  }
0x24e: {  	s6 =	smov.u32 s4;
	s25 =	simm.s32 $0x0  }
0x24f: {  	s24 =	sadd.s32 $0x40F8, s0;
	s0 =	simm.s32 @!p2 $0x1;
	s2 =	smin.u32 @!p2 s1, $0x270FF  }
0x250: {  	s30 =	sadd.s32 $0x1, s22;
	s0 =	smov.u32 @p2 s25;
	s5 =	sand.u32 @!p2 $0x3FFF8, s2  }
0x251: {  	s1 =	simm.s32 @!p2 $0x1B38;
	s2 =	sand.u32 @!p2 $0x7, s2;
	s5 =	sadd.s32 @!p2 s3, s5  }
.LBB2_14:
0x252: {  	s4 =	smov.u32 s0  }
0x253: {  	[tilespmem:s1], [sflag:$0x2] =	stream.linear.gather @!p2 [hbm4b:s5+s2], $0x5, $0x38;
	[tilespmem:$0x1F0F8] =	vst v63  }
0x254: {  	s26 =	sadd.s32 $0x1, s26;
	s2 =	smov.u32 s31;
	v1 =	vld.msk [tilespmem:s30+$0x0], $0x1  }
0x255: {  	p3 =	seq.s32 s26, $0x0;
	_ =	sdelay $0x3  }
0x256: {  	(v2sf) =	vpush v1, $0x0;
	_ =	sdelay $0xe  }
0x257: {  	s31 =	spop (v2sf)  }
0x258: {  	p2 =	seq.s32 s2, s31  }
0x259: {  	p4 =	sgt.s32 @!p2 s2, $0x0;
	s1 =	sshll.u32 @!p2 s0, $0x6;
	s0 =	sadd.s32 @!p2 $0x1, s0  }
.Ltmp14:
0x25a: {  	p4 =	por !p4, p2;
	s1 =	sshra.s32 @!p2 s1, $0x2;
	(pc) =	sbr.rel @!p3 .LBB2_14-.Ltmp14, $4  }
0x25b: {  	s0 =	smov.u32 @p2 s4;
	s2 =	simm.s32 @p4 $0x0;
	s1 =	sadd.s32 @!p2 $0x1B38, s1  }
0x25c: {  	s2 =	smin.u32 @!p2 s2, $0x270FF  }
0x25d: {  	s4 =	sand.u32 @!p2 $0x3FFF8, s2;
	s2 =	sand.u32 @!p2 $0x7, s2  }
0x25e: {  	s30 =	sadd.s32 $0x1, s30;
	s5 =	sadd.s32 @!p2 s3, s4  }
.LBB2_15:
0x25f: {  	s0 =	smul.u32 $0x14, s0  }
0x260: {  	[tilespmem:s1], [sflag:$0x2] =	stream.linear.gather @!p2 [hbm4b:s5+s2], $0x5, $0x38;
	[tilespmem:$0x1F0F8] =	vst v63  }
0x261: {  	s31 =	simm.s32 $0x2;
	s0 =	sshrl.u32 s0, $0x2  }
0x262: {  	_ =	swait.ge [sflag:s31], s0  }
0x263: {  	s0 =	ssub.s32 $0x0, s0;
	[sflag:s31] =	ssyncset.done $0x0  }
0x264: {  	[sflag:s31] =	ssyncadd.s32 s0  }
0x265: {  	v1 =	vld.msk [tilespmem:s22+$0x0], $0x1;
	_ =	sdelay $0x4  }
0x266: {  	(v2sf) =	vpush v1, $0x0;
	_ =	sdelay $0xe  }
0x267: {  	s26 =	spop (v2sf)  }
0x268: {  	p2 =	sne.s32 s28, s26  }
0x269: {  	p4 =	sne.s32 @p2 s28, s23  }
0x26a: {  	p3 =	por !p4, !p2  }
0x26b: {  	s0 =	simm.s32 @!p3 $0x0  }
0x26c: {  	v1 =	vld.msk @!p3 [tilespmem:s0+$0x1B38], $0x1f  }
0x26d: {  	p5 =	sgt.u32 @!p3 s28, $0x270FF  }
0x26e: {  	s1 =	sshll.u32 @!p3 s21, $0x6;
	p6 =	por @p2 p5, !p4  }
0x26f: {  	s1 =	sshra.s32 @!p3 s1, $0x2;
	p1 =	por p6, !p2;
	p6 =	por p4, !p2  }
0x270: {  	s2 =	sadd.s32 @!p3 $0x28, s1;
	s4 =	sand.u32 @!p1 $0x3FFF8, s28;
	s5 =	sshll.u32 @!p6 s21, $0x6  }
0x271: {  	s28 =	sand.u32 @!p1 $0x7, s28;
	[tilespmem:s1+$0x28] =	vst.add.f32.msk @!p3 $0x1f, v1;
	s1 =	sadd.s32 @!p1 s3, s4;
	s4 =	sshra.s32 @!p6 s5, $0x2  }
0x272: {  	[hbm4b:s1+s28] =	stream.linear.scatter @!p1 [tilespmem:s2], [sflag:$0xC], $0x5, $0x38;
	[tilespmem:$0x1F0F8] =	vst v63  }
0x273: {  	s0 =	rddreg [dreg:$0x4];
	s1 =	sadd.s32 @!p6 $0x28, s4;
	s2 =	simm.s32 @!p6 $0x1  }
0x274: {  	[spmem:s0] =	stream.linear.scatter @!p6 [tilespmem:s1], [sflag:$0x1], $0x5, $0x38;
	[tilespmem:$0x1F0F8] =	vst v63  }
0x275: {  	s0 =	sadd.s32 @p2 $0x1, s21;
	_ =	swait.ge @!p6 [sflag:s2], $0x5  }
0x276: {  	s1 =	sshrl.u32 @p2 s0, $0x4;
	[sflag:s2] =	ssyncset.done @!p6 $0x0  }
0x277: {  	s1 =	smulhi.u32 @p2 $0x97B425F, s1;
	[sflag:s2] =	ssyncadd.s32 @!p6 $0xFFFFFFFB  }
0x278: {  	s28 =	sadd.s32 $0x1, s29;
	v1 =	vld.msk @p2 [tilespmem:s24+$0x0], $0x1f  }
0x279: {  	p1 =	por @p2 !p5, !p4;
	p4 =	seq.s32 s28, $0x0;
	s1 =	smul.u32 @p2 $0x1B0, s1  }
.Ltmp15:
0x27a: {  	p1 =	por !p1, !p2;
	s2 =	simm.s32 @!p3 $0x0;
	(pc) =	sbr.rel @p4 .LBB2_17-.Ltmp15, $4  }
0x27b: {  	s4 =	sshll.u32 @!p2 s21, $0x6;
	s2 =	simm.s32 @!p1 $0x14;
	s0 =	ssub.s32 @p2 s0, s1  }
0x27c: {  	s29 =	simm.s32 $0x0;
	s2 =	sadd.s32 @!p3 $0x0, s2;
	s5 =	sshll.u32 @p2 s0, $0x4  }
0x27d: {  	s30 =	sshra.s32 @!p2 s4, $0x2;
	s1 =	simm.s32 @p2 $0x1;
	s2 =	smov.u32 @p3 s25;
	[tilespmem:s5+$0x28] =	vst.msk @p2 $0x1f, v1  }
0x27e: {  	s21 =	smov.u32 @p2 s0;
	s29 =	smov.u32 @p2 s2;
	s25 =	smov.u32 @p2 s1;
	v1 =	vld.msk @!p2 [tilespmem:s24+$0x0], $0x1f  }
.LBB2_16:
0x27f: {  	_ =	sdelay $0x3  }
0x280: {  	s22 =	sadd.s32 $0x1, s22;
	[tilespmem:s30+$0x28] =	vst.add.f32.msk @!p2 $0x1f, v1  }
0x281: {  	v1 =	vld.msk [tilespmem:s22+$0x0], $0x1;
	_ =	sdelay $0x4  }
0x282: {  	(v2sf) =	vpush v1, $0x0;
	_ =	sdelay $0xe  }
0x283: {  	s0 =	smov.u32 s26;
	s26 =	spop (v2sf)  }
0x284: {  	p2 =	sne.s32 s0, s26  }
0x285: {  	p5 =	sne.s32 @p2 s0, s23  }
0x286: {  	s4 =	sshll.u32 @!p2 s21, $0x6;
	p4 =	por !p5, !p2  }
0x287: {  	s30 =	sshra.s32 @!p2 s4, $0x2;
	s4 =	sshll.u32 @!p4 s25, $0x6  }
0x288: {  	s4 =	sshra.s32 @!p4 s4, $0x2  }
0x289: {  	p1 =	sgt.u32 @!p4 s0, $0x270FF;
	v1 =	vld.msk @!p4 [tilespmem:s4+$0x1B38], $0x1f  }
0x28a: {  	s31 =	sshll.u32 @!p4 s21, $0x6;
	p6 =	por @p2 p1, !p5;
	p1 =	por @p2 !p1, !p5  }
0x28b: {  	s8 =	simm.s32 @!p4 $0x0;
	s31 =	sshra.s32 @!p4 s31, $0x2;
	p1 =	por !p1, !p2  }
0x28c: {  	p5 =	por p5, !p2;
	s8 =	simm.s32 @!p1 $0x14;
	p1 =	por p6, !p2  }
0x28d: {  	s4 =	sadd.s32 @!p4 $0x28, s31;
	s13 =	sshll.u32 @!p5 s21, $0x6;
	s10 =	sand.u32 @!p1 $0x3FFF8, s0  }
0x28e: {  	s13 =	sshra.s32 @!p5 s13, $0x2;
	s0 =	sand.u32 @!p1 $0x7, s0;
	s10 =	sadd.s32 @!p1 s3, s10;
	[tilespmem:s31+$0x28] =	vst.add.f32.msk @!p4 $0x1f, v1  }
0x28f: {  	[hbm4b:s10+s0] =	stream.linear.scatter @!p1 [tilespmem:s4], [sflag:$0xC], $0x5, $0x38;
	[tilespmem:$0x1F0F8] =	vst v63  }
0x290: {  	s1 =	rddreg [dreg:$0x4];
	s0 =	sadd.s32 @!p5 $0x28, s13;
	s4 =	simm.s32 @!p5 $0x1  }
0x291: {  	[spmem:s1] =	stream.linear.scatter @!p5 [tilespmem:s0], [sflag:$0x1], $0x5, $0x38;
	[tilespmem:$0x1F0F8] =	vst v63  }
0x292: {  	s2 =	sadd.s32 @p2 $0x1, s21;
	_ =	swait.ge @!p5 [sflag:s4], $0x5  }
0x293: {  	s5 =	sshrl.u32 @p2 s2, $0x4;
	[sflag:s4] =	ssyncset.done @!p5 $0x0  }
0x294: {  	s24 =	sadd.s32 $0x80, s24;
	s5 =	smulhi.u32 @p2 $0x97B425F, s5;
	[sflag:s4] =	ssyncadd.s32 @!p5 $0xFFFFFFFB  }
0x295: {  	s28 =	sadd.s32 $0x1, s28;
	v1 =	vld.msk @p2 [tilespmem:s24+$0x0], $0x1f  }
0x296: {  	p3 =	seq.s32 s28, $0x0;
	s5 =	smul.u32 @p2 $0x1B0, s5  }
.Ltmp16:
0x297: {  	_ = 	snop;
	(pc) =	sbr.rel @!p3 .LBB2_16-.Ltmp16, $4  }
0x298: {  	s2 =	ssub.s32 @p2 s2, s5  }
0x299: {  	s8 =	sadd.s32 @!p4 s8, s29;
	s5 =	sshll.u32 @p2 s2, $0x4  }
0x29a: {  	s9 =	sadd.s32 @p2 $0x1, s25;
	s8 =	smov.u32 @p4 s29;
	[tilespmem:s5+$0x28] =	vst.msk @p2 $0x1f, v1  }
0x29b: {  	s25 =	smov.u32 @p2 s9;
	s21 =	smov.u32 @p2 s2;
	s29 =	smov.u32 @p2 s8;
	v1 =	vld.msk @!p2 [tilespmem:s24+$0x0], $0x1f  }
.LBB2_17:
.Ltmp17:
0x29c: {  	_ = 	snop;
	(pc) =	sbr.rel .LBB2_19-.Ltmp17, $3  }
0x29d: {  	s1 =	sld [smem:$0x7FD];
	_ =	sdelay $0x1  }
0x29e: {  	s0 =	sshrl.u32 s29, $0x2;
	s28 =	smov.u32 s26  }
0x29f: {  	s4 =	smov.u32 s6;
	s6 =	rddreg [dreg:$0x6];
	p4 =	seq.s32 s1, $0x1;
	[tilespmem:s30+$0x28] =	vst.add.f32.msk @!p2 $0x1f, v1  }
.LBB2_21:
0x2a0: {  	_ =	sfence.sel $0x180000  }
0x2a1: {  	s0 =	simm.s32 $0x9;
	[bflag:$0x0] =	sbarrier.arrive $0xFFFF  }
0x2a2: {  	s24 =	simm.s32 $0xA;
	[sflag:s0] =	ssyncpa.u1 $0x1  }
0x2a3: {  	s25 =	simm.s32 $0xB;
	[sflag:s24] =	ssyncpa.u1 $0x1  }
0x2a4: {  	s26 =	simm.s32 $0x2;
	[sflag:s25] =	ssyncpa.u1 $0x1  }
0x2a5: {  	[sflag:s26] =	ssyncpa.u1 $0x1  }
0x2a6: {  	v0 =	vld [tilespmem:$0x3648];
	_ =	sdelay $0x4  }
0x2a7: {  	(v2sf) =	vpush v0, $0x0  }
0x2a8: {  	(v2sf) =	vpush v0, $0x1;
	_ =	sdelay $0x1  }
0x2a9: {  	(v2sf) =	vpush v0, $0x2;
	_ =	sdelay $0xb  }
0x2aa: {  	s0 =	spop (v2sf)  }
0x2ab: {  	s1 =	spop (v2sf)  }
0x2ac: {  	s2 =	smov.u32 s0;
	p0 =	sne.s32 s0, s1  }
0x2ad: {  	s4 =	spop (v2sf);
	s2 =	simm.s32 @!p0 $0xFFFFFFFF  }
0x2ae: {  	v2 =	vimm.s32 $0x1;
	v3 =	vlaneseq.u32;
	p0 =	seq.s32 s4, $0xFFFFFFFF;
	v1 =	vmov s2  }
0x2af: {  	s16 =	stileid.u32;
	v0 =	vperm.xlane v0, v2;
	p1 =	sne.s32 @!p0 s0, s1;
	v1 =	vperm.xlane v1, v3  }
0x2b0: {  	vm0 =	vcmask $0x3F04;
	s6 =	simm.s32 $0x3648;
	s0 =	simm.s32 @!p0 $0x1;
	p1 =	por !p1, p0  }
0x2b1: {  	s2 =	sshll.u32 s16, $0x1;
	s1 =	sshll.u32 @!p0 s4, $0x6;
	s0 =	simm.s32 @p1 $0x0;
	v0 =	vsel vm0, v1, v0  }
0x2b2: {  	s5 =	sor.u32 $0x200, s2;
	s1 =	sshra.s32 @!p0 s1, $0x2;
	s0 =	sor.u32 @!p0 s0, s2;
	[tilespmem:$0x3648] =	vst v0  }
0x2b3: {  	[spmem:s5] =	stream.linear.scatter [tilespmem:s6], [sflag:$0x1], $0x2, $0x38;
	[tilespmem:$0x1F0F8] =	vst v63  }
0x2b4: {  	s1 =	sadd.s32 @!p0 $0x28, s1;
	s0 =	sshll.u32 @!p0 s0, $0x4  }
0x2b5: {  	[spmem:s0] =	stream.linear.scatter @!p0 [tilespmem:s1], [sflag:$0x1], $0x10, $0x38;
	[tilespmem:$0x1F0F8] =	vst v63  }
0x2b6: {  	s0 =	simm.s32 @!p0 $0x12  }
0x2b7: {  	s28 =	simm.s32 $0x1;
	s0 =	simm.s32 @p0 $0x2  }
0x2b8: {  	_ =	swait.ge [sflag:s28], s0  }
0x2b9: {  	s0 =	ssub.s32 $0x0, s0;
	[sflag:s28] =	ssyncset.done $0x0  }
0x2ba: {  	p0 =	sne.s32 s16, $0x0;
	[sflag:s28] =	ssyncadd.s32 s0  }
.Ltmp18:
0x2bb: {  	_ =	sfence.stream.spmem;
	(pc) =	sbr.rel @p0 .LBB2_38-.Ltmp18, $4  }
0x2bc: {  	s29 =	simm.s32 $0x3;
	[bflag:$0x0] =	sbarrier.arrive $0xFFFF  }
0x2bd: {  	s30 =	simm.s32 $0x4;
	[sflag:s29] =	ssyncpa.u1 $0x1  }
0x2be: {  	s31 =	simm.s32 $0x3C;
	[sflag:s30] =	ssyncpa.u1 $0x1  }
0x2bf: {  	s17 =	rddreg [dreg:$0x5];
	[sflag:s31] =	ssyncpa.u1 $0x1  }
0x2c0: {  	_ =	sfence.stream.spmem;
	s0 =	simm.s32 $0x5  }
0x2c1: {  	s1 =	simm.s32 $0x200;
	s2 =	simm.s32 $0x3658;
	[sflag:s0] =	ssyncpa.u1 $0x0  }
0x2c2: {  	[tilespmem:s2], [sflag:$0x5] =	stream.linear.gather [spmem:s1], $0x20, $0x38;
	[tilespmem:$0x1F0F8] =	vst v63  }
0x2c3: {  	s26 =	simm.s32 $0x0;
	s28 =	simm.s32 $0x3678  }
0x2c4: {  	[tilespmem:s28], [sflag:$0x5] =	stream.linear.gather [spmem:s26], $0x200, $0x38;
	[tilespmem:$0x1F0F8] =	vst v63  }
0x2c5: {  	_ =	swait.ge [sflag:s0], $0x220  }
0x2c6: {  	[sflag:s0] =	ssyncset.done $0x0  }
0x2c7: {  	s29 =	simm.s32 $0x0;
	[sflag:s0] =	ssyncadd.s32 $0xFFFFFDE0  }
0x2c8: {  	v0 =	vld.msk [tilespmem:s29+$0x3658], $0x1;
	_ =	sdelay $0x1  }
0x2c9: {  	s30 =	simm.s32 $0x1  }
0x2ca: {  	v1 =	vld.msk [tilespmem:s30+$0x3658], $0x1;
	_ =	sdelay $0x1  }
0x2cb: {  	(v2sf) =	vpush v0, $0x0;
	_ =	sdelay $0x2  }
0x2cc: {  	(v2sf) =	vpush v1, $0x0;
	_ =	sdelay $0x2  }
0x2cd: {  	s31 =	simm.s32 $0x2  }
0x2ce: {  	v0 =	vld.msk [tilespmem:s31+$0x3658], $0x1;
	_ =	sdelay $0x2  }
0x2cf: {  	s6 =	simm.s32 $0xFFFFFFFF;
	s1 =	simm.s32 $0xFFFFFFFF;
	s0 =	simm.s32 $0xC  }
.LBB2_23:
0x2d0: {  	s2 =	smov.u32 s6;
	s4 =	smov.u32 s1  }
0x2d1: {  	s1 =	sshra.s32 s0, $0x2;
	p1 =	sne.s32 s0, $0x7C;
	s0 =	sadd.s32 $0x4, s0;
	(v2sf) =	vpush v0, $0x0  }
0x2d2: {  	v0 =	vld.msk [tilespmem:s1+$0x3658], $0x1  }
.Ltmp19:
0x2d3: {  	(pc) =	sbr.rel @p1 .LBB2_23-.Ltmp19, $4  }
0x2d4: {  	s6 =	spop (v2sf)  }
0x2d5: {  	p2 =	sne.s32 s4, $0xFFFFFFFF;
	s1 =	smov.u32 s6  }
0x2d6: {  	p3 =	seq.s32 s6, $0xFFFFFFFF;
	s1 =	smov.u32 @p2 s4  }
0x2d7: {  	s6 =	smov.u32 @p3 s2;
	s1 =	smov.u32 @p3 s4  }
0x2d8: {  	(v2sf) =	vpush v0, $0x0;
	_ =	sdelay $0x8  }
0x2d9: {  	s0 =	spop (v2sf)  }
0x2da: {  	p1 =	sne.s32 s1, $0xFFFFFFFF;
	s2 =	smov.u32 s0  }
0x2db: {  	s9 =	simm.s32 $0x6;
	p2 =	seq.s32 s0, $0xFFFFFFFF;
	s2 =	smov.u32 @p1 s1  }
0x2dc: {  	s10 =	simm.s32 $0x3638;
	s2 =	smov.u32 @p2 s1;
	s1 =	spop (v2sf)  }
0x2dd: {  	s0 =	smov.u32 @p2 s6;
	p1 =	sne.s32 s2, $0xFFFFFFFF;
	s4 =	smov.u32 s1  }
.Ltmp20:
0x2de: {  	p2 =	seq.s32 s1, $0xFFFFFFFF;
	s4 =	smov.u32 @p1 s2;
	(pc) =	sbr.rel .LBB2_25-.Ltmp20, $4  }
0x2df: {  	s11 =	simm.s32 $0x0;
	s4 =	smov.u32 @p2 s2;
	s7 =	spop (v2sf)  }
0x2e0: {  	[sflag:s9] =	ssyncpa.u1 $0x0;
	p1 =	sne.s32 s4, $0xFFFFFFFF;
	s8 =	smov.u32 s7  }
0x2e1: {  	s1 =	smov.u32 @p2 s0;
	p2 =	seq.s32 s7, $0xFFFFFFFF;
	s8 =	smov.u32 @p1 s4  }
0x2e2: {  	s6 =	simm.s32 $0x0;
	s7 =	smov.u32 @p2 s1;
	s8 =	smov.u32 @p2 s4  }
.LBB2_30:
0x2e3: {  	p1 =	sgt.u32 s12, $0x270FF  }
0x2e4: {  	p2 =	seq.s32 @!p1 s12, s8  }
0x2e5: {  	p1 =	por p1, p2  }
0x2e6: {  	p2 =	sne.s32 @!p1 s12, s7  }
0x2e7: {  	p1 =	por p1, !p2  }
0x2e8: {  	s0 =	sshll.u32 @p1 s11, $0x6  }
0x2e9: {  	s0 =	sand.u32 @!p1 $0x3FFF8, s12  }
0x2ea: {  	s1 =	sand.u32 @!p1 $0x7, s12;
	s0 =	sadd.s32 @!p1 s3, s0  }
0x2eb: {  	[tilespmem:s10], [sflag:$0x6] =	stream.linear.gather @!p1 [hbm4b:s0+s1], $0x5, $0x38;
	[tilespmem:$0x1F0F8] =	vst v63  }
0x2ec: {  	_ =	swait.ge @!p1 [sflag:s9], $0x5  }
0x2ed: {  	[sflag:s9] =	ssyncset.done @!p1 $0x0  }
0x2ee: {  	[sflag:s9] =	ssyncadd.s32 @!p1 $0xFFFFFFFB  }
0x2ef: {  	v1 =	vld @!p1 [tilespmem:$0x3638];
	_ =	sdelay $0x2  }
0x2f0: {  	s0 =	sshll.u32 @!p1 s11, $0x6  }
0x2f1: {  	s1 =	sshrl.u32 @!p1 s0, $0x2  }
0x2f2: {  	[tilespmem:s1+$0x3678] =	vst.add.f32.msk @!p1 $0xffff, v1  }
0x2f3: {  	s0 =	sshrl.u32 s0, $0x2;
	[tilespmem:s6+$0x3658] =	vst.msk $0x1, v0  }
0x2f4: {  	v0 =	vld [tilespmem:s0+$0x3678];
	_ =	sdelay $0x2  }
0x2f5: {  	s31 =	sshll.u32 s6, $0x6  }
0x2f6: {  	s0 =	sshra.s32 s31, $0x2  }
0x2f7: {  	s6 =	sadd.s32 $0x1, s6;
	[tilespmem:s0+$0x3678] =	vst v0  }
.LBB2_32:
0x2f8: {  	s11 =	sadd.s32 $0x1, s11  }
0x2f9: {  	p1 =	sne.s32 s11, $0x20  }
.Ltmp21:
0x2fa: {  	_ = 	snop;
	(pc) =	sbr.rel @!p1 .LBB2_33-.Ltmp21, $1  }
0x2fb: {  	_ =	sdelay $0x3  }
.LBB2_25:
0x2fc: {  	v0 =	vld.msk [tilespmem:s11+$0x3658], $0x1;
	_ =	sdelay $0x4  }
0x2fd: {  	(v2sf) =	vpush v0, $0x0;
	_ =	sdelay $0xe  }
0x2fe: {  	s12 =	spop (v2sf)  }
0x2ff: {  	p1 =	seq.s32 s12, $0xFFFFFFFF  }
.Ltmp22:
0x300: {  	_ = 	snop;
	(pc) =	sbr.rel @p1 .LBB2_32-.Ltmp22, $1  }
0x301: {  	_ =	sdelay $0x3  }
0x302: {  	p1 =	slt.s32 s6, $0x1  }
.Ltmp23:
0x303: {  	_ = 	snop;
	(pc) =	sbr.rel @p1 .LBB2_30-.Ltmp23, $1  }
0x304: {  	_ =	sdelay $0x3  }
0x305: {  	s13 =	simm.s32 $0x3658;
	p1 =	por $0x0, $0x0  }
0x306: {  	v1 =	vld.msk @!p1 [tilespmem:s13+$0x0], $0x1;
	_ =	sdelay $0x4  }
0x307: {  	(v2sf) =	vpush @!p1 v1, $0x0;
	_ =	sdelay $0xd  }
0x308: {  	p3 =	sne.s32 s6, $0x1  }
.Ltmp24:
0x309: {  	s0 =	spop @!p1 (v2sf);
	(pc) =	sbr.rel @!p3 .LBB2_29-.Ltmp24, $4  }
0x30a: {  	p2 =	seq.s32 @!p1 s12, s0  }
0x30b: {  	s14 =	simm.s32 $0x0;
	p2 =	por !p2, p1  }
0x30c: {  	s0 =	simm.s32 $0xFFFFFFFF;
	s14 =	simm.s32 @p2 $0xFFFFFFFF  }
0x30d: {  	s15 =	simm.s32 $0x1;
	s14 =	smov.u32 @p1 s0  }
.LBB2_28:
0x30e: {  	s0 =	smov.u32 s14;
	p1 =	sne.s32 s14, $0xFFFFFFFF  }
0x30f: {  	s13 =	sadd.s32 $0x1, s13;
	s14 =	smov.u32 s15;
	s15 =	sadd.s32 $0x1, s15  }
0x310: {  	p2 =	sne.s32 s6, s15;
	v1 =	vld.msk @!p1 [tilespmem:s13+$0x0], $0x1;
	_ =	sdelay $0x4  }
0x311: {  	(v2sf) =	vpush @!p1 v1, $0x0;
	_ =	sdelay $0xe  }
.Ltmp25:
0x312: {  	s1 =	spop @!p1 (v2sf);
	(pc) =	sbr.rel @p2 .LBB2_28-.Ltmp25, $4  }
0x313: {  	p3 =	seq.s32 @!p1 s12, s1  }
0x314: {  	p3 =	por !p3, p1  }
0x315: {  	s14 =	simm.s32 @p3 $0xFFFFFFFF  }
0x316: {  	s14 =	smov.u32 @p1 s0  }
.LBB2_29:
0x317: {  	p1 =	sne.s32 s14, $0xFFFFFFFF  }
.Ltmp26:
0x318: {  	_ = 	snop;
	(pc) =	sbr.rel @!p1 .LBB2_30-.Ltmp26, $1  }
0x319: {  	_ =	sdelay $0x3  }
0x31a: {  	s0 =	sshll.u32 s11, $0x4  }
0x31b: {  	s0 =	sand.u32 $0x3FFFFFF0, s0  }
0x31c: {  	v0 =	vld [tilespmem:s0+$0x3678]  }
.Ltmp27:
0x31d: {  	_ = 	snop;
	(pc) =	sbr.rel .LBB2_32-.Ltmp27, $4  }
0x31e: {  	_ = 	snop  }
0x31f: {  	s31 =	sshll.u32 s14, $0x6  }
0x320: {  	s0 =	sshra.s32 s31, $0x2  }
0x321: {  	[tilespmem:s0+$0x3678] =	vst.add.f32.msk $0xffff, v0  }
.LBB2_33:
0x322: {  	s0 =	simm.s32 $0x6;
	p1 =	seq.s32 s6, $0x0  }
0x323: {  	[sflag:s0] =	ssyncpa.u1 $0x1;
	v0 =	vimm.s32 @p1 $0xFFFFFFFF  }
0x324: {  	s9 =	sadd.s32 $0xFFFFFFFF, s6;
	[tilespmem:$0x3878] =	vst @p1 v0  }
0x325: {  	v0 =	vld.msk @!p1 [tilespmem:s9+$0x3658], $0x1;
	_ =	sdelay $0x1  }
0x326: {  	v1 =	vld.msk @!p1 [tilespmem:$0x3658], $0x1;
	_ =	sdelay $0x2  }
0x327: {  	p2 =	seq.s32 @!p1 s9, $0x0;
	v0 =	vbroadcast @!p1 v0, $0x0  }
0x328: {  	vm0 =	vmmov @!p1 $0x1;
	p2 =	por !p2, p1  }
0x329: {  	v1 =	vnsel @!p1 vm0, $0xFFFFFFFF, v1;
	vm0 =	vcmask @!p1 $0x308;
	v0 =	vpsel !p2, $0xFFFFFFFF, v0  }
0x32a: {  	p2 =	sne.s32 @!p1 s8, s7;
	v0 =	vsel @!p1 vm0, v1, v0  }
0x32b: {  	s0 =	simm.s32 @!p1 $0x3678;
	s1 =	simm.s32 @!p1 $0x0;
	p3 =	por !p2, p1;
	[tilespmem:$0x3878] =	vst @!p1 v0  }
0x32c: {  	[spmem:s1] =	stream.linear.scatter @!p1 [tilespmem:s0], [sflag:$0x1], $0x10, $0x38;
	[tilespmem:$0x1F0F8] =	vst v63  }
0x32d: {  	s0 =	sshll.u32 @!p3 s9, $0x6  }
0x32e: {  	s0 =	sshra.s32 @!p3 s0, $0x2  }
0x32f: {  	s1 =	simm.s32 @!p3 $0x10;
	s0 =	sadd.s32 @!p3 $0x3678, s0  }
0x330: {  	[spmem:s1] =	stream.linear.scatter @!p3 [tilespmem:s0], [sflag:$0x1], $0x10, $0x38;
	[tilespmem:$0x1F0F8] =	vst v63  }
0x331: {  	s0 =	simm.s32 @!p3 $0x1  }
0x332: {  	_ =	swait.ge @!p3 [sflag:s0], $0x20  }
0x333: {  	p1 =	por p2, p1;
	[sflag:s0] =	ssyncset.done @!p3 $0x0  }
0x334: {  	[sflag:s0] =	ssyncadd.s32 @!p3 $0xFFFFFFE0;
	s0 =	simm.s32 @!p1 $0x1  }
0x335: {  	_ =	swait.ge @!p1 [sflag:s0], $0x10  }
0x336: {  	s29 =	simm.s32 $0x3878;
	[sflag:s0] =	ssyncset.done @!p1 $0x0  }
0x337: {  	s30 =	simm.s32 $0x200;
	s31 =	simm.s32 $0x1;
	[sflag:s0] =	ssyncadd.s32 @!p1 $0xFFFFFFF0  }
0x338: {  	[spmem:s30] =	stream.linear.scatter [tilespmem:s29], [sflag:$0x1], $0x10, $0x38;
	[tilespmem:$0x1F0F8] =	vst v63  }
0x339: {  	_ =	swait.ge [sflag:s31], $0x10  }
0x33a: {  	[sflag:s31] =	ssyncset.done $0x0  }
0x33b: {  	p1 =	seq.s32 s17, $0x0;
	s8 =	rddreg [dreg:$0x1];
	[sflag:s31] =	ssyncadd.s32 $0xFFFFFFF0  }
0x33c: {  	s1 =	sshll.u32 @p1 s8, $0xE;
	s7 =	rddreg [dreg:$0x2]  }
0x33d: {  	s0 =	sadd.s32 @p1 $0x15C3C, s1;
	s1 =	sshll.u32 @p1 s7, $0x11  }
0x33e: {  	_ =	sfence.stream.spmem;
	s0 =	sor.u32 @p1 s1, s0  }
0x33f: {  	[sflag:s0] =	ssyncadd.remote.s32 @p1 $0x1;
	s0 =	simm.s32 @p1 $0x4  }
0x340: {  	s2 =	simm.s32 @!p1 $0x3C;
	s1 =	sand.u32 $0xFFFFFFFE, s8;
	_ =	swait.ge @p1 [sflag:s0], $0x6  }
0x341: {  	s4 =	simm.s32 @!p1 $0x0;
	s1 =	sadd.s32 @!p1 $0x4, s1;
	[sflag:s0] =	ssyncset.done @p1 $0x0  }
0x342: {  	s5 =	simm.s32 @!p1 $0x20;
	[sflag:s0] =	ssyncadd.s32 @p1 $0xFFFFFFFA;
	s0 =	sshll.u32 @!p1 s1, $0x1A  }
0x343: {  	s1 =	sshll.u32 @!p1 s1, $0xD;
	s0 =	sor.u32 @!p1 s0, s7;
	_ =	swait.eq @!p1 [sflag:s2], $0x1  }
0x344: {  	s1 =	sor.u32 @!p1 $0x1C04, s1;
	s2 =	simm.s32 @!p1 $0x1C03;
	s0 =	sor.u32 @!p1 $0x80004000, s0  }
0x345: {  	[spmem:s5], [sflag:s1] =	dma.general @!p1 [spmem:s4], [sflag:s2], length:$0x4, [dreg:$0x0], stride_count:$0x0, ici_dest:s0, dma_misc:DstOpCode:WRITE  }
0x346: {  	p2 =	slt.s32 s9, $0x2;
	s4 =	simm.s32 @!p1 $0x40;
	s5 =	simm.s32 @!p1 $0x42  }
0x347: {  	[spmem:s5], [sflag:s1] =	dma.general @!p1 [spmem:s4], [sflag:s2], length:$0x2, [dreg:$0x0], stride_count:$0x0, ici_dest:s0, dma_misc:DstOpCode:WRITE  }
.Ltmp28:
0x348: {  	s0 =	simm.s32 @!p1 $0x3;
	(pc) =	sbr.rel @p2 .LBB2_37-.Ltmp28, $4  }
0x349: {  	s1 =	sshll.u32 @!p1 s8, $0xE;
	_ =	swait.ge @!p1 [sflag:s0], $0x6  }
0x34a: {  	s2 =	sshll.u32 @!p1 s7, $0x11;
	s1 =	sadd.s32 @!p1 $0x11C3C, s1;
	[sflag:s0] =	ssyncset.done @!p1 $0x0  }
0x34b: {  	[sflag:s0] =	ssyncadd.s32 @!p1 $0xFFFFFFFA;
	s0 =	sor.u32 @!p1 s2, s1  }
0x34c: {  	[sflag:s0] =	ssyncadd.remote.s32 @!p1 $0xFFFFFFFF;
	s0 =	simm.s32 $0x0  }
0x34d: {  	s0 =	simm.s32 $0x3659  }
0x34e: {  	v0 =	vld.msk [tilespmem:s0+$0x0], $0x1;
	_ =	sdelay $0x4  }
0x34f: {  	(v2sf) =	vpush v0, $0x0;
	_ =	sdelay $0xd  }
0x350: {  	s2 =	sadd.s32 $0xFFFFFFFE, s6  }
0x351: {  	s2 =	sadd.s32 $0xFFFFFFFF, s2;
	s0 =	spop (v2sf)  }
0x352: {  	p2 =	sne.s32 s2, $0x0;
	p1 =	sgt.u32 s0, $0x270FF  }
.Ltmp29:
0x353: {  	s4 =	sand.u32 @!p1 $0x3FFF8, s0;
	(pc) =	sbr.rel @!p2 .LBB2_36-.Ltmp29, $4  }
0x354: {  	s1 =	simm.s32 $0x3688;
	s0 =	sand.u32 @!p1 $0x7, s0;
	s4 =	sadd.s32 @!p1 s3, s4  }
0x355: {  	[hbm4b:s4+s0] =	stream.linear.scatter @!p1 [tilespmem:s1], [sflag:$0x5], $0x5, $0x38;
	[tilespmem:$0x1F0F8] =	vst v63  }
0x356: {  	s0 =	simm.s32 $0x0  }
0x357: {  	s6 =	simm.s32 $0x0;
	s7 =	simm.s32 $0x365A;
	s0 =	simm.s32 @!p1 $0x14  }
.LBB2_35:
0x358: {  	v0 =	vld.msk [tilespmem:s7+$0x0], $0x1;
	s2 =	sadd.s32 $0xFFFFFFFF, s2;
	s6 =	sadd.s32 s6, s0  }
0x359: {  	p1 =	sne.s32 s2, $0x0;
	_ =	sdelay $0x3  }
0x35a: {  	(v2sf) =	vpush v0, $0x0;
	_ =	sdelay $0xe  }
.Ltmp30:
0x35b: {  	s4 =	spop (v2sf);
	(pc) =	sbr.rel @p1 .LBB2_35-.Ltmp30, $4  }
0x35c: {  	s0 =	simm.s32 $0x0;
	p2 =	sgt.u32 s4, $0x270FF  }
0x35d: {  	s1 =	sadd.s32 $0x10, s1;
	s0 =	simm.s32 @!p2 $0x14;
	s5 =	sand.u32 @!p2 $0x3FFF8, s4  }
0x35e: {  	s7 =	sadd.s32 $0x1, s7;
	s4 =	sand.u32 @!p2 $0x7, s4;
	s5 =	sadd.s32 @!p2 s3, s5  }
0x35f: {  	[hbm4b:s5+s4] =	stream.linear.scatter @!p2 [tilespmem:s1], [sflag:$0x5], $0x5, $0x38;
	[tilespmem:$0x1F0F8] =	vst v63  }
.LBB2_36:
0x360: {  	s0 =	sadd.s32 s6, s0  }
0x361: {  	s0 =	sshrl.u32 s0, $0x2  }
.LBB2_37:
0x362: {  	s1 =	simm.s32 $0x5  }
0x363: {  	_ =	swait.ge [sflag:s1], s0  }
0x364: {  	s31 =	ssub.s32 $0x0, s0;
	[sflag:s1] =	ssyncset.done $0x0  }
0x365: {  	[sflag:s1] =	ssyncadd.s32 s31  }
0x366: {  	[sflag:s1] =	ssyncpa.u1 $0x1  }
.LBB2_38:
0x367: {  	s0 =	sor.u32 s17, s16  }
0x368: {  	p1 =	sne.s32 s0, $0x0  }
.Ltmp31:
0x369: {  	_ = 	snop;
	(pc) =	sbr.rel @p1 .LBB2_53-.Ltmp31, $3  }
0x36a: {  	_ =	sdelay $0x1  }
0x36b: {  	[bflag:$0x0] =	sbarrier.arrive $0xFFFF  }
0x36c: {  	_ =	sfence  }
0x36d: {  	s0 =	simm.s32 $0x7  }
0x36e: {  	s1 =	simm.s32 $0x200;
	s2 =	simm.s32 $0x3658;
	[sflag:s0] =	ssyncpa.u1 $0x0  }
0x36f: {  	[tilespmem:s2], [sflag:$0x7] =	stream.linear.gather [spmem:s1], $0x20, $0x38;
	[tilespmem:$0x1F0F8] =	vst v63  }
0x370: {  	s30 =	simm.s32 $0x3678;
	s1 =	simm.s32 $0x0  }
0x371: {  	[tilespmem:s30], [sflag:$0x7] =	stream.linear.gather [spmem:s1], $0x200, $0x38;
	[tilespmem:$0x1F0F8] =	vst v63  }
.Ltmp32:
0x372: {  	_ = 	snop;
	(pc) =	sbr.rel .LBB2_40-.Ltmp32, $4  }
0x373: {  	_ =	swait.ge [sflag:s0], $0x220  }
0x374: {  	[sflag:s0] =	ssyncset.done $0x0  }
0x375: {  	s31 =	simm.s32 $0x8;
	[sflag:s0] =	ssyncadd.s32 $0xFFFFFDE0  }
0x376: {  	s2 =	simm.s32 $0x0;
	[sflag:s31] =	ssyncpa.u1 $0x0  }
.LBB2_45:
0x377: {  	p1 =	slt.u32 s4, $0x27100  }
0x378: {  	s0 =	sand.u32 @p1 $0x3FFF8, s4  }
0x379: {  	s4 =	sand.u32 @p1 $0x7, s4;
	s5 =	simm.s32 @p1 $0x3638;
	s0 =	sadd.s32 @p1 s3, s0  }
0x37a: {  	[tilespmem:s5], [sflag:$0x8] =	stream.linear.gather @p1 [hbm4b:s0+s4], $0x5, $0x38;
	[tilespmem:$0x1F0F8] =	vst v63  }
0x37b: {  	s0 =	simm.s32 @p1 $0x8  }
0x37c: {  	_ =	swait.ge @p1 [sflag:s0], $0x5  }
0x37d: {  	[sflag:s0] =	ssyncset.done @p1 $0x0  }
0x37e: {  	[sflag:s0] =	ssyncadd.s32 @p1 $0xFFFFFFFB  }
0x37f: {  	v1 =	vld @p1 [tilespmem:$0x3638];
	_ =	sdelay $0x2  }
0x380: {  	s0 =	sshll.u32 @p1 s2, $0x6  }
0x381: {  	s5 =	sshll.u32 @!p1 s2, $0x6;
	s4 =	sshrl.u32 @p1 s0, $0x2  }
0x382: {  	s5 =	smov.u32 @p1 s0;
	[tilespmem:s4+$0x3678] =	vst.add.f32.msk @p1 $0xffff, v1  }
0x383: {  	s0 =	sshrl.u32 s5, $0x2;
	[tilespmem:s1+$0x3658] =	vst.msk $0x1, v0  }
0x384: {  	v0 =	vld [tilespmem:s0+$0x3678];
	_ =	sdelay $0x2  }
0x385: {  	s31 =	sshll.u32 s1, $0x6  }
0x386: {  	s0 =	sshra.s32 s31, $0x2  }
0x387: {  	s1 =	sadd.s32 $0x1, s1;
	[tilespmem:s0+$0x3678] =	vst v0  }
.LBB2_47:
0x388: {  	s2 =	sadd.s32 $0x1, s2  }
0x389: {  	p1 =	sne.s32 s2, $0x20  }
.Ltmp33:
0x38a: {  	_ = 	snop;
	(pc) =	sbr.rel @!p1 .LBB2_48-.Ltmp33, $1  }
0x38b: {  	_ =	sdelay $0x3  }
.LBB2_40:
0x38c: {  	v0 =	vld.msk [tilespmem:s2+$0x3658], $0x1;
	_ =	sdelay $0x4  }
0x38d: {  	(v2sf) =	vpush v0, $0x0;
	_ =	sdelay $0xe  }
0x38e: {  	s4 =	spop (v2sf)  }
0x38f: {  	p1 =	seq.s32 s4, $0xFFFFFFFF  }
.Ltmp34:
0x390: {  	_ = 	snop;
	(pc) =	sbr.rel @p1 .LBB2_47-.Ltmp34, $1  }
0x391: {  	_ =	sdelay $0x3  }
0x392: {  	p1 =	slt.s32 s1, $0x1  }
.Ltmp35:
0x393: {  	_ = 	snop;
	(pc) =	sbr.rel @p1 .LBB2_45-.Ltmp35, $1  }
0x394: {  	_ =	sdelay $0x3  }
0x395: {  	s5 =	simm.s32 $0x3658;
	p1 =	por $0x0, $0x0  }
0x396: {  	v1 =	vld.msk @!p1 [tilespmem:s5+$0x0], $0x1;
	_ =	sdelay $0x4  }
0x397: {  	(v2sf) =	vpush @!p1 v1, $0x0;
	_ =	sdelay $0xd  }
0x398: {  	p3 =	sne.s32 s1, $0x1  }
.Ltmp36:
0x399: {  	s0 =	spop @!p1 (v2sf);
	(pc) =	sbr.rel @!p3 .LBB2_44-.Ltmp36, $4  }
0x39a: {  	p2 =	seq.s32 @!p1 s4, s0  }
0x39b: {  	s6 =	simm.s32 $0x0;
	p2 =	por !p2, p1  }
0x39c: {  	s0 =	simm.s32 $0xFFFFFFFF;
	s6 =	simm.s32 @p2 $0xFFFFFFFF  }
0x39d: {  	s7 =	simm.s32 $0x1;
	s6 =	smov.u32 @p1 s0  }
.LBB2_43:
0x39e: {  	s0 =	smov.u32 s6;
	p1 =	sne.s32 s6, $0xFFFFFFFF  }
0x39f: {  	s5 =	sadd.s32 $0x1, s5;
	s6 =	smov.u32 s7;
	s7 =	sadd.s32 $0x1, s7  }
0x3a0: {  	p2 =	sne.s32 s1, s7;
	v1 =	vld.msk @!p1 [tilespmem:s5+$0x0], $0x1;
	_ =	sdelay $0x4  }
0x3a1: {  	(v2sf) =	vpush @!p1 v1, $0x0;
	_ =	sdelay $0xe  }
.Ltmp37:
0x3a2: {  	s8 =	spop @!p1 (v2sf);
	(pc) =	sbr.rel @p2 .LBB2_43-.Ltmp37, $4  }
0x3a3: {  	p3 =	seq.s32 @!p1 s4, s8  }
0x3a4: {  	p3 =	por !p3, p1  }
0x3a5: {  	s6 =	simm.s32 @p3 $0xFFFFFFFF  }
0x3a6: {  	s6 =	smov.u32 @p1 s0  }
.LBB2_44:
0x3a7: {  	p1 =	sne.s32 s6, $0xFFFFFFFF  }
.Ltmp38:
0x3a8: {  	_ = 	snop;
	(pc) =	sbr.rel @!p1 .LBB2_45-.Ltmp38, $1  }
0x3a9: {  	_ =	sdelay $0x3  }
0x3aa: {  	s0 =	sshll.u32 s2, $0x4  }
0x3ab: {  	s0 =	sand.u32 $0x3FFFFFF0, s0  }
0x3ac: {  	v0 =	vld [tilespmem:s0+$0x3678]  }
.Ltmp39:
0x3ad: {  	_ = 	snop;
	(pc) =	sbr.rel .LBB2_47-.Ltmp39, $4  }
0x3ae: {  	_ = 	snop  }
0x3af: {  	s31 =	sshll.u32 s6, $0x6  }
0x3b0: {  	s0 =	sshra.s32 s31, $0x2  }
0x3b1: {  	[tilespmem:s0+$0x3678] =	vst.add.f32.msk $0xffff, v0  }
.LBB2_48:
0x3b2: {  	p1 =	slt.s32 s1, $0x1  }
.Ltmp40:
0x3b3: {  	_ = 	snop;
	(pc) =	sbr.rel @p1 .LBB2_52-.Ltmp40, $3  }
0x3b4: {  	_ =	sdelay $0x1  }
0x3b5: {  	s0 =	simm.s32 $0x8  }
0x3b6: {  	s2 =	simm.s32 $0x0;
	[sflag:s0] =	ssyncpa.u1 $0x1  }
0x3b7: {  	s0 =	simm.s32 $0x3658  }
0x3b8: {  	v0 =	vld.msk [tilespmem:s0+$0x0], $0x1;
	_ =	sdelay $0x4  }
0x3b9: {  	(v2sf) =	vpush v0, $0x0;
	_ =	sdelay $0xe  }
0x3ba: {  	s1 =	sadd.s32 $0xFFFFFFFF, s1;
	s0 =	spop (v2sf)  }
0x3bb: {  	p2 =	sne.s32 s1, $0x0;
	p1 =	sgt.u32 s0, $0x270FF  }
.Ltmp41:
0x3bc: {  	s5 =	sand.u32 @!p1 $0x3FFF8, s0;
	(pc) =	sbr.rel @!p2 .LBB2_51-.Ltmp41, $4  }
0x3bd: {  	s4 =	simm.s32 $0x3678;
	s0 =	sand.u32 @!p1 $0x7, s0;
	s5 =	sadd.s32 @!p1 s3, s5  }
0x3be: {  	[hbm4b:s5+s0] =	stream.linear.scatter @!p1 [tilespmem:s4], [sflag:$0x7], $0x5, $0x38;
	[tilespmem:$0x1F0F8] =	vst v63  }
0x3bf: {  	s0 =	simm.s32 $0x0  }
0x3c0: {  	s5 =	simm.s32 $0x3659;
	s0 =	simm.s32 @!p1 $0x14  }
.LBB2_50:
0x3c1: {  	v0 =	vld.msk [tilespmem:s5+$0x0], $0x1;
	s1 =	sadd.s32 $0xFFFFFFFF, s1;
	s2 =	sadd.s32 s2, s0  }
0x3c2: {  	p1 =	sne.s32 s1, $0x0;
	_ =	sdelay $0x3  }
0x3c3: {  	(v2sf) =	vpush v0, $0x0;
	_ =	sdelay $0xe  }
.Ltmp42:
0x3c4: {  	s6 =	spop (v2sf);
	(pc) =	sbr.rel @p1 .LBB2_50-.Ltmp42, $4  }
0x3c5: {  	s0 =	simm.s32 $0x0;
	p2 =	sgt.u32 s6, $0x270FF  }
0x3c6: {  	s4 =	sadd.s32 $0x10, s4;
	s0 =	simm.s32 @!p2 $0x14;
	s7 =	sand.u32 @!p2 $0x3FFF8, s6  }
0x3c7: {  	s5 =	sadd.s32 $0x1, s5;
	s6 =	sand.u32 @!p2 $0x7, s6;
	s7 =	sadd.s32 @!p2 s3, s7  }
0x3c8: {  	[hbm4b:s7+s6] =	stream.linear.scatter @!p2 [tilespmem:s4], [sflag:$0x7], $0x5, $0x38;
	[tilespmem:$0x1F0F8] =	vst v63  }
.LBB2_51:
0x3c9: {  	s0 =	sadd.s32 s2, s0  }
0x3ca: {  	s2 =	sshrl.u32 s0, $0x2  }
.LBB2_52:
0x3cb: {  	s0 =	simm.s32 $0x7  }
0x3cc: {  	_ =	swait.ge [sflag:s0], s2  }
0x3cd: {  	s1 =	ssub.s32 $0x0, s2;
	[sflag:s0] =	ssyncset.done $0x0  }
0x3ce: {  	[sflag:s0] =	ssyncadd.s32 s1  }
0x3cf: {  	[sflag:s0] =	ssyncpa.u1 $0x1  }
.LBB2_53:
0x3d0: {  	_ =	sfence;
	s0 =	simm.s32 $0x1  }
0x3d1: {  	[sflag:s0] =	ssyncpa.u1 $0x1  }
0x3d2: {  	_ =	strace $0x9000004D  }
0x3d3: {  	[bflag:$0x2] =	sbarrier.arrive $0xFFFF  }
0x3d4: {  	s0 =	rddreg [dreg:$0x3]  }
0x3d5: {  	s0 =	sadd.s32 @!p0 $0x100000, s0  }
0x3d6: {  	[sflag:s0] =	ssyncadd.tile.s32 @!p0 $0x1;
	_ =	shalt  }
.Lfunc_end2:
_tile_overlayer_lowered:
.L_overlay_start_2:
0x3d7: {  	(tag) =	ssettag $0x2  }
0x3d8: {  	s0 =	rddreg [dreg:$0x0];
	s2 =	stileid.u32  }
0x3d9: {  	s1 =	rddreg [dreg:$0x1];
	p0 =	sne.s32 s2, $0x0  }
0x3da: {  	s3 =	rddreg [dreg:$0x2];
	[bflag:$0x3] =	sbarrier.arrive $0xFFFF;
	s2 =	simm.s32 @!p0 $0x1C01  }
0x3db: {  	[timem:s3], [sflag:s2] =	dma.local @!p0 [hbm:s0], s1  }
0x3dc: {  	s0 =	simm.s32 @!p0 $0x1  }
0x3dd: {  	_ =	swait.ge @!p0 [sflag:s0], s1  }
0x3de: {  	s1 =	ssub.s32 @!p0 $0x0, s1;
	[sflag:s0] =	ssyncset.done @!p0 $0x0  }
0x3df: {  	[sflag:s0] =	ssyncadd.s32 @!p0 s1  }
0x3e0: {  	[bflag:$0x3] =	sbarrier.arrive $0xFFFF  }
0x3e1: {  	_ =	shalt  }

// kernel: scatter_offload_async_start
scs
__scs_entry_jumppad:
0x0: {  	(pc) =	sbr.rel $0x88, $3  }
0x1: {  	(tag) =	ssettag $0x0;
	lr =	simm.s32 $0x1  }
0x2: {  	[smem:$0x3F71] =	sst lr;
	_ =	strace $0xD0000000  }
0x3: {  	_ = 	snop  }
0x4: {  	_ = 	snop  }
0x5: {  	_ = 	snop  }
0x6: {  	_ = 	snop  }
0x7: {  	_ = 	snop  }
__scs_overlays_trampoline_lowered:
0x8: {  	[smem:$0x3F80] =	sst s0  }
0x9: {  	[smem:$0x3F81] =	sst s1  }
0xa: {  	[smem:$0x3F82] =	sst s2  }
0xb: {  	[smem:$0x3F83] =	sst s3  }
0xc: {  	[smem:$0x3F84] =	sst s4  }
0xd: {  	[smem:$0x3F85] =	sst s5  }
0xe: {  	[smem:$0x3F86] =	sst s6  }
0xf: {  	[smem:$0x3F87] =	sst s7  }
0x10: {  	[smem:$0x3F88] =	sst s8  }
0x11: {  	[smem:$0x3F89] =	sst s9;
	s0 =	simm.s32 @!p0 $0x0  }
0x12: {  	s1 =	sld [smem:$0x3F6F];
	s0 =	simm.s32 @p0 $0x1  }
0x13: {  	[smem:$0x3F8A] =	sst s0;
	s0 =	simm.s32 @!p1 $0x0  }
0x14: {  	s2 =	sld [smem:$0x3F6E];
	s0 =	simm.s32 @p1 $0x1  }
0x15: {  	[smem:$0x3F8B] =	sst s0;
	s0 =	simm.s32 @!p2 $0x0  }
0x16: {  	s3 =	sld [smem:$0x3FDB];
	s0 =	simm.s32 @p2 $0x1  }
0x17: {  	s4 =	simm.s32 $0x1BF5;
	[smem:$0x3F8D] =	sst s0  }
0x18: {  	s0 =	sld [smem:$0x3F70];
	_ =	swait.ge [sflag:s4], $0x0  }
0x19: {  	s7 =	sld [smem:$0x3F71]  }
0x1a: {  	s8 =	sadd.s32 $0xFFFFE003, lr  }
0x1b: {  	s9 =	sadd.s32 $0xFFFFFEF7, lr;
	s5 =	simm.s32 $0xFFFFFFFF;
	p2 =	slt.u32 s8, $0xFFFFF086  }
0x1c: {  	p1 =	slt.u32 s9, $0xF7A;
	s5 =	simm.s32 @!p2 $0x0  }
0x1d: {  	s5 =	simm.s32 @p1 $0x1;
	p0 =	seq.s32 s7, s2  }
0x1e: {  	s7 =	smul.u32 @!p0 $0xF7A, s2;
	p2 =	seq.s32 @!p0 s5, $0x0  }
0x1f: {  	s9 =	smul.u32 $0xF7A, s1;
	s8 =	simm.s32 @!p0 $0x1BF5;
	p2 =	por !p2, p0  }
0x20: {  	[sflag:s8] =	ssyncset.s32 @!p0 $0xFFFFF086;
	s6 =	sadd.s32 @!p0 s3, s7;
	s7 =	simm.s32 @!p0 $0x108  }
0x21: {  	s3 =	sadd.s32 s3, s9;
	s6 =	sadd.s32 @!p0 $0x88, s6;
	s7 =	simm.s32 @p2 $0x1082  }
0x22: {  	[simem:s7], [sflag:s8] =	dma.local @!p0 [hbm:s6], $0xF7A  }
0x23: {  	s9 =	sor.u32 $0xD0000000, s2;
	s6 =	simm.s32 $0x108;
	_ =	swait.ge @!p0 [sflag:s8], $0x0  }
0x24: {  	s3 =	sadd.s32 $0x88, s3;
	s6 =	simm.s32 @!p1 $0x1082;
	[sflag:s4] =	ssyncset.s32 $0xFFFFF086  }
0x25: {  	[simem:s6], [sflag:s4] =	dma.local [hbm:s3], $0xF7A  }
0x26: {  	[smem:$0x3F71] =	sst s1;
	(tag) =	ssettag s2;
	_ =	strace s9  }
0x27: {  	s1 =	sld [smem:$0x3F81]  }
0x28: {  	s2 =	sld [smem:$0x3F82]  }
0x29: {  	s4 =	sld [smem:$0x3F84]  }
0x2a: {  	p0 =	seq.s32 s5, $0x0;
	s5 =	sld [smem:$0x3F85]  }
0x2b: {  	s6 =	sld [smem:$0x3F86]  }
0x2c: {  	s7 =	sld [smem:$0x3F87]  }
0x2d: {  	s3 =	simm.s32 $0x108;
	s8 =	sld [smem:$0x3F88]  }
0x2e: {  	s3 =	simm.s32 @!p0 $0x1082;
	s9 =	sld [smem:$0x3F89]  }
0x2f: {  	lr =	sadd.s32 s0, s3;
	s0 =	sld [smem:$0x3F80]  }
0x30: {  	s3 =	sld [smem:$0x3F83]  }
0x31: {  	[smem:$0x3F8C] =	sst s10  }
0x32: {  	s10 =	sld [smem:$0x3F8A];
	_ =	sdelay $0x3  }
0x33: {  	p0 =	seq.s32 s10, $0x1;
	s10 =	sld [smem:$0x3F8C];
	_ =	sdelay $0x3  }
0x34: {  	[smem:$0x3F8C] =	sst s10  }
0x35: {  	s10 =	sld [smem:$0x3F8B];
	_ =	sdelay $0x3  }
0x36: {  	p1 =	seq.s32 s10, $0x1;
	s10 =	sld [smem:$0x3F8C];
	_ =	sdelay $0x3  }
0x37: {  	[smem:$0x3F8C] =	sst s10  }
0x38: {  	s10 =	sld [smem:$0x3F8D]  }
0x39: {  	_ = 	snop;
	(pc) =	sbr.ind lr, $3  }
0x3a: {  	_ = 	snop  }
0x3b: {  	_ = 	snop  }
0x3c: {  	p2 =	seq.s32 s10, $0x1;
	s10 =	sld [smem:$0x3F8C]  }
0x3d: {  	_ =	shalt  }
0x3e: {  	_ =	shalt  }
0x3f: {  	_ =	shalt  }
0x40: {  	_ =	shalt  }
0x41: {  	_ =	shalt  }
0x42: {  	_ =	shalt  }
0x43: {  	_ =	shalt  }
0x44: {  	_ =	shalt  }
0x45: {  	_ =	shalt  }
0x46: {  	_ =	shalt  }
0x47: {  	_ =	shalt  }
0x48: {  	_ =	shalt  }
0x49: {  	_ =	shalt  }
0x4a: {  	_ =	shalt  }
0x4b: {  	_ =	shalt  }
0x4c: {  	_ =	shalt  }
0x4d: {  	_ =	shalt  }
0x4e: {  	_ =	shalt  }
0x4f: {  	_ =	shalt  }
0x50: {  	_ =	shalt  }
0x51: {  	_ =	shalt  }
0x52: {  	_ =	shalt  }
0x53: {  	_ =	shalt  }
0x54: {  	_ =	shalt  }
0x55: {  	_ =	shalt  }
0x56: {  	_ =	shalt  }
0x57: {  	_ =	shalt  }
0x58: {  	_ =	shalt  }
0x59: {  	_ =	shalt  }
0x5a: {  	_ =	shalt  }
0x5b: {  	_ =	shalt  }
0x5c: {  	_ =	shalt  }
0x5d: {  	_ =	shalt  }
0x5e: {  	_ =	shalt  }
0x5f: {  	_ =	shalt  }
0x60: {  	_ =	shalt  }
0x61: {  	_ =	shalt  }
0x62: {  	_ =	shalt  }
0x63: {  	_ =	shalt  }
0x64: {  	_ =	shalt  }
0x65: {  	_ =	shalt  }
0x66: {  	_ =	shalt  }
0x67: {  	_ =	shalt  }
0x68: {  	_ =	shalt  }
0x69: {  	_ =	shalt  }
0x6a: {  	_ =	shalt  }
0x6b: {  	_ =	shalt  }
0x6c: {  	_ =	shalt  }
0x6d: {  	_ =	shalt  }
0x6e: {  	_ =	shalt  }
0x6f: {  	_ =	shalt  }
0x70: {  	_ =	shalt  }
0x71: {  	_ =	shalt  }
0x72: {  	_ =	shalt  }
0x73: {  	_ =	shalt  }
0x74: {  	_ =	shalt  }
0x75: {  	_ =	shalt  }
0x76: {  	_ =	shalt  }
0x77: {  	_ =	shalt  }
0x78: {  	_ =	shalt  }
0x79: {  	_ =	shalt  }
0x7a: {  	_ =	shalt  }
0x7b: {  	_ =	shalt  }
0x7c: {  	_ =	shalt  }
0x7d: {  	_ =	shalt  }
0x7e: {  	_ =	shalt  }
0x7f: {  	_ =	shalt  }
0x80: {  	_ =	shalt  }
0x81: {  	_ =	shalt  }
0x82: {  	_ =	shalt  }
0x83: {  	_ =	shalt  }
0x84: {  	_ =	shalt  }
0x85: {  	_ =	shalt  }
0x86: {  	_ =	shalt  }
0x87: {  	_ =	shalt  }
.Lfunc_end0:
.L_simem_size_0:
called_computation_lowered:
.L_overlay_start_0:
0x88: {  	s2 =	sld [smem:$0x3FD9]  }
0x89: {  	s3 =	sld [smem:$0x3FFE];
	_ =	sdelay $0x1  }
0x8a: {  	s1 =	srdreg.scid  }
0x8b: {  	s0 =	sand.u32 $0x1, s1  }
0x8c: {  	s15 =	sshll.u32 s0, $0xA;
	s2 =	sadd.s32 s3, s2  }
0x8d: {  	s2 =	sadd.s32 s2, s15  }
0x8e: {  	[smem:$0x3F98] =	sst s2  }
0x8f: {  	_ = 	snop  }
0x90: {  	(tm) =	ssettm $0x1  }
0x91: {  	s16 =	sld [smem:$0x3FFB];
	_ =	sdelay $0x3  }
0x92: {  	_ =	strace s16  }
0x93: {  	s2 =	sld [smem:$0x3FFC];
	_ =	sdelay $0x3  }
0x94: {  	_ =	strace s2  }
0x95: {  	s2 =	sld [smem:$0x3FFD];
	_ =	sdelay $0x3  }
0x96: {  	_ =	strace s2  }
0x97: {  	_ =	strace $0x8FFFFFFF  }
0x98: {  	s17 =	sld [smem:$0x3FDB];
	_ =	sdelay $0x1  }
0x99: {  	s18 =	simm.s32 $_scs_section_size  }
0x9a: {  	s4 =	simm.s32 $_size__tile_overlayer_lowered;
	s5 =	simm.s32 $_tile_overlayer_lowered  }
0x9b: {  	s6 =	simm.s32 $0x1BFF;
	s19 =	sshll.u32 s5, $0x1;
	s3 =	sadd.s32 s18, s17  }
0x9c: {  	s20 =	simm.s32 $0x0;
	s4 =	sshll.u32 s4, $0x1;
	s5 =	sadd.s32 s19, s3  }
0x9d: {  	[timem:s20], [sflag:s6] =	dma.local [hbm:s5], s4  }
0x9e: {  	_ =	swait.ge [sflag:s6], s4  }
0x9f: {  	s4 =	ssub.s32 $0x0, s4;
	[sflag:s6] =	ssyncset.done $0x0  }
0xa0: {  	[sflag:s6] =	ssyncadd.s32 s4;
	_ =	sdelay $0x1  }
0xa1: {  	s21 =	simm.s32 $0x1B8B  }
0xa2: {  	_ =	swait.ge [sflag:s21], $0x1  }
0xa3: {  	[sflag:s21] =	ssyncset.done $0x0  }
0xa4: {  	s22 =	sld [smem:$0x3FFE];
	[sflag:s21] =	ssyncadd.s32 $0xFFFFFFFF  }
0xa5: {  	s24 =	simm.s32 $0x1B8E;
	s23 =	sld [smem:$0x0]  }
0xa6: {  	s25 =	simm.s32 $execute0_lowered;
	[smem:$0x3FD2] =	sst s24  }
0xa7: {  	s6 =	sshll.u32 s25, $0x1;
	_ =	strace $0x80000046;
	[dreg:$0x1] =	wrdreg $0xFFFFFFFF  }
0xa8: {  	s7 =	simm.s32 $_size_execute0_lowered;
	s6 =	sadd.s32 s3, s6;
	[dreg:$0x0] =	wrdreg $0x0  }
0xa9: {  	s7 =	sshll.u32 s7, $0x1;
	[dreg:$0x2] =	wrdreg s6  }
0xaa: {  	[dreg:$0x3] =	wrdreg s7  }
0xab: {  	[dreg:$0x4] =	wrdreg $0xC0  }
0xac: {  	s26 =	simm.s32 $execute1_lowered;
	_ =	task [dreg:s20], $0x5FFFF  }
0xad: {  	s6 =	sshll.u32 s26, $0x1;
	[dreg:$0x1] =	wrdreg $0xFFFFFFFF  }
0xae: {  	s3 =	sadd.s32 s3, s6;
	[dreg:$0x0] =	wrdreg $0x60  }
0xaf: {  	[dreg:$0x2] =	wrdreg s3  }
0xb0: {  	[dreg:$0x3] =	wrdreg s22  }
0xb1: {  	[dreg:$0x4] =	wrdreg $0x9  }
0xb2: {  	_ =	task.clear_ibuf [dreg:s20], $0x5FFFF;
	_ =	strace $0x90000046  }
0xb3: {  	s28 =	simm.s32 $0x9;
	_ =	strace $0x80000048  }
0xb4: {  	_ =	swait.ge [sflag:s28], $0x1  }
0xb5: {  	[sflag:s28] =	ssyncadd.s32 $0xFFFFFFFF  }
0xb6: {  	_ =	strace $0x90000048  }
0xb7: {  	s3 =	sld [smem:$0x0]  }
0xb8: {  	s6 =	sand.u32 $0xFFFFFFFE, s1  }
0xb9: {  	p0 =	sne.s32 s1, s6  }
0xba: {  	s6 =	sshll.u32 @p0 s6, $0xE  }
0xbb: {  	s6 =	sadd.s32 @p0 $0x11BF3, s6;
	s7 =	sshll.u32 @p0 s3, $0x11  }
0xbc: {  	s6 =	sor.u32 @p0 s7, s6  }
0xbd: {  	[sflag:s6] =	ssyncadd.remote.s32 @p0 $0x1;
	_ =	sdelay $0x1  }
0xbe: {  	s6 =	simm.s32 @p0 $0x1BF3  }
0xbf: {  	_ =	swait.eq @p0 [sflag:s6], $0x1  }
0xc0: {  	[sflag:s6] =	ssyncadd.s32 @p0 $0xFFFFFFFF  }
0xc1: {  	s7 =	sshll.u32 @!p0 s1, $0xE  }
0xc2: {  	s7 =	sor.u32 @!p0 $0x4000, s7;
	s6 =	simm.s32 @!p0 $0x1BF3  }
0xc3: {  	s3 =	sshll.u32 @!p0 s3, $0x11;
	s7 =	sadd.s32 @!p0 $0x11BF3, s7;
	_ =	swait.eq @!p0 [sflag:s6], $0x1  }
0xc4: {  	s3 =	sor.u32 @!p0 s3, s7;
	[sflag:s6] =	ssyncadd.s32 @!p0 $0xFFFFFFFF  }
0xc5: {  	[sflag:s3] =	ssyncadd.remote.s32 @!p0 $0x1  }
0xc6: {  	_ =	strace $0x80000049;
	[dreg:$0x1] =	wrdreg $0xFFFFFFFF  }
0xc7: {  	[dreg:$0x0] =	wrdreg $0x2030  }
0xc8: {  	[dreg:$0x2] =	wrdreg s22  }
0xc9: {  	[dreg:$0x3] =	wrdreg s1  }
0xca: {  	[dreg:$0x4] =	wrdreg s23  }
0xcb: {  	[dreg:$0x5] =	wrdreg $0xA  }
0xcc: {  	_ =	task.clear_ibuf [dreg:s20], $0x6FFFF;
	_ =	strace $0x90000049  }
0xcd: {  	s29 =	simm.s32 $0xA;
	_ =	strace $0x8000004B  }
0xce: {  	_ =	swait.ge [sflag:s29], $0x1  }
0xcf: {  	[sflag:s29] =	ssyncadd.s32 $0xFFFFFFFF  }
0xd0: {  	_ =	strace $0x9000004B  }
0xd1: {  	_ =	sfence  }
0xd2: {  	s30 =	sld [smem:$0x0];
	_ =	sdelay $0x2  }
0xd3: {  	s31 =	sshll.u32 s1, $0xD;
	s1 =	sshrl.u32 s1, $0x2  }
0xd4: {  	s4 =	sand.u32 $0x4000, s31;
	s1 =	sadd.s32 s1, s30  }
0xd5: {  	s0 =	sor.u32 s4, s0;
	s1 =	sshll.u32 s1, $0x11  }
0xd6: {  	s0 =	sor.u32 s1, s0  }
0xd7: {  	s0 =	sadd.s32 $0x8F2B, s0  }
0xd8: {  	[sflag:s0] =	ssyncadd.remote.s32 $0x1  }
0xd9: {  	_ =	sfence.sel $0xFFFF  }
0xda: {  	[dreg:$0x0] =	wrdreg $0xFFFFFFFF;
	(pc) =	sbr.abs _section_cstart, $3  }
0xdb: {  	[dreg:$0x1] =	wrdreg $0xFFFFFFFF  }
0xdc: {  	_ =	task.clear_ibuf [dreg:s20], $0x2FFFF;
	_ =	strace $0x9FFFFFFF  }
0xdd: {  	(tm) =	ssettm $0x7FFFFFFF  }
tec
execute0_lowered:
.L_overlay_start_1:
0x0: {  	(tag) =	ssettag $0x1  }
0x1: {  	s2 =	rddreg [dreg:$0x0]  }
0x2: {  	s7 =	rddreg [dreg:$0x1]  }
0x3: {  	s0 =	rddreg [dreg:$0x2]  }
0x4: {  	s3 =	stileid.u32;
	[bflag:$0x3] =	sbarrier.arrive $0xFFFF;
	s1 =	simm.s32 $_size_execute1_lowered  }
0x5: {  	s29 =	srdreg.scid;
	s9 =	simm.s32 $0x2;
	p0 =	sne.s32 s3, $0x0  }
0x6: {  	s1 =	sshll.u32 s1, $0x1;
	s4 =	simm.s32 @!p0 $0x1C3F;
	s5 =	simm.s32 @!p0 $0x4060  }
0x7: {  	[timem:s5], [sflag:s4] =	dma.local @!p0 [hbm:s2], s1  }
0x8: {  	s13 =	simm.s32 $0x0;
	s10 =	simm.s32 $0x80;
	s2 =	sshll.u32 s29, $0x9  }
0x9: {  	s12 =	simm.s32 $0x0;
	s3 =	sshll.u32 s3, $0xA;
	s2 =	sand.u32 $0x200, s2  }
0xa: {  	s11 =	simm.s32 $0x0;
	_ =	strace $0x80000047;
	s2 =	sor.u32 s3, s2  }
0xb: {  	s3 =	sshll.u32 s2, $0x4;
	p1 =	slt.u32 s2, $0x2710;
	s31 =	smax.u32 s2, $0x2510  }
0xc: {  	s5 =	ssub.s32 $0x2710, s2;
	s4 =	sadd.s32 $0xFFFD8F00, s3;
	s6 =	sshll.u32 s31, $0x7  }
0xd: {  	s4 =	smov.u32 @p1 s3;
	s3 =	simm.s32 $0x1;
	p1 =	sgt.s32 s5, $0x0  }
0xe: {  	s6 =	ssub.s32 $0x138800, s6;
	s8 =	sadd.s32 s4, s7;
	[sflag:s3] =	ssyncpa.u1 $0x0  }
.Ltmp0:
0xf: {  	s5 =	simm.s32 @!p1 $0x0;
	s4 =	simm.s32 $0x1;
	(pc) =	sbr.rel .LBB2_1-.Ltmp0, $4  }
0x10: {  	s6 =	sshrl.u32 s6, $0x2;
	s7 =	sadd.s32 $0x2B5800, s7;
	s30 =	sand.u32 $0x3F10, s5  }
0x11: {  	s5 =	simm.s32 $0x3;
	[sflag:s9] =	ssyncpa.u1 $0x0;
	p1 =	sne.s32 s30, $0x0  }
0x12: {  	s4 =	simm.s32 @!p1 $0x0;
	s5 =	simm.s32 @!p1 $0x2;
	p1 =	sgt.u32 s2, $0x270F  }
0x13: {  	s8 =	sadd.s32 $0x28E600, s8;
	s9 =	simm.s32 $0x20;
	s6 =	simm.s32 @p1 $0x0  }
.LBB2_5:
0x14: {  	_ =	sdelay $0x3  }
0x15: {  	[tilespmem:v1+s16+$0x0 ss:$0x1] =	vst.idx.msk $0xffff, v2  }
.LBB2_6:
0x16: {  	s16 =	smulhi.u32 $0xD1B71759, s12;
	_ =	sdelay $0x1  }
0x17: {  	s16 =	sshrl.u32 s16, $0xD  }
0x18: {  	s16 =	smul.u32 $0x2710, s16;
	_ =	sdelay $0x1  }
0x19: {  	s16 =	ssub.s32 s12, s16  }
0x1a: {  	s16 =	sshll.u32 s16, $0x4  }
0x1b: {  	s16 =	sadd.s32 s7, s16  }
0x1c: {  	[hbm4b:s16+s9] =	stream.strided.scatter [tilespmem:s15], [sflag:$0x2], s14, s10, s9, $0x38;
	[tilespmem:$0x10000] =	vst v63  }
.LBB2_7:
0x1d: {  	p1 =	slt.u32 s11, $0x2  }
0x1e: {  	p2 =	sgt.s32 @!p1 s13, $0x2510  }
0x1f: {  	p2 =	por !p2, p1  }
0x20: {  	p3 =	sgt.s32 @!p1 s13, $0x270F;
	s13 =	simm.s32 @p2 $0x2510  }
0x21: {  	s13 =	sshll.u32 @!p1 s13, $0x7  }
0x22: {  	s13 =	ssub.s32 @!p1 $0x138800, s13  }
0x23: {  	s11 =	sadd.s32 $0x1, s11;
	p2 =	por !p3, p1;
	s13 =	sshrl.u32 @!p1 s13, $0x2  }
0x24: {  	s13 =	simm.s32 @!p2 $0x0;
	p2 =	sne.s32 s11, s5  }
.Ltmp1:
0x25: {  	_ = 	snop;
	(pc) =	sbr.rel @!p2 .LBB2_8-.Ltmp1, $4  }
0x26: {  	s14 =	simm.s32 @!p1 $0x2  }
0x27: {  	_ =	swait.ge @!p1 [sflag:s14], s13  }
0x28: {  	s15 =	ssub.s32 @!p1 $0x0, s13;
	[sflag:s14] =	ssyncset.done @!p1 $0x0  }
0x29: {  	s13 =	smov.u32 s12;
	s12 =	smov.u32 s2;
	[sflag:s14] =	ssyncadd.s32 @!p1 s15  }
.LBB2_1:
0x2a: {  	p1 =	sge.u32 s11, s4;
	s31 =	sadd.s32 $0xFFFFFFFF, s11  }
0x2b: {  	s14 =	simm.s32 @!p1 $0x20;
	s15 =	simm.s32 @!p1 $0x80;
	s16 =	simm.s32 @!p1 $0x4000  }
0x2c: {  	[tilespmem:s16], [sflag:$0x1] =	stream.strided.gather @!p1 [hbm4b:s8+s14], s6, s15, s14, $0x38;
	[tilespmem:$0x10000] =	vst v63  }
0x2d: {  	p1 =	sge.u32 s31, s4  }
.Ltmp2:
0x2e: {  	_ = 	snop;
	(pc) =	sbr.rel @p1 .LBB2_7-.Ltmp2, $1  }
0x2f: {  	_ =	sdelay $0x3  }
0x30: {  	p1 =	sgt.s32 s12, $0x2510;
	s14 =	smov.u32 s12  }
0x31: {  	s14 =	simm.s32 @!p1 $0x2510  }
0x32: {  	s14 =	sshll.u32 s14, $0x7  }
0x33: {  	s14 =	ssub.s32 $0x138800, s14  }
0x34: {  	p1 =	sgt.u32 s12, $0x270F;
	s14 =	sshrl.u32 s14, $0x2  }
0x35: {  	s15 =	smov.u32 s12;
	s14 =	simm.s32 @p1 $0x0;
	p1 =	slt.s32 s12, $0x2510  }
0x36: {  	s15 =	simm.s32 @!p1 $0x2510  }
0x37: {  	s16 =	ssub.s32 s15, s12  }
0x38: {  	p1 =	slt.s32 s16, $0xFFFFFE01  }
.Ltmp3:
0x39: {  	_ = 	snop;
	(pc) =	sbr.rel @p1 .LBB2_6-.Ltmp3, $4  }
0x3a: {  	_ = 	snop  }
0x3b: {  	s17 =	sshll.u32 s11, $0xE;
	_ =	swait.ge [sflag:s3], s14  }
0x3c: {  	s17 =	sand.u32 $0x4000, s17;
	s18 =	ssub.s32 $0x0, s14;
	[sflag:s3] =	ssyncset.done $0x0  }
0x3d: {  	s15 =	sor.u32 $0x8000, s17;
	[sflag:s3] =	ssyncadd.s32 s18  }
0x3e: {  	v0 =	vmov s17;
	_ =	sdelay $0x1  }
0x3f: {  	s30 =	sadd.s32 $0x200, s16  }
0x40: {  	s31 =	simm.s32 $0x0;
	p1 =	sne.s32 s30, $0x1  }
.Ltmp4:
0x41: {  	s16 =	sand.u32 $0x3FE0, s31;
	(pc) =	sbr.rel @!p1 .LBB2_5-.Ltmp4, $2  }
0x42: {  	v1 =	vmov s15;
	v2 =	vld.idx.msk [tilespmem:v0+s16+$0x0 ss:$0x1], $0xffff;
	_ =	sdelay $0x2  }
0x43: {  	s18 =	simm.s32 $0x20;
	s17 =	sadd.s32 $0xFFFFFFFF, s30  }
.LBB2_4:
0x44: {  	s19 =	sand.u32 $0x3FE0, s18;
	p1 =	sne.s32 s17, $0x1;
	s17 =	sadd.s32 $0xFFFFFFFF, s17  }
.Ltmp5:
0x45: {  	[tilespmem:v1+s16+$0x0 ss:$0x1] =	vst.idx.msk $0xffff, v2;
	v2 =	vld.idx.msk [tilespmem:v0+s19+$0x0 ss:$0x1], $0xffff;
	s16 =	smov.u32 s19;
	(pc) =	sbr.rel @p1 .LBB2_4-.Ltmp5, $2  }
0x46: {  	_ =	sdelay $0x2  }
0x47: {  	s18 =	sadd.s32 $0x20, s18  }
.Ltmp6:
0x48: {  	_ = 	snop;
	(pc) =	sbr.rel .LBB2_5-.Ltmp6, $1  }
0x49: {  	_ =	sdelay $0x3  }
.LBB2_8:
0x4a: {  	_ =	sfence.sel $0x180000  }
0x4b: {  	s2 =	simm.s32 $0x1;
	[bflag:$0x0] =	sbarrier.arrive $0xFFFF  }
0x4c: {  	s31 =	simm.s32 $0x2;
	[sflag:s2] =	ssyncpa.u1 $0x1  }
0x4d: {  	[sflag:s31] =	ssyncpa.u1 $0x1  }
0x4e: {  	_ =	strace $0x90000047  }
0x4f: {  	s0 =	sadd.s32 @!p0 $0x100000, s0;
	[bflag:$0x2] =	sbarrier.arrive $0xFFFF  }
0x50: {  	[sflag:s0] =	ssyncadd.tile.s32 @!p0 $0x1;
	s0 =	simm.s32 @!p0 $0x3F  }
0x51: {  	_ =	swait.ge @!p0 [sflag:s0], s1  }
0x52: {  	s1 =	ssub.s32 @!p0 $0x0, s1;
	[sflag:s0] =	ssyncset.done @!p0 $0x0  }
0x53: {  	[sflag:s0] =	ssyncadd.s32 @!p0 s1  }
0x54: {  	[bflag:$0x3] =	sbarrier.arrive $0xFFFF  }
0x55: {  	_ =	shalt  }
.Lfunc_end2:
execute1_lowered:
.L_overlay_start_2:
0x56: {  	(tag) =	ssettag $0x2  }
0x57: {  	s11 =	rddreg [dreg:$0x0]  }
0x58: {  	s2 =	rddreg [dreg:$0x1];
	_ =	strace $0x8000004A;
	s12 =	simm.s32 $0x1  }
0x59: {  	v0 =	vimm.s32 $0x0;
	[sflag:s12] =	ssyncpa.u1 $0x0  }
0x5a: {  	[tilespmem:$0x28] =	vst v0  }
0x5b: {  	[tilespmem:$0x38] =	vst v0  }
0x5c: {  	[tilespmem:$0x48] =	vst v0  }
0x5d: {  	[tilespmem:$0x58] =	vst v0  }
0x5e: {  	[tilespmem:$0x68] =	vst v0  }
0x5f: {  	[tilespmem:$0x78] =	vst v0  }
0x60: {  	[tilespmem:$0x88] =	vst v0  }
0x61: {  	[tilespmem:$0x98] =	vst v0  }
0x62: {  	[tilespmem:$0xA8] =	vst v0  }
0x63: {  	[tilespmem:$0xB8] =	vst v0  }
0x64: {  	[tilespmem:$0xC8] =	vst v0  }
0x65: {  	[tilespmem:$0xD8] =	vst v0  }
0x66: {  	[tilespmem:$0xE8] =	vst v0  }
0x67: {  	[tilespmem:$0xF8] =	vst v0  }
0x68: {  	[tilespmem:$0x108] =	vst v0  }
0x69: {  	[tilespmem:$0x118] =	vst v0  }
0x6a: {  	[tilespmem:$0x128] =	vst v0  }
0x6b: {  	[tilespmem:$0x138] =	vst v0  }
0x6c: {  	[tilespmem:$0x148] =	vst v0  }
0x6d: {  	[tilespmem:$0x158] =	vst v0  }
0x6e: {  	[tilespmem:$0x168] =	vst v0  }
0x6f: {  	[tilespmem:$0x178] =	vst v0  }
0x70: {  	[tilespmem:$0x188] =	vst v0  }
0x71: {  	[tilespmem:$0x198] =	vst v0  }
0x72: {  	[tilespmem:$0x1A8] =	vst v0  }
0x73: {  	[tilespmem:$0x1B8] =	vst v0  }
0x74: {  	[tilespmem:$0x1C8] =	vst v0  }
0x75: {  	[tilespmem:$0x1D8] =	vst v0  }
0x76: {  	[tilespmem:$0x1E8] =	vst v0  }
0x77: {  	[tilespmem:$0x1F8] =	vst v0  }
0x78: {  	[tilespmem:$0x208] =	vst v0  }
0x79: {  	[tilespmem:$0x218] =	vst v0  }
0x7a: {  	[tilespmem:$0x228] =	vst v0  }
0x7b: {  	[tilespmem:$0x238] =	vst v0  }
0x7c: {  	[tilespmem:$0x248] =	vst v0  }
0x7d: {  	[tilespmem:$0x258] =	vst v0  }
0x7e: {  	[tilespmem:$0x268] =	vst v0  }
0x7f: {  	[tilespmem:$0x278] =	vst v0  }
0x80: {  	[tilespmem:$0x288] =	vst v0  }
0x81: {  	[tilespmem:$0x298] =	vst v0  }
0x82: {  	[tilespmem:$0x2A8] =	vst v0  }
0x83: {  	[tilespmem:$0x2B8] =	vst v0  }
0x84: {  	[tilespmem:$0x2C8] =	vst v0  }
0x85: {  	[tilespmem:$0x2D8] =	vst v0  }
0x86: {  	[tilespmem:$0x2E8] =	vst v0  }
0x87: {  	[tilespmem:$0x2F8] =	vst v0  }
0x88: {  	[tilespmem:$0x308] =	vst v0  }
0x89: {  	[tilespmem:$0x318] =	vst v0  }
0x8a: {  	[tilespmem:$0x328] =	vst v0  }
0x8b: {  	[tilespmem:$0x338] =	vst v0  }
0x8c: {  	[tilespmem:$0x348] =	vst v0  }
0x8d: {  	[tilespmem:$0x358] =	vst v0  }
0x8e: {  	[tilespmem:$0x368] =	vst v0  }
0x8f: {  	[tilespmem:$0x378] =	vst v0  }
0x90: {  	[tilespmem:$0x388] =	vst v0  }
0x91: {  	[tilespmem:$0x398] =	vst v0  }
0x92: {  	[tilespmem:$0x3A8] =	vst v0  }
0x93: {  	[tilespmem:$0x3B8] =	vst v0  }
0x94: {  	[tilespmem:$0x3C8] =	vst v0  }
0x95: {  	[tilespmem:$0x3D8] =	vst v0  }
0x96: {  	[tilespmem:$0x3E8] =	vst v0  }
0x97: {  	[tilespmem:$0x3F8] =	vst v0  }
0x98: {  	[tilespmem:$0x408] =	vst v0  }
0x99: {  	[tilespmem:$0x418] =	vst v0  }
0x9a: {  	[tilespmem:$0x428] =	vst v0  }
0x9b: {  	[tilespmem:$0x438] =	vst v0  }
0x9c: {  	[tilespmem:$0x448] =	vst v0  }
0x9d: {  	[tilespmem:$0x458] =	vst v0  }
0x9e: {  	[tilespmem:$0x468] =	vst v0  }
0x9f: {  	[tilespmem:$0x478] =	vst v0  }
0xa0: {  	[tilespmem:$0x488] =	vst v0  }
0xa1: {  	[tilespmem:$0x498] =	vst v0  }
0xa2: {  	[tilespmem:$0x4A8] =	vst v0  }
0xa3: {  	[tilespmem:$0x4B8] =	vst v0  }
0xa4: {  	[tilespmem:$0x4C8] =	vst v0  }
0xa5: {  	[tilespmem:$0x4D8] =	vst v0  }
0xa6: {  	[tilespmem:$0x4E8] =	vst v0  }
0xa7: {  	[tilespmem:$0x4F8] =	vst v0  }
0xa8: {  	[tilespmem:$0x508] =	vst v0  }
0xa9: {  	[tilespmem:$0x518] =	vst v0  }
0xaa: {  	[tilespmem:$0x528] =	vst v0  }
0xab: {  	[tilespmem:$0x538] =	vst v0  }
0xac: {  	[tilespmem:$0x548] =	vst v0  }
0xad: {  	[tilespmem:$0x558] =	vst v0  }
0xae: {  	[tilespmem:$0x568] =	vst v0  }
0xaf: {  	[tilespmem:$0x578] =	vst v0  }
0xb0: {  	[tilespmem:$0x588] =	vst v0  }
0xb1: {  	[tilespmem:$0x598] =	vst v0  }
0xb2: {  	[tilespmem:$0x5A8] =	vst v0  }
0xb3: {  	[tilespmem:$0x5B8] =	vst v0  }
0xb4: {  	[tilespmem:$0x5C8] =	vst v0  }
0xb5: {  	[tilespmem:$0x5D8] =	vst v0  }
0xb6: {  	[tilespmem:$0x5E8] =	vst v0  }
0xb7: {  	[tilespmem:$0x5F8] =	vst v0  }
0xb8: {  	[tilespmem:$0x608] =	vst v0  }
0xb9: {  	[tilespmem:$0x618] =	vst v0  }
0xba: {  	[tilespmem:$0x628] =	vst v0  }
0xbb: {  	[tilespmem:$0x638] =	vst v0  }
0xbc: {  	[tilespmem:$0x648] =	vst v0  }
0xbd: {  	[tilespmem:$0x658] =	vst v0  }
0xbe: {  	[tilespmem:$0x668] =	vst v0  }
0xbf: {  	[tilespmem:$0x678] =	vst v0  }
0xc0: {  	[tilespmem:$0x688] =	vst v0  }
0xc1: {  	[tilespmem:$0x698] =	vst v0  }
0xc2: {  	[tilespmem:$0x6A8] =	vst v0  }
0xc3: {  	[tilespmem:$0x6B8] =	vst v0  }
0xc4: {  	[tilespmem:$0x6C8] =	vst v0  }
0xc5: {  	[tilespmem:$0x6D8] =	vst v0  }
0xc6: {  	[tilespmem:$0x6E8] =	vst v0  }
0xc7: {  	[tilespmem:$0x6F8] =	vst v0  }
0xc8: {  	[tilespmem:$0x708] =	vst v0  }
0xc9: {  	[tilespmem:$0x718] =	vst v0  }
0xca: {  	[tilespmem:$0x728] =	vst v0  }
0xcb: {  	[tilespmem:$0x738] =	vst v0  }
0xcc: {  	[tilespmem:$0x748] =	vst v0  }
0xcd: {  	[tilespmem:$0x758] =	vst v0  }
0xce: {  	[tilespmem:$0x768] =	vst v0  }
0xcf: {  	[tilespmem:$0x778] =	vst v0  }
0xd0: {  	[tilespmem:$0x788] =	vst v0  }
0xd1: {  	[tilespmem:$0x798] =	vst v0  }
0xd2: {  	[tilespmem:$0x7A8] =	vst v0  }
0xd3: {  	[tilespmem:$0x7B8] =	vst v0  }
0xd4: {  	[tilespmem:$0x7C8] =	vst v0  }
0xd5: {  	[tilespmem:$0x7D8] =	vst v0  }
0xd6: {  	[tilespmem:$0x7E8] =	vst v0  }
0xd7: {  	[tilespmem:$0x7F8] =	vst v0  }
0xd8: {  	[tilespmem:$0x808] =	vst v0  }
0xd9: {  	[tilespmem:$0x818] =	vst v0  }
0xda: {  	[tilespmem:$0x828] =	vst v0  }
0xdb: {  	[tilespmem:$0x838] =	vst v0  }
0xdc: {  	[tilespmem:$0x848] =	vst v0  }
0xdd: {  	[tilespmem:$0x858] =	vst v0  }
0xde: {  	[tilespmem:$0x868] =	vst v0  }
0xdf: {  	[tilespmem:$0x878] =	vst v0  }
0xe0: {  	[tilespmem:$0x888] =	vst v0  }
0xe1: {  	[tilespmem:$0x898] =	vst v0  }
0xe2: {  	[tilespmem:$0x8A8] =	vst v0  }
0xe3: {  	[tilespmem:$0x8B8] =	vst v0  }
0xe4: {  	[tilespmem:$0x8C8] =	vst v0  }
0xe5: {  	[tilespmem:$0x8D8] =	vst v0  }
0xe6: {  	[tilespmem:$0x8E8] =	vst v0  }
0xe7: {  	[tilespmem:$0x8F8] =	vst v0  }
0xe8: {  	[tilespmem:$0x908] =	vst v0  }
0xe9: {  	[tilespmem:$0x918] =	vst v0  }
0xea: {  	[tilespmem:$0x928] =	vst v0  }
0xeb: {  	[tilespmem:$0x938] =	vst v0  }
0xec: {  	[tilespmem:$0x948] =	vst v0  }
0xed: {  	[tilespmem:$0x958] =	vst v0  }
0xee: {  	[tilespmem:$0x968] =	vst v0  }
0xef: {  	[tilespmem:$0x978] =	vst v0  }
0xf0: {  	[tilespmem:$0x988] =	vst v0  }
0xf1: {  	[tilespmem:$0x998] =	vst v0  }
0xf2: {  	[tilespmem:$0x9A8] =	vst v0  }
0xf3: {  	[tilespmem:$0x9B8] =	vst v0  }
0xf4: {  	[tilespmem:$0x9C8] =	vst v0  }
0xf5: {  	[tilespmem:$0x9D8] =	vst v0  }
0xf6: {  	[tilespmem:$0x9E8] =	vst v0  }
0xf7: {  	[tilespmem:$0x9F8] =	vst v0  }
0xf8: {  	[tilespmem:$0xA08] =	vst v0  }
0xf9: {  	[tilespmem:$0xA18] =	vst v0  }
0xfa: {  	[tilespmem:$0xA28] =	vst v0  }
0xfb: {  	[tilespmem:$0xA38] =	vst v0  }
0xfc: {  	[tilespmem:$0xA48] =	vst v0  }
0xfd: {  	[tilespmem:$0xA58] =	vst v0  }
0xfe: {  	[tilespmem:$0xA68] =	vst v0  }
0xff: {  	[tilespmem:$0xA78] =	vst v0  }
0x100: {  	[tilespmem:$0xA88] =	vst v0  }
0x101: {  	[tilespmem:$0xA98] =	vst v0  }
0x102: {  	[tilespmem:$0xAA8] =	vst v0  }
0x103: {  	[tilespmem:$0xAB8] =	vst v0  }
0x104: {  	[tilespmem:$0xAC8] =	vst v0  }
0x105: {  	[tilespmem:$0xAD8] =	vst v0  }
0x106: {  	[tilespmem:$0xAE8] =	vst v0  }
0x107: {  	[tilespmem:$0xAF8] =	vst v0  }
0x108: {  	[tilespmem:$0xB08] =	vst v0  }
0x109: {  	[tilespmem:$0xB18] =	vst v0  }
0x10a: {  	[tilespmem:$0xB28] =	vst v0  }
0x10b: {  	[tilespmem:$0xB38] =	vst v0  }
0x10c: {  	[tilespmem:$0xB48] =	vst v0  }
0x10d: {  	[tilespmem:$0xB58] =	vst v0  }
0x10e: {  	[tilespmem:$0xB68] =	vst v0  }
0x10f: {  	[tilespmem:$0xB78] =	vst v0  }
0x110: {  	[tilespmem:$0xB88] =	vst v0  }
0x111: {  	[tilespmem:$0xB98] =	vst v0  }
0x112: {  	[tilespmem:$0xBA8] =	vst v0  }
0x113: {  	[tilespmem:$0xBB8] =	vst v0  }
0x114: {  	[tilespmem:$0xBC8] =	vst v0  }
0x115: {  	[tilespmem:$0xBD8] =	vst v0  }
0x116: {  	[tilespmem:$0xBE8] =	vst v0  }
0x117: {  	[tilespmem:$0xBF8] =	vst v0  }
0x118: {  	[tilespmem:$0xC08] =	vst v0  }
0x119: {  	[tilespmem:$0xC18] =	vst v0  }
0x11a: {  	[tilespmem:$0xC28] =	vst v0  }
0x11b: {  	[tilespmem:$0xC38] =	vst v0  }
0x11c: {  	[tilespmem:$0xC48] =	vst v0  }
0x11d: {  	[tilespmem:$0xC58] =	vst v0  }
0x11e: {  	[tilespmem:$0xC68] =	vst v0  }
0x11f: {  	[tilespmem:$0xC78] =	vst v0  }
0x120: {  	[tilespmem:$0xC88] =	vst v0  }
0x121: {  	[tilespmem:$0xC98] =	vst v0  }
0x122: {  	[tilespmem:$0xCA8] =	vst v0  }
0x123: {  	[tilespmem:$0xCB8] =	vst v0  }
0x124: {  	[tilespmem:$0xCC8] =	vst v0  }
0x125: {  	[tilespmem:$0xCD8] =	vst v0  }
0x126: {  	[tilespmem:$0xCE8] =	vst v0  }
0x127: {  	[tilespmem:$0xCF8] =	vst v0  }
0x128: {  	[tilespmem:$0xD08] =	vst v0  }
0x129: {  	[tilespmem:$0xD18] =	vst v0  }
0x12a: {  	[tilespmem:$0xD28] =	vst v0  }
0x12b: {  	[tilespmem:$0xD38] =	vst v0  }
0x12c: {  	[tilespmem:$0xD48] =	vst v0  }
0x12d: {  	[tilespmem:$0xD58] =	vst v0  }
0x12e: {  	[tilespmem:$0xD68] =	vst v0  }
0x12f: {  	[tilespmem:$0xD78] =	vst v0  }
0x130: {  	[tilespmem:$0xD88] =	vst v0  }
0x131: {  	[tilespmem:$0xD98] =	vst v0  }
0x132: {  	[tilespmem:$0xDA8] =	vst v0  }
0x133: {  	[tilespmem:$0xDB8] =	vst v0  }
0x134: {  	[tilespmem:$0xDC8] =	vst v0  }
0x135: {  	[tilespmem:$0xDD8] =	vst v0  }
0x136: {  	[tilespmem:$0xDE8] =	vst v0  }
0x137: {  	[tilespmem:$0xDF8] =	vst v0  }
0x138: {  	[tilespmem:$0xE08] =	vst v0  }
0x139: {  	[tilespmem:$0xE18] =	vst v0  }
0x13a: {  	[tilespmem:$0xE28] =	vst v0  }
0x13b: {  	[tilespmem:$0xE38] =	vst v0  }
0x13c: {  	[tilespmem:$0xE48] =	vst v0  }
0x13d: {  	[tilespmem:$0xE58] =	vst v0  }
0x13e: {  	[tilespmem:$0xE68] =	vst v0  }
0x13f: {  	[tilespmem:$0xE78] =	vst v0  }
0x140: {  	[tilespmem:$0xE88] =	vst v0  }
0x141: {  	[tilespmem:$0xE98] =	vst v0  }
0x142: {  	[tilespmem:$0xEA8] =	vst v0  }
0x143: {  	[tilespmem:$0xEB8] =	vst v0  }
0x144: {  	[tilespmem:$0xEC8] =	vst v0  }
0x145: {  	[tilespmem:$0xED8] =	vst v0  }
0x146: {  	[tilespmem:$0xEE8] =	vst v0  }
0x147: {  	[tilespmem:$0xEF8] =	vst v0  }
0x148: {  	[tilespmem:$0xF08] =	vst v0  }
0x149: {  	[tilespmem:$0xF18] =	vst v0  }
0x14a: {  	[tilespmem:$0xF28] =	vst v0  }
0x14b: {  	[tilespmem:$0xF38] =	vst v0  }
0x14c: {  	[tilespmem:$0xF48] =	vst v0  }
0x14d: {  	[tilespmem:$0xF58] =	vst v0  }
0x14e: {  	[tilespmem:$0xF68] =	vst v0  }
0x14f: {  	[tilespmem:$0xF78] =	vst v0  }
0x150: {  	[tilespmem:$0xF88] =	vst v0  }
0x151: {  	[tilespmem:$0xF98] =	vst v0  }
0x152: {  	[tilespmem:$0xFA8] =	vst v0  }
0x153: {  	[tilespmem:$0xFB8] =	vst v0  }
0x154: {  	[tilespmem:$0xFC8] =	vst v0  }
0x155: {  	[tilespmem:$0xFD8] =	vst v0  }
0x156: {  	[tilespmem:$0xFE8] =	vst v0  }
0x157: {  	[tilespmem:$0xFF8] =	vst v0  }
0x158: {  	[tilespmem:$0x1028] =	vst v0  }
0x159: {  	[tilespmem:$0x10E8] =	vst v0  }
0x15a: {  	[tilespmem:$0x1068] =	vst v0  }
0x15b: {  	[tilespmem:$0x1B28] =	vst v0  }
0x15c: {  	[tilespmem:$0x1B18] =	vst v0  }
0x15d: {  	[tilespmem:$0x1B08] =	vst v0  }
0x15e: {  	[tilespmem:$0x1AF8] =	vst v0  }
0x15f: {  	[tilespmem:$0x1AE8] =	vst v0  }
0x160: {  	[tilespmem:$0x1AD8] =	vst v0  }
0x161: {  	[tilespmem:$0x1AC8] =	vst v0  }
0x162: {  	[tilespmem:$0x1AB8] =	vst v0  }
0x163: {  	[tilespmem:$0x1AA8] =	vst v0  }
0x164: {  	[tilespmem:$0x1A98] =	vst v0  }
0x165: {  	[tilespmem:$0x1A88] =	vst v0  }
0x166: {  	[tilespmem:$0x1A78] =	vst v0  }
0x167: {  	[tilespmem:$0x1A68] =	vst v0  }
0x168: {  	[tilespmem:$0x1A58] =	vst v0  }
0x169: {  	[tilespmem:$0x1A48] =	vst v0  }
0x16a: {  	[tilespmem:$0x1A38] =	vst v0  }
0x16b: {  	[tilespmem:$0x1A28] =	vst v0  }
0x16c: {  	[tilespmem:$0x1A18] =	vst v0  }
0x16d: {  	[tilespmem:$0x1A08] =	vst v0  }
0x16e: {  	[tilespmem:$0x19F8] =	vst v0  }
0x16f: {  	[tilespmem:$0x19E8] =	vst v0  }
0x170: {  	[tilespmem:$0x19D8] =	vst v0  }
0x171: {  	[tilespmem:$0x19C8] =	vst v0  }
0x172: {  	[tilespmem:$0x19B8] =	vst v0  }
0x173: {  	[tilespmem:$0x19A8] =	vst v0  }
0x174: {  	[tilespmem:$0x1998] =	vst v0  }
0x175: {  	[tilespmem:$0x1988] =	vst v0  }
0x176: {  	[tilespmem:$0x1978] =	vst v0  }
0x177: {  	[tilespmem:$0x1968] =	vst v0  }
0x178: {  	[tilespmem:$0x1958] =	vst v0  }
0x179: {  	[tilespmem:$0x1948] =	vst v0  }
0x17a: {  	[tilespmem:$0x1938] =	vst v0  }
0x17b: {  	[tilespmem:$0x1928] =	vst v0  }
0x17c: {  	[tilespmem:$0x1918] =	vst v0  }
0x17d: {  	[tilespmem:$0x1908] =	vst v0  }
0x17e: {  	[tilespmem:$0x18F8] =	vst v0  }
0x17f: {  	[tilespmem:$0x18E8] =	vst v0  }
0x180: {  	[tilespmem:$0x18D8] =	vst v0  }
0x181: {  	[tilespmem:$0x18C8] =	vst v0  }
0x182: {  	[tilespmem:$0x18B8] =	vst v0  }
0x183: {  	[tilespmem:$0x18A8] =	vst v0  }
0x184: {  	[tilespmem:$0x1898] =	vst v0  }
0x185: {  	[tilespmem:$0x1888] =	vst v0  }
0x186: {  	[tilespmem:$0x1878] =	vst v0  }
0x187: {  	[tilespmem:$0x1868] =	vst v0  }
0x188: {  	[tilespmem:$0x1858] =	vst v0  }
0x189: {  	[tilespmem:$0x1848] =	vst v0  }
0x18a: {  	[tilespmem:$0x1838] =	vst v0  }
0x18b: {  	[tilespmem:$0x1828] =	vst v0  }
0x18c: {  	[tilespmem:$0x1818] =	vst v0  }
0x18d: {  	[tilespmem:$0x1808] =	vst v0  }
0x18e: {  	[tilespmem:$0x17F8] =	vst v0  }
0x18f: {  	[tilespmem:$0x17E8] =	vst v0  }
0x190: {  	[tilespmem:$0x17D8] =	vst v0  }
0x191: {  	[tilespmem:$0x17C8] =	vst v0  }
0x192: {  	[tilespmem:$0x17B8] =	vst v0  }
0x193: {  	[tilespmem:$0x17A8] =	vst v0  }
0x194: {  	[tilespmem:$0x1798] =	vst v0  }
0x195: {  	[tilespmem:$0x1788] =	vst v0  }
0x196: {  	[tilespmem:$0x1778] =	vst v0  }
0x197: {  	[tilespmem:$0x1768] =	vst v0  }
0x198: {  	[tilespmem:$0x1758] =	vst v0  }
0x199: {  	[tilespmem:$0x1748] =	vst v0  }
0x19a: {  	[tilespmem:$0x1738] =	vst v0  }
0x19b: {  	[tilespmem:$0x1728] =	vst v0  }
0x19c: {  	[tilespmem:$0x1718] =	vst v0  }
0x19d: {  	[tilespmem:$0x1708] =	vst v0  }
0x19e: {  	[tilespmem:$0x16F8] =	vst v0  }
0x19f: {  	[tilespmem:$0x16E8] =	vst v0  }
0x1a0: {  	[tilespmem:$0x16D8] =	vst v0  }
0x1a1: {  	[tilespmem:$0x16C8] =	vst v0  }
0x1a2: {  	[tilespmem:$0x16B8] =	vst v0  }
0x1a3: {  	[tilespmem:$0x16A8] =	vst v0  }
0x1a4: {  	[tilespmem:$0x1698] =	vst v0  }
0x1a5: {  	[tilespmem:$0x1688] =	vst v0  }
0x1a6: {  	[tilespmem:$0x1678] =	vst v0  }
0x1a7: {  	[tilespmem:$0x1668] =	vst v0  }
0x1a8: {  	[tilespmem:$0x1658] =	vst v0  }
0x1a9: {  	[tilespmem:$0x1648] =	vst v0  }
0x1aa: {  	[tilespmem:$0x1638] =	vst v0  }
0x1ab: {  	[tilespmem:$0x1628] =	vst v0  }
0x1ac: {  	[tilespmem:$0x1618] =	vst v0  }
0x1ad: {  	[tilespmem:$0x1608] =	vst v0  }
0x1ae: {  	[tilespmem:$0x15F8] =	vst v0  }
0x1af: {  	[tilespmem:$0x15E8] =	vst v0  }
0x1b0: {  	[tilespmem:$0x15D8] =	vst v0  }
0x1b1: {  	[tilespmem:$0x15C8] =	vst v0  }
0x1b2: {  	[tilespmem:$0x15B8] =	vst v0  }
0x1b3: {  	[tilespmem:$0x15A8] =	vst v0  }
0x1b4: {  	[tilespmem:$0x1598] =	vst v0  }
0x1b5: {  	[tilespmem:$0x1588] =	vst v0  }
0x1b6: {  	[tilespmem:$0x1578] =	vst v0  }
0x1b7: {  	[tilespmem:$0x1568] =	vst v0  }
0x1b8: {  	[tilespmem:$0x1558] =	vst v0  }
0x1b9: {  	[tilespmem:$0x1548] =	vst v0  }
0x1ba: {  	[tilespmem:$0x1538] =	vst v0  }
0x1bb: {  	[tilespmem:$0x1528] =	vst v0  }
0x1bc: {  	[tilespmem:$0x1518] =	vst v0  }
0x1bd: {  	[tilespmem:$0x1508] =	vst v0  }
0x1be: {  	[tilespmem:$0x14F8] =	vst v0  }
0x1bf: {  	[tilespmem:$0x14E8] =	vst v0  }
0x1c0: {  	[tilespmem:$0x14D8] =	vst v0  }
0x1c1: {  	[tilespmem:$0x14C8] =	vst v0  }
0x1c2: {  	[tilespmem:$0x14B8] =	vst v0  }
0x1c3: {  	[tilespmem:$0x14A8] =	vst v0  }
0x1c4: {  	[tilespmem:$0x1498] =	vst v0  }
0x1c5: {  	[tilespmem:$0x1488] =	vst v0  }
0x1c6: {  	[tilespmem:$0x1478] =	vst v0  }
0x1c7: {  	[tilespmem:$0x1468] =	vst v0  }
0x1c8: {  	[tilespmem:$0x1458] =	vst v0  }
0x1c9: {  	[tilespmem:$0x1448] =	vst v0  }
0x1ca: {  	[tilespmem:$0x1438] =	vst v0  }
0x1cb: {  	[tilespmem:$0x1428] =	vst v0  }
0x1cc: {  	[tilespmem:$0x1418] =	vst v0  }
0x1cd: {  	[tilespmem:$0x1408] =	vst v0  }
0x1ce: {  	[tilespmem:$0x13F8] =	vst v0  }
0x1cf: {  	[tilespmem:$0x13E8] =	vst v0  }
0x1d0: {  	[tilespmem:$0x13D8] =	vst v0  }
0x1d1: {  	[tilespmem:$0x13C8] =	vst v0  }
0x1d2: {  	[tilespmem:$0x13B8] =	vst v0  }
0x1d3: {  	[tilespmem:$0x13A8] =	vst v0  }
0x1d4: {  	[tilespmem:$0x1398] =	vst v0  }
0x1d5: {  	[tilespmem:$0x1388] =	vst v0  }
0x1d6: {  	[tilespmem:$0x1378] =	vst v0  }
0x1d7: {  	[tilespmem:$0x1368] =	vst v0  }
0x1d8: {  	[tilespmem:$0x1358] =	vst v0  }
0x1d9: {  	[tilespmem:$0x1348] =	vst v0  }
0x1da: {  	[tilespmem:$0x1338] =	vst v0  }
0x1db: {  	[tilespmem:$0x1328] =	vst v0  }
0x1dc: {  	[tilespmem:$0x1318] =	vst v0  }
0x1dd: {  	[tilespmem:$0x1308] =	vst v0  }
0x1de: {  	[tilespmem:$0x12F8] =	vst v0  }
0x1df: {  	[tilespmem:$0x12E8] =	vst v0  }
0x1e0: {  	[tilespmem:$0x12D8] =	vst v0  }
0x1e1: {  	[tilespmem:$0x12C8] =	vst v0  }
0x1e2: {  	[tilespmem:$0x12B8] =	vst v0  }
0x1e3: {  	[tilespmem:$0x12A8] =	vst v0  }
0x1e4: {  	[tilespmem:$0x1298] =	vst v0  }
0x1e5: {  	[tilespmem:$0x1288] =	vst v0  }
0x1e6: {  	[tilespmem:$0x1278] =	vst v0  }
0x1e7: {  	[tilespmem:$0x1268] =	vst v0  }
0x1e8: {  	[tilespmem:$0x1258] =	vst v0  }
0x1e9: {  	[tilespmem:$0x1248] =	vst v0  }
0x1ea: {  	[tilespmem:$0x1238] =	vst v0  }
0x1eb: {  	[tilespmem:$0x1228] =	vst v0  }
0x1ec: {  	[tilespmem:$0x1218] =	vst v0  }
0x1ed: {  	[tilespmem:$0x1208] =	vst v0  }
0x1ee: {  	[tilespmem:$0x11F8] =	vst v0  }
0x1ef: {  	[tilespmem:$0x11E8] =	vst v0  }
0x1f0: {  	[tilespmem:$0x11D8] =	vst v0  }
0x1f1: {  	[tilespmem:$0x11C8] =	vst v0  }
0x1f2: {  	[tilespmem:$0x11B8] =	vst v0  }
0x1f3: {  	[tilespmem:$0x11A8] =	vst v0  }
0x1f4: {  	[tilespmem:$0x1198] =	vst v0  }
0x1f5: {  	[tilespmem:$0x1188] =	vst v0  }
0x1f6: {  	[tilespmem:$0x1178] =	vst v0  }
0x1f7: {  	[tilespmem:$0x1168] =	vst v0  }
0x1f8: {  	[tilespmem:$0x1158] =	vst v0  }
0x1f9: {  	[tilespmem:$0x1148] =	vst v0  }
0x1fa: {  	[tilespmem:$0x1138] =	vst v0  }
0x1fb: {  	[tilespmem:$0x1128] =	vst v0  }
0x1fc: {  	[tilespmem:$0x1118] =	vst v0  }
0x1fd: {  	s4 =	stileid.u32;
	[tilespmem:$0x1108] =	vst v0  }
0x1fe: {  	s0 =	smul.u32 $0xB, s4;
	[tilespmem:$0x10F8] =	vst v0  }
0x1ff: {  	s1 =	smin.u32 s4, $0xA;
	[tilespmem:$0x10C8] =	vst v0  }
0x200: {  	[tilespmem:$0x10D8] =	vst v0;
	s0 =	sadd.s32 s1, s0  }
0x201: {  	p0 =	slt.u32 s4, $0xA;
	[tilespmem:$0x10B8] =	vst v0;
	s1 =	simm.s32 $0x1440;
	s6 =	smul.u32 $0x1B0, s0  }
0x202: {  	s1 =	simm.s32 @!p0 $0x1290;
	[tilespmem:$0x1038] =	vst v0  }
0x203: {  	[tilespmem:$0x10A8] =	vst v0;
	s0 =	sadd.s32 s1, s6  }
0x204: {  	s3 =	simm.s32 $0x2;
	s8 =	simm.s32 $0x9;
	[tilespmem:$0x1098] =	vst v0;
	s7 =	smin.u32 s0, $0x13880  }
0x205: {  	s10 =	simm.s32 $0xA;
	s30 =	simm.s32 $0xB;
	[tilespmem:$0x1088] =	vst v0;
	s0 =	ssub.s32 s7, s6  }
0x206: {  	s16 =	simm.s32 $0x0;
	p4 =	por $0x0, $0x0;
	[tilespmem:$0x1078] =	vst v0;
	p0 =	sgt.s32 s0, $0x0  }
0x207: {  	s17 =	simm.s32 $0xC;
	s21 =	simm.s32 $0x0;
	[tilespmem:$0x1058] =	vst v0;
	s0 =	simm.s32 @!p0 $0x0  }
0x208: {  	s18 =	simm.s32 $0x0;
	s2 =	sand.u32 $0x1, s2;
	[tilespmem:$0x1048] =	vst v0;
	s29 =	smulhi.u32 $0x4BDA12F7, s0  }
0x209: {  	s20 =	simm.s32 $0x0;
	s31 =	sshll.u32 s4, $0x5;
	[tilespmem:$0x1018] =	vst v0;
	[dreg:$0x5] =	wrdreg s2  }
0x20a: {  	s2 =	smul.u32 $0x2710, s2;
	[tilespmem:$0x1008] =	vst v0;
	[sflag:s3] =	ssyncpa.u1 $0x0;
	s1 =	sshrl.u32 s29, $0x7  }
0x20b: {  	v0 =	vimm.s32 $0xFFFFFFFF;
	s3 =	sadd.s32 $0x2B5800, s11;
	[dreg:$0x4] =	wrdreg s31;
	s5 =	smul.u32 $0x1B0, s1  }
.Ltmp7:
0x20c: {  	[tilespmem:$0x3648] =	vst v0;
	[sflag:s8] =	ssyncpa.u1 $0x0;
	s2 =	sadd.s32 s2, s11;
	(pc) =	sbr.rel .LBB3_1-.Ltmp7, $4  }
0x20d: {  	[sflag:s10] =	ssyncpa.u1 $0x0;
	s11 =	sadd.s32 $0x13600, s11;
	p0 =	sne.s32 s0, s5  }
0x20e: {  	[sflag:s30] =	ssyncpa.u1 $0x0;
	s14 =	sadd.s32 $0x289600, s2;
	s12 =	simm.s32 @!p0 $0x0  }
0x20f: {  	s15 =	sadd.s32 $0x284600, s2;
	s19 =	smov.u32 s6;
	s12 =	sadd.s32 s12, s1  }
0x210: {  	v0 =	vlaneseq.u32;
	[dreg:$0x6] =	wrdreg s6;
	p0 =	por $0x1, $0x1;
	s4 =	sadd.s32 $0x1, s12  }
.LBB3_18:
0x211: {  	s0 =	simm.s32 $0x2  }
0x212: {  	_ =	swait.ge [sflag:s0], $0x0  }
0x213: {  	[sflag:s0] =	ssyncset.done $0x0;
	s0 =	simm.s32 $0x0  }
.LBB3_19:
0x214: {  	_ =	swait.ge [sflag:s17], s0  }
0x215: {  	s31 =	ssub.s32 $0x0, s0;
	v1 =	vmov s23;
	vm0 =	veq.s32 v0, $0x0;
	[sflag:s17] =	ssyncset.done $0x0  }
0x216: {  	vm15 =	veq.s32 v0, $0x2;
	v1 =	vsel vm0, s28, v1;
	[sflag:s17] =	ssyncadd.s32 s31  }
0x217: {  	v1 =	vsel vm15, s21, v1;
	[sflag:s17] =	ssyncpa.u1 $0x1  }
0x218: {  	[tilespmem:$0x3648] =	vst v1  }
.LBB3_20:
0x219: {  	s0 =	sadd.s32 $0x1B0, s19  }
0x21a: {  	s1 =	smov.u32 s6;
	p1 =	slt.s32 s0, s7  }
0x21b: {  	s1 =	smov.u32 @p1 s0;
	p1 =	sne.s32 s20, s4  }
.Ltmp8:
0x21c: {  	_ = 	snop;
	(pc) =	sbr.rel @!p1 .LBB3_21-.Ltmp8, $4  }
0x21d: {  	_ = 	snop  }
0x21e: {  	s21 =	smov.u32 s18  }
0x21f: {  	s31 =	sadd.s32 $0x1, s20;
	s18 =	smov.u32 s19;
	p0 =	por !p0, !p0  }
0x220: {  	p4 =	por !p4, !p4;
	s20 =	smov.u32 s31;
	s19 =	smov.u32 s1  }
.LBB3_1:
0x221: {  	p2 =	sge.u32 s20, s12  }
0x222: {  	s0 =	smulhi.u32 @!p2 $0xAAAAAAAB, s20  }
0x223: {  	s1 =	smov.u32 s19;
	p3 =	sgt.s32 @!p2 s19, $0x136D0  }
0x224: {  	s2 =	sshra.s32 @!p2 s19, $0x1F;
	p3 =	por !p3, p2;
	s0 =	sshrl.u32 @!p2 s0, $0x1  }
0x225: {  	s2 =	sand.u32 @!p2 s2, s19;
	s1 =	simm.s32 @p3 $0x136D0;
	s0 =	smul.u32 @!p2 $0x3, s0  }
0x226: {  	s1 =	ssub.s32 @!p2 s1, s2  }
0x227: {  	s23 =	sadd.s32 $0xFFFFFFFF, s20;
	s1 =	sadd.s32 @!p2 $0xFFFEC930, s1;
	s0 =	ssub.s32 @!p2 s20, s0  }
0x228: {  	s2 =	sshll.u32 @!p2 s1, $0x2;
	p3 =	sgt.s32 @!p2 s1, $0x1AF;
	s0 =	smul.u32 @!p2 $0x6C0, s0  }
0x229: {  	s5 =	sand.u32 @!p2 $0x7, s19;
	s1 =	ssub.s32 @!p2 $0x6C0, s2;
	p3 =	por !p3, p2  }
0x22a: {  	s2 =	sshrl.u32 @!p2 s19, $0x3;
	s1 =	sshrl.u32 @!p2 s1, $0x2;
	s0 =	sshrl.u32 @!p2 s0, $0x2  }
0x22b: {  	s2 =	sadd.s32 @!p2 s2, s14;
	s1 =	simm.s32 @!p3 $0x0;
	s0 =	sadd.s32 @!p2 $0x3888, s0  }
0x22c: {  	[tilespmem:s0], [sflag:$0xA] =	stream.linear.gather @!p2 [hbm4b:s2+s5], s1, $0x38;
	[tilespmem:$0x1F0F8] =	vst v63  }
0x22d: {  	p2 =	sge.u32 s23, s12  }
0x22e: {  	p3 =	sgt.s32 @!p2 s18, $0x136D0  }
0x22f: {  	s0 =	smov.u32 s18;
	s1 =	sshra.s32 @!p2 s18, $0x1F;
	p3 =	por !p3, p2  }
0x230: {  	s1 =	sand.u32 @!p2 s1, s18;
	s0 =	simm.s32 @p3 $0x136D0  }
0x231: {  	s0 =	ssub.s32 @!p2 s0, s1  }
0x232: {  	s0 =	sadd.s32 @!p2 $0xFFFEC930, s0  }
0x233: {  	s1 =	sshll.u32 @!p2 s0, $0x2  }
0x234: {  	p3 =	sgt.s32 @!p2 s0, $0x1AF;
	s0 =	ssub.s32 @!p2 $0x6C0, s1  }
0x235: {  	s22 =	ssub.s32 @!p2 $0x13880, s18;
	p3 =	por !p3, p2;
	s0 =	sshrl.u32 @!p2 s0, $0x2  }
0x236: {  	s1 =	sand.u32 @!p2 $0x1, s23;
	s0 =	simm.s32 @!p3 $0x0;
	p3 =	slt.s32 @!p2 s22, $0x1  }
0x237: {  	s2 =	simm.s32 @!p2 $0xA;
	s1 =	smul.u32 @!p2 $0x6C0, s1;
	p3 =	por p2, p3  }
.Ltmp9:
0x238: {  	_ =	swait.ge @!p2 [sflag:s2], s0;
	(pc) =	sbr.rel @p3 .LBB3_7-.Ltmp9, $4  }
0x239: {  	s5 =	ssub.s32 @!p2 $0x0, s0;
	[sflag:s2] =	ssyncset.done @!p2 $0x0  }
0x23a: {  	s1 =	sshrl.u32 @!p2 s1, $0x2;
	[sflag:s2] =	ssyncadd.s32 @!p2 s5;
	s2 =	sshrl.u32 @!p2 s18, $0x3  }
0x23b: {  	s1 =	sadd.s32 @!p2 $0x3D98, s1;
	s5 =	sand.u32 @!p2 $0x7, s18;
	s2 =	sadd.s32 @!p2 s2, s15  }
0x23c: {  	[tilespmem:s1], [sflag:$0xB] =	stream.linear.gather @!p2 [hbm4b:s2+s5], s0, $0x38;
	[tilespmem:$0x1F0F8] =	vst v63  }
0x23d: {  	s0 =	smulhi.u32 $0xAAAAAAAB, s23;
	_ =	sdelay $0x1  }
0x23e: {  	s0 =	sshrl.u32 s0, $0x1  }
0x23f: {  	s0 =	smul.u32 $0x3, s0;
	_ =	sdelay $0x1  }
0x240: {  	s0 =	ssub.s32 s23, s0  }
0x241: {  	s1 =	simm.s32 $0x1;
	s0 =	smul.u32 $0x6C0, s0  }
.Ltmp10:
0x242: {  	s1 =	simm.s32 @!p0 $0x0;
	(pc) =	sbr.rel .LBB3_4-.Ltmp10, $4  }
0x243: {  	s1 =	smul.u32 $0x36000, s1  }
0x244: {  	p3 =	slt.s32 @!p2 s22, $0x1B0;
	s0 =	sshrl.u32 s0, $0x2  }
0x245: {  	p2 =	por !p3, p2;
	s1 =	sshrl.u32 s1, $0x2;
	s0 =	sadd.s32 $0x3888, s0  }
0x246: {  	s24 =	simm.s32 $0x0;
	s22 =	simm.s32 @p2 $0x1B0;
	s23 =	sadd.s32 $0x40F8, s1;
	v1 =	vmov s0  }
.LBB3_3:
0x247: {  	p2 =	sge.s32 s24, s22  }
.Ltmp11:
0x248: {  	_ = 	snop;
	(pc) =	sbr.rel @p2 .LBB3_7-.Ltmp11, $2  }
0x249: {  	_ =	sdelay $0x2  }
0x24a: {  	s23 =	sadd.s32 $0x800, s23  }
.LBB3_4:
0x24b: {  	p2 =	sle.s32 s22, s24  }
.Ltmp12:
0x24c: {  	_ = 	snop;
	(pc) =	sbr.rel @p2 .LBB3_3-.Ltmp12, $2  }
0x24d: {  	_ =	sdelay $0x2  }
0x24e: {  	s0 =	smov.u32 s24;
	s24 =	sadd.s32 $0x10, s24  }
0x24f: {  	s1 =	ssub.s32 s22, s0  }
0x250: {  	p2 =	slt.s32 s1, $0x10  }
0x251: {  	s1 =	simm.s32 @!p2 $0x10  }
0x252: {  	v2 =	vmov s1  }
0x253: {  	vm0 =	vgt.s32 v2, v0;
	_ =	sdelay $0x5  }
0x254: {  	v2 =	vld.idx.msk [tilespmem:v1+s0+$0x0 ss:$0x1], vm0;
	_ =	sdelay $0x2  }
0x255: {  	p2 =	slt.s32 s24, s22;
	s1 =	smov.u32 s22  }
0x256: {  	s2 =	smov.u32 s23;
	s25 =	simm.s32 $0x0;
	s1 =	smov.u32 @p2 s24  }
.LBB3_6:
0x257: {  	(v2sf) =	vpush v2, s25;
	_ =	sdelay $0xc  }
0x258: {  	s25 =	sadd.s32 $0x1, s25  }
0x259: {  	s31 =	sadd.s32 s25, s0  }
0x25a: {  	p2 =	slt.s32 s31, s1;
	s5 =	spop (v2sf)  }
.Ltmp13:
0x25b: {  	s5 =	sshll.u32 s5, $0x4;
	(pc) =	sbr.rel @p2 .LBB3_6-.Ltmp13, $4  }
0x25c: {  	s5 =	sand.u32 $0x1FFFFFF0, s5  }
0x25d: {  	s5 =	sadd.s32 s11, s5  }
0x25e: {  	[tilespmem:s2], [sflag:$0x9] =	stream.linear.gather [hbm4b:s5+s16], $0x5, $0x38;
	[tilespmem:$0x1F0F8] =	vst v63  }
0x25f: {  	s2 =	sadd.s32 $0x80, s2  }
.Ltmp14:
0x260: {  	_ = 	snop;
	(pc) =	sbr.rel .LBB3_3-.Ltmp14, $1  }
0x261: {  	_ =	sdelay $0x3  }
.LBB3_7:
0x262: {  	p2 =	slt.u32 s20, $0x2  }
.Ltmp15:
0x263: {  	_ = 	snop;
	(pc) =	sbr.rel @p2 .LBB3_20-.Ltmp15, $1  }
0x264: {  	_ =	sdelay $0x3  }
0x265: {  	s0 =	ssub.s32 $0x13880, s21;
	p2 =	sgt.s32 s21, $0x136D0  }
0x266: {  	s1 =	smov.u32 s21;
	s2 =	sshra.s32 s21, $0x1F;
	p3 =	slt.s32 s0, $0x1B0  }
0x267: {  	s1 =	simm.s32 @!p2 $0x136D0;
	s2 =	sand.u32 s2, s21;
	s0 =	simm.s32 @!p3 $0x1B0  }
0x268: {  	s1 =	ssub.s32 s1, s2;
	s0 =	smul.u32 $0x14, s0  }
0x269: {  	s1 =	sadd.s32 $0xFFFEC930, s1  }
0x26a: {  	s26 =	simm.s32 $0x9;
	s24 =	sshll.u32 s1, $0x2;
	s0 =	sshrl.u32 s0, $0x2  }
0x26b: {  	p2 =	sgt.s32 s1, $0x1AF;
	s25 =	ssub.s32 $0x6C0, s24;
	_ =	swait.ge [sflag:s26], s0  }
0x26c: {  	s0 =	ssub.s32 $0x0, s0;
	s1 =	sshrl.u32 s25, $0x2;
	[sflag:s26] =	ssyncset.done $0x0  }
0x26d: {  	s28 =	simm.s32 $0xB;
	s1 =	simm.s32 @p2 $0x0;
	[sflag:s26] =	ssyncadd.s32 s0  }
0x26e: {  	_ =	swait.ge [sflag:s28], s1  }
0x26f: {  	s30 =	ssub.s32 $0x0, s1;
	[sflag:s28] =	ssyncset.done $0x0  }
0x270: {  	[sflag:s28] =	ssyncadd.s32 s30  }
0x271: {  	v1 =	vld [tilespmem:$0x3648];
	_ =	sdelay $0x4  }
0x272: {  	(v2sf) =	vpush v1, $0x0  }
0x273: {  	(v2sf) =	vpush v1, $0x1  }
0x274: {  	(v2sf) =	vpush v1, $0x2;
	_ =	sdelay $0x3  }
0x275: {  	s0 =	sadd.s32 $0x1B0, s21  }
0x276: {  	p2 =	slt.s32 s7, s0;
	s1 =	ssub.s32 $0x27100, s21  }
0x277: {  	s0 =	smov.u32 @p2 s7;
	p2 =	sgt.s32 s1, $0x0  }
0x278: {  	s25 =	ssub.s32 s0, s21;
	s1 =	simm.s32 @!p2 $0x0  }
0x279: {  	p2 =	slt.s32 s1, s25  }
0x27a: {  	s25 =	smov.u32 @p2 s1  }
0x27b: {  	s24 =	simm.s32 $0x1;
	p2 =	slt.s32 s25, $0x1  }
.Ltmp16:
0x27c: {  	s24 =	simm.s32 @!p4 $0x0;
	(pc) =	sbr.rel @p2 .LBB3_12-.Ltmp16, $4  }
0x27d: {  	s31 =	smul.u32 $0x6C0, s24  }
0x27e: {  	s26 =	spop (v2sf)  }
0x27f: {  	s0 =	sshrl.u32 s31, $0x2;
	s29 =	spop (v2sf)  }
0x280: {  	s22 =	sadd.s32 $0x3D98, s0;
	s21 =	spop (v2sf)  }
0x281: {  	s0 =	smin.u32 s25, $0x10  }
0x282: {  	v1 =	vmov s0  }
0x283: {  	p3 =	sgt.s32 s25, $0x10;
	vm1 =	vgt.u32 v1, v0  }
.Ltmp17:
0x284: {  	_ = 	snop;
	(pc) =	sbr.rel @!p3 .LBB3_11-.Ltmp17, $2  }
0x285: {  	_ =	sdelay $0x2  }
0x286: {  	s23 =	simm.s32 $0x10;
	s28 =	sadd.s32 $0xFFFFFFF0, s25;
	s0 =	smov.u32 s22;
	vm0 =	vmmov vm1  }
.LBB3_10:
0x287: {  	s1 =	smin.u32 s28, $0x10;
	s23 =	sadd.s32 $0x10, s23;
	v1 =	vld.msk [tilespmem:s0+$0x0 ss:$0x1], vm1  }
0x288: {  	v2 =	vmov s1;
	p3 =	slt.s32 s23, s25  }
0x289: {  	vm1 =	vgt.u32 v2, v0  }
.Ltmp18:
0x28a: {  	(pc) =	sbr.rel @p3 .LBB3_10-.Ltmp18, $3  }
0x28b: {  	_ =	sdelay $0x1  }
0x28c: {  	v1 =	vshll.u32 v1, $0x4  }
0x28d: {  	s28 =	sadd.s32 $0xFFFFFFF0, s28;
	[tilespmem:s0+$0x0] =	vst.msk vm0, v1;
	s0 =	sadd.s32 $0x10, s0;
	vm0 =	vmmov vm1  }
.LBB3_11:
0x28e: {  	_ =	sdelay $0x4  }
0x28f: {  	v1 =	vld.msk [tilespmem:s0+$0x0 ss:$0x1], vm1;
	_ =	sdelay $0x4  }
0x290: {  	v1 =	vshll.u32 v1, $0x4  }
0x291: {  	[tilespmem:s0+$0x0] =	vst.msk vm0, v1  }
.LBB3_12:
0x292: {  	s0 =	sand.u32 $0x1, s20  }
0x293: {  	s0 =	smul.u32 $0x1B0, s0  }
0x294: {  	p3 =	sne.s32 s29, $0xFFFFFFFF  }
0x295: {  	v1 =	vld.msk @!p3 [tilespmem:s0+$0x3D98], $0x1;
	_ =	sdelay $0x4  }
0x296: {  	(v2sf) =	vpush @!p3 v1, $0x0;
	_ =	sdelay $0xc  }
.Ltmp19:
0x297: {  	_ = 	snop;
	(pc) =	sbr.rel @p2 .LBB3_18-.Ltmp19, $4  }
0x298: {  	_ = 	snop  }
0x299: {  	s28 =	spop @!p3 (v2sf)  }
0x29a: {  	s21 =	simm.s32 @!p3 $0x0;
	s23 =	smov.u32 s28  }
0x29b: {  	[sflag:s17] =	ssyncpa.u1 $0x0;
	s28 =	smov.u32 @p3 s26;
	s23 =	smov.u32 @p3 s29  }
0x29c: {  	v1 =	vld.msk [tilespmem:s22+$0x0], $0x1;
	_ =	sdelay $0x4  }
0x29d: {  	(v2sf) =	vpush v1, $0x0;
	_ =	sdelay $0xe  }
0x29e: {  	s0 =	simm.s32 @!p4 $0x0;
	s26 =	smul.u32 $0x36000, s24;
	s31 =	spop (v2sf)  }
0x29f: {  	s29 =	ssub.s32 $0x0, s25;
	s0 =	simm.s32 @p4 $0x1;
	p2 =	seq.s32 s28, s31  }
0x2a0: {  	s1 =	smov.u32 s28;
	[smem:$0x7FD] =	sst s0;
	p3 =	sgt.s32 @!p2 s28, $0x0  }
0x2a1: {  	s0 =	sshrl.u32 s26, $0x2;
	s26 =	sadd.s32 $0x1, s29;
	p3 =	por !p3, p2  }
0x2a2: {  	s1 =	simm.s32 @p3 $0x0;
	p3 =	seq.s32 s26, $0x0  }
.Ltmp20:
0x2a3: {  	_ = 	snop;
	(pc) =	sbr.rel @p3 .LBB3_15-.Ltmp20, $4  }
0x2a4: {  	s6 =	smov.u32 s4;
	s25 =	simm.s32 $0x0  }
0x2a5: {  	s24 =	sadd.s32 $0x40F8, s0;
	s0 =	simm.s32 @!p2 $0x1;
	s2 =	smin.u32 @!p2 s1, $0x270FF  }
0x2a6: {  	s30 =	sadd.s32 $0x1, s22;
	s0 =	smov.u32 @p2 s25;
	s5 =	sand.u32 @!p2 $0x3FFF8, s2  }
0x2a7: {  	s1 =	simm.s32 @!p2 $0x1B38;
	s2 =	sand.u32 @!p2 $0x7, s2;
	s5 =	sadd.s32 @!p2 s3, s5  }
.LBB3_14:
0x2a8: {  	s4 =	smov.u32 s0  }
0x2a9: {  	[tilespmem:s1], [sflag:$0x2] =	stream.linear.gather @!p2 [hbm4b:s5+s2], $0x5, $0x38;
	[tilespmem:$0x1F0F8] =	vst v63  }
0x2aa: {  	s26 =	sadd.s32 $0x1, s26;
	s2 =	smov.u32 s31;
	v1 =	vld.msk [tilespmem:s30+$0x0], $0x1  }
0x2ab: {  	p3 =	seq.s32 s26, $0x0;
	_ =	sdelay $0x3  }
0x2ac: {  	(v2sf) =	vpush v1, $0x0;
	_ =	sdelay $0xe  }
0x2ad: {  	s31 =	spop (v2sf)  }
0x2ae: {  	p2 =	seq.s32 s2, s31  }
0x2af: {  	p4 =	sgt.s32 @!p2 s2, $0x0;
	s1 =	sshll.u32 @!p2 s0, $0x6;
	s0 =	sadd.s32 @!p2 $0x1, s0  }
.Ltmp21:
0x2b0: {  	p4 =	por !p4, p2;
	s1 =	sshra.s32 @!p2 s1, $0x2;
	(pc) =	sbr.rel @!p3 .LBB3_14-.Ltmp21, $4  }
0x2b1: {  	s0 =	smov.u32 @p2 s4;
	s2 =	simm.s32 @p4 $0x0;
	s1 =	sadd.s32 @!p2 $0x1B38, s1  }
0x2b2: {  	s2 =	smin.u32 @!p2 s2, $0x270FF  }
0x2b3: {  	s4 =	sand.u32 @!p2 $0x3FFF8, s2;
	s2 =	sand.u32 @!p2 $0x7, s2  }
0x2b4: {  	s30 =	sadd.s32 $0x1, s30;
	s5 =	sadd.s32 @!p2 s3, s4  }
.LBB3_15:
0x2b5: {  	s0 =	smul.u32 $0x14, s0  }
0x2b6: {  	[tilespmem:s1], [sflag:$0x2] =	stream.linear.gather @!p2 [hbm4b:s5+s2], $0x5, $0x38;
	[tilespmem:$0x1F0F8] =	vst v63  }
0x2b7: {  	s31 =	simm.s32 $0x2;
	s0 =	sshrl.u32 s0, $0x2  }
0x2b8: {  	_ =	swait.ge [sflag:s31], s0  }
0x2b9: {  	s0 =	ssub.s32 $0x0, s0;
	[sflag:s31] =	ssyncset.done $0x0  }
0x2ba: {  	[sflag:s31] =	ssyncadd.s32 s0  }
0x2bb: {  	v1 =	vld.msk [tilespmem:s22+$0x0], $0x1;
	_ =	sdelay $0x4  }
0x2bc: {  	(v2sf) =	vpush v1, $0x0;
	_ =	sdelay $0xe  }
0x2bd: {  	s26 =	spop (v2sf)  }
0x2be: {  	p2 =	sne.s32 s28, s26  }
0x2bf: {  	p4 =	sne.s32 @p2 s28, s23  }
0x2c0: {  	p3 =	por !p4, !p2  }
0x2c1: {  	s0 =	simm.s32 @!p3 $0x0  }
0x2c2: {  	v1 =	vld.msk @!p3 [tilespmem:s0+$0x1B38], $0x1f  }
0x2c3: {  	p5 =	sgt.u32 @!p3 s28, $0x270FF  }
0x2c4: {  	s1 =	sshll.u32 @!p3 s21, $0x6;
	p6 =	por @p2 p5, !p4  }
0x2c5: {  	s1 =	sshra.s32 @!p3 s1, $0x2;
	p1 =	por p6, !p2;
	p6 =	por p4, !p2  }
0x2c6: {  	s2 =	sadd.s32 @!p3 $0x28, s1;
	s4 =	sand.u32 @!p1 $0x3FFF8, s28;
	s5 =	sshll.u32 @!p6 s21, $0x6  }
0x2c7: {  	s28 =	sand.u32 @!p1 $0x7, s28;
	[tilespmem:s1+$0x28] =	vst.add.f32.msk @!p3 $0x1f, v1;
	s1 =	sadd.s32 @!p1 s3, s4;
	s4 =	sshra.s32 @!p6 s5, $0x2  }
0x2c8: {  	[hbm4b:s1+s28] =	stream.linear.scatter @!p1 [tilespmem:s2], [sflag:$0xC], $0x5, $0x38;
	[tilespmem:$0x1F0F8] =	vst v63  }
0x2c9: {  	s0 =	rddreg [dreg:$0x4];
	s1 =	sadd.s32 @!p6 $0x28, s4;
	s2 =	simm.s32 @!p6 $0x1  }
0x2ca: {  	[spmem:s0] =	stream.linear.scatter @!p6 [tilespmem:s1], [sflag:$0x1], $0x5, $0x38;
	[tilespmem:$0x1F0F8] =	vst v63  }
0x2cb: {  	s0 =	sadd.s32 @p2 $0x1, s21;
	_ =	swait.ge @!p6 [sflag:s2], $0x5  }
0x2cc: {  	s1 =	sshrl.u32 @p2 s0, $0x4;
	[sflag:s2] =	ssyncset.done @!p6 $0x0  }
0x2cd: {  	s1 =	smulhi.u32 @p2 $0x97B425F, s1;
	[sflag:s2] =	ssyncadd.s32 @!p6 $0xFFFFFFFB  }
0x2ce: {  	s28 =	sadd.s32 $0x1, s29;
	v1 =	vld.msk @p2 [tilespmem:s24+$0x0], $0x1f  }
0x2cf: {  	p1 =	por @p2 !p5, !p4;
	p4 =	seq.s32 s28, $0x0;
	s1 =	smul.u32 @p2 $0x1B0, s1  }
.Ltmp22:
0x2d0: {  	p1 =	por !p1, !p2;
	s2 =	simm.s32 @!p3 $0x0;
	(pc) =	sbr.rel @p4 .LBB3_17-.Ltmp22, $4  }
0x2d1: {  	s4 =	sshll.u32 @!p2 s21, $0x6;
	s2 =	simm.s32 @!p1 $0x14;
	s0 =	ssub.s32 @p2 s0, s1  }
0x2d2: {  	s29 =	simm.s32 $0x0;
	s2 =	sadd.s32 @!p3 $0x0, s2;
	s5 =	sshll.u32 @p2 s0, $0x4  }
0x2d3: {  	s30 =	sshra.s32 @!p2 s4, $0x2;
	s1 =	simm.s32 @p2 $0x1;
	s2 =	smov.u32 @p3 s25;
	[tilespmem:s5+$0x28] =	vst.msk @p2 $0x1f, v1  }
0x2d4: {  	s21 =	smov.u32 @p2 s0;
	s29 =	smov.u32 @p2 s2;
	s25 =	smov.u32 @p2 s1;
	v1 =	vld.msk @!p2 [tilespmem:s24+$0x0], $0x1f  }
.LBB3_16:
0x2d5: {  	_ =	sdelay $0x3  }
0x2d6: {  	s22 =	sadd.s32 $0x1, s22;
	[tilespmem:s30+$0x28] =	vst.add.f32.msk @!p2 $0x1f, v1  }
0x2d7: {  	v1 =	vld.msk [tilespmem:s22+$0x0], $0x1;
	_ =	sdelay $0x4  }
0x2d8: {  	(v2sf) =	vpush v1, $0x0;
	_ =	sdelay $0xe  }
0x2d9: {  	s0 =	smov.u32 s26;
	s26 =	spop (v2sf)  }
0x2da: {  	p2 =	sne.s32 s0, s26  }
0x2db: {  	p5 =	sne.s32 @p2 s0, s23  }
0x2dc: {  	s4 =	sshll.u32 @!p2 s21, $0x6;
	p4 =	por !p5, !p2  }
0x2dd: {  	s30 =	sshra.s32 @!p2 s4, $0x2;
	s4 =	sshll.u32 @!p4 s25, $0x6  }
0x2de: {  	s4 =	sshra.s32 @!p4 s4, $0x2  }
0x2df: {  	p1 =	sgt.u32 @!p4 s0, $0x270FF;
	v1 =	vld.msk @!p4 [tilespmem:s4+$0x1B38], $0x1f  }
0x2e0: {  	s31 =	sshll.u32 @!p4 s21, $0x6;
	p6 =	por @p2 p1, !p5;
	p1 =	por @p2 !p1, !p5  }
0x2e1: {  	s8 =	simm.s32 @!p4 $0x0;
	s31 =	sshra.s32 @!p4 s31, $0x2;
	p1 =	por !p1, !p2  }
0x2e2: {  	p5 =	por p5, !p2;
	s8 =	simm.s32 @!p1 $0x14;
	p1 =	por p6, !p2  }
0x2e3: {  	s4 =	sadd.s32 @!p4 $0x28, s31;
	s13 =	sshll.u32 @!p5 s21, $0x6;
	s10 =	sand.u32 @!p1 $0x3FFF8, s0  }
0x2e4: {  	s13 =	sshra.s32 @!p5 s13, $0x2;
	s0 =	sand.u32 @!p1 $0x7, s0;
	s10 =	sadd.s32 @!p1 s3, s10;
	[tilespmem:s31+$0x28] =	vst.add.f32.msk @!p4 $0x1f, v1  }
0x2e5: {  	[hbm4b:s10+s0] =	stream.linear.scatter @!p1 [tilespmem:s4], [sflag:$0xC], $0x5, $0x38;
	[tilespmem:$0x1F0F8] =	vst v63  }
0x2e6: {  	s1 =	rddreg [dreg:$0x4];
	s0 =	sadd.s32 @!p5 $0x28, s13;
	s4 =	simm.s32 @!p5 $0x1  }
0x2e7: {  	[spmem:s1] =	stream.linear.scatter @!p5 [tilespmem:s0], [sflag:$0x1], $0x5, $0x38;
	[tilespmem:$0x1F0F8] =	vst v63  }
0x2e8: {  	s2 =	sadd.s32 @p2 $0x1, s21;
	_ =	swait.ge @!p5 [sflag:s4], $0x5  }
0x2e9: {  	s5 =	sshrl.u32 @p2 s2, $0x4;
	[sflag:s4] =	ssyncset.done @!p5 $0x0  }
0x2ea: {  	s24 =	sadd.s32 $0x80, s24;
	s5 =	smulhi.u32 @p2 $0x97B425F, s5;
	[sflag:s4] =	ssyncadd.s32 @!p5 $0xFFFFFFFB  }
0x2eb: {  	s28 =	sadd.s32 $0x1, s28;
	v1 =	vld.msk @p2 [tilespmem:s24+$0x0], $0x1f  }
0x2ec: {  	p3 =	seq.s32 s28, $0x0;
	s5 =	smul.u32 @p2 $0x1B0, s5  }
.Ltmp23:
0x2ed: {  	_ = 	snop;
	(pc) =	sbr.rel @!p3 .LBB3_16-.Ltmp23, $4  }
0x2ee: {  	s2 =	ssub.s32 @p2 s2, s5  }
0x2ef: {  	s8 =	sadd.s32 @!p4 s8, s29;
	s5 =	sshll.u32 @p2 s2, $0x4  }
0x2f0: {  	s9 =	sadd.s32 @p2 $0x1, s25;
	s8 =	smov.u32 @p4 s29;
	[tilespmem:s5+$0x28] =	vst.msk @p2 $0x1f, v1  }
0x2f1: {  	s25 =	smov.u32 @p2 s9;
	s21 =	smov.u32 @p2 s2;
	s29 =	smov.u32 @p2 s8;
	v1 =	vld.msk @!p2 [tilespmem:s24+$0x0], $0x1f  }
.LBB3_17:
.Ltmp24:
0x2f2: {  	_ = 	snop;
	(pc) =	sbr.rel .LBB3_19-.Ltmp24, $3  }
0x2f3: {  	s1 =	sld [smem:$0x7FD];
	_ =	sdelay $0x1  }
0x2f4: {  	s0 =	sshrl.u32 s29, $0x2;
	s28 =	smov.u32 s26  }
0x2f5: {  	s4 =	smov.u32 s6;
	s6 =	rddreg [dreg:$0x6];
	p4 =	seq.s32 s1, $0x1;
	[tilespmem:s30+$0x28] =	vst.add.f32.msk @!p2 $0x1f, v1  }
.LBB3_21:
0x2f6: {  	_ =	sfence.sel $0x180000  }
0x2f7: {  	s0 =	simm.s32 $0x9;
	[bflag:$0x0] =	sbarrier.arrive $0xFFFF  }
0x2f8: {  	s24 =	simm.s32 $0xA;
	[sflag:s0] =	ssyncpa.u1 $0x1  }
0x2f9: {  	s25 =	simm.s32 $0xB;
	[sflag:s24] =	ssyncpa.u1 $0x1  }
0x2fa: {  	s26 =	simm.s32 $0x2;
	[sflag:s25] =	ssyncpa.u1 $0x1  }
0x2fb: {  	[sflag:s26] =	ssyncpa.u1 $0x1  }
0x2fc: {  	v0 =	vld [tilespmem:$0x3648];
	_ =	sdelay $0x4  }
0x2fd: {  	(v2sf) =	vpush v0, $0x0  }
0x2fe: {  	(v2sf) =	vpush v0, $0x1;
	_ =	sdelay $0x1  }
0x2ff: {  	(v2sf) =	vpush v0, $0x2;
	_ =	sdelay $0xb  }
0x300: {  	s0 =	spop (v2sf)  }
0x301: {  	s1 =	spop (v2sf)  }
0x302: {  	s2 =	smov.u32 s0;
	p0 =	sne.s32 s0, s1  }
0x303: {  	s4 =	spop (v2sf);
	s2 =	simm.s32 @!p0 $0xFFFFFFFF  }
0x304: {  	v2 =	vimm.s32 $0x1;
	v3 =	vlaneseq.u32;
	p0 =	seq.s32 s4, $0xFFFFFFFF;
	v1 =	vmov s2  }
0x305: {  	s16 =	stileid.u32;
	v0 =	vperm.xlane v0, v2;
	p1 =	sne.s32 @!p0 s0, s1;
	v1 =	vperm.xlane v1, v3  }
0x306: {  	vm0 =	vcmask $0x3F04;
	s6 =	simm.s32 $0x3648;
	s0 =	simm.s32 @!p0 $0x1;
	p1 =	por !p1, p0  }
0x307: {  	s2 =	sshll.u32 s16, $0x1;
	s1 =	sshll.u32 @!p0 s4, $0x6;
	s0 =	simm.s32 @p1 $0x0;
	v0 =	vsel vm0, v1, v0  }
0x308: {  	s5 =	sor.u32 $0x200, s2;
	s1 =	sshra.s32 @!p0 s1, $0x2;
	s0 =	sor.u32 @!p0 s0, s2;
	[tilespmem:$0x3648] =	vst v0  }
0x309: {  	[spmem:s5] =	stream.linear.scatter [tilespmem:s6], [sflag:$0x1], $0x2, $0x38;
	[tilespmem:$0x1F0F8] =	vst v63  }
0x30a: {  	s1 =	sadd.s32 @!p0 $0x28, s1;
	s0 =	sshll.u32 @!p0 s0, $0x4  }
0x30b: {  	[spmem:s0] =	stream.linear.scatter @!p0 [tilespmem:s1], [sflag:$0x1], $0x10, $0x38;
	[tilespmem:$0x1F0F8] =	vst v63  }
0x30c: {  	s0 =	simm.s32 @!p0 $0x12  }
0x30d: {  	s28 =	simm.s32 $0x1;
	s0 =	simm.s32 @p0 $0x2  }
0x30e: {  	_ =	swait.ge [sflag:s28], s0  }
0x30f: {  	s0 =	ssub.s32 $0x0, s0;
	[sflag:s28] =	ssyncset.done $0x0  }
0x310: {  	p0 =	sne.s32 s16, $0x0;
	[sflag:s28] =	ssyncadd.s32 s0  }
.Ltmp25:
0x311: {  	_ =	sfence.stream.spmem;
	(pc) =	sbr.rel @p0 .LBB3_38-.Ltmp25, $4  }
0x312: {  	s29 =	simm.s32 $0x3;
	[bflag:$0x0] =	sbarrier.arrive $0xFFFF  }
0x313: {  	s30 =	simm.s32 $0x4;
	[sflag:s29] =	ssyncpa.u1 $0x1  }
0x314: {  	s31 =	simm.s32 $0x3C;
	[sflag:s30] =	ssyncpa.u1 $0x1  }
0x315: {  	s17 =	rddreg [dreg:$0x5];
	[sflag:s31] =	ssyncpa.u1 $0x1  }
0x316: {  	_ =	sfence.stream.spmem;
	s0 =	simm.s32 $0x5  }
0x317: {  	s1 =	simm.s32 $0x200;
	s2 =	simm.s32 $0x3658;
	[sflag:s0] =	ssyncpa.u1 $0x0  }
0x318: {  	[tilespmem:s2], [sflag:$0x5] =	stream.linear.gather [spmem:s1], $0x20, $0x38;
	[tilespmem:$0x1F0F8] =	vst v63  }
0x319: {  	s26 =	simm.s32 $0x0;
	s28 =	simm.s32 $0x3678  }
0x31a: {  	[tilespmem:s28], [sflag:$0x5] =	stream.linear.gather [spmem:s26], $0x200, $0x38;
	[tilespmem:$0x1F0F8] =	vst v63  }
0x31b: {  	_ =	swait.ge [sflag:s0], $0x220  }
0x31c: {  	[sflag:s0] =	ssyncset.done $0x0  }
0x31d: {  	s29 =	simm.s32 $0x0;
	[sflag:s0] =	ssyncadd.s32 $0xFFFFFDE0  }
0x31e: {  	v0 =	vld.msk [tilespmem:s29+$0x3658], $0x1;
	_ =	sdelay $0x1  }
0x31f: {  	s30 =	simm.s32 $0x1  }
0x320: {  	v1 =	vld.msk [tilespmem:s30+$0x3658], $0x1;
	_ =	sdelay $0x1  }
0x321: {  	(v2sf) =	vpush v0, $0x0;
	_ =	sdelay $0x2  }
0x322: {  	(v2sf) =	vpush v1, $0x0;
	_ =	sdelay $0x2  }
0x323: {  	s31 =	simm.s32 $0x2  }
0x324: {  	v0 =	vld.msk [tilespmem:s31+$0x3658], $0x1;
	_ =	sdelay $0x2  }
0x325: {  	s6 =	simm.s32 $0xFFFFFFFF;
	s1 =	simm.s32 $0xFFFFFFFF;
	s0 =	simm.s32 $0xC  }
.LBB3_23:
0x326: {  	s2 =	smov.u32 s6;
	s4 =	smov.u32 s1  }
0x327: {  	s1 =	sshra.s32 s0, $0x2;
	p1 =	sne.s32 s0, $0x7C;
	s0 =	sadd.s32 $0x4, s0;
	(v2sf) =	vpush v0, $0x0  }
0x328: {  	v0 =	vld.msk [tilespmem:s1+$0x3658], $0x1  }
.Ltmp26:
0x329: {  	(pc) =	sbr.rel @p1 .LBB3_23-.Ltmp26, $4  }
0x32a: {  	s6 =	spop (v2sf)  }
0x32b: {  	p2 =	sne.s32 s4, $0xFFFFFFFF;
	s1 =	smov.u32 s6  }
0x32c: {  	p3 =	seq.s32 s6, $0xFFFFFFFF;
	s1 =	smov.u32 @p2 s4  }
0x32d: {  	s6 =	smov.u32 @p3 s2;
	s1 =	smov.u32 @p3 s4  }
0x32e: {  	(v2sf) =	vpush v0, $0x0;
	_ =	sdelay $0x8  }
0x32f: {  	s0 =	spop (v2sf)  }
0x330: {  	p1 =	sne.s32 s1, $0xFFFFFFFF;
	s2 =	smov.u32 s0  }
0x331: {  	s9 =	simm.s32 $0x6;
	p2 =	seq.s32 s0, $0xFFFFFFFF;
	s2 =	smov.u32 @p1 s1  }
0x332: {  	s10 =	simm.s32 $0x3638;
	s2 =	smov.u32 @p2 s1;
	s1 =	spop (v2sf)  }
0x333: {  	s0 =	smov.u32 @p2 s6;
	p1 =	sne.s32 s2, $0xFFFFFFFF;
	s4 =	smov.u32 s1  }
.Ltmp27:
0x334: {  	p2 =	seq.s32 s1, $0xFFFFFFFF;
	s4 =	smov.u32 @p1 s2;
	(pc) =	sbr.rel .LBB3_25-.Ltmp27, $4  }
0x335: {  	s11 =	simm.s32 $0x0;
	s4 =	smov.u32 @p2 s2;
	s7 =	spop (v2sf)  }
0x336: {  	[sflag:s9] =	ssyncpa.u1 $0x0;
	p1 =	sne.s32 s4, $0xFFFFFFFF;
	s8 =	smov.u32 s7  }
0x337: {  	s1 =	smov.u32 @p2 s0;
	p2 =	seq.s32 s7, $0xFFFFFFFF;
	s8 =	smov.u32 @p1 s4  }
0x338: {  	s6 =	simm.s32 $0x0;
	s7 =	smov.u32 @p2 s1;
	s8 =	smov.u32 @p2 s4  }
.LBB3_30:
0x339: {  	p1 =	sgt.u32 s12, $0x270FF  }
0x33a: {  	p2 =	seq.s32 @!p1 s12, s8  }
0x33b: {  	p1 =	por p1, p2  }
0x33c: {  	p2 =	sne.s32 @!p1 s12, s7  }
0x33d: {  	p1 =	por p1, !p2  }
0x33e: {  	s0 =	sshll.u32 @p1 s11, $0x6  }
0x33f: {  	s0 =	sand.u32 @!p1 $0x3FFF8, s12  }
0x340: {  	s1 =	sand.u32 @!p1 $0x7, s12;
	s0 =	sadd.s32 @!p1 s3, s0  }
0x341: {  	[tilespmem:s10], [sflag:$0x6] =	stream.linear.gather @!p1 [hbm4b:s0+s1], $0x5, $0x38;
	[tilespmem:$0x1F0F8] =	vst v63  }
0x342: {  	_ =	swait.ge @!p1 [sflag:s9], $0x5  }
0x343: {  	[sflag:s9] =	ssyncset.done @!p1 $0x0  }
0x344: {  	[sflag:s9] =	ssyncadd.s32 @!p1 $0xFFFFFFFB  }
0x345: {  	v1 =	vld @!p1 [tilespmem:$0x3638];
	_ =	sdelay $0x2  }
0x346: {  	s0 =	sshll.u32 @!p1 s11, $0x6  }
0x347: {  	s1 =	sshrl.u32 @!p1 s0, $0x2  }
0x348: {  	[tilespmem:s1+$0x3678] =	vst.add.f32.msk @!p1 $0xffff, v1  }
0x349: {  	s0 =	sshrl.u32 s0, $0x2;
	[tilespmem:s6+$0x3658] =	vst.msk $0x1, v0  }
0x34a: {  	v0 =	vld [tilespmem:s0+$0x3678];
	_ =	sdelay $0x2  }
0x34b: {  	s31 =	sshll.u32 s6, $0x6  }
0x34c: {  	s0 =	sshra.s32 s31, $0x2  }
0x34d: {  	s6 =	sadd.s32 $0x1, s6;
	[tilespmem:s0+$0x3678] =	vst v0  }
.LBB3_32:
0x34e: {  	s11 =	sadd.s32 $0x1, s11  }
0x34f: {  	p1 =	sne.s32 s11, $0x20  }
.Ltmp28:
0x350: {  	_ = 	snop;
	(pc) =	sbr.rel @!p1 .LBB3_33-.Ltmp28, $1  }
0x351: {  	_ =	sdelay $0x3  }
.LBB3_25:
0x352: {  	v0 =	vld.msk [tilespmem:s11+$0x3658], $0x1;
	_ =	sdelay $0x4  }
0x353: {  	(v2sf) =	vpush v0, $0x0;
	_ =	sdelay $0xe  }
0x354: {  	s12 =	spop (v2sf)  }
0x355: {  	p1 =	seq.s32 s12, $0xFFFFFFFF  }
.Ltmp29:
0x356: {  	_ = 	snop;
	(pc) =	sbr.rel @p1 .LBB3_32-.Ltmp29, $1  }
0x357: {  	_ =	sdelay $0x3  }
0x358: {  	p1 =	slt.s32 s6, $0x1  }
.Ltmp30:
0x359: {  	_ = 	snop;
	(pc) =	sbr.rel @p1 .LBB3_30-.Ltmp30, $1  }
0x35a: {  	_ =	sdelay $0x3  }
0x35b: {  	s13 =	simm.s32 $0x3658;
	p1 =	por $0x0, $0x0  }
0x35c: {  	v1 =	vld.msk @!p1 [tilespmem:s13+$0x0], $0x1;
	_ =	sdelay $0x4  }
0x35d: {  	(v2sf) =	vpush @!p1 v1, $0x0;
	_ =	sdelay $0xd  }
0x35e: {  	p3 =	sne.s32 s6, $0x1  }
.Ltmp31:
0x35f: {  	s0 =	spop @!p1 (v2sf);
	(pc) =	sbr.rel @!p3 .LBB3_29-.Ltmp31, $4  }
0x360: {  	p2 =	seq.s32 @!p1 s12, s0  }
0x361: {  	s14 =	simm.s32 $0x0;
	p2 =	por !p2, p1  }
0x362: {  	s0 =	simm.s32 $0xFFFFFFFF;
	s14 =	simm.s32 @p2 $0xFFFFFFFF  }
0x363: {  	s15 =	simm.s32 $0x1;
	s14 =	smov.u32 @p1 s0  }
.LBB3_28:
0x364: {  	s0 =	smov.u32 s14;
	p1 =	sne.s32 s14, $0xFFFFFFFF  }
0x365: {  	s13 =	sadd.s32 $0x1, s13;
	s14 =	smov.u32 s15;
	s15 =	sadd.s32 $0x1, s15  }
0x366: {  	p2 =	sne.s32 s6, s15;
	v1 =	vld.msk @!p1 [tilespmem:s13+$0x0], $0x1;
	_ =	sdelay $0x4  }
0x367: {  	(v2sf) =	vpush @!p1 v1, $0x0;
	_ =	sdelay $0xe  }
.Ltmp32:
0x368: {  	s1 =	spop @!p1 (v2sf);
	(pc) =	sbr.rel @p2 .LBB3_28-.Ltmp32, $4  }
0x369: {  	p3 =	seq.s32 @!p1 s12, s1  }
0x36a: {  	p3 =	por !p3, p1  }
0x36b: {  	s14 =	simm.s32 @p3 $0xFFFFFFFF  }
0x36c: {  	s14 =	smov.u32 @p1 s0  }
.LBB3_29:
0x36d: {  	p1 =	sne.s32 s14, $0xFFFFFFFF  }
.Ltmp33:
0x36e: {  	_ = 	snop;
	(pc) =	sbr.rel @!p1 .LBB3_30-.Ltmp33, $1  }
0x36f: {  	_ =	sdelay $0x3  }
0x370: {  	s0 =	sshll.u32 s11, $0x4  }
0x371: {  	s0 =	sand.u32 $0x3FFFFFF0, s0  }
0x372: {  	v0 =	vld [tilespmem:s0+$0x3678]  }
.Ltmp34:
0x373: {  	_ = 	snop;
	(pc) =	sbr.rel .LBB3_32-.Ltmp34, $4  }
0x374: {  	_ = 	snop  }
0x375: {  	s31 =	sshll.u32 s14, $0x6  }
0x376: {  	s0 =	sshra.s32 s31, $0x2  }
0x377: {  	[tilespmem:s0+$0x3678] =	vst.add.f32.msk $0xffff, v0  }
.LBB3_33:
0x378: {  	s0 =	simm.s32 $0x6;
	p1 =	seq.s32 s6, $0x0  }
0x379: {  	[sflag:s0] =	ssyncpa.u1 $0x1;
	v0 =	vimm.s32 @p1 $0xFFFFFFFF  }
0x37a: {  	s9 =	sadd.s32 $0xFFFFFFFF, s6;
	[tilespmem:$0x3878] =	vst @p1 v0  }
0x37b: {  	v0 =	vld.msk @!p1 [tilespmem:s9+$0x3658], $0x1;
	_ =	sdelay $0x1  }
0x37c: {  	v1 =	vld.msk @!p1 [tilespmem:$0x3658], $0x1;
	_ =	sdelay $0x2  }
0x37d: {  	p2 =	seq.s32 @!p1 s9, $0x0;
	v0 =	vbroadcast @!p1 v0, $0x0  }
0x37e: {  	vm0 =	vmmov @!p1 $0x1;
	p2 =	por !p2, p1  }
0x37f: {  	v1 =	vnsel @!p1 vm0, $0xFFFFFFFF, v1;
	vm0 =	vcmask @!p1 $0x308;
	v0 =	vpsel !p2, $0xFFFFFFFF, v0  }
0x380: {  	p2 =	sne.s32 @!p1 s8, s7;
	v0 =	vsel @!p1 vm0, v1, v0  }
0x381: {  	s0 =	simm.s32 @!p1 $0x3678;
	s1 =	simm.s32 @!p1 $0x0;
	p3 =	por !p2, p1;
	[tilespmem:$0x3878] =	vst @!p1 v0  }
0x382: {  	[spmem:s1] =	stream.linear.scatter @!p1 [tilespmem:s0], [sflag:$0x1], $0x10, $0x38;
	[tilespmem:$0x1F0F8] =	vst v63  }
0x383: {  	s0 =	sshll.u32 @!p3 s9, $0x6  }
0x384: {  	s0 =	sshra.s32 @!p3 s0, $0x2  }
0x385: {  	s1 =	simm.s32 @!p3 $0x10;
	s0 =	sadd.s32 @!p3 $0x3678, s0  }
0x386: {  	[spmem:s1] =	stream.linear.scatter @!p3 [tilespmem:s0], [sflag:$0x1], $0x10, $0x38;
	[tilespmem:$0x1F0F8] =	vst v63  }
0x387: {  	s0 =	simm.s32 @!p3 $0x1  }
0x388: {  	_ =	swait.ge @!p3 [sflag:s0], $0x20  }
0x389: {  	p1 =	por p2, p1;
	[sflag:s0] =	ssyncset.done @!p3 $0x0  }
0x38a: {  	[sflag:s0] =	ssyncadd.s32 @!p3 $0xFFFFFFE0;
	s0 =	simm.s32 @!p1 $0x1  }
0x38b: {  	_ =	swait.ge @!p1 [sflag:s0], $0x10  }
0x38c: {  	s29 =	simm.s32 $0x3878;
	[sflag:s0] =	ssyncset.done @!p1 $0x0  }
0x38d: {  	s30 =	simm.s32 $0x200;
	s31 =	simm.s32 $0x1;
	[sflag:s0] =	ssyncadd.s32 @!p1 $0xFFFFFFF0  }
0x38e: {  	[spmem:s30] =	stream.linear.scatter [tilespmem:s29], [sflag:$0x1], $0x10, $0x38;
	[tilespmem:$0x1F0F8] =	vst v63  }
0x38f: {  	_ =	swait.ge [sflag:s31], $0x10  }
0x390: {  	[sflag:s31] =	ssyncset.done $0x0  }
0x391: {  	p1 =	seq.s32 s17, $0x0;
	s8 =	rddreg [dreg:$0x1];
	[sflag:s31] =	ssyncadd.s32 $0xFFFFFFF0  }
0x392: {  	s1 =	sshll.u32 @p1 s8, $0xE;
	s7 =	rddreg [dreg:$0x2]  }
0x393: {  	s0 =	sadd.s32 @p1 $0x15C3C, s1;
	s1 =	sshll.u32 @p1 s7, $0x11  }
0x394: {  	_ =	sfence.stream.spmem;
	s0 =	sor.u32 @p1 s1, s0  }
0x395: {  	[sflag:s0] =	ssyncadd.remote.s32 @p1 $0x1;
	s0 =	simm.s32 @p1 $0x4  }
0x396: {  	s2 =	simm.s32 @!p1 $0x3C;
	s1 =	sand.u32 $0xFFFFFFFE, s8;
	_ =	swait.ge @p1 [sflag:s0], $0x6  }
0x397: {  	s4 =	simm.s32 @!p1 $0x0;
	s1 =	sadd.s32 @!p1 $0x4, s1;
	[sflag:s0] =	ssyncset.done @p1 $0x0  }
0x398: {  	s5 =	simm.s32 @!p1 $0x20;
	[sflag:s0] =	ssyncadd.s32 @p1 $0xFFFFFFFA;
	s0 =	sshll.u32 @!p1 s1, $0x1A  }
0x399: {  	s1 =	sshll.u32 @!p1 s1, $0xD;
	s0 =	sor.u32 @!p1 s0, s7;
	_ =	swait.eq @!p1 [sflag:s2], $0x1  }
0x39a: {  	s1 =	sor.u32 @!p1 $0x1C04, s1;
	s2 =	simm.s32 @!p1 $0x1C03;
	s0 =	sor.u32 @!p1 $0x80004000, s0  }
0x39b: {  	[spmem:s5], [sflag:s1] =	dma.general @!p1 [spmem:s4], [sflag:s2], length:$0x4, [dreg:$0x0], stride_count:$0x0, ici_dest:s0, dma_misc:DstOpCode:WRITE  }
0x39c: {  	p2 =	slt.s32 s9, $0x2;
	s4 =	simm.s32 @!p1 $0x40;
	s5 =	simm.s32 @!p1 $0x42  }
0x39d: {  	[spmem:s5], [sflag:s1] =	dma.general @!p1 [spmem:s4], [sflag:s2], length:$0x2, [dreg:$0x0], stride_count:$0x0, ici_dest:s0, dma_misc:DstOpCode:WRITE  }
.Ltmp35:
0x39e: {  	s0 =	simm.s32 @!p1 $0x3;
	(pc) =	sbr.rel @p2 .LBB3_37-.Ltmp35, $4  }
0x39f: {  	s1 =	sshll.u32 @!p1 s8, $0xE;
	_ =	swait.ge @!p1 [sflag:s0], $0x6  }
0x3a0: {  	s2 =	sshll.u32 @!p1 s7, $0x11;
	s1 =	sadd.s32 @!p1 $0x11C3C, s1;
	[sflag:s0] =	ssyncset.done @!p1 $0x0  }
0x3a1: {  	[sflag:s0] =	ssyncadd.s32 @!p1 $0xFFFFFFFA;
	s0 =	sor.u32 @!p1 s2, s1  }
0x3a2: {  	[sflag:s0] =	ssyncadd.remote.s32 @!p1 $0xFFFFFFFF;
	s0 =	simm.s32 $0x0  }
0x3a3: {  	s0 =	simm.s32 $0x3659  }
0x3a4: {  	v0 =	vld.msk [tilespmem:s0+$0x0], $0x1;
	_ =	sdelay $0x4  }
0x3a5: {  	(v2sf) =	vpush v0, $0x0;
	_ =	sdelay $0xd  }
0x3a6: {  	s2 =	sadd.s32 $0xFFFFFFFE, s6  }
0x3a7: {  	s2 =	sadd.s32 $0xFFFFFFFF, s2;
	s0 =	spop (v2sf)  }
0x3a8: {  	p2 =	sne.s32 s2, $0x0;
	p1 =	sgt.u32 s0, $0x270FF  }
.Ltmp36:
0x3a9: {  	s4 =	sand.u32 @!p1 $0x3FFF8, s0;
	(pc) =	sbr.rel @!p2 .LBB3_36-.Ltmp36, $4  }
0x3aa: {  	s1 =	simm.s32 $0x3688;
	s0 =	sand.u32 @!p1 $0x7, s0;
	s4 =	sadd.s32 @!p1 s3, s4  }
0x3ab: {  	[hbm4b:s4+s0] =	stream.linear.scatter @!p1 [tilespmem:s1], [sflag:$0x5], $0x5, $0x38;
	[tilespmem:$0x1F0F8] =	vst v63  }
0x3ac: {  	s0 =	simm.s32 $0x0  }
0x3ad: {  	s6 =	simm.s32 $0x0;
	s7 =	simm.s32 $0x365A;
	s0 =	simm.s32 @!p1 $0x14  }
.LBB3_35:
0x3ae: {  	v0 =	vld.msk [tilespmem:s7+$0x0], $0x1;
	s2 =	sadd.s32 $0xFFFFFFFF, s2;
	s6 =	sadd.s32 s6, s0  }
0x3af: {  	p1 =	sne.s32 s2, $0x0;
	_ =	sdelay $0x3  }
0x3b0: {  	(v2sf) =	vpush v0, $0x0;
	_ =	sdelay $0xe  }
.Ltmp37:
0x3b1: {  	s4 =	spop (v2sf);
	(pc) =	sbr.rel @p1 .LBB3_35-.Ltmp37, $4  }
0x3b2: {  	s0 =	simm.s32 $0x0;
	p2 =	sgt.u32 s4, $0x270FF  }
0x3b3: {  	s1 =	sadd.s32 $0x10, s1;
	s0 =	simm.s32 @!p2 $0x14;
	s5 =	sand.u32 @!p2 $0x3FFF8, s4  }
0x3b4: {  	s7 =	sadd.s32 $0x1, s7;
	s4 =	sand.u32 @!p2 $0x7, s4;
	s5 =	sadd.s32 @!p2 s3, s5  }
0x3b5: {  	[hbm4b:s5+s4] =	stream.linear.scatter @!p2 [tilespmem:s1], [sflag:$0x5], $0x5, $0x38;
	[tilespmem:$0x1F0F8] =	vst v63  }
.LBB3_36:
0x3b6: {  	s0 =	sadd.s32 s6, s0  }
0x3b7: {  	s0 =	sshrl.u32 s0, $0x2  }
.LBB3_37:
0x3b8: {  	s1 =	simm.s32 $0x5  }
0x3b9: {  	_ =	swait.ge [sflag:s1], s0  }
0x3ba: {  	s31 =	ssub.s32 $0x0, s0;
	[sflag:s1] =	ssyncset.done $0x0  }
0x3bb: {  	[sflag:s1] =	ssyncadd.s32 s31  }
0x3bc: {  	[sflag:s1] =	ssyncpa.u1 $0x1  }
.LBB3_38:
0x3bd: {  	s0 =	sor.u32 s17, s16  }
0x3be: {  	p1 =	sne.s32 s0, $0x0  }
.Ltmp38:
0x3bf: {  	_ = 	snop;
	(pc) =	sbr.rel @p1 .LBB3_53-.Ltmp38, $3  }
0x3c0: {  	_ =	sdelay $0x1  }
0x3c1: {  	[bflag:$0x0] =	sbarrier.arrive $0xFFFF  }
0x3c2: {  	_ =	sfence  }
0x3c3: {  	s0 =	simm.s32 $0x7  }
0x3c4: {  	s1 =	simm.s32 $0x200;
	s2 =	simm.s32 $0x3658;
	[sflag:s0] =	ssyncpa.u1 $0x0  }
0x3c5: {  	[tilespmem:s2], [sflag:$0x7] =	stream.linear.gather [spmem:s1], $0x20, $0x38;
	[tilespmem:$0x1F0F8] =	vst v63  }
0x3c6: {  	s30 =	simm.s32 $0x3678;
	s1 =	simm.s32 $0x0  }
0x3c7: {  	[tilespmem:s30], [sflag:$0x7] =	stream.linear.gather [spmem:s1], $0x200, $0x38;
	[tilespmem:$0x1F0F8] =	vst v63  }
.Ltmp39:
0x3c8: {  	_ = 	snop;
	(pc) =	sbr.rel .LBB3_40-.Ltmp39, $4  }
0x3c9: {  	_ =	swait.ge [sflag:s0], $0x220  }
0x3ca: {  	[sflag:s0] =	ssyncset.done $0x0  }
0x3cb: {  	s31 =	simm.s32 $0x8;
	[sflag:s0] =	ssyncadd.s32 $0xFFFFFDE0  }
0x3cc: {  	s2 =	simm.s32 $0x0;
	[sflag:s31] =	ssyncpa.u1 $0x0  }
.LBB3_45:
0x3cd: {  	p1 =	slt.u32 s4, $0x27100  }
0x3ce: {  	s0 =	sand.u32 @p1 $0x3FFF8, s4  }
0x3cf: {  	s4 =	sand.u32 @p1 $0x7, s4;
	s5 =	simm.s32 @p1 $0x3638;
	s0 =	sadd.s32 @p1 s3, s0  }
0x3d0: {  	[tilespmem:s5], [sflag:$0x8] =	stream.linear.gather @p1 [hbm4b:s0+s4], $0x5, $0x38;
	[tilespmem:$0x1F0F8] =	vst v63  }
0x3d1: {  	s0 =	simm.s32 @p1 $0x8  }
0x3d2: {  	_ =	swait.ge @p1 [sflag:s0], $0x5  }
0x3d3: {  	[sflag:s0] =	ssyncset.done @p1 $0x0  }
0x3d4: {  	[sflag:s0] =	ssyncadd.s32 @p1 $0xFFFFFFFB  }
0x3d5: {  	v1 =	vld @p1 [tilespmem:$0x3638];
	_ =	sdelay $0x2  }
0x3d6: {  	s0 =	sshll.u32 @p1 s2, $0x6  }
0x3d7: {  	s5 =	sshll.u32 @!p1 s2, $0x6;
	s4 =	sshrl.u32 @p1 s0, $0x2  }
0x3d8: {  	s5 =	smov.u32 @p1 s0;
	[tilespmem:s4+$0x3678] =	vst.add.f32.msk @p1 $0xffff, v1  }
0x3d9: {  	s0 =	sshrl.u32 s5, $0x2;
	[tilespmem:s1+$0x3658] =	vst.msk $0x1, v0  }
0x3da: {  	v0 =	vld [tilespmem:s0+$0x3678];
	_ =	sdelay $0x2  }
0x3db: {  	s31 =	sshll.u32 s1, $0x6  }
0x3dc: {  	s0 =	sshra.s32 s31, $0x2  }
0x3dd: {  	s1 =	sadd.s32 $0x1, s1;
	[tilespmem:s0+$0x3678] =	vst v0  }
.LBB3_47:
0x3de: {  	s2 =	sadd.s32 $0x1, s2  }
0x3df: {  	p1 =	sne.s32 s2, $0x20  }
.Ltmp40:
0x3e0: {  	_ = 	snop;
	(pc) =	sbr.rel @!p1 .LBB3_48-.Ltmp40, $1  }
0x3e1: {  	_ =	sdelay $0x3  }
.LBB3_40:
0x3e2: {  	v0 =	vld.msk [tilespmem:s2+$0x3658], $0x1;
	_ =	sdelay $0x4  }
0x3e3: {  	(v2sf) =	vpush v0, $0x0;
	_ =	sdelay $0xe  }
0x3e4: {  	s4 =	spop (v2sf)  }
0x3e5: {  	p1 =	seq.s32 s4, $0xFFFFFFFF  }
.Ltmp41:
0x3e6: {  	_ = 	snop;
	(pc) =	sbr.rel @p1 .LBB3_47-.Ltmp41, $1  }
0x3e7: {  	_ =	sdelay $0x3  }
0x3e8: {  	p1 =	slt.s32 s1, $0x1  }
.Ltmp42:
0x3e9: {  	_ = 	snop;
	(pc) =	sbr.rel @p1 .LBB3_45-.Ltmp42, $1  }
0x3ea: {  	_ =	sdelay $0x3  }
0x3eb: {  	s5 =	simm.s32 $0x3658;
	p1 =	por $0x0, $0x0  }
0x3ec: {  	v1 =	vld.msk @!p1 [tilespmem:s5+$0x0], $0x1;
	_ =	sdelay $0x4  }
0x3ed: {  	(v2sf) =	vpush @!p1 v1, $0x0;
	_ =	sdelay $0xd  }
0x3ee: {  	p3 =	sne.s32 s1, $0x1  }
.Ltmp43:
0x3ef: {  	s0 =	spop @!p1 (v2sf);
	(pc) =	sbr.rel @!p3 .LBB3_44-.Ltmp43, $4  }
0x3f0: {  	p2 =	seq.s32 @!p1 s4, s0  }
0x3f1: {  	s6 =	simm.s32 $0x0;
	p2 =	por !p2, p1  }
0x3f2: {  	s0 =	simm.s32 $0xFFFFFFFF;
	s6 =	simm.s32 @p2 $0xFFFFFFFF  }
0x3f3: {  	s7 =	simm.s32 $0x1;
	s6 =	smov.u32 @p1 s0  }
.LBB3_43:
0x3f4: {  	s0 =	smov.u32 s6;
	p1 =	sne.s32 s6, $0xFFFFFFFF  }
0x3f5: {  	s5 =	sadd.s32 $0x1, s5;
	s6 =	smov.u32 s7;
	s7 =	sadd.s32 $0x1, s7  }
0x3f6: {  	p2 =	sne.s32 s1, s7;
	v1 =	vld.msk @!p1 [tilespmem:s5+$0x0], $0x1;
	_ =	sdelay $0x4  }
0x3f7: {  	(v2sf) =	vpush @!p1 v1, $0x0;
	_ =	sdelay $0xe  }
.Ltmp44:
0x3f8: {  	s8 =	spop @!p1 (v2sf);
	(pc) =	sbr.rel @p2 .LBB3_43-.Ltmp44, $4  }
0x3f9: {  	p3 =	seq.s32 @!p1 s4, s8  }
0x3fa: {  	p3 =	por !p3, p1  }
0x3fb: {  	s6 =	simm.s32 @p3 $0xFFFFFFFF  }
0x3fc: {  	s6 =	smov.u32 @p1 s0  }
.LBB3_44:
0x3fd: {  	p1 =	sne.s32 s6, $0xFFFFFFFF  }
.Ltmp45:
0x3fe: {  	_ = 	snop;
	(pc) =	sbr.rel @!p1 .LBB3_45-.Ltmp45, $1  }
0x3ff: {  	_ =	sdelay $0x3  }
0x400: {  	s0 =	sshll.u32 s2, $0x4  }
0x401: {  	s0 =	sand.u32 $0x3FFFFFF0, s0  }
0x402: {  	v0 =	vld [tilespmem:s0+$0x3678]  }
.Ltmp46:
0x403: {  	_ = 	snop;
	(pc) =	sbr.rel .LBB3_47-.Ltmp46, $4  }
0x404: {  	_ = 	snop  }
0x405: {  	s31 =	sshll.u32 s6, $0x6  }
0x406: {  	s0 =	sshra.s32 s31, $0x2  }
0x407: {  	[tilespmem:s0+$0x3678] =	vst.add.f32.msk $0xffff, v0  }
.LBB3_48:
0x408: {  	p1 =	slt.s32 s1, $0x1  }
.Ltmp47:
0x409: {  	_ = 	snop;
	(pc) =	sbr.rel @p1 .LBB3_52-.Ltmp47, $3  }
0x40a: {  	_ =	sdelay $0x1  }
0x40b: {  	s0 =	simm.s32 $0x8  }
0x40c: {  	s2 =	simm.s32 $0x0;
	[sflag:s0] =	ssyncpa.u1 $0x1  }
0x40d: {  	s0 =	simm.s32 $0x3658  }
0x40e: {  	v0 =	vld.msk [tilespmem:s0+$0x0], $0x1;
	_ =	sdelay $0x4  }
0x40f: {  	(v2sf) =	vpush v0, $0x0;
	_ =	sdelay $0xe  }
0x410: {  	s1 =	sadd.s32 $0xFFFFFFFF, s1;
	s0 =	spop (v2sf)  }
0x411: {  	p2 =	sne.s32 s1, $0x0;
	p1 =	sgt.u32 s0, $0x270FF  }
.Ltmp48:
0x412: {  	s5 =	sand.u32 @!p1 $0x3FFF8, s0;
	(pc) =	sbr.rel @!p2 .LBB3_51-.Ltmp48, $4  }
0x413: {  	s4 =	simm.s32 $0x3678;
	s0 =	sand.u32 @!p1 $0x7, s0;
	s5 =	sadd.s32 @!p1 s3, s5  }
0x414: {  	[hbm4b:s5+s0] =	stream.linear.scatter @!p1 [tilespmem:s4], [sflag:$0x7], $0x5, $0x38;
	[tilespmem:$0x1F0F8] =	vst v63  }
0x415: {  	s0 =	simm.s32 $0x0  }
0x416: {  	s5 =	simm.s32 $0x3659;
	s0 =	simm.s32 @!p1 $0x14  }
.LBB3_50:
0x417: {  	v0 =	vld.msk [tilespmem:s5+$0x0], $0x1;
	s1 =	sadd.s32 $0xFFFFFFFF, s1;
	s2 =	sadd.s32 s2, s0  }
0x418: {  	p1 =	sne.s32 s1, $0x0;
	_ =	sdelay $0x3  }
0x419: {  	(v2sf) =	vpush v0, $0x0;
	_ =	sdelay $0xe  }
.Ltmp49:
0x41a: {  	s6 =	spop (v2sf);
	(pc) =	sbr.rel @p1 .LBB3_50-.Ltmp49, $4  }
0x41b: {  	s0 =	simm.s32 $0x0;
	p2 =	sgt.u32 s6, $0x270FF  }
0x41c: {  	s4 =	sadd.s32 $0x10, s4;
	s0 =	simm.s32 @!p2 $0x14;
	s7 =	sand.u32 @!p2 $0x3FFF8, s6  }
0x41d: {  	s5 =	sadd.s32 $0x1, s5;
	s6 =	sand.u32 @!p2 $0x7, s6;
	s7 =	sadd.s32 @!p2 s3, s7  }
0x41e: {  	[hbm4b:s7+s6] =	stream.linear.scatter @!p2 [tilespmem:s4], [sflag:$0x7], $0x5, $0x38;
	[tilespmem:$0x1F0F8] =	vst v63  }
.LBB3_51:
0x41f: {  	s0 =	sadd.s32 s2, s0  }
0x420: {  	s2 =	sshrl.u32 s0, $0x2  }
.LBB3_52:
0x421: {  	s0 =	simm.s32 $0x7  }
0x422: {  	_ =	swait.ge [sflag:s0], s2  }
0x423: {  	s1 =	ssub.s32 $0x0, s2;
	[sflag:s0] =	ssyncset.done $0x0  }
0x424: {  	[sflag:s0] =	ssyncadd.s32 s1  }
0x425: {  	[sflag:s0] =	ssyncpa.u1 $0x1  }
.LBB3_53:
0x426: {  	_ =	sfence;
	s0 =	simm.s32 $0x1  }
0x427: {  	[sflag:s0] =	ssyncpa.u1 $0x1  }
0x428: {  	_ =	strace $0x9000004A  }
0x429: {  	[bflag:$0x2] =	sbarrier.arrive $0xFFFF  }
0x42a: {  	s0 =	rddreg [dreg:$0x3]  }
0x42b: {  	s0 =	sadd.s32 @!p0 $0x100000, s0  }
0x42c: {  	[sflag:s0] =	ssyncadd.tile.s32 @!p0 $0x1;
	_ =	shalt  }
.Lfunc_end3:
_tile_overlayer_lowered:
.L_overlay_start_3:
0x42d: {  	(tag) =	ssettag $0x3  }
0x42e: {  	s0 =	rddreg [dreg:$0x0];
	s2 =	stileid.u32  }
0x42f: {  	s1 =	rddreg [dreg:$0x1];
	p0 =	sne.s32 s2, $0x0  }
0x430: {  	s3 =	rddreg [dreg:$0x2];
	[bflag:$0x3] =	sbarrier.arrive $0xFFFF;
	s2 =	simm.s32 @!p0 $0x1C01  }
0x431: {  	[timem:s3], [sflag:s2] =	dma.local @!p0 [hbm:s0], s1  }
0x432: {  	s0 =	simm.s32 @!p0 $0x1  }
0x433: {  	_ =	swait.ge @!p0 [sflag:s0], s1  }
0x434: {  	s1 =	ssub.s32 @!p0 $0x0, s1;
	[sflag:s0] =	ssyncset.done @!p0 $0x0  }
0x435: {  	[sflag:s0] =	ssyncadd.s32 @!p0 s1  }
0x436: {  	[bflag:$0x3] =	sbarrier.arrive $0xFFFF  }
0x437: {  	_ =	shalt  }

</sc_bundles>
